<compile_context>
chip_gen: v7x
topology: tpu7x:2x2x1
jax: 0.10.2.dev20260603
libtpu: 0.0.44.dev20260713+nightly
codegen_flags: <defaults>
</compile_context>

<pallas_src>
import functools

import jax
import jax.numpy as jnp
from jax import lax
from jax.experimental import pallas as pl
from jax.experimental.pallas import tpu as pltpu
from jax.experimental.pallas import tpu_sc as plsc

_VOCAB = 100000
_EMBED = 64
_BATCH = 16384
_L = 4

_NC = 2
_NS = 16
_NW = _NC * _NS
_PW = _BATCH // _NW
_CH = 128
_NCHUNK = _PW // _CH
_RW = _CH * _L
_ZROW = _RW

_L1P = (
    0.9999995186059871, -0.4999635658266627, 0.3326525584507218,
    -0.24453388974691162, 0.17659864777924483, -0.10679931294111752,
    0.043659288935938435, -0.008466410428720516,
)


def _log_sigmoid(x):
    na = -jnp.abs(x)
    e = jnp.exp(na)
    q = jnp.full((16,), _L1P[-1], jnp.float32)
    for coef in _L1P[-2::-1]:
        q = q * e + jnp.float32(coef)
    return jnp.minimum(x, 0.0) - e * q


def _compute_chunk(c, idx_flat, rows, outb, iota4):
    iota17 = lax.iota(jnp.int32, 16) * 17

    @plsc.parallel_loop(0, _CH // 16)
    def group_body(g):
        base = g * 64
        cj = [
            plsc.load_gather(idx_flat, [iota4 + (c * 512 + base + j)])
            for j in range(_L)
        ]
        p = [iota4 + (base + j) for j in range(_L)]
        ridx = [
            jnp.where(cj[j] == 0, jnp.int32(_ZROW), p[j]) for j in range(_L)
        ]

        zero = jnp.zeros((16,), jnp.float32)

        @plsc.parallel_loop(0, _EMBED, unroll=8, carry=(zero,) * 8)
        def k_loop(k, carry):
            a0, a1, a2, a3, n0, n1, n2, n3 = carry
            colv = (jnp.full((16,), k, jnp.int32) + iota17) & 63
            v = [plsc.load_gather(rows, [ridx[j], colv]) for j in range(_L)]
            s = (v[0] + v[1]) + (v[2] + v[3])
            return (
                a0 + v[0] * s, a1 + v[1] * s, a2 + v[2] * s, a3 + v[3] * s,
                n0 + v[0] * v[0], n1 + v[1] * v[1],
                n2 + v[2] * v[2], n3 + v[3] * v[3],
            )

        accs = k_loop[:4]
        nns = k_loop[4:]

        one = jnp.float32(1.0)
        zf = jnp.float32(0.0)
        third = jnp.float32(1.0 / 3.0)
        for i in range(_L):
            mf = jnp.zeros((16,), jnp.float32)
            for j in range(_L):
                mf = mf + jnp.where(cj[j] == cj[i], one, zf)
            score = (accs[i] - mf * nns[i]) * third
            plsc.store_scatter(outb, [p[i]], _log_sigmoid(score))


def _sc_body(chf_hbm, table_hbm, out_hbm, idx_flat,
             rows0, rows1, out0, out1, sem0, sem1):
    wid = lax.axis_index("s") * _NC + lax.axis_index("c")
    iota4 = lax.iota(jnp.int32, 16) * 4

    pltpu.sync_copy(chf_hbm.at[pl.ds(wid * 2048, 2048)], idx_flat)

    rows_bufs = (rows0, rows1)
    out_bufs = (out0, out1)
    sems = (sem0, sem1)
    zero16 = jnp.zeros((16,), jnp.float32)
    for b in range(2):
        for kk in range(_EMBED // 16):
            rows_bufs[b][_ZROW, pl.ds(kk * 16, 16)] = zero16

    def fire(c, b):
        return [
            pltpu.async_copy(
                table_hbm.at[idx_flat.at[pl.ds(c * 512 + i * 128, 128)]],
                rows_bufs[b].at[pl.ds(i * 128, 128)],
                sems[b],
            )
            for i in range(4)
        ]

    copies = fire(0, 0)
    for c in range(_NCHUNK):
        b = c & 1
        if c + 1 < _NCHUNK:
            next_copies = fire(c + 1, 1 - b)
        for cp in copies:
            cp.wait()
        _compute_chunk(c, idx_flat, rows_bufs[b], out_bufs[b], iota4)
        pltpu.sync_copy(
            out_bufs[b], out_hbm.at[pl.ds(wid * (_PW * _L) + c * _RW, _RW)]
        )
        if c + 1 < _NCHUNK:
            copies = next_copies


def kernel(chords, table):
    chf = chords.reshape(_BATCH * _L)
    mesh = plsc.VectorSubcoreMesh(
        core_axis_name="c", subcore_axis_name="s",
        num_cores=_NC, num_subcores=_NS,
    )
    scores = pl.kernel(
        _sc_body,
        out_type=jax.ShapeDtypeStruct((_BATCH * _L,), jnp.float32),
        mesh=mesh,
        compiler_params=pltpu.CompilerParams(
            needs_layout_passes=False, use_tc_tiling_on_sc=False
        ),
        scratch_types=[
            pltpu.VMEM((_PW * _L,), jnp.int32),
            pltpu.VMEM((_RW + 8, _EMBED), jnp.float32),
            pltpu.VMEM((_RW + 8, _EMBED), jnp.float32),
            pltpu.VMEM((_RW,), jnp.float32),
            pltpu.VMEM((_RW,), jnp.float32),
            pltpu.SemaphoreType.DMA,
            pltpu.SemaphoreType.DMA,
        ],
    )(chf, table)
    return scores.reshape(_BATCH * _L, 1, 1)

# --- scband reference (transcript-rebuilt; emitter-appended) ---
"""Pipeline reference for scband-skip-gram-26139170963701 (READ-ONLY COPY).

The authoritative reference and input builder live on the scoring server;
editing this copy changes nothing except your own understanding.
"""

import jax, jax.numpy as jnp
import numpy as np

VOCAB = 100000
EMBED = 64
BATCH = 16384
CHORD = 4


def _build_contexts(chords):
    # Faithful to the torch loop: for each focus element in a chord, the
    # context is every element of the chord whose VALUE differs from the
    # focus value (order preserved), zero-padded to length L-1.
    B, L = chords.shape

    def per_focus(chord, i):
        v = chord[i]
        keep = chord != v
        # stable argsort brings kept elements (key 0) to the front, in order
        order = jnp.argsort(jnp.where(keep, 0, 1))
        gathered = chord[order]
        valid = jnp.arange(L) < jnp.sum(keep)
        ctx = jnp.where(valid, gathered, 0)
        return ctx[: L - 1]

    per_chord = jax.vmap(
        lambda chord: jax.vmap(lambda i: per_focus(chord, i))(jnp.arange(L))
    )
    return per_chord(chords).reshape(B * L, L - 1)


def setup_inputs(seed: int = 0):
    key = jax.random.key(seed)
    k1, k2 = jax.random.split(key)
    chords = jax.random.randint(k1, (BATCH, CHORD), 0, VOCAB, dtype=jnp.int32)
    table = jax.random.normal(k2, (VOCAB, EMBED), dtype=jnp.float32) * 0.02
    return {"chords": chords, "table": table}


def reference(chords, table):
    # nn.Embedding(vocab, embed, padding_idx=0): row 0 is zero
    table_eff = table.at[0].set(0.0)
    contexts = _build_contexts(chords)  # [B*L, L-1] int
    embed_focus = jnp.take(table_eff, chords, axis=0)      # [B, L, E]
    embed_contexts = jnp.take(table_eff, contexts, axis=0)  # [B*L, L-1, E]
    embed_focus = embed_focus.reshape(-1, 1, EMBED)          # [B*L, 1, E]
    ctx_mean = jnp.mean(embed_contexts, axis=1)              # [B*L, E]
    ctx_mean = ctx_mean.reshape(ctx_mean.shape[0], ctx_mean.shape[1], 1)
    scores = jnp.matmul(embed_focus, ctx_mean)               # [B*L, 1, 1]
    log_prob = jax.nn.log_sigmoid(scores)
    return log_prob

if __name__ == "__main__":
    import jax
    _d = setup_inputs()
    print(jax.jit(kernel)(*tuple(_d.values())))

</pallas_src>

<mosaic_0001>
#map = affine_map<(d0, d1) -> (0)>
#map1 = affine_map<(d0, d1) -> (0, 0)>
module attributes {stable_mosaic.version = 14 : i64} {
  func.func @_sc_body(%arg0: i32, %arg1: i32, %arg2: memref<65536xi32, #tpu.memory_space<hbm>>, %arg3: memref<100000x64xf32, #tpu.memory_space<hbm>>, %arg4: memref<65536xf32, #tpu.memory_space<hbm>>, %arg5: memref<2048xi32, #tpu.memory_space<vmem>>, %arg6: memref<520x64xf32, #tpu.memory_space<vmem>>, %arg7: memref<520x64xf32, #tpu.memory_space<vmem>>, %arg8: memref<512xf32, #tpu.memory_space<vmem>>, %arg9: memref<512xf32, #tpu.memory_space<vmem>>, %arg10: memref<!tpu.dma_semaphore, #tpu.memory_space<semaphore_mem>>, %arg11: memref<!tpu.dma_semaphore, #tpu.memory_space<semaphore_mem>>) attributes {dimension_semantics = [#tpu.dimension_semantics<core_parallel>, #tpu.dimension_semantics<subcore_parallel>], iteration_bounds = array<i64: 2, 16>, scalar_prefetch = 0 : i64, scratch_operands = 7 : i64, tpu.core_type = #tpu.core_type<sc_vector_subcore>, window_params = [{transform_indices = #map}, {transform_indices = #map1}, {transform_indices = #map}]} {
    %mul3A = arith.constant 2 : i32
    %mul3A_0 = arith.muli %arg1, %mul3A : i32
    %add3A = arith.addi %mul3A_0, %arg0 : i32
    %iota3A = tpu.iota {dimensions = array<i32: 0>} : vector<16xi32>
    %mul3A_1 = arith.constant 4 : i32
    %mul3A_2 = vector.broadcast %mul3A_1 : i32 to vector<16xi32>
    %mul3A_3 = arith.muli %iota3A, %mul3A_2 : vector<16xi32>
    %mul3A_4 = arith.constant 2048 : i32
    %mul3A_5 = arith.muli %add3A, %mul3A_4 : i32
    "tpu.region"() ({
      %run_scoped3A = tpu.sem_alloc : memref<!tpu.dma_semaphore, #tpu.memory_space<semaphore_mem>>
      %dma_start3A_335 = tpu.memref_slice %arg2[%mul3A_5] : memref<65536xi32, #tpu.memory_space<hbm>> -> memref<2048xi32, #tpu.memory_space<hbm>>
      %dma_start3A_336 = tpu.memref_slice %arg2[%mul3A_5] : memref<65536xi32, #tpu.memory_space<hbm>> -> memref<2048xi32, #tpu.memory_space<hbm>>
      tpu.enqueue_dma source(%dma_start3A_336 : memref<2048xi32, #tpu.memory_space<hbm>>) target(%arg5 : memref<2048xi32, #tpu.memory_space<vmem>>) target_semaphore(%run_scoped3A : memref<!tpu.dma_semaphore, #tpu.memory_space<semaphore_mem>>)
      %dma_wait3A_337 = tpu.memref_slice %arg2[%mul3A_5] : memref<65536xi32, #tpu.memory_space<hbm>> -> memref<2048xi32, #tpu.memory_space<hbm>>
      %dma_wait3A_338 = tpu.memref_slice %arg2[%mul3A_5] : memref<65536xi32, #tpu.memory_space<hbm>> -> memref<2048xi32, #tpu.memory_space<hbm>>
      tpu.wait_dma2 semaphore(%run_scoped3A : memref<!tpu.dma_semaphore, #tpu.memory_space<semaphore_mem>>) src(%dma_wait3A_338 : memref<2048xi32, #tpu.memory_space<hbm>>) dst(%arg5 : memref<2048xi32, #tpu.memory_space<vmem>>)
      tpu.yield
    }) : () -> ()
    %broadcast_in_dim3A = arith.constant 0.000000e+00 : f32
    %broadcast_in_dim3A_6 = vector.broadcast %broadcast_in_dim3A : f32 to vector<16xf32>
    %swap3A = arith.constant 512 : i32
    %swap3A_7 = arith.index_cast %swap3A : i32 to index
    %swap3A_8 = arith.constant 0 : index
    %swap3A_9 = tpu.vector_load %arg6[%swap3A_7, %swap3A_8] {strides = array<i32>} : memref<520x64xf32, #tpu.memory_space<vmem>>, vector<16xf32>,
    tpu.vector_store %arg6[%swap3A_7, %swap3A_8], %broadcast_in_dim3A_6 {strides = array<i32>} : memref<520x64xf32, #tpu.memory_space<vmem>>, vector<16xf32>,
    %swap3A_10 = arith.constant 512 : i32
    %swap3A_11 = arith.index_cast %swap3A_10 : i32 to index
    %swap3A_12 = arith.constant 16 : index
    %swap3A_13 = tpu.vector_load %arg6[%swap3A_11, %swap3A_12] {strides = array<i32>} : memref<520x64xf32, #tpu.memory_space<vmem>>, vector<16xf32>,
    tpu.vector_store %arg6[%swap3A_11, %swap3A_12], %broadcast_in_dim3A_6 {strides = array<i32>} : memref<520x64xf32, #tpu.memory_space<vmem>>, vector<16xf32>,
    %swap3A_14 = arith.constant 512 : i32
    %swap3A_15 = arith.index_cast %swap3A_14 : i32 to index
    %swap3A_16 = arith.constant 32 : index
    %swap3A_17 = tpu.vector_load %arg6[%swap3A_15, %swap3A_16] {strides = array<i32>} : memref<520x64xf32, #tpu.memory_space<vmem>>, vector<16xf32>,
    tpu.vector_store %arg6[%swap3A_15, %swap3A_16], %broadcast_in_dim3A_6 {strides = array<i32>} : memref<520x64xf32, #tpu.memory_space<vmem>>, vector<16xf32>,
    %swap3A_18 = arith.constant 512 : i32
    %swap3A_19 = arith.index_cast %swap3A_18 : i32 to index
    %swap3A_20 = arith.constant 48 : index
    %swap3A_21 = tpu.vector_load %arg6[%swap3A_19, %swap3A_20] {strides = array<i32>} : memref<520x64xf32, #tpu.memory_space<vmem>>, vector<16xf32>,
    tpu.vector_store %arg6[%swap3A_19, %swap3A_20], %broadcast_in_dim3A_6 {strides = array<i32>} : memref<520x64xf32, #tpu.memory_space<vmem>>, vector<16xf32>,
    %swap3A_22 = arith.constant 512 : i32
    %swap3A_23 = arith.index_cast %swap3A_22 : i32 to index
    %swap3A_24 = arith.constant 0 : index
    %swap3A_25 = tpu.vector_load %arg7[%swap3A_23, %swap3A_24] {strides = array<i32>} : memref<520x64xf32, #tpu.memory_space<vmem>>, vector<16xf32>,
    tpu.vector_store %arg7[%swap3A_23, %swap3A_24], %broadcast_in_dim3A_6 {strides = array<i32>} : memref<520x64xf32, #tpu.memory_space<vmem>>, vector<16xf32>,
    %swap3A_26 = arith.constant 512 : i32
    %swap3A_27 = arith.index_cast %swap3A_26 : i32 to index
    %swap3A_28 = arith.constant 16 : index
    %swap3A_29 = tpu.vector_load %arg7[%swap3A_27, %swap3A_28] {strides = array<i32>} : memref<520x64xf32, #tpu.memory_space<vmem>>, vector<16xf32>,
    tpu.vector_store %arg7[%swap3A_27, %swap3A_28], %broadcast_in_dim3A_6 {strides = array<i32>} : memref<520x64xf32, #tpu.memory_space<vmem>>, vector<16xf32>,
    %swap3A_30 = arith.constant 512 : i32
    %swap3A_31 = arith.index_cast %swap3A_30 : i32 to index
    %swap3A_32 = arith.constant 32 : index
    %swap3A_33 = tpu.vector_load %arg7[%swap3A_31, %swap3A_32] {strides = array<i32>} : memref<520x64xf32, #tpu.memory_space<vmem>>, vector<16xf32>,
    tpu.vector_store %arg7[%swap3A_31, %swap3A_32], %broadcast_in_dim3A_6 {strides = array<i32>} : memref<520x64xf32, #tpu.memory_space<vmem>>, vector<16xf32>,
    %swap3A_34 = arith.constant 512 : i32
    %swap3A_35 = arith.index_cast %swap3A_34 : i32 to index
    %swap3A_36 = arith.constant 48 : index
    %swap3A_37 = tpu.vector_load %arg7[%swap3A_35, %swap3A_36] {strides = array<i32>} : memref<520x64xf32, #tpu.memory_space<vmem>>, vector<16xf32>,
    tpu.vector_store %arg7[%swap3A_35, %swap3A_36], %broadcast_in_dim3A_6 {strides = array<i32>} : memref<520x64xf32, #tpu.memory_space<vmem>>, vector<16xf32>,
    %dma_start3A = arith.constant 0 : i32
    %dma_start3A_38 = arith.constant 0 : i32
    %dma_start3A_39 = tpu.memref_slice %arg6[%dma_start3A, %dma_start3A_38] : memref<520x64xf32, #tpu.memory_space<vmem>> -> memref<128x64xf32, #tpu.memory_space<vmem>>
    %dma_start3A_40 = arith.constant 0 : i32
    %dma_start3A_41 = tpu.memref_slice %arg5[%dma_start3A_40] : memref<2048xi32, #tpu.memory_space<vmem>> -> memref<128xi32, #tpu.memory_space<vmem>>
    %dma_start3A_42 = arith.constant 0 : i32
    %dma_start3A_43 = arith.constant 0 : i32
    %dma_start3A_44 = tpu.memref_slice %arg3[%dma_start3A_42, %dma_start3A_43] : memref<100000x64xf32, #tpu.memory_space<hbm>> -> memref<100000x64xf32, #tpu.memory_space<hbm>>
    tpu.enqueue_indirect_dma source(%dma_start3A_44 : memref<100000x64xf32, #tpu.memory_space<hbm>>) target(%dma_start3A_39 : memref<128x64xf32, #tpu.memory_space<vmem>>) offsets(%dma_start3A_41 : memref<128xi32, #tpu.memory_space<vmem>>) semaphore(%arg10 : memref<!tpu.dma_semaphore, #tpu.memory_space<semaphore_mem>>)
    %dma_start3A_45 = arith.constant 128 : i32
    %dma_start3A_46 = arith.constant 0 : i32
    %dma_start3A_47 = tpu.memref_slice %arg6[%dma_start3A_45, %dma_start3A_46] : memref<520x64xf32, #tpu.memory_space<vmem>> -> memref<128x64xf32, #tpu.memory_space<vmem>>
    %dma_start3A_48 = arith.constant 128 : i32
    %dma_start3A_49 = tpu.memref_slice %arg5[%dma_start3A_48] : memref<2048xi32, #tpu.memory_space<vmem>> -> memref<128xi32, #tpu.memory_space<vmem>>
    %dma_start3A_50 = arith.constant 0 : i32
    %dma_start3A_51 = arith.constant 0 : i32
    %dma_start3A_52 = tpu.memref_slice %arg3[%dma_start3A_50, %dma_start3A_51] : memref<100000x64xf32, #tpu.memory_space<hbm>> -> memref<100000x64xf32, #tpu.memory_space<hbm>>
    tpu.enqueue_indirect_dma source(%dma_start3A_52 : memref<100000x64xf32, #tpu.memory_space<hbm>>) target(%dma_start3A_47 : memref<128x64xf32, #tpu.memory_space<vmem>>) offsets(%dma_start3A_49 : memref<128xi32, #tpu.memory_space<vmem>>) semaphore(%arg10 : memref<!tpu.dma_semaphore, #tpu.memory_space<semaphore_mem>>)
    %dma_start3A_53 = arith.constant 256 : i32
    %dma_start3A_54 = arith.constant 0 : i32
    %dma_start3A_55 = tpu.memref_slice %arg6[%dma_start3A_53, %dma_start3A_54] : memref<520x64xf32, #tpu.memory_space<vmem>> -> memref<128x64xf32, #tpu.memory_space<vmem>>
    %dma_start3A_56 = arith.constant 256 : i32
    %dma_start3A_57 = tpu.memref_slice %arg5[%dma_start3A_56] : memref<2048xi32, #tpu.memory_space<vmem>> -> memref<128xi32, #tpu.memory_space<vmem>>
    %dma_start3A_58 = arith.constant 0 : i32
    %dma_start3A_59 = arith.constant 0 : i32
    %dma_start3A_60 = tpu.memref_slice %arg3[%dma_start3A_58, %dma_start3A_59] : memref<100000x64xf32, #tpu.memory_space<hbm>> -> memref<100000x64xf32, #tpu.memory_space<hbm>>
    tpu.enqueue_indirect_dma source(%dma_start3A_60 : memref<100000x64xf32, #tpu.memory_space<hbm>>) target(%dma_start3A_55 : memref<128x64xf32, #tpu.memory_space<vmem>>) offsets(%dma_start3A_57 : memref<128xi32, #tpu.memory_space<vmem>>) semaphore(%arg10 : memref<!tpu.dma_semaphore, #tpu.memory_space<semaphore_mem>>)
    %dma_start3A_61 = arith.constant 384 : i32
    %dma_start3A_62 = arith.constant 0 : i32
    %dma_start3A_63 = tpu.memref_slice %arg6[%dma_start3A_61, %dma_start3A_62] : memref<520x64xf32, #tpu.memory_space<vmem>> -> memref<128x64xf32, #tpu.memory_space<vmem>>
    %dma_start3A_64 = arith.constant 384 : i32
    %dma_start3A_65 = tpu.memref_slice %arg5[%dma_start3A_64] : memref<2048xi32, #tpu.memory_space<vmem>> -> memref<128xi32, #tpu.memory_space<vmem>>
    %dma_start3A_66 = arith.constant 0 : i32
    %dma_start3A_67 = arith.constant 0 : i32
    %dma_start3A_68 = tpu.memref_slice %arg3[%dma_start3A_66, %dma_start3A_67] : memref<100000x64xf32, #tpu.memory_space<hbm>> -> memref<100000x64xf32, #tpu.memory_space<hbm>>
    tpu.enqueue_indirect_dma source(%dma_start3A_68 : memref<100000x64xf32, #tpu.memory_space<hbm>>) target(%dma_start3A_63 : memref<128x64xf32, #tpu.memory_space<vmem>>) offsets(%dma_start3A_65 : memref<128xi32, #tpu.memory_space<vmem>>) semaphore(%arg10 : memref<!tpu.dma_semaphore, #tpu.memory_space<semaphore_mem>>)
    %dma_start3A_69 = arith.constant 0 : i32
    %dma_start3A_70 = arith.constant 0 : i32
    %dma_start3A_71 = tpu.memref_slice %arg7[%dma_start3A_69, %dma_start3A_70] : memref<520x64xf32, #tpu.memory_space<vmem>> -> memref<128x64xf32, #tpu.memory_space<vmem>>
    %dma_start3A_72 = arith.constant 512 : i32
    %dma_start3A_73 = tpu.memref_slice %arg5[%dma_start3A_72] : memref<2048xi32, #tpu.memory_space<vmem>> -> memref<128xi32, #tpu.memory_space<vmem>>
    %dma_start3A_74 = arith.constant 0 : i32
    %dma_start3A_75 = arith.constant 0 : i32
    %dma_start3A_76 = tpu.memref_slice %arg3[%dma_start3A_74, %dma_start3A_75] : memref<100000x64xf32, #tpu.memory_space<hbm>> -> memref<100000x64xf32, #tpu.memory_space<hbm>>
    tpu.enqueue_indirect_dma source(%dma_start3A_76 : memref<100000x64xf32, #tpu.memory_space<hbm>>) target(%dma_start3A_71 : memref<128x64xf32, #tpu.memory_space<vmem>>) offsets(%dma_start3A_73 : memref<128xi32, #tpu.memory_space<vmem>>) semaphore(%arg11 : memref<!tpu.dma_semaphore, #tpu.memory_space<semaphore_mem>>)
    %dma_start3A_77 = arith.constant 128 : i32
    %dma_start3A_78 = arith.constant 0 : i32
    %dma_start3A_79 = tpu.memref_slice %arg7[%dma_start3A_77, %dma_start3A_78] : memref<520x64xf32, #tpu.memory_space<vmem>> -> memref<128x64xf32, #tpu.memory_space<vmem>>
    %dma_start3A_80 = arith.constant 640 : i32
    %dma_start3A_81 = tpu.memref_slice %arg5[%dma_start3A_80] : memref<2048xi32, #tpu.memory_space<vmem>> -> memref<128xi32, #tpu.memory_space<vmem>>
    %dma_start3A_82 = arith.constant 0 : i32
    %dma_start3A_83 = arith.constant 0 : i32
    %dma_start3A_84 = tpu.memref_slice %arg3[%dma_start3A_82, %dma_start3A_83] : memref<100000x64xf32, #tpu.memory_space<hbm>> -> memref<100000x64xf32, #tpu.memory_space<hbm>>
    tpu.enqueue_indirect_dma source(%dma_start3A_84 : memref<100000x64xf32, #tpu.memory_space<hbm>>) target(%dma_start3A_79 : memref<128x64xf32, #tpu.memory_space<vmem>>) offsets(%dma_start3A_81 : memref<128xi32, #tpu.memory_space<vmem>>) semaphore(%arg11 : memref<!tpu.dma_semaphore, #tpu.memory_space<semaphore_mem>>)
    %dma_start3A_85 = arith.constant 256 : i32
    %dma_start3A_86 = arith.constant 0 : i32
    %dma_start3A_87 = tpu.memref_slice %arg7[%dma_start3A_85, %dma_start3A_86] : memref<520x64xf32, #tpu.memory_space<vmem>> -> memref<128x64xf32, #tpu.memory_space<vmem>>
    %dma_start3A_88 = arith.constant 768 : i32
    %dma_start3A_89 = tpu.memref_slice %arg5[%dma_start3A_88] : memref<2048xi32, #tpu.memory_space<vmem>> -> memref<128xi32, #tpu.memory_space<vmem>>
    %dma_start3A_90 = arith.constant 0 : i32
    %dma_start3A_91 = arith.constant 0 : i32
    %dma_start3A_92 = tpu.memref_slice %arg3[%dma_start3A_90, %dma_start3A_91] : memref<100000x64xf32, #tpu.memory_space<hbm>> -> memref<100000x64xf32, #tpu.memory_space<hbm>>
    tpu.enqueue_indirect_dma source(%dma_start3A_92 : memref<100000x64xf32, #tpu.memory_space<hbm>>) target(%dma_start3A_87 : memref<128x64xf32, #tpu.memory_space<vmem>>) offsets(%dma_start3A_89 : memref<128xi32, #tpu.memory_space<vmem>>) semaphore(%arg11 : memref<!tpu.dma_semaphore, #tpu.memory_space<semaphore_mem>>)
    %dma_start3A_93 = arith.constant 384 : i32
    %dma_start3A_94 = arith.constant 0 : i32
    %dma_start3A_95 = tpu.memref_slice %arg7[%dma_start3A_93, %dma_start3A_94] : memref<520x64xf32, #tpu.memory_space<vmem>> -> memref<128x64xf32, #tpu.memory_space<vmem>>
    %dma_start3A_96 = arith.constant 896 : i32
    %dma_start3A_97 = tpu.memref_slice %arg5[%dma_start3A_96] : memref<2048xi32, #tpu.memory_space<vmem>> -> memref<128xi32, #tpu.memory_space<vmem>>
    %dma_start3A_98 = arith.constant 0 : i32
    %dma_start3A_99 = arith.constant 0 : i32
    %dma_start3A_100 = tpu.memref_slice %arg3[%dma_start3A_98, %dma_start3A_99] : memref<100000x64xf32, #tpu.memory_space<hbm>> -> memref<100000x64xf32, #tpu.memory_space<hbm>>
    tpu.enqueue_indirect_dma source(%dma_start3A_100 : memref<100000x64xf32, #tpu.memory_space<hbm>>) target(%dma_start3A_95 : memref<128x64xf32, #tpu.memory_space<vmem>>) offsets(%dma_start3A_97 : memref<128xi32, #tpu.memory_space<vmem>>) semaphore(%arg11 : memref<!tpu.dma_semaphore, #tpu.memory_space<semaphore_mem>>)
    %dma_wait3A = arith.constant 0 : i32
    %dma_wait3A_101 = arith.constant 0 : i32
    %dma_wait3A_102 = tpu.memref_slice %arg6[%dma_wait3A, %dma_wait3A_101] : memref<520x64xf32, #tpu.memory_space<vmem>> -> memref<128x64xf32, #tpu.memory_space<vmem>>
    %dma_wait3A_103 = arith.constant 0 : i32
    %dma_wait3A_104 = tpu.memref_slice %arg5[%dma_wait3A_103] : memref<2048xi32, #tpu.memory_space<vmem>> -> memref<128xi32, #tpu.memory_space<vmem>>
    %dma_wait3A_105 = arith.constant 0 : i32
    %dma_wait3A_106 = arith.constant 0 : i32
    %dma_wait3A_107 = tpu.memref_slice %arg3[%dma_wait3A_105, %dma_wait3A_106] : memref<100000x64xf32, #tpu.memory_space<hbm>> -> memref<100000x64xf32, #tpu.memory_space<hbm>>
    tpu.wait_indirect_dma semaphore(%arg10 : memref<!tpu.dma_semaphore, #tpu.memory_space<semaphore_mem>>) src(%dma_wait3A_107 : memref<100000x64xf32, #tpu.memory_space<hbm>>) dst(%dma_wait3A_102 : memref<128x64xf32, #tpu.memory_space<vmem>>)
    %dma_wait3A_108 = arith.constant 128 : i32
    %dma_wait3A_109 = arith.constant 0 : i32
    %dma_wait3A_110 = tpu.memref_slice %arg6[%dma_wait3A_108, %dma_wait3A_109] : memref<520x64xf32, #tpu.memory_space<vmem>> -> memref<128x64xf32, #tpu.memory_space<vmem>>
    %dma_wait3A_111 = arith.constant 128 : i32
    %dma_wait3A_112 = tpu.memref_slice %arg5[%dma_wait3A_111] : memref<2048xi32, #tpu.memory_space<vmem>> -> memref<128xi32, #tpu.memory_space<vmem>>
    %dma_wait3A_113 = arith.constant 0 : i32
    %dma_wait3A_114 = arith.constant 0 : i32
    %dma_wait3A_115 = tpu.memref_slice %arg3[%dma_wait3A_113, %dma_wait3A_114] : memref<100000x64xf32, #tpu.memory_space<hbm>> -> memref<100000x64xf32, #tpu.memory_space<hbm>>
    tpu.wait_indirect_dma semaphore(%arg10 : memref<!tpu.dma_semaphore, #tpu.memory_space<semaphore_mem>>) src(%dma_wait3A_115 : memref<100000x64xf32, #tpu.memory_space<hbm>>) dst(%dma_wait3A_110 : memref<128x64xf32, #tpu.memory_space<vmem>>)
    %dma_wait3A_116 = arith.constant 256 : i32
    %dma_wait3A_117 = arith.constant 0 : i32
    %dma_wait3A_118 = tpu.memref_slice %arg6[%dma_wait3A_116, %dma_wait3A_117] : memref<520x64xf32, #tpu.memory_space<vmem>> -> memref<128x64xf32, #tpu.memory_space<vmem>>
    %dma_wait3A_119 = arith.constant 256 : i32
    %dma_wait3A_120 = tpu.memref_slice %arg5[%dma_wait3A_119] : memref<2048xi32, #tpu.memory_space<vmem>> -> memref<128xi32, #tpu.memory_space<vmem>>
    %dma_wait3A_121 = arith.constant 0 : i32
    %dma_wait3A_122 = arith.constant 0 : i32
    %dma_wait3A_123 = tpu.memref_slice %arg3[%dma_wait3A_121, %dma_wait3A_122] : memref<100000x64xf32, #tpu.memory_space<hbm>> -> memref<100000x64xf32, #tpu.memory_space<hbm>>
    tpu.wait_indirect_dma semaphore(%arg10 : memref<!tpu.dma_semaphore, #tpu.memory_space<semaphore_mem>>) src(%dma_wait3A_123 : memref<100000x64xf32, #tpu.memory_space<hbm>>) dst(%dma_wait3A_118 : memref<128x64xf32, #tpu.memory_space<vmem>>)
    %dma_wait3A_124 = arith.constant 384 : i32
    %dma_wait3A_125 = arith.constant 0 : i32
    %dma_wait3A_126 = tpu.memref_slice %arg6[%dma_wait3A_124, %dma_wait3A_125] : memref<520x64xf32, #tpu.memory_space<vmem>> -> memref<128x64xf32, #tpu.memory_space<vmem>>
    %dma_wait3A_127 = arith.constant 384 : i32
    %dma_wait3A_128 = tpu.memref_slice %arg5[%dma_wait3A_127] : memref<2048xi32, #tpu.memory_space<vmem>> -> memref<128xi32, #tpu.memory_space<vmem>>
    %dma_wait3A_129 = arith.constant 0 : i32
    %dma_wait3A_130 = arith.constant 0 : i32
    %dma_wait3A_131 = tpu.memref_slice %arg3[%dma_wait3A_129, %dma_wait3A_130] : memref<100000x64xf32, #tpu.memory_space<hbm>> -> memref<100000x64xf32, #tpu.memory_space<hbm>>
    tpu.wait_indirect_dma semaphore(%arg10 : memref<!tpu.dma_semaphore, #tpu.memory_space<semaphore_mem>>) src(%dma_wait3A_131 : memref<100000x64xf32, #tpu.memory_space<hbm>>) dst(%dma_wait3A_126 : memref<128x64xf32, #tpu.memory_space<vmem>>)
    %iota3A_132 = tpu.iota {dimensions = array<i32: 0>} : vector<16xi32>
    %mul3A_133 = arith.constant 17 : i32
    %mul3A_134 = vector.broadcast %mul3A_133 : i32 to vector<16xi32>
    %mul3A_135 = arith.muli %iota3A_132, %mul3A_134 : vector<16xi32>
    %parallel_loop3A = arith.constant 0 : i32
    %parallel_loop3A_136 = arith.constant 8 : i32
    %parallel_loop3A_137 = arith.constant 1 : i32
    scf.for %parallel_loop3A_335 = %parallel_loop3A to %parallel_loop3A_136 step %parallel_loop3A_137  : i32 {
      %parallel_loop3A_336 = arith.constant 64 : i32
      %parallel_loop3A_337 = arith.muli %parallel_loop3A_335, %parallel_loop3A_336 : i32
      %parallel_loop3A_338 = arith.constant 0 : i32
      %parallel_loop3A_339 = arith.addi %parallel_loop3A_338, %parallel_loop3A_337 : i32
      %parallel_loop3A_340 = arith.constant 0 : i32
      %parallel_loop3A_341 = arith.addi %parallel_loop3A_339, %parallel_loop3A_340 : i32
      %parallel_loop3A_342 = vector.broadcast %parallel_loop3A_341 : i32 to vector<16xi32>
      %parallel_loop3A_343 = arith.addi %mul3A_3, %parallel_loop3A_342 : vector<16xi32>
      %parallel_loop3A_344 = tpu.vector_load_idx %arg5[%parallel_loop3A_343] : memref<2048xi32, #tpu.memory_space<vmem>>[vector<16xi32>], vector<16xi32>,
      %parallel_loop3A_345 = arith.constant 0 : i32
      %parallel_loop3A_346 = arith.addi %parallel_loop3A_345, %parallel_loop3A_337 : i32
      %parallel_loop3A_347 = arith.constant 1 : i32
      %parallel_loop3A_348 = arith.addi %parallel_loop3A_346, %parallel_loop3A_347 : i32
      %parallel_loop3A_349 = vector.broadcast %parallel_loop3A_348 : i32 to vector<16xi32>
      %parallel_loop3A_350 = arith.addi %mul3A_3, %parallel_loop3A_349 : vector<16xi32>
      %parallel_loop3A_351 = tpu.vector_load_idx %arg5[%parallel_loop3A_350] : memref<2048xi32, #tpu.memory_space<vmem>>[vector<16xi32>], vector<16xi32>,
      %parallel_loop3A_352 = arith.constant 0 : i32
      %parallel_loop3A_353 = arith.addi %parallel_loop3A_352, %parallel_loop3A_337 : i32
      %parallel_loop3A_354 = arith.constant 2 : i32
      %parallel_loop3A_355 = arith.addi %parallel_loop3A_353, %parallel_loop3A_354 : i32
      %parallel_loop3A_356 = vector.broadcast %parallel_loop3A_355 : i32 to vector<16xi32>
      %parallel_loop3A_357 = arith.addi %mul3A_3, %parallel_loop3A_356 : vector<16xi32>
      %parallel_loop3A_358 = tpu.vector_load_idx %arg5[%parallel_loop3A_357] : memref<2048xi32, #tpu.memory_space<vmem>>[vector<16xi32>], vector<16xi32>,
      %parallel_loop3A_359 = arith.constant 0 : i32
      %parallel_loop3A_360 = arith.addi %parallel_loop3A_359, %parallel_loop3A_337 : i32
      %parallel_loop3A_361 = arith.constant 3 : i32
      %parallel_loop3A_362 = arith.addi %parallel_loop3A_360, %parallel_loop3A_361 : i32
      %parallel_loop3A_363 = vector.broadcast %parallel_loop3A_362 : i32 to vector<16xi32>
      %parallel_loop3A_364 = arith.addi %mul3A_3, %parallel_loop3A_363 : vector<16xi32>
      %parallel_loop3A_365 = tpu.vector_load_idx %arg5[%parallel_loop3A_364] : memref<2048xi32, #tpu.memory_space<vmem>>[vector<16xi32>], vector<16xi32>,
      %parallel_loop3A_366 = arith.constant 0 : i32
      %parallel_loop3A_367 = arith.addi %parallel_loop3A_337, %parallel_loop3A_366 : i32
      %parallel_loop3A_368 = vector.broadcast %parallel_loop3A_367 : i32 to vector<16xi32>
      %parallel_loop3A_369 = arith.addi %mul3A_3, %parallel_loop3A_368 : vector<16xi32>
      %parallel_loop3A_370 = arith.constant 1 : i32
      %parallel_loop3A_371 = arith.addi %parallel_loop3A_337, %parallel_loop3A_370 : i32
      %parallel_loop3A_372 = vector.broadcast %parallel_loop3A_371 : i32 to vector<16xi32>
      %parallel_loop3A_373 = arith.addi %mul3A_3, %parallel_loop3A_372 : vector<16xi32>
      %parallel_loop3A_374 = arith.constant 2 : i32
      %parallel_loop3A_375 = arith.addi %parallel_loop3A_337, %parallel_loop3A_374 : i32
      %parallel_loop3A_376 = vector.broadcast %parallel_loop3A_375 : i32 to vector<16xi32>
      %parallel_loop3A_377 = arith.addi %mul3A_3, %parallel_loop3A_376 : vector<16xi32>
      %parallel_loop3A_378 = arith.constant 3 : i32
      %parallel_loop3A_379 = arith.addi %parallel_loop3A_337, %parallel_loop3A_378 : i32
      %parallel_loop3A_380 = vector.broadcast %parallel_loop3A_379 : i32 to vector<16xi32>
      %parallel_loop3A_381 = arith.addi %mul3A_3, %parallel_loop3A_380 : vector<16xi32>
      %parallel_loop3A_382 = arith.constant 0 : i32
      %parallel_loop3A_383 = vector.broadcast %parallel_loop3A_382 : i32 to vector<16xi32>
      %parallel_loop3A_384 = arith.cmpi eq, %parallel_loop3A_344, %parallel_loop3A_383 : vector<16xi32>
      %parallel_loop3A_385 = arith.constant 512 : i32
      %parallel_loop3A_386 = vector.broadcast %parallel_loop3A_385 : i32 to vector<16xi32>
      %parallel_loop3A_387 = arith.select %parallel_loop3A_384, %parallel_loop3A_386, %parallel_loop3A_369 : vector<16xi1>, vector<16xi32>
      %parallel_loop3A_388 = arith.constant 0 : i32
      %parallel_loop3A_389 = vector.broadcast %parallel_loop3A_388 : i32 to vector<16xi32>
      %parallel_loop3A_390 = arith.cmpi eq, %parallel_loop3A_351, %parallel_loop3A_389 : vector<16xi32>
      %parallel_loop3A_391 = arith.constant 512 : i32
      %parallel_loop3A_392 = vector.broadcast %parallel_loop3A_391 : i32 to vector<16xi32>
      %parallel_loop3A_393 = arith.select %parallel_loop3A_390, %parallel_loop3A_392, %parallel_loop3A_373 : vector<16xi1>, vector<16xi32>
      %parallel_loop3A_394 = arith.constant 0 : i32
      %parallel_loop3A_395 = vector.broadcast %parallel_loop3A_394 : i32 to vector<16xi32>
      %parallel_loop3A_396 = arith.cmpi eq, %parallel_loop3A_358, %parallel_loop3A_395 : vector<16xi32>
      %parallel_loop3A_397 = arith.constant 512 : i32
      %parallel_loop3A_398 = vector.broadcast %parallel_loop3A_397 : i32 to vector<16xi32>
      %parallel_loop3A_399 = arith.select %parallel_loop3A_396, %parallel_loop3A_398, %parallel_loop3A_377 : vector<16xi1>, vector<16xi32>
      %parallel_loop3A_400 = arith.constant 0 : i32
      %parallel_loop3A_401 = vector.broadcast %parallel_loop3A_400 : i32 to vector<16xi32>
      %parallel_loop3A_402 = arith.cmpi eq, %parallel_loop3A_365, %parallel_loop3A_401 : vector<16xi32>
      %parallel_loop3A_403 = arith.constant 512 : i32
      %parallel_loop3A_404 = vector.broadcast %parallel_loop3A_403 : i32 to vector<16xi32>
      %parallel_loop3A_405 = arith.select %parallel_loop3A_402, %parallel_loop3A_404, %parallel_loop3A_381 : vector<16xi1>, vector<16xi32>
      %parallel_loop3A_406 = arith.constant 0.000000e+00 : f32
      %parallel_loop3A_407 = vector.broadcast %parallel_loop3A_406 : f32 to vector<16xf32>
      %parallel_loop3A_408 = arith.constant 0 : i32
      %parallel_loop3A_409 = arith.constant 64 : i32
      %parallel_loop3A_410 = arith.constant 1 : i32
      %parallel_loop3A_411:8 = scf.for %parallel_loop3A_712 = %parallel_loop3A_408 to %parallel_loop3A_409 step %parallel_loop3A_410 iter_args(%parallel_loop3A_713 = %parallel_loop3A_407, %parallel_loop3A_714 = %parallel_loop3A_407, %parallel_loop3A_715 = %parallel_loop3A_407, %parallel_loop3A_716 = %parallel_loop3A_407, %parallel_loop3A_717 = %parallel_loop3A_407, %parallel_loop3A_718 = %parallel_loop3A_407, %parallel_loop3A_719 = %parallel_loop3A_407, %parallel_loop3A_720 = %parallel_loop3A_407) -> (vector<16xf32>, vector<16xf32>, vector<16xf32>, vector<16xf32>, vector<16xf32>, vector<16xf32>, vector<16xf32>, vector<16xf32>)  : i32 {
        %parallel_loop3A_721 = vector.broadcast %parallel_loop3A_712 : i32 to vector<16xi32>
        %parallel_loop3A_722 = arith.addi %parallel_loop3A_721, %mul3A_135 : vector<16xi32>
        %parallel_loop3A_723 = arith.constant 63 : i32
        %parallel_loop3A_724 = vector.broadcast %parallel_loop3A_723 : i32 to vector<16xi32>
        %parallel_loop3A_725 = arith.andi %parallel_loop3A_722, %parallel_loop3A_724 : vector<16xi32>
        %parallel_loop3A_726 = tpu.vector_load_idx %arg6[%parallel_loop3A_387, %parallel_loop3A_725] : memref<520x64xf32, #tpu.memory_space<vmem>>[vector<16xi32>, vector<16xi32>], vector<16xf32>,
        %parallel_loop3A_727 = tpu.vector_load_idx %arg6[%parallel_loop3A_393, %parallel_loop3A_725] : memref<520x64xf32, #tpu.memory_space<vmem>>[vector<16xi32>, vector<16xi32>], vector<16xf32>,
        %parallel_loop3A_728 = tpu.vector_load_idx %arg6[%parallel_loop3A_399, %parallel_loop3A_725] : memref<520x64xf32, #tpu.memory_space<vmem>>[vector<16xi32>, vector<16xi32>], vector<16xf32>,
        %parallel_loop3A_729 = tpu.vector_load_idx %arg6[%parallel_loop3A_405, %parallel_loop3A_725] : memref<520x64xf32, #tpu.memory_space<vmem>>[vector<16xi32>, vector<16xi32>], vector<16xf32>,
        %parallel_loop3A_730 = arith.addf %parallel_loop3A_726, %parallel_loop3A_727 : vector<16xf32>
        %parallel_loop3A_731 = arith.addf %parallel_loop3A_728, %parallel_loop3A_729 : vector<16xf32>
        %parallel_loop3A_732 = arith.addf %parallel_loop3A_730, %parallel_loop3A_731 : vector<16xf32>
        %parallel_loop3A_733 = arith.mulf %parallel_loop3A_726, %parallel_loop3A_732 : vector<16xf32>
        %parallel_loop3A_734 = arith.addf %parallel_loop3A_713, %parallel_loop3A_733 : vector<16xf32>
        %parallel_loop3A_735 = arith.mulf %parallel_loop3A_727, %parallel_loop3A_732 : vector<16xf32>
        %parallel_loop3A_736 = arith.addf %parallel_loop3A_714, %parallel_loop3A_735 : vector<16xf32>
        %parallel_loop3A_737 = arith.mulf %parallel_loop3A_728, %parallel_loop3A_732 : vector<16xf32>
        %parallel_loop3A_738 = arith.addf %parallel_loop3A_715, %parallel_loop3A_737 : vector<16xf32>
        %parallel_loop3A_739 = arith.mulf %parallel_loop3A_729, %parallel_loop3A_732 : vector<16xf32>
        %parallel_loop3A_740 = arith.addf %parallel_loop3A_716, %parallel_loop3A_739 : vector<16xf32>
        %parallel_loop3A_741 = arith.mulf %parallel_loop3A_726, %parallel_loop3A_726 : vector<16xf32>
        %parallel_loop3A_742 = arith.addf %parallel_loop3A_717, %parallel_loop3A_741 : vector<16xf32>
        %parallel_loop3A_743 = arith.mulf %parallel_loop3A_727, %parallel_loop3A_727 : vector<16xf32>
        %parallel_loop3A_744 = arith.addf %parallel_loop3A_718, %parallel_loop3A_743 : vector<16xf32>
        %parallel_loop3A_745 = arith.mulf %parallel_loop3A_728, %parallel_loop3A_728 : vector<16xf32>
        %parallel_loop3A_746 = arith.addf %parallel_loop3A_719, %parallel_loop3A_745 : vector<16xf32>
        %parallel_loop3A_747 = arith.mulf %parallel_loop3A_729, %parallel_loop3A_729 : vector<16xf32>
        %parallel_loop3A_748 = arith.addf %parallel_loop3A_720, %parallel_loop3A_747 : vector<16xf32>
        scf.yield %parallel_loop3A_734, %parallel_loop3A_736, %parallel_loop3A_738, %parallel_loop3A_740, %parallel_loop3A_742, %parallel_loop3A_744, %parallel_loop3A_746, %parallel_loop3A_748 : vector<16xf32>, vector<16xf32>, vector<16xf32>, vector<16xf32>, vector<16xf32>, vector<16xf32>, vector<16xf32>, vector<16xf32>
      } {sc.loop_unroll_factor = 8 : i64, sc.parallel_access}
      %parallel_loop3A_412 = arith.constant 0.000000e+00 : f32
      %parallel_loop3A_413 = vector.broadcast %parallel_loop3A_412 : f32 to vector<16xf32>
      %parallel_loop3A_414 = arith.cmpi eq, %parallel_loop3A_344, %parallel_loop3A_344 : vector<16xi32>
      %parallel_loop3A_415 = arith.constant 1.000000e+00 : f32
      %parallel_loop3A_416 = arith.constant 0.000000e+00 : f32
      %parallel_loop3A_417 = vector.broadcast %parallel_loop3A_415 : f32 to vector<16xf32>
      %parallel_loop3A_418 = vector.broadcast %parallel_loop3A_416 : f32 to vector<16xf32>
      %parallel_loop3A_419 = arith.select %parallel_loop3A_414, %parallel_loop3A_417, %parallel_loop3A_418 : vector<16xi1>, vector<16xf32>
      %parallel_loop3A_420 = arith.addf %parallel_loop3A_413, %parallel_loop3A_419 : vector<16xf32>
      %parallel_loop3A_421 = arith.cmpi eq, %parallel_loop3A_351, %parallel_loop3A_344 : vector<16xi32>
      %parallel_loop3A_422 = arith.constant 1.000000e+00 : f32
      %parallel_loop3A_423 = arith.constant 0.000000e+00 : f32
      %parallel_loop3A_424 = vector.broadcast %parallel_loop3A_422 : f32 to vector<16xf32>
      %parallel_loop3A_425 = vector.broadcast %parallel_loop3A_423 : f32 to vector<16xf32>
      %parallel_loop3A_426 = arith.select %parallel_loop3A_421, %parallel_loop3A_424, %parallel_loop3A_425 : vector<16xi1>, vector<16xf32>
      %parallel_loop3A_427 = arith.addf %parallel_loop3A_420, %parallel_loop3A_426 : vector<16xf32>
      %parallel_loop3A_428 = arith.cmpi eq, %parallel_loop3A_358, %parallel_loop3A_344 : vector<16xi32>
      %parallel_loop3A_429 = arith.constant 1.000000e+00 : f32
      %parallel_loop3A_430 = arith.constant 0.000000e+00 : f32
      %parallel_loop3A_431 = vector.broadcast %parallel_loop3A_429 : f32 to vector<16xf32>
      %parallel_loop3A_432 = vector.broadcast %parallel_loop3A_430 : f32 to vector<16xf32>
      %parallel_loop3A_433 = arith.select %parallel_loop3A_428, %parallel_loop3A_431, %parallel_loop3A_432 : vector<16xi1>, vector<16xf32>
      %parallel_loop3A_434 = arith.addf %parallel_loop3A_427, %parallel_loop3A_433 : vector<16xf32>
      %parallel_loop3A_435 = arith.cmpi eq, %parallel_loop3A_365, %parallel_loop3A_344 : vector<16xi32>
      %parallel_loop3A_436 = arith.constant 1.000000e+00 : f32
      %parallel_loop3A_437 = arith.constant 0.000000e+00 : f32
      %parallel_loop3A_438 = vector.broadcast %parallel_loop3A_436 : f32 to vector<16xf32>
      %parallel_loop3A_439 = vector.broadcast %parallel_loop3A_437 : f32 to vector<16xf32>
      %parallel_loop3A_440 = arith.select %parallel_loop3A_435, %parallel_loop3A_438, %parallel_loop3A_439 : vector<16xi1>, vector<16xf32>
      %parallel_loop3A_441 = arith.addf %parallel_loop3A_434, %parallel_loop3A_440 : vector<16xf32>
      %parallel_loop3A_442 = arith.mulf %parallel_loop3A_441, %parallel_loop3A_411#4 : vector<16xf32>
      %parallel_loop3A_443 = arith.subf %parallel_loop3A_411#0, %parallel_loop3A_442 : vector<16xf32>
      %parallel_loop3A_444 = arith.constant 0.333333343 : f32
      %parallel_loop3A_445 = vector.broadcast %parallel_loop3A_444 : f32 to vector<16xf32>
      %parallel_loop3A_446 = arith.mulf %parallel_loop3A_443, %parallel_loop3A_445 : vector<16xf32>
      %parallel_loop3A_447 = math.absf %parallel_loop3A_446 : vector<16xf32>
      %parallel_loop3A_448 = arith.constant 0.000000e+00 : f32
      %parallel_loop3A_449 = vector.broadcast %parallel_loop3A_448 : f32 to vector<16xf32>
      %parallel_loop3A_450 = arith.subf %parallel_loop3A_449, %parallel_loop3A_447 : vector<16xf32>
      %parallel_loop3A_451 = math.exp %parallel_loop3A_450 : vector<16xf32>
      %parallel_loop3A_452 = arith.constant -8.466410e-03 : f32
      %parallel_loop3A_453 = vector.broadcast %parallel_loop3A_452 : f32 to vector<16xf32>
      %parallel_loop3A_454 = arith.mulf %parallel_loop3A_453, %parallel_loop3A_451 : vector<16xf32>
      %parallel_loop3A_455 = arith.constant 0.0436592884 : f32
      %parallel_loop3A_456 = vector.broadcast %parallel_loop3A_455 : f32 to vector<16xf32>
      %parallel_loop3A_457 = arith.addf %parallel_loop3A_454, %parallel_loop3A_456 : vector<16xf32>
      %parallel_loop3A_458 = arith.mulf %parallel_loop3A_457, %parallel_loop3A_451 : vector<16xf32>
      %parallel_loop3A_459 = arith.constant -0.106799312 : f32
      %parallel_loop3A_460 = vector.broadcast %parallel_loop3A_459 : f32 to vector<16xf32>
      %parallel_loop3A_461 = arith.addf %parallel_loop3A_458, %parallel_loop3A_460 : vector<16xf32>
      %parallel_loop3A_462 = arith.mulf %parallel_loop3A_461, %parallel_loop3A_451 : vector<16xf32>
      %parallel_loop3A_463 = arith.constant 0.176598653 : f32
      %parallel_loop3A_464 = vector.broadcast %parallel_loop3A_463 : f32 to vector<16xf32>
      %parallel_loop3A_465 = arith.addf %parallel_loop3A_462, %parallel_loop3A_464 : vector<16xf32>
      %parallel_loop3A_466 = arith.mulf %parallel_loop3A_465, %parallel_loop3A_451 : vector<16xf32>
      %parallel_loop3A_467 = arith.constant -0.244533896 : f32
      %parallel_loop3A_468 = vector.broadcast %parallel_loop3A_467 : f32 to vector<16xf32>
      %parallel_loop3A_469 = arith.addf %parallel_loop3A_466, %parallel_loop3A_468 : vector<16xf32>
      %parallel_loop3A_470 = arith.mulf %parallel_loop3A_469, %parallel_loop3A_451 : vector<16xf32>
      %parallel_loop3A_471 = arith.constant 0.332652569 : f32
      %parallel_loop3A_472 = vector.broadcast %parallel_loop3A_471 : f32 to vector<16xf32>
      %parallel_loop3A_473 = arith.addf %parallel_loop3A_470, %parallel_loop3A_472 : vector<16xf32>
      %parallel_loop3A_474 = arith.mulf %parallel_loop3A_473, %parallel_loop3A_451 : vector<16xf32>
      %parallel_loop3A_475 = arith.constant -0.499963552 : f32
      %parallel_loop3A_476 = vector.broadcast %parallel_loop3A_475 : f32 to vector<16xf32>
      %parallel_loop3A_477 = arith.addf %parallel_loop3A_474, %parallel_loop3A_476 : vector<16xf32>
      %parallel_loop3A_478 = arith.mulf %parallel_loop3A_477, %parallel_loop3A_451 : vector<16xf32>
      %parallel_loop3A_479 = arith.constant 0.999999523 : f32
      %parallel_loop3A_480 = vector.broadcast %parallel_loop3A_479 : f32 to vector<16xf32>
      %parallel_loop3A_481 = arith.addf %parallel_loop3A_478, %parallel_loop3A_480 : vector<16xf32>
      %parallel_loop3A_482 = arith.constant 0.000000e+00 : f32
      %parallel_loop3A_483 = vector.broadcast %parallel_loop3A_482 : f32 to vector<16xf32>
      %parallel_loop3A_484 = arith.minimumf %parallel_loop3A_446, %parallel_loop3A_483 : vector<16xf32>
      %parallel_loop3A_485 = arith.mulf %parallel_loop3A_451, %parallel_loop3A_481 : vector<16xf32>
      %parallel_loop3A_486 = arith.subf %parallel_loop3A_484, %parallel_loop3A_485 : vector<16xf32>
      tpu.vector_store_idx %arg8[%parallel_loop3A_369], %parallel_loop3A_486 : memref<512xf32, #tpu.memory_space<vmem>>[vector<16xi32>], vector<16xf32>,
      %parallel_loop3A_487 = arith.constant 0.000000e+00 : f32
      %parallel_loop3A_488 = vector.broadcast %parallel_loop3A_487 : f32 to vector<16xf32>
      %parallel_loop3A_489 = arith.cmpi eq, %parallel_loop3A_344, %parallel_loop3A_351 : vector<16xi32>
      %parallel_loop3A_490 = arith.constant 1.000000e+00 : f32
      %parallel_loop3A_491 = arith.constant 0.000000e+00 : f32
      %parallel_loop3A_492 = vector.broadcast %parallel_loop3A_490 : f32 to vector<16xf32>
      %parallel_loop3A_493 = vector.broadcast %parallel_loop3A_491 : f32 to vector<16xf32>
      %parallel_loop3A_494 = arith.select %parallel_loop3A_489, %parallel_loop3A_492, %parallel_loop3A_493 : vector<16xi1>, vector<16xf32>
      %parallel_loop3A_495 = arith.addf %parallel_loop3A_488, %parallel_loop3A_494 : vector<16xf32>
      %parallel_loop3A_496 = arith.cmpi eq, %parallel_loop3A_351, %parallel_loop3A_351 : vector<16xi32>
      %parallel_loop3A_497 = arith.constant 1.000000e+00 : f32
      %parallel_loop3A_498 = arith.constant 0.000000e+00 : f32
      %parallel_loop3A_499 = vector.broadcast %parallel_loop3A_497 : f32 to vector<16xf32>
      %parallel_loop3A_500 = vector.broadcast %parallel_loop3A_498 : f32 to vector<16xf32>
      %parallel_loop3A_501 = arith.select %parallel_loop3A_496, %parallel_loop3A_499, %parallel_loop3A_500 : vector<16xi1>, vector<16xf32>
      %parallel_loop3A_502 = arith.addf %parallel_loop3A_495, %parallel_loop3A_501 : vector<16xf32>
      %parallel_loop3A_503 = arith.cmpi eq, %parallel_loop3A_358, %parallel_loop3A_351 : vector<16xi32>
      %parallel_loop3A_504 = arith.constant 1.000000e+00 : f32
      %parallel_loop3A_505 = arith.constant 0.000000e+00 : f32
      %parallel_loop3A_506 = vector.broadcast %parallel_loop3A_504 : f32 to vector<16xf32>
      %parallel_loop3A_507 = vector.broadcast %parallel_loop3A_505 : f32 to vector<16xf32>
      %parallel_loop3A_508 = arith.select %parallel_loop3A_503, %parallel_loop3A_506, %parallel_loop3A_507 : vector<16xi1>, vector<16xf32>
      %parallel_loop3A_509 = arith.addf %parallel_loop3A_502, %parallel_loop3A_508 : vector<16xf32>
      %parallel_loop3A_510 = arith.cmpi eq, %parallel_loop3A_365, %parallel_loop3A_351 : vector<16xi32>
      %parallel_loop3A_511 = arith.constant 1.000000e+00 : f32
      %parallel_loop3A_512 = arith.constant 0.000000e+00 : f32
      %parallel_loop3A_513 = vector.broadcast %parallel_loop3A_511 : f32 to vector<16xf32>
      %parallel_loop3A_514 = vector.broadcast %parallel_loop3A_512 : f32 to vector<16xf32>
      %parallel_loop3A_515 = arith.select %parallel_loop3A_510, %parallel_loop3A_513, %parallel_loop3A_514 : vector<16xi1>, vector<16xf32>
      %parallel_loop3A_516 = arith.addf %parallel_loop3A_509, %parallel_loop3A_515 : vector<16xf32>
      %parallel_loop3A_517 = arith.mulf %parallel_loop3A_516, %parallel_loop3A_411#5 : vector<16xf32>
      %parallel_loop3A_518 = arith.subf %parallel_loop3A_411#1, %parallel_loop3A_517 : vector<16xf32>
      %parallel_loop3A_519 = arith.constant 0.333333343 : f32
      %parallel_loop3A_520 = vector.broadcast %parallel_loop3A_519 : f32 to vector<16xf32>
      %parallel_loop3A_521 = arith.mulf %parallel_loop3A_518, %parallel_loop3A_520 : vector<16xf32>
      %parallel_loop3A_522 = math.absf %parallel_loop3A_521 : vector<16xf32>
      %parallel_loop3A_523 = arith.constant 0.000000e+00 : f32
      %parallel_loop3A_524 = vector.broadcast %parallel_loop3A_523 : f32 to vector<16xf32>
      %parallel_loop3A_525 = arith.subf %parallel_loop3A_524, %parallel_loop3A_522 : vector<16xf32>
      %parallel_loop3A_526 = math.exp %parallel_loop3A_525 : vector<16xf32>
      %parallel_loop3A_527 = arith.constant -8.466410e-03 : f32
      %parallel_loop3A_528 = vector.broadcast %parallel_loop3A_527 : f32 to vector<16xf32>
      %parallel_loop3A_529 = arith.mulf %parallel_loop3A_528, %parallel_loop3A_526 : vector<16xf32>
      %parallel_loop3A_530 = arith.constant 0.0436592884 : f32
      %parallel_loop3A_531 = vector.broadcast %parallel_loop3A_530 : f32 to vector<16xf32>
      %parallel_loop3A_532 = arith.addf %parallel_loop3A_529, %parallel_loop3A_531 : vector<16xf32>
      %parallel_loop3A_533 = arith.mulf %parallel_loop3A_532, %parallel_loop3A_526 : vector<16xf32>
      %parallel_loop3A_534 = arith.constant -0.106799312 : f32
      %parallel_loop3A_535 = vector.broadcast %parallel_loop3A_534 : f32 to vector<16xf32>
      %parallel_loop3A_536 = arith.addf %parallel_loop3A_533, %parallel_loop3A_535 : vector<16xf32>
      %parallel_loop3A_537 = arith.mulf %parallel_loop3A_536, %parallel_loop3A_526 : vector<16xf32>
      %parallel_loop3A_538 = arith.constant 0.176598653 : f32
      %parallel_loop3A_539 = vector.broadcast %parallel_loop3A_538 : f32 to vector<16xf32>
      %parallel_loop3A_540 = arith.addf %parallel_loop3A_537, %parallel_loop3A_539 : vector<16xf32>
      %parallel_loop3A_541 = arith.mulf %parallel_loop3A_540, %parallel_loop3A_526 : vector<16xf32>
      %parallel_loop3A_542 = arith.constant -0.244533896 : f32
      %parallel_loop3A_543 = vector.broadcast %parallel_loop3A_542 : f32 to vector<16xf32>
      %parallel_loop3A_544 = arith.addf %parallel_loop3A_541, %parallel_loop3A_543 : vector<16xf32>
      %parallel_loop3A_545 = arith.mulf %parallel_loop3A_544, %parallel_loop3A_526 : vector<16xf32>
      %parallel_loop3A_546 = arith.constant 0.332652569 : f32
      %parallel_loop3A_547 = vector.broadcast %parallel_loop3A_546 : f32 to vector<16xf32>
      %parallel_loop3A_548 = arith.addf %parallel_loop3A_545, %parallel_loop3A_547 : vector<16xf32>
      %parallel_loop3A_549 = arith.mulf %parallel_loop3A_548, %parallel_loop3A_526 : vector<16xf32>
      %parallel_loop3A_550 = arith.constant -0.499963552 : f32
      %parallel_loop3A_551 = vector.broadcast %parallel_loop3A_550 : f32 to vector<16xf32>
      %parallel_loop3A_552 = arith.addf %parallel_loop3A_549, %parallel_loop3A_551 : vector<16xf32>
      %parallel_loop3A_553 = arith.mulf %parallel_loop3A_552, %parallel_loop3A_526 : vector<16xf32>
      %parallel_loop3A_554 = arith.constant 0.999999523 : f32
      %parallel_loop3A_555 = vector.broadcast %parallel_loop3A_554 : f32 to vector<16xf32>
      %parallel_loop3A_556 = arith.addf %parallel_loop3A_553, %parallel_loop3A_555 : vector<16xf32>
      %parallel_loop3A_557 = arith.constant 0.000000e+00 : f32
      %parallel_loop3A_558 = vector.broadcast %parallel_loop3A_557 : f32 to vector<16xf32>
      %parallel_loop3A_559 = arith.minimumf %parallel_loop3A_521, %parallel_loop3A_558 : vector<16xf32>
      %parallel_loop3A_560 = arith.mulf %parallel_loop3A_526, %parallel_loop3A_556 : vector<16xf32>
      %parallel_loop3A_561 = arith.subf %parallel_loop3A_559, %parallel_loop3A_560 : vector<16xf32>
      tpu.vector_store_idx %arg8[%parallel_loop3A_373], %parallel_loop3A_561 : memref<512xf32, #tpu.memory_space<vmem>>[vector<16xi32>], vector<16xf32>,
      %parallel_loop3A_562 = arith.constant 0.000000e+00 : f32
      %parallel_loop3A_563 = vector.broadcast %parallel_loop3A_562 : f32 to vector<16xf32>
      %parallel_loop3A_564 = arith.cmpi eq, %parallel_loop3A_344, %parallel_loop3A_358 : vector<16xi32>
      %parallel_loop3A_565 = arith.constant 1.000000e+00 : f32
      %parallel_loop3A_566 = arith.constant 0.000000e+00 : f32
      %parallel_loop3A_567 = vector.broadcast %parallel_loop3A_565 : f32 to vector<16xf32>
      %parallel_loop3A_568 = vector.broadcast %parallel_loop3A_566 : f32 to vector<16xf32>
      %parallel_loop3A_569 = arith.select %parallel_loop3A_564, %parallel_loop3A_567, %parallel_loop3A_568 : vector<16xi1>, vector<16xf32>
      %parallel_loop3A_570 = arith.addf %parallel_loop3A_563, %parallel_loop3A_569 : vector<16xf32>
      %parallel_loop3A_571 = arith.cmpi eq, %parallel_loop3A_351, %parallel_loop3A_358 : vector<16xi32>
      %parallel_loop3A_572 = arith.constant 1.000000e+00 : f32
      %parallel_loop3A_573 = arith.constant 0.000000e+00 : f32
      %parallel_loop3A_574 = vector.broadcast %parallel_loop3A_572 : f32 to vector<16xf32>
      %parallel_loop3A_575 = vector.broadcast %parallel_loop3A_573 : f32 to vector<16xf32>
      %parallel_loop3A_576 = arith.select %parallel_loop3A_571, %parallel_loop3A_574, %parallel_loop3A_575 : vector<16xi1>, vector<16xf32>
      %parallel_loop3A_577 = arith.addf %parallel_loop3A_570, %parallel_loop3A_576 : vector<16xf32>
      %parallel_loop3A_578 = arith.cmpi eq, %parallel_loop3A_358, %parallel_loop3A_358 : vector<16xi32>
      %parallel_loop3A_579 = arith.constant 1.000000e+00 : f32
      %parallel_loop3A_580 = arith.constant 0.000000e+00 : f32
      %parallel_loop3A_581 = vector.broadcast %parallel_loop3A_579 : f32 to vector<16xf32>
      %parallel_loop3A_582 = vector.broadcast %parallel_loop3A_580 : f32 to vector<16xf32>
      %parallel_loop3A_583 = arith.select %parallel_loop3A_578, %parallel_loop3A_581, %parallel_loop3A_582 : vector<16xi1>, vector<16xf32>
      %parallel_loop3A_584 = arith.addf %parallel_loop3A_577, %parallel_loop3A_583 : vector<16xf32>
      %parallel_loop3A_585 = arith.cmpi eq, %parallel_loop3A_365, %parallel_loop3A_358 : vector<16xi32>
      %parallel_loop3A_586 = arith.constant 1.000000e+00 : f32
      %parallel_loop3A_587 = arith.constant 0.000000e+00 : f32
      %parallel_loop3A_588 = vector.broadcast %parallel_loop3A_586 : f32 to vector<16xf32>
      %parallel_loop3A_589 = vector.broadcast %parallel_loop3A_587 : f32 to vector<16xf32>
      %parallel_loop3A_590 = arith.select %parallel_loop3A_585, %parallel_loop3A_588, %parallel_loop3A_589 : vector<16xi1>, vector<16xf32>
      %parallel_loop3A_591 = arith.addf %parallel_loop3A_584, %parallel_loop3A_590 : vector<16xf32>
      %parallel_loop3A_592 = arith.mulf %parallel_loop3A_591, %parallel_loop3A_411#6 : vector<16xf32>
      %parallel_loop3A_593 = arith.subf %parallel_loop3A_411#2, %parallel_loop3A_592 : vector<16xf32>
      %parallel_loop3A_594 = arith.constant 0.333333343 : f32
      %parallel_loop3A_595 = vector.broadcast %parallel_loop3A_594 : f32 to vector<16xf32>
      %parallel_loop3A_596 = arith.mulf %parallel_loop3A_593, %parallel_loop3A_595 : vector<16xf32>
      %parallel_loop3A_597 = math.absf %parallel_loop3A_596 : vector<16xf32>
      %parallel_loop3A_598 = arith.constant 0.000000e+00 : f32
      %parallel_loop3A_599 = vector.broadcast %parallel_loop3A_598 : f32 to vector<16xf32>
      %parallel_loop3A_600 = arith.subf %parallel_loop3A_599, %parallel_loop3A_597 : vector<16xf32>
      %parallel_loop3A_601 = math.exp %parallel_loop3A_600 : vector<16xf32>
      %parallel_loop3A_602 = arith.constant -8.466410e-03 : f32
      %parallel_loop3A_603 = vector.broadcast %parallel_loop3A_602 : f32 to vector<16xf32>
      %parallel_loop3A_604 = arith.mulf %parallel_loop3A_603, %parallel_loop3A_601 : vector<16xf32>
      %parallel_loop3A_605 = arith.constant 0.0436592884 : f32
      %parallel_loop3A_606 = vector.broadcast %parallel_loop3A_605 : f32 to vector<16xf32>
      %parallel_loop3A_607 = arith.addf %parallel_loop3A_604, %parallel_loop3A_606 : vector<16xf32>
      %parallel_loop3A_608 = arith.mulf %parallel_loop3A_607, %parallel_loop3A_601 : vector<16xf32>
      %parallel_loop3A_609 = arith.constant -0.106799312 : f32
      %parallel_loop3A_610 = vector.broadcast %parallel_loop3A_609 : f32 to vector<16xf32>
      %parallel_loop3A_611 = arith.addf %parallel_loop3A_608, %parallel_loop3A_610 : vector<16xf32>
      %parallel_loop3A_612 = arith.mulf %parallel_loop3A_611, %parallel_loop3A_601 : vector<16xf32>
      %parallel_loop3A_613 = arith.constant 0.176598653 : f32
      %parallel_loop3A_614 = vector.broadcast %parallel_loop3A_613 : f32 to vector<16xf32>
      %parallel_loop3A_615 = arith.addf %parallel_loop3A_612, %parallel_loop3A_614 : vector<16xf32>
      %parallel_loop3A_616 = arith.mulf %parallel_loop3A_615, %parallel_loop3A_601 : vector<16xf32>
      %parallel_loop3A_617 = arith.constant -0.244533896 : f32
      %parallel_loop3A_618 = vector.broadcast %parallel_loop3A_617 : f32 to vector<16xf32>
      %parallel_loop3A_619 = arith.addf %parallel_loop3A_616, %parallel_loop3A_618 : vector<16xf32>
      %parallel_loop3A_620 = arith.mulf %parallel_loop3A_619, %parallel_loop3A_601 : vector<16xf32>
      %parallel_loop3A_621 = arith.constant 0.332652569 : f32
      %parallel_loop3A_622 = vector.broadcast %parallel_loop3A_621 : f32 to vector<16xf32>
      %parallel_loop3A_623 = arith.addf %parallel_loop3A_620, %parallel_loop3A_622 : vector<16xf32>
      %parallel_loop3A_624 = arith.mulf %parallel_loop3A_623, %parallel_loop3A_601 : vector<16xf32>
      %parallel_loop3A_625 = arith.constant -0.499963552 : f32
      %parallel_loop3A_626 = vector.broadcast %parallel_loop3A_625 : f32 to vector<16xf32>
      %parallel_loop3A_627 = arith.addf %parallel_loop3A_624, %parallel_loop3A_626 : vector<16xf32>
      %parallel_loop3A_628 = arith.mulf %parallel_loop3A_627, %parallel_loop3A_601 : vector<16xf32>
      %parallel_loop3A_629 = arith.constant 0.999999523 : f32
      %parallel_loop3A_630 = vector.broadcast %parallel_loop3A_629 : f32 to vector<16xf32>
      %parallel_loop3A_631 = arith.addf %parallel_loop3A_628, %parallel_loop3A_630 : vector<16xf32>
      %parallel_loop3A_632 = arith.constant 0.000000e+00 : f32
      %parallel_loop3A_633 = vector.broadcast %parallel_loop3A_632 : f32 to vector<16xf32>
      %parallel_loop3A_634 = arith.minimumf %parallel_loop3A_596, %parallel_loop3A_633 : vector<16xf32>
      %parallel_loop3A_635 = arith.mulf %parallel_loop3A_601, %parallel_loop3A_631 : vector<16xf32>
      %parallel_loop3A_636 = arith.subf %parallel_loop3A_634, %parallel_loop3A_635 : vector<16xf32>
      tpu.vector_store_idx %arg8[%parallel_loop3A_377], %parallel_loop3A_636 : memref<512xf32, #tpu.memory_space<vmem>>[vector<16xi32>], vector<16xf32>,
      %parallel_loop3A_637 = arith.constant 0.000000e+00 : f32
      %parallel_loop3A_638 = vector.broadcast %parallel_loop3A_637 : f32 to vector<16xf32>
      %parallel_loop3A_639 = arith.cmpi eq, %parallel_loop3A_344, %parallel_loop3A_365 : vector<16xi32>
      %parallel_loop3A_640 = arith.constant 1.000000e+00 : f32
      %parallel_loop3A_641 = arith.constant 0.000000e+00 : f32
      %parallel_loop3A_642 = vector.broadcast %parallel_loop3A_640 : f32 to vector<16xf32>
      %parallel_loop3A_643 = vector.broadcast %parallel_loop3A_641 : f32 to vector<16xf32>
      %parallel_loop3A_644 = arith.select %parallel_loop3A_639, %parallel_loop3A_642, %parallel_loop3A_643 : vector<16xi1>, vector<16xf32>
      %parallel_loop3A_645 = arith.addf %parallel_loop3A_638, %parallel_loop3A_644 : vector<16xf32>
      %parallel_loop3A_646 = arith.cmpi eq, %parallel_loop3A_351, %parallel_loop3A_365 : vector<16xi32>
      %parallel_loop3A_647 = arith.constant 1.000000e+00 : f32
      %parallel_loop3A_648 = arith.constant 0.000000e+00 : f32
      %parallel_loop3A_649 = vector.broadcast %parallel_loop3A_647 : f32 to vector<16xf32>
      %parallel_loop3A_650 = vector.broadcast %parallel_loop3A_648 : f32 to vector<16xf32>
      %parallel_loop3A_651 = arith.select %parallel_loop3A_646, %parallel_loop3A_649, %parallel_loop3A_650 : vector<16xi1>, vector<16xf32>
      %parallel_loop3A_652 = arith.addf %parallel_loop3A_645, %parallel_loop3A_651 : vector<16xf32>
      %parallel_loop3A_653 = arith.cmpi eq, %parallel_loop3A_358, %parallel_loop3A_365 : vector<16xi32>
      %parallel_loop3A_654 = arith.constant 1.000000e+00 : f32
      %parallel_loop3A_655 = arith.constant 0.000000e+00 : f32
      %parallel_loop3A_656 = vector.broadcast %parallel_loop3A_654 : f32 to vector<16xf32>
      %parallel_loop3A_657 = vector.broadcast %parallel_loop3A_655 : f32 to vector<16xf32>
      %parallel_loop3A_658 = arith.select %parallel_loop3A_653, %parallel_loop3A_656, %parallel_loop3A_657 : vector<16xi1>, vector<16xf32>
      %parallel_loop3A_659 = arith.addf %parallel_loop3A_652, %parallel_loop3A_658 : vector<16xf32>
      %parallel_loop3A_660 = arith.cmpi eq, %parallel_loop3A_365, %parallel_loop3A_365 : vector<16xi32>
      %parallel_loop3A_661 = arith.constant 1.000000e+00 : f32
      %parallel_loop3A_662 = arith.constant 0.000000e+00 : f32
      %parallel_loop3A_663 = vector.broadcast %parallel_loop3A_661 : f32 to vector<16xf32>
      %parallel_loop3A_664 = vector.broadcast %parallel_loop3A_662 : f32 to vector<16xf32>
      %parallel_loop3A_665 = arith.select %parallel_loop3A_660, %parallel_loop3A_663, %parallel_loop3A_664 : vector<16xi1>, vector<16xf32>
      %parallel_loop3A_666 = arith.addf %parallel_loop3A_659, %parallel_loop3A_665 : vector<16xf32>
      %parallel_loop3A_667 = arith.mulf %parallel_loop3A_666, %parallel_loop3A_411#7 : vector<16xf32>
      %parallel_loop3A_668 = arith.subf %parallel_loop3A_411#3, %parallel_loop3A_667 : vector<16xf32>
      %parallel_loop3A_669 = arith.constant 0.333333343 : f32
      %parallel_loop3A_670 = vector.broadcast %parallel_loop3A_669 : f32 to vector<16xf32>
      %parallel_loop3A_671 = arith.mulf %parallel_loop3A_668, %parallel_loop3A_670 : vector<16xf32>
      %parallel_loop3A_672 = math.absf %parallel_loop3A_671 : vector<16xf32>
      %parallel_loop3A_673 = arith.constant 0.000000e+00 : f32
      %parallel_loop3A_674 = vector.broadcast %parallel_loop3A_673 : f32 to vector<16xf32>
      %parallel_loop3A_675 = arith.subf %parallel_loop3A_674, %parallel_loop3A_672 : vector<16xf32>
      %parallel_loop3A_676 = math.exp %parallel_loop3A_675 : vector<16xf32>
      %parallel_loop3A_677 = arith.constant -8.466410e-03 : f32
      %parallel_loop3A_678 = vector.broadcast %parallel_loop3A_677 : f32 to vector<16xf32>
      %parallel_loop3A_679 = arith.mulf %parallel_loop3A_678, %parallel_loop3A_676 : vector<16xf32>
      %parallel_loop3A_680 = arith.constant 0.0436592884 : f32
      %parallel_loop3A_681 = vector.broadcast %parallel_loop3A_680 : f32 to vector<16xf32>
      %parallel_loop3A_682 = arith.addf %parallel_loop3A_679, %parallel_loop3A_681 : vector<16xf32>
      %parallel_loop3A_683 = arith.mulf %parallel_loop3A_682, %parallel_loop3A_676 : vector<16xf32>
      %parallel_loop3A_684 = arith.constant -0.106799312 : f32
      %parallel_loop3A_685 = vector.broadcast %parallel_loop3A_684 : f32 to vector<16xf32>
      %parallel_loop3A_686 = arith.addf %parallel_loop3A_683, %parallel_loop3A_685 : vector<16xf32>
      %parallel_loop3A_687 = arith.mulf %parallel_loop3A_686, %parallel_loop3A_676 : vector<16xf32>
      %parallel_loop3A_688 = arith.constant 0.176598653 : f32
      %parallel_loop3A_689 = vector.broadcast %parallel_loop3A_688 : f32 to vector<16xf32>
      %parallel_loop3A_690 = arith.addf %parallel_loop3A_687, %parallel_loop3A_689 : vector<16xf32>
      %parallel_loop3A_691 = arith.mulf %parallel_loop3A_690, %parallel_loop3A_676 : vector<16xf32>
      %parallel_loop3A_692 = arith.constant -0.244533896 : f32
      %parallel_loop3A_693 = vector.broadcast %parallel_loop3A_692 : f32 to vector<16xf32>
      %parallel_loop3A_694 = arith.addf %parallel_loop3A_691, %parallel_loop3A_693 : vector<16xf32>
      %parallel_loop3A_695 = arith.mulf %parallel_loop3A_694, %parallel_loop3A_676 : vector<16xf32>
      %parallel_loop3A_696 = arith.constant 0.332652569 : f32
      %parallel_loop3A_697 = vector.broadcast %parallel_loop3A_696 : f32 to vector<16xf32>
      %parallel_loop3A_698 = arith.addf %parallel_loop3A_695, %parallel_loop3A_697 : vector<16xf32>
      %parallel_loop3A_699 = arith.mulf %parallel_loop3A_698, %parallel_loop3A_676 : vector<16xf32>
      %parallel_loop3A_700 = arith.constant -0.499963552 : f32
      %parallel_loop3A_701 = vector.broadcast %parallel_loop3A_700 : f32 to vector<16xf32>
      %parallel_loop3A_702 = arith.addf %parallel_loop3A_699, %parallel_loop3A_701 : vector<16xf32>
      %parallel_loop3A_703 = arith.mulf %parallel_loop3A_702, %parallel_loop3A_676 : vector<16xf32>
      %parallel_loop3A_704 = arith.constant 0.999999523 : f32
      %parallel_loop3A_705 = vector.broadcast %parallel_loop3A_704 : f32 to vector<16xf32>
      %parallel_loop3A_706 = arith.addf %parallel_loop3A_703, %parallel_loop3A_705 : vector<16xf32>
      %parallel_loop3A_707 = arith.constant 0.000000e+00 : f32
      %parallel_loop3A_708 = vector.broadcast %parallel_loop3A_707 : f32 to vector<16xf32>
      %parallel_loop3A_709 = arith.minimumf %parallel_loop3A_671, %parallel_loop3A_708 : vector<16xf32>
      %parallel_loop3A_710 = arith.mulf %parallel_loop3A_676, %parallel_loop3A_706 : vector<16xf32>
      %parallel_loop3A_711 = arith.subf %parallel_loop3A_709, %parallel_loop3A_710 : vector<16xf32>
      tpu.vector_store_idx %arg8[%parallel_loop3A_381], %parallel_loop3A_711 : memref<512xf32, #tpu.memory_space<vmem>>[vector<16xi32>], vector<16xf32>,
    } {sc.loop_unroll_factor = 1 : i64, sc.parallel_access}
    %mul3A_138 = arith.constant 2048 : i32
    %mul3A_139 = arith.muli %add3A, %mul3A_138 : i32
    %add3A_140 = arith.constant 0 : i32
    %add3A_141 = arith.addi %mul3A_139, %add3A_140 : i32
    "tpu.region"() ({
      %run_scoped3A = tpu.sem_alloc : memref<!tpu.dma_semaphore, #tpu.memory_space<semaphore_mem>>
      %dma_start3A_335 = tpu.memref_slice %arg4[%add3A_141] : memref<65536xf32, #tpu.memory_space<hbm>> -> memref<512xf32, #tpu.memory_space<hbm>>
      %dma_start3A_336 = tpu.memref_slice %arg4[%add3A_141] : memref<65536xf32, #tpu.memory_space<hbm>> -> memref<512xf32, #tpu.memory_space<hbm>>
      tpu.enqueue_dma source(%arg8 : memref<512xf32, #tpu.memory_space<vmem>>) target(%dma_start3A_336 : memref<512xf32, #tpu.memory_space<hbm>>) target_semaphore(%run_scoped3A : memref<!tpu.dma_semaphore, #tpu.memory_space<semaphore_mem>>)
      %dma_wait3A_337 = tpu.memref_slice %arg4[%add3A_141] : memref<65536xf32, #tpu.memory_space<hbm>> -> memref<512xf32, #tpu.memory_space<hbm>>
      %dma_wait3A_338 = tpu.memref_slice %arg4[%add3A_141] : memref<65536xf32, #tpu.memory_space<hbm>> -> memref<512xf32, #tpu.memory_space<hbm>>
      tpu.wait_dma2 semaphore(%run_scoped3A : memref<!tpu.dma_semaphore, #tpu.memory_space<semaphore_mem>>) src(%arg8 : memref<512xf32, #tpu.memory_space<vmem>>) dst(%dma_wait3A_338 : memref<512xf32, #tpu.memory_space<hbm>>)
      tpu.yield
    }) : () -> ()
    %dma_start3A_142 = arith.constant 0 : i32
    %dma_start3A_143 = arith.constant 0 : i32
    %dma_start3A_144 = tpu.memref_slice %arg6[%dma_start3A_142, %dma_start3A_143] : memref<520x64xf32, #tpu.memory_space<vmem>> -> memref<128x64xf32, #tpu.memory_space<vmem>>
    %dma_start3A_145 = arith.constant 1024 : i32
    %dma_start3A_146 = tpu.memref_slice %arg5[%dma_start3A_145] : memref<2048xi32, #tpu.memory_space<vmem>> -> memref<128xi32, #tpu.memory_space<vmem>>
    %dma_start3A_147 = arith.constant 0 : i32
    %dma_start3A_148 = arith.constant 0 : i32
    %dma_start3A_149 = tpu.memref_slice %arg3[%dma_start3A_147, %dma_start3A_148] : memref<100000x64xf32, #tpu.memory_space<hbm>> -> memref<100000x64xf32, #tpu.memory_space<hbm>>
    tpu.enqueue_indirect_dma source(%dma_start3A_149 : memref<100000x64xf32, #tpu.memory_space<hbm>>) target(%dma_start3A_144 : memref<128x64xf32, #tpu.memory_space<vmem>>) offsets(%dma_start3A_146 : memref<128xi32, #tpu.memory_space<vmem>>) semaphore(%arg10 : memref<!tpu.dma_semaphore, #tpu.memory_space<semaphore_mem>>)
    %dma_start3A_150 = arith.constant 128 : i32
    %dma_start3A_151 = arith.constant 0 : i32
    %dma_start3A_152 = tpu.memref_slice %arg6[%dma_start3A_150, %dma_start3A_151] : memref<520x64xf32, #tpu.memory_space<vmem>> -> memref<128x64xf32, #tpu.memory_space<vmem>>
    %dma_start3A_153 = arith.constant 1152 : i32
    %dma_start3A_154 = tpu.memref_slice %arg5[%dma_start3A_153] : memref<2048xi32, #tpu.memory_space<vmem>> -> memref<128xi32, #tpu.memory_space<vmem>>
    %dma_start3A_155 = arith.constant 0 : i32
    %dma_start3A_156 = arith.constant 0 : i32
    %dma_start3A_157 = tpu.memref_slice %arg3[%dma_start3A_155, %dma_start3A_156] : memref<100000x64xf32, #tpu.memory_space<hbm>> -> memref<100000x64xf32, #tpu.memory_space<hbm>>
    tpu.enqueue_indirect_dma source(%dma_start3A_157 : memref<100000x64xf32, #tpu.memory_space<hbm>>) target(%dma_start3A_152 : memref<128x64xf32, #tpu.memory_space<vmem>>) offsets(%dma_start3A_154 : memref<128xi32, #tpu.memory_space<vmem>>) semaphore(%arg10 : memref<!tpu.dma_semaphore, #tpu.memory_space<semaphore_mem>>)
    %dma_start3A_158 = arith.constant 256 : i32
    %dma_start3A_159 = arith.constant 0 : i32
    %dma_start3A_160 = tpu.memref_slice %arg6[%dma_start3A_158, %dma_start3A_159] : memref<520x64xf32, #tpu.memory_space<vmem>> -> memref<128x64xf32, #tpu.memory_space<vmem>>
    %dma_start3A_161 = arith.constant 1280 : i32
    %dma_start3A_162 = tpu.memref_slice %arg5[%dma_start3A_161] : memref<2048xi32, #tpu.memory_space<vmem>> -> memref<128xi32, #tpu.memory_space<vmem>>
    %dma_start3A_163 = arith.constant 0 : i32
    %dma_start3A_164 = arith.constant 0 : i32
    %dma_start3A_165 = tpu.memref_slice %arg3[%dma_start3A_163, %dma_start3A_164] : memref<100000x64xf32, #tpu.memory_space<hbm>> -> memref<100000x64xf32, #tpu.memory_space<hbm>>
    tpu.enqueue_indirect_dma source(%dma_start3A_165 : memref<100000x64xf32, #tpu.memory_space<hbm>>) target(%dma_start3A_160 : memref<128x64xf32, #tpu.memory_space<vmem>>) offsets(%dma_start3A_162 : memref<128xi32, #tpu.memory_space<vmem>>) semaphore(%arg10 : memref<!tpu.dma_semaphore, #tpu.memory_space<semaphore_mem>>)
    %dma_start3A_166 = arith.constant 384 : i32
    %dma_start3A_167 = arith.constant 0 : i32
    %dma_start3A_168 = tpu.memref_slice %arg6[%dma_start3A_166, %dma_start3A_167] : memref<520x64xf32, #tpu.memory_space<vmem>> -> memref<128x64xf32, #tpu.memory_space<vmem>>
    %dma_start3A_169 = arith.constant 1408 : i32
    %dma_start3A_170 = tpu.memref_slice %arg5[%dma_start3A_169] : memref<2048xi32, #tpu.memory_space<vmem>> -> memref<128xi32, #tpu.memory_space<vmem>>
    %dma_start3A_171 = arith.constant 0 : i32
    %dma_start3A_172 = arith.constant 0 : i32
    %dma_start3A_173 = tpu.memref_slice %arg3[%dma_start3A_171, %dma_start3A_172] : memref<100000x64xf32, #tpu.memory_space<hbm>> -> memref<100000x64xf32, #tpu.memory_space<hbm>>
    tpu.enqueue_indirect_dma source(%dma_start3A_173 : memref<100000x64xf32, #tpu.memory_space<hbm>>) target(%dma_start3A_168 : memref<128x64xf32, #tpu.memory_space<vmem>>) offsets(%dma_start3A_170 : memref<128xi32, #tpu.memory_space<vmem>>) semaphore(%arg10 : memref<!tpu.dma_semaphore, #tpu.memory_space<semaphore_mem>>)
    %dma_wait3A_174 = arith.constant 0 : i32
    %dma_wait3A_175 = arith.constant 0 : i32
    %dma_wait3A_176 = tpu.memref_slice %arg7[%dma_wait3A_174, %dma_wait3A_175] : memref<520x64xf32, #tpu.memory_space<vmem>> -> memref<128x64xf32, #tpu.memory_space<vmem>>
    %dma_wait3A_177 = arith.constant 512 : i32
    %dma_wait3A_178 = tpu.memref_slice %arg5[%dma_wait3A_177] : memref<2048xi32, #tpu.memory_space<vmem>> -> memref<128xi32, #tpu.memory_space<vmem>>
    %dma_wait3A_179 = arith.constant 0 : i32
    %dma_wait3A_180 = arith.constant 0 : i32
    %dma_wait3A_181 = tpu.memref_slice %arg3[%dma_wait3A_179, %dma_wait3A_180] : memref<100000x64xf32, #tpu.memory_space<hbm>> -> memref<100000x64xf32, #tpu.memory_space<hbm>>
    tpu.wait_indirect_dma semaphore(%arg11 : memref<!tpu.dma_semaphore, #tpu.memory_space<semaphore_mem>>) src(%dma_wait3A_181 : memref<100000x64xf32, #tpu.memory_space<hbm>>) dst(%dma_wait3A_176 : memref<128x64xf32, #tpu.memory_space<vmem>>)
    %dma_wait3A_182 = arith.constant 128 : i32
    %dma_wait3A_183 = arith.constant 0 : i32
    %dma_wait3A_184 = tpu.memref_slice %arg7[%dma_wait3A_182, %dma_wait3A_183] : memref<520x64xf32, #tpu.memory_space<vmem>> -> memref<128x64xf32, #tpu.memory_space<vmem>>
    %dma_wait3A_185 = arith.constant 640 : i32
    %dma_wait3A_186 = tpu.memref_slice %arg5[%dma_wait3A_185] : memref<2048xi32, #tpu.memory_space<vmem>> -> memref<128xi32, #tpu.memory_space<vmem>>
    %dma_wait3A_187 = arith.constant 0 : i32
    %dma_wait3A_188 = arith.constant 0 : i32
    %dma_wait3A_189 = tpu.memref_slice %arg3[%dma_wait3A_187, %dma_wait3A_188] : memref<100000x64xf32, #tpu.memory_space<hbm>> -> memref<100000x64xf32, #tpu.memory_space<hbm>>
    tpu.wait_indirect_dma semaphore(%arg11 : memref<!tpu.dma_semaphore, #tpu.memory_space<semaphore_mem>>) src(%dma_wait3A_189 : memref<100000x64xf32, #tpu.memory_space<hbm>>) dst(%dma_wait3A_184 : memref<128x64xf32, #tpu.memory_space<vmem>>)
    %dma_wait3A_190 = arith.constant 256 : i32
    %dma_wait3A_191 = arith.constant 0 : i32
    %dma_wait3A_192 = tpu.memref_slice %arg7[%dma_wait3A_190, %dma_wait3A_191] : memref<520x64xf32, #tpu.memory_space<vmem>> -> memref<128x64xf32, #tpu.memory_space<vmem>>
    %dma_wait3A_193 = arith.constant 768 : i32
    %dma_wait3A_194 = tpu.memref_slice %arg5[%dma_wait3A_193] : memref<2048xi32, #tpu.memory_space<vmem>> -> memref<128xi32, #tpu.memory_space<vmem>>
    %dma_wait3A_195 = arith.constant 0 : i32
    %dma_wait3A_196 = arith.constant 0 : i32
    %dma_wait3A_197 = tpu.memref_slice %arg3[%dma_wait3A_195, %dma_wait3A_196] : memref<100000x64xf32, #tpu.memory_space<hbm>> -> memref<100000x64xf32, #tpu.memory_space<hbm>>
    tpu.wait_indirect_dma semaphore(%arg11 : memref<!tpu.dma_semaphore, #tpu.memory_space<semaphore_mem>>) src(%dma_wait3A_197 : memref<100000x64xf32, #tpu.memory_space<hbm>>) dst(%dma_wait3A_192 : memref<128x64xf32, #tpu.memory_space<vmem>>)
    %dma_wait3A_198 = arith.constant 384 : i32
    %dma_wait3A_199 = arith.constant 0 : i32
    %dma_wait3A_200 = tpu.memref_slice %arg7[%dma_wait3A_198, %dma_wait3A_199] : memref<520x64xf32, #tpu.memory_space<vmem>> -> memref<128x64xf32, #tpu.memory_space<vmem>>
    %dma_wait3A_201 = arith.constant 896 : i32
    %dma_wait3A_202 = tpu.memref_slice %arg5[%dma_wait3A_201] : memref<2048xi32, #tpu.memory_space<vmem>> -> memref<128xi32, #tpu.memory_space<vmem>>
    %dma_wait3A_203 = arith.constant 0 : i32
    %dma_wait3A_204 = arith.constant 0 : i32
    %dma_wait3A_205 = tpu.memref_slice %arg3[%dma_wait3A_203, %dma_wait3A_204] : memref<100000x64xf32, #tpu.memory_space<hbm>> -> memref<100000x64xf32, #tpu.memory_space<hbm>>
    tpu.wait_indirect_dma semaphore(%arg11 : memref<!tpu.dma_semaphore, #tpu.memory_space<semaphore_mem>>) src(%dma_wait3A_205 : memref<100000x64xf32, #tpu.memory_space<hbm>>) dst(%dma_wait3A_200 : memref<128x64xf32, #tpu.memory_space<vmem>>)
    %iota3A_206 = tpu.iota {dimensions = array<i32: 0>} : vector<16xi32>
    %mul3A_207 = arith.constant 17 : i32
    %mul3A_208 = vector.broadcast %mul3A_207 : i32 to vector<16xi32>
    %mul3A_209 = arith.muli %iota3A_206, %mul3A_208 : vector<16xi32>
    %parallel_loop3A_210 = arith.constant 0 : i32
    %parallel_loop3A_211 = arith.constant 8 : i32
    %parallel_loop3A_212 = arith.constant 1 : i32
    scf.for %parallel_loop3A_335 = %parallel_loop3A_210 to %parallel_loop3A_211 step %parallel_loop3A_212  : i32 {
      %parallel_loop3A_336 = arith.constant 64 : i32
      %parallel_loop3A_337 = arith.muli %parallel_loop3A_335, %parallel_loop3A_336 : i32
      %parallel_loop3A_338 = arith.constant 512 : i32
      %parallel_loop3A_339 = arith.addi %parallel_loop3A_338, %parallel_loop3A_337 : i32
      %parallel_loop3A_340 = arith.constant 0 : i32
      %parallel_loop3A_341 = arith.addi %parallel_loop3A_339, %parallel_loop3A_340 : i32
      %parallel_loop3A_342 = vector.broadcast %parallel_loop3A_341 : i32 to vector<16xi32>
      %parallel_loop3A_343 = arith.addi %mul3A_3, %parallel_loop3A_342 : vector<16xi32>
      %parallel_loop3A_344 = tpu.vector_load_idx %arg5[%parallel_loop3A_343] : memref<2048xi32, #tpu.memory_space<vmem>>[vector<16xi32>], vector<16xi32>,
      %parallel_loop3A_345 = arith.constant 512 : i32
      %parallel_loop3A_346 = arith.addi %parallel_loop3A_345, %parallel_loop3A_337 : i32
      %parallel_loop3A_347 = arith.constant 1 : i32
      %parallel_loop3A_348 = arith.addi %parallel_loop3A_346, %parallel_loop3A_347 : i32
      %parallel_loop3A_349 = vector.broadcast %parallel_loop3A_348 : i32 to vector<16xi32>
      %parallel_loop3A_350 = arith.addi %mul3A_3, %parallel_loop3A_349 : vector<16xi32>
      %parallel_loop3A_351 = tpu.vector_load_idx %arg5[%parallel_loop3A_350] : memref<2048xi32, #tpu.memory_space<vmem>>[vector<16xi32>], vector<16xi32>,
      %parallel_loop3A_352 = arith.constant 512 : i32
      %parallel_loop3A_353 = arith.addi %parallel_loop3A_352, %parallel_loop3A_337 : i32
      %parallel_loop3A_354 = arith.constant 2 : i32
      %parallel_loop3A_355 = arith.addi %parallel_loop3A_353, %parallel_loop3A_354 : i32
      %parallel_loop3A_356 = vector.broadcast %parallel_loop3A_355 : i32 to vector<16xi32>
      %parallel_loop3A_357 = arith.addi %mul3A_3, %parallel_loop3A_356 : vector<16xi32>
      %parallel_loop3A_358 = tpu.vector_load_idx %arg5[%parallel_loop3A_357] : memref<2048xi32, #tpu.memory_space<vmem>>[vector<16xi32>], vector<16xi32>,
      %parallel_loop3A_359 = arith.constant 512 : i32
      %parallel_loop3A_360 = arith.addi %parallel_loop3A_359, %parallel_loop3A_337 : i32
      %parallel_loop3A_361 = arith.constant 3 : i32
      %parallel_loop3A_362 = arith.addi %parallel_loop3A_360, %parallel_loop3A_361 : i32
      %parallel_loop3A_363 = vector.broadcast %parallel_loop3A_362 : i32 to vector<16xi32>
      %parallel_loop3A_364 = arith.addi %mul3A_3, %parallel_loop3A_363 : vector<16xi32>
      %parallel_loop3A_365 = tpu.vector_load_idx %arg5[%parallel_loop3A_364] : memref<2048xi32, #tpu.memory_space<vmem>>[vector<16xi32>], vector<16xi32>,
      %parallel_loop3A_366 = arith.constant 0 : i32
      %parallel_loop3A_367 = arith.addi %parallel_loop3A_337, %parallel_loop3A_366 : i32
      %parallel_loop3A_368 = vector.broadcast %parallel_loop3A_367 : i32 to vector<16xi32>
      %parallel_loop3A_369 = arith.addi %mul3A_3, %parallel_loop3A_368 : vector<16xi32>
      %parallel_loop3A_370 = arith.constant 1 : i32
      %parallel_loop3A_371 = arith.addi %parallel_loop3A_337, %parallel_loop3A_370 : i32
      %parallel_loop3A_372 = vector.broadcast %parallel_loop3A_371 : i32 to vector<16xi32>
      %parallel_loop3A_373 = arith.addi %mul3A_3, %parallel_loop3A_372 : vector<16xi32>
      %parallel_loop3A_374 = arith.constant 2 : i32
      %parallel_loop3A_375 = arith.addi %parallel_loop3A_337, %parallel_loop3A_374 : i32
      %parallel_loop3A_376 = vector.broadcast %parallel_loop3A_375 : i32 to vector<16xi32>
      %parallel_loop3A_377 = arith.addi %mul3A_3, %parallel_loop3A_376 : vector<16xi32>
      %parallel_loop3A_378 = arith.constant 3 : i32
      %parallel_loop3A_379 = arith.addi %parallel_loop3A_337, %parallel_loop3A_378 : i32
      %parallel_loop3A_380 = vector.broadcast %parallel_loop3A_379 : i32 to vector<16xi32>
      %parallel_loop3A_381 = arith.addi %mul3A_3, %parallel_loop3A_380 : vector<16xi32>
      %parallel_loop3A_382 = arith.constant 0 : i32
      %parallel_loop3A_383 = vector.broadcast %parallel_loop3A_382 : i32 to vector<16xi32>
      %parallel_loop3A_384 = arith.cmpi eq, %parallel_loop3A_344, %parallel_loop3A_383 : vector<16xi32>
      %parallel_loop3A_385 = arith.constant 512 : i32
      %parallel_loop3A_386 = vector.broadcast %parallel_loop3A_385 : i32 to vector<16xi32>
      %parallel_loop3A_387 = arith.select %parallel_loop3A_384, %parallel_loop3A_386, %parallel_loop3A_369 : vector<16xi1>, vector<16xi32>
      %parallel_loop3A_388 = arith.constant 0 : i32
      %parallel_loop3A_389 = vector.broadcast %parallel_loop3A_388 : i32 to vector<16xi32>
      %parallel_loop3A_390 = arith.cmpi eq, %parallel_loop3A_351, %parallel_loop3A_389 : vector<16xi32>
      %parallel_loop3A_391 = arith.constant 512 : i32
      %parallel_loop3A_392 = vector.broadcast %parallel_loop3A_391 : i32 to vector<16xi32>
      %parallel_loop3A_393 = arith.select %parallel_loop3A_390, %parallel_loop3A_392, %parallel_loop3A_373 : vector<16xi1>, vector<16xi32>
      %parallel_loop3A_394 = arith.constant 0 : i32
      %parallel_loop3A_395 = vector.broadcast %parallel_loop3A_394 : i32 to vector<16xi32>
      %parallel_loop3A_396 = arith.cmpi eq, %parallel_loop3A_358, %parallel_loop3A_395 : vector<16xi32>
      %parallel_loop3A_397 = arith.constant 512 : i32
      %parallel_loop3A_398 = vector.broadcast %parallel_loop3A_397 : i32 to vector<16xi32>
      %parallel_loop3A_399 = arith.select %parallel_loop3A_396, %parallel_loop3A_398, %parallel_loop3A_377 : vector<16xi1>, vector<16xi32>
      %parallel_loop3A_400 = arith.constant 0 : i32
      %parallel_loop3A_401 = vector.broadcast %parallel_loop3A_400 : i32 to vector<16xi32>
      %parallel_loop3A_402 = arith.cmpi eq, %parallel_loop3A_365, %parallel_loop3A_401 : vector<16xi32>
      %parallel_loop3A_403 = arith.constant 512 : i32
      %parallel_loop3A_404 = vector.broadcast %parallel_loop3A_403 : i32 to vector<16xi32>
      %parallel_loop3A_405 = arith.select %parallel_loop3A_402, %parallel_loop3A_404, %parallel_loop3A_381 : vector<16xi1>, vector<16xi32>
      %parallel_loop3A_406 = arith.constant 0.000000e+00 : f32
      %parallel_loop3A_407 = vector.broadcast %parallel_loop3A_406 : f32 to vector<16xf32>
      %parallel_loop3A_408 = arith.constant 0 : i32
      %parallel_loop3A_409 = arith.constant 64 : i32
      %parallel_loop3A_410 = arith.constant 1 : i32
      %parallel_loop3A_411:8 = scf.for %parallel_loop3A_712 = %parallel_loop3A_408 to %parallel_loop3A_409 step %parallel_loop3A_410 iter_args(%parallel_loop3A_713 = %parallel_loop3A_407, %parallel_loop3A_714 = %parallel_loop3A_407, %parallel_loop3A_715 = %parallel_loop3A_407, %parallel_loop3A_716 = %parallel_loop3A_407, %parallel_loop3A_717 = %parallel_loop3A_407, %parallel_loop3A_718 = %parallel_loop3A_407, %parallel_loop3A_719 = %parallel_loop3A_407, %parallel_loop3A_720 = %parallel_loop3A_407) -> (vector<16xf32>, vector<16xf32>, vector<16xf32>, vector<16xf32>, vector<16xf32>, vector<16xf32>, vector<16xf32>, vector<16xf32>)  : i32 {
        %parallel_loop3A_721 = vector.broadcast %parallel_loop3A_712 : i32 to vector<16xi32>
        %parallel_loop3A_722 = arith.addi %parallel_loop3A_721, %mul3A_209 : vector<16xi32>
        %parallel_loop3A_723 = arith.constant 63 : i32
        %parallel_loop3A_724 = vector.broadcast %parallel_loop3A_723 : i32 to vector<16xi32>
        %parallel_loop3A_725 = arith.andi %parallel_loop3A_722, %parallel_loop3A_724 : vector<16xi32>
        %parallel_loop3A_726 = tpu.vector_load_idx %arg7[%parallel_loop3A_387, %parallel_loop3A_725] : memref<520x64xf32, #tpu.memory_space<vmem>>[vector<16xi32>, vector<16xi32>], vector<16xf32>,
        %parallel_loop3A_727 = tpu.vector_load_idx %arg7[%parallel_loop3A_393, %parallel_loop3A_725] : memref<520x64xf32, #tpu.memory_space<vmem>>[vector<16xi32>, vector<16xi32>], vector<16xf32>,
        %parallel_loop3A_728 = tpu.vector_load_idx %arg7[%parallel_loop3A_399, %parallel_loop3A_725] : memref<520x64xf32, #tpu.memory_space<vmem>>[vector<16xi32>, vector<16xi32>], vector<16xf32>,
        %parallel_loop3A_729 = tpu.vector_load_idx %arg7[%parallel_loop3A_405, %parallel_loop3A_725] : memref<520x64xf32, #tpu.memory_space<vmem>>[vector<16xi32>, vector<16xi32>], vector<16xf32>,
        %parallel_loop3A_730 = arith.addf %parallel_loop3A_726, %parallel_loop3A_727 : vector<16xf32>
        %parallel_loop3A_731 = arith.addf %parallel_loop3A_728, %parallel_loop3A_729 : vector<16xf32>
        %parallel_loop3A_732 = arith.addf %parallel_loop3A_730, %parallel_loop3A_731 : vector<16xf32>
        %parallel_loop3A_733 = arith.mulf %parallel_loop3A_726, %parallel_loop3A_732 : vector<16xf32>
        %parallel_loop3A_734 = arith.addf %parallel_loop3A_713, %parallel_loop3A_733 : vector<16xf32>
        %parallel_loop3A_735 = arith.mulf %parallel_loop3A_727, %parallel_loop3A_732 : vector<16xf32>
        %parallel_loop3A_736 = arith.addf %parallel_loop3A_714, %parallel_loop3A_735 : vector<16xf32>
        %parallel_loop3A_737 = arith.mulf %parallel_loop3A_728, %parallel_loop3A_732 : vector<16xf32>
        %parallel_loop3A_738 = arith.addf %parallel_loop3A_715, %parallel_loop3A_737 : vector<16xf32>
        %parallel_loop3A_739 = arith.mulf %parallel_loop3A_729, %parallel_loop3A_732 : vector<16xf32>
        %parallel_loop3A_740 = arith.addf %parallel_loop3A_716, %parallel_loop3A_739 : vector<16xf32>
        %parallel_loop3A_741 = arith.mulf %parallel_loop3A_726, %parallel_loop3A_726 : vector<16xf32>
        %parallel_loop3A_742 = arith.addf %parallel_loop3A_717, %parallel_loop3A_741 : vector<16xf32>
        %parallel_loop3A_743 = arith.mulf %parallel_loop3A_727, %parallel_loop3A_727 : vector<16xf32>
        %parallel_loop3A_744 = arith.addf %parallel_loop3A_718, %parallel_loop3A_743 : vector<16xf32>
        %parallel_loop3A_745 = arith.mulf %parallel_loop3A_728, %parallel_loop3A_728 : vector<16xf32>
        %parallel_loop3A_746 = arith.addf %parallel_loop3A_719, %parallel_loop3A_745 : vector<16xf32>
        %parallel_loop3A_747 = arith.mulf %parallel_loop3A_729, %parallel_loop3A_729 : vector<16xf32>
        %parallel_loop3A_748 = arith.addf %parallel_loop3A_720, %parallel_loop3A_747 : vector<16xf32>
        scf.yield %parallel_loop3A_734, %parallel_loop3A_736, %parallel_loop3A_738, %parallel_loop3A_740, %parallel_loop3A_742, %parallel_loop3A_744, %parallel_loop3A_746, %parallel_loop3A_748 : vector<16xf32>, vector<16xf32>, vector<16xf32>, vector<16xf32>, vector<16xf32>, vector<16xf32>, vector<16xf32>, vector<16xf32>
      } {sc.loop_unroll_factor = 8 : i64, sc.parallel_access}
      %parallel_loop3A_412 = arith.constant 0.000000e+00 : f32
      %parallel_loop3A_413 = vector.broadcast %parallel_loop3A_412 : f32 to vector<16xf32>
      %parallel_loop3A_414 = arith.cmpi eq, %parallel_loop3A_344, %parallel_loop3A_344 : vector<16xi32>
      %parallel_loop3A_415 = arith.constant 1.000000e+00 : f32
      %parallel_loop3A_416 = arith.constant 0.000000e+00 : f32
      %parallel_loop3A_417 = vector.broadcast %parallel_loop3A_415 : f32 to vector<16xf32>
      %parallel_loop3A_418 = vector.broadcast %parallel_loop3A_416 : f32 to vector<16xf32>
      %parallel_loop3A_419 = arith.select %parallel_loop3A_414, %parallel_loop3A_417, %parallel_loop3A_418 : vector<16xi1>, vector<16xf32>
      %parallel_loop3A_420 = arith.addf %parallel_loop3A_413, %parallel_loop3A_419 : vector<16xf32>
      %parallel_loop3A_421 = arith.cmpi eq, %parallel_loop3A_351, %parallel_loop3A_344 : vector<16xi32>
      %parallel_loop3A_422 = arith.constant 1.000000e+00 : f32
      %parallel_loop3A_423 = arith.constant 0.000000e+00 : f32
      %parallel_loop3A_424 = vector.broadcast %parallel_loop3A_422 : f32 to vector<16xf32>
      %parallel_loop3A_425 = vector.broadcast %parallel_loop3A_423 : f32 to vector<16xf32>
      %parallel_loop3A_426 = arith.select %parallel_loop3A_421, %parallel_loop3A_424, %parallel_loop3A_425 : vector<16xi1>, vector<16xf32>
      %parallel_loop3A_427 = arith.addf %parallel_loop3A_420, %parallel_loop3A_426 : vector<16xf32>
      %parallel_loop3A_428 = arith.cmpi eq, %parallel_loop3A_358, %parallel_loop3A_344 : vector<16xi32>
      %parallel_loop3A_429 = arith.constant 1.000000e+00 : f32
      %parallel_loop3A_430 = arith.constant 0.000000e+00 : f32
      %parallel_loop3A_431 = vector.broadcast %parallel_loop3A_429 : f32 to vector<16xf32>
      %parallel_loop3A_432 = vector.broadcast %parallel_loop3A_430 : f32 to vector<16xf32>
      %parallel_loop3A_433 = arith.select %parallel_loop3A_428, %parallel_loop3A_431, %parallel_loop3A_432 : vector<16xi1>, vector<16xf32>
      %parallel_loop3A_434 = arith.addf %parallel_loop3A_427, %parallel_loop3A_433 : vector<16xf32>
      %parallel_loop3A_435 = arith.cmpi eq, %parallel_loop3A_365, %parallel_loop3A_344 : vector<16xi32>
      %parallel_loop3A_436 = arith.constant 1.000000e+00 : f32
      %parallel_loop3A_437 = arith.constant 0.000000e+00 : f32
      %parallel_loop3A_438 = vector.broadcast %parallel_loop3A_436 : f32 to vector<16xf32>
      %parallel_loop3A_439 = vector.broadcast %parallel_loop3A_437 : f32 to vector<16xf32>
      %parallel_loop3A_440 = arith.select %parallel_loop3A_435, %parallel_loop3A_438, %parallel_loop3A_439 : vector<16xi1>, vector<16xf32>
      %parallel_loop3A_441 = arith.addf %parallel_loop3A_434, %parallel_loop3A_440 : vector<16xf32>
      %parallel_loop3A_442 = arith.mulf %parallel_loop3A_441, %parallel_loop3A_411#4 : vector<16xf32>
      %parallel_loop3A_443 = arith.subf %parallel_loop3A_411#0, %parallel_loop3A_442 : vector<16xf32>
      %parallel_loop3A_444 = arith.constant 0.333333343 : f32
      %parallel_loop3A_445 = vector.broadcast %parallel_loop3A_444 : f32 to vector<16xf32>
      %parallel_loop3A_446 = arith.mulf %parallel_loop3A_443, %parallel_loop3A_445 : vector<16xf32>
      %parallel_loop3A_447 = math.absf %parallel_loop3A_446 : vector<16xf32>
      %parallel_loop3A_448 = arith.constant 0.000000e+00 : f32
      %parallel_loop3A_449 = vector.broadcast %parallel_loop3A_448 : f32 to vector<16xf32>
      %parallel_loop3A_450 = arith.subf %parallel_loop3A_449, %parallel_loop3A_447 : vector<16xf32>
      %parallel_loop3A_451 = math.exp %parallel_loop3A_450 : vector<16xf32>
      %parallel_loop3A_452 = arith.constant -8.466410e-03 : f32
      %parallel_loop3A_453 = vector.broadcast %parallel_loop3A_452 : f32 to vector<16xf32>
      %parallel_loop3A_454 = arith.mulf %parallel_loop3A_453, %parallel_loop3A_451 : vector<16xf32>
      %parallel_loop3A_455 = arith.constant 0.0436592884 : f32
      %parallel_loop3A_456 = vector.broadcast %parallel_loop3A_455 : f32 to vector<16xf32>
      %parallel_loop3A_457 = arith.addf %parallel_loop3A_454, %parallel_loop3A_456 : vector<16xf32>
      %parallel_loop3A_458 = arith.mulf %parallel_loop3A_457, %parallel_loop3A_451 : vector<16xf32>
      %parallel_loop3A_459 = arith.constant -0.106799312 : f32
      %parallel_loop3A_460 = vector.broadcast %parallel_loop3A_459 : f32 to vector<16xf32>
      %parallel_loop3A_461 = arith.addf %parallel_loop3A_458, %parallel_loop3A_460 : vector<16xf32>
      %parallel_loop3A_462 = arith.mulf %parallel_loop3A_461, %parallel_loop3A_451 : vector<16xf32>
      %parallel_loop3A_463 = arith.constant 0.176598653 : f32
      %parallel_loop3A_464 = vector.broadcast %parallel_loop3A_463 : f32 to vector<16xf32>
      %parallel_loop3A_465 = arith.addf %parallel_loop3A_462, %parallel_loop3A_464 : vector<16xf32>
      %parallel_loop3A_466 = arith.mulf %parallel_loop3A_465, %parallel_loop3A_451 : vector<16xf32>
      %parallel_loop3A_467 = arith.constant -0.244533896 : f32
      %parallel_loop3A_468 = vector.broadcast %parallel_loop3A_467 : f32 to vector<16xf32>
      %parallel_loop3A_469 = arith.addf %parallel_loop3A_466, %parallel_loop3A_468 : vector<16xf32>
      %parallel_loop3A_470 = arith.mulf %parallel_loop3A_469, %parallel_loop3A_451 : vector<16xf32>
      %parallel_loop3A_471 = arith.constant 0.332652569 : f32
      %parallel_loop3A_472 = vector.broadcast %parallel_loop3A_471 : f32 to vector<16xf32>
      %parallel_loop3A_473 = arith.addf %parallel_loop3A_470, %parallel_loop3A_472 : vector<16xf32>
      %parallel_loop3A_474 = arith.mulf %parallel_loop3A_473, %parallel_loop3A_451 : vector<16xf32>
      %parallel_loop3A_475 = arith.constant -0.499963552 : f32
      %parallel_loop3A_476 = vector.broadcast %parallel_loop3A_475 : f32 to vector<16xf32>
      %parallel_loop3A_477 = arith.addf %parallel_loop3A_474, %parallel_loop3A_476 : vector<16xf32>
      %parallel_loop3A_478 = arith.mulf %parallel_loop3A_477, %parallel_loop3A_451 : vector<16xf32>
      %parallel_loop3A_479 = arith.constant 0.999999523 : f32
      %parallel_loop3A_480 = vector.broadcast %parallel_loop3A_479 : f32 to vector<16xf32>
      %parallel_loop3A_481 = arith.addf %parallel_loop3A_478, %parallel_loop3A_480 : vector<16xf32>
      %parallel_loop3A_482 = arith.constant 0.000000e+00 : f32
      %parallel_loop3A_483 = vector.broadcast %parallel_loop3A_482 : f32 to vector<16xf32>
      %parallel_loop3A_484 = arith.minimumf %parallel_loop3A_446, %parallel_loop3A_483 : vector<16xf32>
      %parallel_loop3A_485 = arith.mulf %parallel_loop3A_451, %parallel_loop3A_481 : vector<16xf32>
      %parallel_loop3A_486 = arith.subf %parallel_loop3A_484, %parallel_loop3A_485 : vector<16xf32>
      tpu.vector_store_idx %arg9[%parallel_loop3A_369], %parallel_loop3A_486 : memref<512xf32, #tpu.memory_space<vmem>>[vector<16xi32>], vector<16xf32>,
      %parallel_loop3A_487 = arith.constant 0.000000e+00 : f32
      %parallel_loop3A_488 = vector.broadcast %parallel_loop3A_487 : f32 to vector<16xf32>
      %parallel_loop3A_489 = arith.cmpi eq, %parallel_loop3A_344, %parallel_loop3A_351 : vector<16xi32>
      %parallel_loop3A_490 = arith.constant 1.000000e+00 : f32
      %parallel_loop3A_491 = arith.constant 0.000000e+00 : f32
      %parallel_loop3A_492 = vector.broadcast %parallel_loop3A_490 : f32 to vector<16xf32>
      %parallel_loop3A_493 = vector.broadcast %parallel_loop3A_491 : f32 to vector<16xf32>
      %parallel_loop3A_494 = arith.select %parallel_loop3A_489, %parallel_loop3A_492, %parallel_loop3A_493 : vector<16xi1>, vector<16xf32>
      %parallel_loop3A_495 = arith.addf %parallel_loop3A_488, %parallel_loop3A_494 : vector<16xf32>
      %parallel_loop3A_496 = arith.cmpi eq, %parallel_loop3A_351, %parallel_loop3A_351 : vector<16xi32>
      %parallel_loop3A_497 = arith.constant 1.000000e+00 : f32
      %parallel_loop3A_498 = arith.constant 0.000000e+00 : f32
      %parallel_loop3A_499 = vector.broadcast %parallel_loop3A_497 : f32 to vector<16xf32>
      %parallel_loop3A_500 = vector.broadcast %parallel_loop3A_498 : f32 to vector<16xf32>
      %parallel_loop3A_501 = arith.select %parallel_loop3A_496, %parallel_loop3A_499, %parallel_loop3A_500 : vector<16xi1>, vector<16xf32>
      %parallel_loop3A_502 = arith.addf %parallel_loop3A_495, %parallel_loop3A_501 : vector<16xf32>
      %parallel_loop3A_503 = arith.cmpi eq, %parallel_loop3A_358, %parallel_loop3A_351 : vector<16xi32>
      %parallel_loop3A_504 = arith.constant 1.000000e+00 : f32
      %parallel_loop3A_505 = arith.constant 0.000000e+00 : f32
      %parallel_loop3A_506 = vector.broadcast %parallel_loop3A_504 : f32 to vector<16xf32>
      %parallel_loop3A_507 = vector.broadcast %parallel_loop3A_505 : f32 to vector<16xf32>
      %parallel_loop3A_508 = arith.select %parallel_loop3A_503, %parallel_loop3A_506, %parallel_loop3A_507 : vector<16xi1>, vector<16xf32>
      %parallel_loop3A_509 = arith.addf %parallel_loop3A_502, %parallel_loop3A_508 : vector<16xf32>
      %parallel_loop3A_510 = arith.cmpi eq, %parallel_loop3A_365, %parallel_loop3A_351 : vector<16xi32>
      %parallel_loop3A_511 = arith.constant 1.000000e+00 : f32
      %parallel_loop3A_512 = arith.constant 0.000000e+00 : f32
      %parallel_loop3A_513 = vector.broadcast %parallel_loop3A_511 : f32 to vector<16xf32>
      %parallel_loop3A_514 = vector.broadcast %parallel_loop3A_512 : f32 to vector<16xf32>
      %parallel_loop3A_515 = arith.select %parallel_loop3A_510, %parallel_loop3A_513, %parallel_loop3A_514 : vector<16xi1>, vector<16xf32>
      %parallel_loop3A_516 = arith.addf %parallel_loop3A_509, %parallel_loop3A_515 : vector<16xf32>
      %parallel_loop3A_517 = arith.mulf %parallel_loop3A_516, %parallel_loop3A_411#5 : vector<16xf32>
      %parallel_loop3A_518 = arith.subf %parallel_loop3A_411#1, %parallel_loop3A_517 : vector<16xf32>
      %parallel_loop3A_519 = arith.constant 0.333333343 : f32
      %parallel_loop3A_520 = vector.broadcast %parallel_loop3A_519 : f32 to vector<16xf32>
      %parallel_loop3A_521 = arith.mulf %parallel_loop3A_518, %parallel_loop3A_520 : vector<16xf32>
      %parallel_loop3A_522 = math.absf %parallel_loop3A_521 : vector<16xf32>
      %parallel_loop3A_523 = arith.constant 0.000000e+00 : f32
      %parallel_loop3A_524 = vector.broadcast %parallel_loop3A_523 : f32 to vector<16xf32>
      %parallel_loop3A_525 = arith.subf %parallel_loop3A_524, %parallel_loop3A_522 : vector<16xf32>
      %parallel_loop3A_526 = math.exp %parallel_loop3A_525 : vector<16xf32>
      %parallel_loop3A_527 = arith.constant -8.466410e-03 : f32
      %parallel_loop3A_528 = vector.broadcast %parallel_loop3A_527 : f32 to vector<16xf32>
      %parallel_loop3A_529 = arith.mulf %parallel_loop3A_528, %parallel_loop3A_526 : vector<16xf32>
      %parallel_loop3A_530 = arith.constant 0.0436592884 : f32
      %parallel_loop3A_531 = vector.broadcast %parallel_loop3A_530 : f32 to vector<16xf32>
      %parallel_loop3A_532 = arith.addf %parallel_loop3A_529, %parallel_loop3A_531 : vector<16xf32>
      %parallel_loop3A_533 = arith.mulf %parallel_loop3A_532, %parallel_loop3A_526 : vector<16xf32>
      %parallel_loop3A_534 = arith.constant -0.106799312 : f32
      %parallel_loop3A_535 = vector.broadcast %parallel_loop3A_534 : f32 to vector<16xf32>
      %parallel_loop3A_536 = arith.addf %parallel_loop3A_533, %parallel_loop3A_535 : vector<16xf32>
      %parallel_loop3A_537 = arith.mulf %parallel_loop3A_536, %parallel_loop3A_526 : vector<16xf32>
      %parallel_loop3A_538 = arith.constant 0.176598653 : f32
      %parallel_loop3A_539 = vector.broadcast %parallel_loop3A_538 : f32 to vector<16xf32>
      %parallel_loop3A_540 = arith.addf %parallel_loop3A_537, %parallel_loop3A_539 : vector<16xf32>
      %parallel_loop3A_541 = arith.mulf %parallel_loop3A_540, %parallel_loop3A_526 : vector<16xf32>
      %parallel_loop3A_542 = arith.constant -0.244533896 : f32
      %parallel_loop3A_543 = vector.broadcast %parallel_loop3A_542 : f32 to vector<16xf32>
      %parallel_loop3A_544 = arith.addf %parallel_loop3A_541, %parallel_loop3A_543 : vector<16xf32>
      %parallel_loop3A_545 = arith.mulf %parallel_loop3A_544, %parallel_loop3A_526 : vector<16xf32>
      %parallel_loop3A_546 = arith.constant 0.332652569 : f32
      %parallel_loop3A_547 = vector.broadcast %parallel_loop3A_546 : f32 to vector<16xf32>
      %parallel_loop3A_548 = arith.addf %parallel_loop3A_545, %parallel_loop3A_547 : vector<16xf32>
      %parallel_loop3A_549 = arith.mulf %parallel_loop3A_548, %parallel_loop3A_526 : vector<16xf32>
      %parallel_loop3A_550 = arith.constant -0.499963552 : f32
      %parallel_loop3A_551 = vector.broadcast %parallel_loop3A_550 : f32 to vector<16xf32>
      %parallel_loop3A_552 = arith.addf %parallel_loop3A_549, %parallel_loop3A_551 : vector<16xf32>
      %parallel_loop3A_553 = arith.mulf %parallel_loop3A_552, %parallel_loop3A_526 : vector<16xf32>
      %parallel_loop3A_554 = arith.constant 0.999999523 : f32
      %parallel_loop3A_555 = vector.broadcast %parallel_loop3A_554 : f32 to vector<16xf32>
      %parallel_loop3A_556 = arith.addf %parallel_loop3A_553, %parallel_loop3A_555 : vector<16xf32>
      %parallel_loop3A_557 = arith.constant 0.000000e+00 : f32
      %parallel_loop3A_558 = vector.broadcast %parallel_loop3A_557 : f32 to vector<16xf32>
      %parallel_loop3A_559 = arith.minimumf %parallel_loop3A_521, %parallel_loop3A_558 : vector<16xf32>
      %parallel_loop3A_560 = arith.mulf %parallel_loop3A_526, %parallel_loop3A_556 : vector<16xf32>
      %parallel_loop3A_561 = arith.subf %parallel_loop3A_559, %parallel_loop3A_560 : vector<16xf32>
      tpu.vector_store_idx %arg9[%parallel_loop3A_373], %parallel_loop3A_561 : memref<512xf32, #tpu.memory_space<vmem>>[vector<16xi32>], vector<16xf32>,
      %parallel_loop3A_562 = arith.constant 0.000000e+00 : f32
      %parallel_loop3A_563 = vector.broadcast %parallel_loop3A_562 : f32 to vector<16xf32>
      %parallel_loop3A_564 = arith.cmpi eq, %parallel_loop3A_344, %parallel_loop3A_358 : vector<16xi32>
      %parallel_loop3A_565 = arith.constant 1.000000e+00 : f32
      %parallel_loop3A_566 = arith.constant 0.000000e+00 : f32
      %parallel_loop3A_567 = vector.broadcast %parallel_loop3A_565 : f32 to vector<16xf32>
      %parallel_loop3A_568 = vector.broadcast %parallel_loop3A_566 : f32 to vector<16xf32>
      %parallel_loop3A_569 = arith.select %parallel_loop3A_564, %parallel_loop3A_567, %parallel_loop3A_568 : vector<16xi1>, vector<16xf32>
      %parallel_loop3A_570 = arith.addf %parallel_loop3A_563, %parallel_loop3A_569 : vector<16xf32>
      %parallel_loop3A_571 = arith.cmpi eq, %parallel_loop3A_351, %parallel_loop3A_358 : vector<16xi32>
      %parallel_loop3A_572 = arith.constant 1.000000e+00 : f32
      %parallel_loop3A_573 = arith.constant 0.000000e+00 : f32
      %parallel_loop3A_574 = vector.broadcast %parallel_loop3A_572 : f32 to vector<16xf32>
      %parallel_loop3A_575 = vector.broadcast %parallel_loop3A_573 : f32 to vector<16xf32>
      %parallel_loop3A_576 = arith.select %parallel_loop3A_571, %parallel_loop3A_574, %parallel_loop3A_575 : vector<16xi1>, vector<16xf32>
      %parallel_loop3A_577 = arith.addf %parallel_loop3A_570, %parallel_loop3A_576 : vector<16xf32>
      %parallel_loop3A_578 = arith.cmpi eq, %parallel_loop3A_358, %parallel_loop3A_358 : vector<16xi32>
      %parallel_loop3A_579 = arith.constant 1.000000e+00 : f32
      %parallel_loop3A_580 = arith.constant 0.000000e+00 : f32
      %parallel_loop3A_581 = vector.broadcast %parallel_loop3A_579 : f32 to vector<16xf32>
      %parallel_loop3A_582 = vector.broadcast %parallel_loop3A_580 : f32 to vector<16xf32>
      %parallel_loop3A_583 = arith.select %parallel_loop3A_578, %parallel_loop3A_581, %parallel_loop3A_582 : vector<16xi1>, vector<16xf32>
      %parallel_loop3A_584 = arith.addf %parallel_loop3A_577, %parallel_loop3A_583 : vector<16xf32>
      %parallel_loop3A_585 = arith.cmpi eq, %parallel_loop3A_365, %parallel_loop3A_358 : vector<16xi32>
      %parallel_loop3A_586 = arith.constant 1.000000e+00 : f32
      %parallel_loop3A_587 = arith.constant 0.000000e+00 : f32
      %parallel_loop3A_588 = vector.broadcast %parallel_loop3A_586 : f32 to vector<16xf32>
      %parallel_loop3A_589 = vector.broadcast %parallel_loop3A_587 : f32 to vector<16xf32>
      %parallel_loop3A_590 = arith.select %parallel_loop3A_585, %parallel_loop3A_588, %parallel_loop3A_589 : vector<16xi1>, vector<16xf32>
      %parallel_loop3A_591 = arith.addf %parallel_loop3A_584, %parallel_loop3A_590 : vector<16xf32>
      %parallel_loop3A_592 = arith.mulf %parallel_loop3A_591, %parallel_loop3A_411#6 : vector<16xf32>
      %parallel_loop3A_593 = arith.subf %parallel_loop3A_411#2, %parallel_loop3A_592 : vector<16xf32>
      %parallel_loop3A_594 = arith.constant 0.333333343 : f32
      %parallel_loop3A_595 = vector.broadcast %parallel_loop3A_594 : f32 to vector<16xf32>
      %parallel_loop3A_596 = arith.mulf %parallel_loop3A_593, %parallel_loop3A_595 : vector<16xf32>
      %parallel_loop3A_597 = math.absf %parallel_loop3A_596 : vector<16xf32>
      %parallel_loop3A_598 = arith.constant 0.000000e+00 : f32
      %parallel_loop3A_599 = vector.broadcast %parallel_loop3A_598 : f32 to vector<16xf32>
      %parallel_loop3A_600 = arith.subf %parallel_loop3A_599, %parallel_loop3A_597 : vector<16xf32>
      %parallel_loop3A_601 = math.exp %parallel_loop3A_600 : vector<16xf32>
      %parallel_loop3A_602 = arith.constant -8.466410e-03 : f32
      %parallel_loop3A_603 = vector.broadcast %parallel_loop3A_602 : f32 to vector<16xf32>
      %parallel_loop3A_604 = arith.mulf %parallel_loop3A_603, %parallel_loop3A_601 : vector<16xf32>
      %parallel_loop3A_605 = arith.constant 0.0436592884 : f32
      %parallel_loop3A_606 = vector.broadcast %parallel_loop3A_605 : f32 to vector<16xf32>
      %parallel_loop3A_607 = arith.addf %parallel_loop3A_604, %parallel_loop3A_606 : vector<16xf32>
      %parallel_loop3A_608 = arith.mulf %parallel_loop3A_607, %parallel_loop3A_601 : vector<16xf32>
      %parallel_loop3A_609 = arith.constant -0.106799312 : f32
      %parallel_loop3A_610 = vector.broadcast %parallel_loop3A_609 : f32 to vector<16xf32>
      %parallel_loop3A_611 = arith.addf %parallel_loop3A_608, %parallel_loop3A_610 : vector<16xf32>
      %parallel_loop3A_612 = arith.mulf %parallel_loop3A_611, %parallel_loop3A_601 : vector<16xf32>
      %parallel_loop3A_613 = arith.constant 0.176598653 : f32
      %parallel_loop3A_614 = vector.broadcast %parallel_loop3A_613 : f32 to vector<16xf32>
      %parallel_loop3A_615 = arith.addf %parallel_loop3A_612, %parallel_loop3A_614 : vector<16xf32>
      %parallel_loop3A_616 = arith.mulf %parallel_loop3A_615, %parallel_loop3A_601 : vector<16xf32>
      %parallel_loop3A_617 = arith.constant -0.244533896 : f32
      %parallel_loop3A_618 = vector.broadcast %parallel_loop3A_617 : f32 to vector<16xf32>
      %parallel_loop3A_619 = arith.addf %parallel_loop3A_616, %parallel_loop3A_618 : vector<16xf32>
      %parallel_loop3A_620 = arith.mulf %parallel_loop3A_619, %parallel_loop3A_601 : vector<16xf32>
      %parallel_loop3A_621 = arith.constant 0.332652569 : f32
      %parallel_loop3A_622 = vector.broadcast %parallel_loop3A_621 : f32 to vector<16xf32>
      %parallel_loop3A_623 = arith.addf %parallel_loop3A_620, %parallel_loop3A_622 : vector<16xf32>
      %parallel_loop3A_624 = arith.mulf %parallel_loop3A_623, %parallel_loop3A_601 : vector<16xf32>
      %parallel_loop3A_625 = arith.constant -0.499963552 : f32
      %parallel_loop3A_626 = vector.broadcast %parallel_loop3A_625 : f32 to vector<16xf32>
      %parallel_loop3A_627 = arith.addf %parallel_loop3A_624, %parallel_loop3A_626 : vector<16xf32>
      %parallel_loop3A_628 = arith.mulf %parallel_loop3A_627, %parallel_loop3A_601 : vector<16xf32>
      %parallel_loop3A_629 = arith.constant 0.999999523 : f32
      %parallel_loop3A_630 = vector.broadcast %parallel_loop3A_629 : f32 to vector<16xf32>
      %parallel_loop3A_631 = arith.addf %parallel_loop3A_628, %parallel_loop3A_630 : vector<16xf32>
      %parallel_loop3A_632 = arith.constant 0.000000e+00 : f32
      %parallel_loop3A_633 = vector.broadcast %parallel_loop3A_632 : f32 to vector<16xf32>
      %parallel_loop3A_634 = arith.minimumf %parallel_loop3A_596, %parallel_loop3A_633 : vector<16xf32>
      %parallel_loop3A_635 = arith.mulf %parallel_loop3A_601, %parallel_loop3A_631 : vector<16xf32>
      %parallel_loop3A_636 = arith.subf %parallel_loop3A_634, %parallel_loop3A_635 : vector<16xf32>
      tpu.vector_store_idx %arg9[%parallel_loop3A_377], %parallel_loop3A_636 : memref<512xf32, #tpu.memory_space<vmem>>[vector<16xi32>], vector<16xf32>,
      %parallel_loop3A_637 = arith.constant 0.000000e+00 : f32
      %parallel_loop3A_638 = vector.broadcast %parallel_loop3A_637 : f32 to vector<16xf32>
      %parallel_loop3A_639 = arith.cmpi eq, %parallel_loop3A_344, %parallel_loop3A_365 : vector<16xi32>
      %parallel_loop3A_640 = arith.constant 1.000000e+00 : f32
      %parallel_loop3A_641 = arith.constant 0.000000e+00 : f32
      %parallel_loop3A_642 = vector.broadcast %parallel_loop3A_640 : f32 to vector<16xf32>
      %parallel_loop3A_643 = vector.broadcast %parallel_loop3A_641 : f32 to vector<16xf32>
      %parallel_loop3A_644 = arith.select %parallel_loop3A_639, %parallel_loop3A_642, %parallel_loop3A_643 : vector<16xi1>, vector<16xf32>
      %parallel_loop3A_645 = arith.addf %parallel_loop3A_638, %parallel_loop3A_644 : vector<16xf32>
      %parallel_loop3A_646 = arith.cmpi eq, %parallel_loop3A_351, %parallel_loop3A_365 : vector<16xi32>
      %parallel_loop3A_647 = arith.constant 1.000000e+00 : f32
      %parallel_loop3A_648 = arith.constant 0.000000e+00 : f32
      %parallel_loop3A_649 = vector.broadcast %parallel_loop3A_647 : f32 to vector<16xf32>
      %parallel_loop3A_650 = vector.broadcast %parallel_loop3A_648 : f32 to vector<16xf32>
      %parallel_loop3A_651 = arith.select %parallel_loop3A_646, %parallel_loop3A_649, %parallel_loop3A_650 : vector<16xi1>, vector<16xf32>
      %parallel_loop3A_652 = arith.addf %parallel_loop3A_645, %parallel_loop3A_651 : vector<16xf32>
      %parallel_loop3A_653 = arith.cmpi eq, %parallel_loop3A_358, %parallel_loop3A_365 : vector<16xi32>
      %parallel_loop3A_654 = arith.constant 1.000000e+00 : f32
      %parallel_loop3A_655 = arith.constant 0.000000e+00 : f32
      %parallel_loop3A_656 = vector.broadcast %parallel_loop3A_654 : f32 to vector<16xf32>
      %parallel_loop3A_657 = vector.broadcast %parallel_loop3A_655 : f32 to vector<16xf32>
      %parallel_loop3A_658 = arith.select %parallel_loop3A_653, %parallel_loop3A_656, %parallel_loop3A_657 : vector<16xi1>, vector<16xf32>
      %parallel_loop3A_659 = arith.addf %parallel_loop3A_652, %parallel_loop3A_658 : vector<16xf32>
      %parallel_loop3A_660 = arith.cmpi eq, %parallel_loop3A_365, %parallel_loop3A_365 : vector<16xi32>
      %parallel_loop3A_661 = arith.constant 1.000000e+00 : f32
      %parallel_loop3A_662 = arith.constant 0.000000e+00 : f32
      %parallel_loop3A_663 = vector.broadcast %parallel_loop3A_661 : f32 to vector<16xf32>
      %parallel_loop3A_664 = vector.broadcast %parallel_loop3A_662 : f32 to vector<16xf32>
      %parallel_loop3A_665 = arith.select %parallel_loop3A_660, %parallel_loop3A_663, %parallel_loop3A_664 : vector<16xi1>, vector<16xf32>
      %parallel_loop3A_666 = arith.addf %parallel_loop3A_659, %parallel_loop3A_665 : vector<16xf32>
      %parallel_loop3A_667 = arith.mulf %parallel_loop3A_666, %parallel_loop3A_411#7 : vector<16xf32>
      %parallel_loop3A_668 = arith.subf %parallel_loop3A_411#3, %parallel_loop3A_667 : vector<16xf32>
      %parallel_loop3A_669 = arith.constant 0.333333343 : f32
      %parallel_loop3A_670 = vector.broadcast %parallel_loop3A_669 : f32 to vector<16xf32>
      %parallel_loop3A_671 = arith.mulf %parallel_loop3A_668, %parallel_loop3A_670 : vector<16xf32>
      %parallel_loop3A_672 = math.absf %parallel_loop3A_671 : vector<16xf32>
      %parallel_loop3A_673 = arith.constant 0.000000e+00 : f32
      %parallel_loop3A_674 = vector.broadcast %parallel_loop3A_673 : f32 to vector<16xf32>
      %parallel_loop3A_675 = arith.subf %parallel_loop3A_674, %parallel_loop3A_672 : vector<16xf32>
      %parallel_loop3A_676 = math.exp %parallel_loop3A_675 : vector<16xf32>
      %parallel_loop3A_677 = arith.constant -8.466410e-03 : f32
      %parallel_loop3A_678 = vector.broadcast %parallel_loop3A_677 : f32 to vector<16xf32>
      %parallel_loop3A_679 = arith.mulf %parallel_loop3A_678, %parallel_loop3A_676 : vector<16xf32>
      %parallel_loop3A_680 = arith.constant 0.0436592884 : f32
      %parallel_loop3A_681 = vector.broadcast %parallel_loop3A_680 : f32 to vector<16xf32>
      %parallel_loop3A_682 = arith.addf %parallel_loop3A_679, %parallel_loop3A_681 : vector<16xf32>
      %parallel_loop3A_683 = arith.mulf %parallel_loop3A_682, %parallel_loop3A_676 : vector<16xf32>
      %parallel_loop3A_684 = arith.constant -0.106799312 : f32
      %parallel_loop3A_685 = vector.broadcast %parallel_loop3A_684 : f32 to vector<16xf32>
      %parallel_loop3A_686 = arith.addf %parallel_loop3A_683, %parallel_loop3A_685 : vector<16xf32>
      %parallel_loop3A_687 = arith.mulf %parallel_loop3A_686, %parallel_loop3A_676 : vector<16xf32>
      %parallel_loop3A_688 = arith.constant 0.176598653 : f32
      %parallel_loop3A_689 = vector.broadcast %parallel_loop3A_688 : f32 to vector<16xf32>
      %parallel_loop3A_690 = arith.addf %parallel_loop3A_687, %parallel_loop3A_689 : vector<16xf32>
      %parallel_loop3A_691 = arith.mulf %parallel_loop3A_690, %parallel_loop3A_676 : vector<16xf32>
      %parallel_loop3A_692 = arith.constant -0.244533896 : f32
      %parallel_loop3A_693 = vector.broadcast %parallel_loop3A_692 : f32 to vector<16xf32>
      %parallel_loop3A_694 = arith.addf %parallel_loop3A_691, %parallel_loop3A_693 : vector<16xf32>
      %parallel_loop3A_695 = arith.mulf %parallel_loop3A_694, %parallel_loop3A_676 : vector<16xf32>
      %parallel_loop3A_696 = arith.constant 0.332652569 : f32
      %parallel_loop3A_697 = vector.broadcast %parallel_loop3A_696 : f32 to vector<16xf32>
      %parallel_loop3A_698 = arith.addf %parallel_loop3A_695, %parallel_loop3A_697 : vector<16xf32>
      %parallel_loop3A_699 = arith.mulf %parallel_loop3A_698, %parallel_loop3A_676 : vector<16xf32>
      %parallel_loop3A_700 = arith.constant -0.499963552 : f32
      %parallel_loop3A_701 = vector.broadcast %parallel_loop3A_700 : f32 to vector<16xf32>
      %parallel_loop3A_702 = arith.addf %parallel_loop3A_699, %parallel_loop3A_701 : vector<16xf32>
      %parallel_loop3A_703 = arith.mulf %parallel_loop3A_702, %parallel_loop3A_676 : vector<16xf32>
      %parallel_loop3A_704 = arith.constant 0.999999523 : f32
      %parallel_loop3A_705 = vector.broadcast %parallel_loop3A_704 : f32 to vector<16xf32>
      %parallel_loop3A_706 = arith.addf %parallel_loop3A_703, %parallel_loop3A_705 : vector<16xf32>
      %parallel_loop3A_707 = arith.constant 0.000000e+00 : f32
      %parallel_loop3A_708 = vector.broadcast %parallel_loop3A_707 : f32 to vector<16xf32>
      %parallel_loop3A_709 = arith.minimumf %parallel_loop3A_671, %parallel_loop3A_708 : vector<16xf32>
      %parallel_loop3A_710 = arith.mulf %parallel_loop3A_676, %parallel_loop3A_706 : vector<16xf32>
      %parallel_loop3A_711 = arith.subf %parallel_loop3A_709, %parallel_loop3A_710 : vector<16xf32>
      tpu.vector_store_idx %arg9[%parallel_loop3A_381], %parallel_loop3A_711 : memref<512xf32, #tpu.memory_space<vmem>>[vector<16xi32>], vector<16xf32>,
    } {sc.loop_unroll_factor = 1 : i64, sc.parallel_access}
    %mul3A_213 = arith.constant 2048 : i32
    %mul3A_214 = arith.muli %add3A, %mul3A_213 : i32
    %add3A_215 = arith.constant 512 : i32
    %add3A_216 = arith.addi %mul3A_214, %add3A_215 : i32
    "tpu.region"() ({
      %run_scoped3A = tpu.sem_alloc : memref<!tpu.dma_semaphore, #tpu.memory_space<semaphore_mem>>
      %dma_start3A_335 = tpu.memref_slice %arg4[%add3A_216] : memref<65536xf32, #tpu.memory_space<hbm>> -> memref<512xf32, #tpu.memory_space<hbm>>
      %dma_start3A_336 = tpu.memref_slice %arg4[%add3A_216] : memref<65536xf32, #tpu.memory_space<hbm>> -> memref<512xf32, #tpu.memory_space<hbm>>
      tpu.enqueue_dma source(%arg9 : memref<512xf32, #tpu.memory_space<vmem>>) target(%dma_start3A_336 : memref<512xf32, #tpu.memory_space<hbm>>) target_semaphore(%run_scoped3A : memref<!tpu.dma_semaphore, #tpu.memory_space<semaphore_mem>>)
      %dma_wait3A_337 = tpu.memref_slice %arg4[%add3A_216] : memref<65536xf32, #tpu.memory_space<hbm>> -> memref<512xf32, #tpu.memory_space<hbm>>
      %dma_wait3A_338 = tpu.memref_slice %arg4[%add3A_216] : memref<65536xf32, #tpu.memory_space<hbm>> -> memref<512xf32, #tpu.memory_space<hbm>>
      tpu.wait_dma2 semaphore(%run_scoped3A : memref<!tpu.dma_semaphore, #tpu.memory_space<semaphore_mem>>) src(%arg9 : memref<512xf32, #tpu.memory_space<vmem>>) dst(%dma_wait3A_338 : memref<512xf32, #tpu.memory_space<hbm>>)
      tpu.yield
    }) : () -> ()
    %dma_start3A_217 = arith.constant 0 : i32
    %dma_start3A_218 = arith.constant 0 : i32
    %dma_start3A_219 = tpu.memref_slice %arg7[%dma_start3A_217, %dma_start3A_218] : memref<520x64xf32, #tpu.memory_space<vmem>> -> memref<128x64xf32, #tpu.memory_space<vmem>>
    %dma_start3A_220 = arith.constant 1536 : i32
    %dma_start3A_221 = tpu.memref_slice %arg5[%dma_start3A_220] : memref<2048xi32, #tpu.memory_space<vmem>> -> memref<128xi32, #tpu.memory_space<vmem>>
    %dma_start3A_222 = arith.constant 0 : i32
    %dma_start3A_223 = arith.constant 0 : i32
    %dma_start3A_224 = tpu.memref_slice %arg3[%dma_start3A_222, %dma_start3A_223] : memref<100000x64xf32, #tpu.memory_space<hbm>> -> memref<100000x64xf32, #tpu.memory_space<hbm>>
    tpu.enqueue_indirect_dma source(%dma_start3A_224 : memref<100000x64xf32, #tpu.memory_space<hbm>>) target(%dma_start3A_219 : memref<128x64xf32, #tpu.memory_space<vmem>>) offsets(%dma_start3A_221 : memref<128xi32, #tpu.memory_space<vmem>>) semaphore(%arg11 : memref<!tpu.dma_semaphore, #tpu.memory_space<semaphore_mem>>)
    %dma_start3A_225 = arith.constant 128 : i32
    %dma_start3A_226 = arith.constant 0 : i32
    %dma_start3A_227 = tpu.memref_slice %arg7[%dma_start3A_225, %dma_start3A_226] : memref<520x64xf32, #tpu.memory_space<vmem>> -> memref<128x64xf32, #tpu.memory_space<vmem>>
    %dma_start3A_228 = arith.constant 1664 : i32
    %dma_start3A_229 = tpu.memref_slice %arg5[%dma_start3A_228] : memref<2048xi32, #tpu.memory_space<vmem>> -> memref<128xi32, #tpu.memory_space<vmem>>
    %dma_start3A_230 = arith.constant 0 : i32
    %dma_start3A_231 = arith.constant 0 : i32
    %dma_start3A_232 = tpu.memref_slice %arg3[%dma_start3A_230, %dma_start3A_231] : memref<100000x64xf32, #tpu.memory_space<hbm>> -> memref<100000x64xf32, #tpu.memory_space<hbm>>
    tpu.enqueue_indirect_dma source(%dma_start3A_232 : memref<100000x64xf32, #tpu.memory_space<hbm>>) target(%dma_start3A_227 : memref<128x64xf32, #tpu.memory_space<vmem>>) offsets(%dma_start3A_229 : memref<128xi32, #tpu.memory_space<vmem>>) semaphore(%arg11 : memref<!tpu.dma_semaphore, #tpu.memory_space<semaphore_mem>>)
    %dma_start3A_233 = arith.constant 256 : i32
    %dma_start3A_234 = arith.constant 0 : i32
    %dma_start3A_235 = tpu.memref_slice %arg7[%dma_start3A_233, %dma_start3A_234] : memref<520x64xf32, #tpu.memory_space<vmem>> -> memref<128x64xf32, #tpu.memory_space<vmem>>
    %dma_start3A_236 = arith.constant 1792 : i32
    %dma_start3A_237 = tpu.memref_slice %arg5[%dma_start3A_236] : memref<2048xi32, #tpu.memory_space<vmem>> -> memref<128xi32, #tpu.memory_space<vmem>>
    %dma_start3A_238 = arith.constant 0 : i32
    %dma_start3A_239 = arith.constant 0 : i32
    %dma_start3A_240 = tpu.memref_slice %arg3[%dma_start3A_238, %dma_start3A_239] : memref<100000x64xf32, #tpu.memory_space<hbm>> -> memref<100000x64xf32, #tpu.memory_space<hbm>>
    tpu.enqueue_indirect_dma source(%dma_start3A_240 : memref<100000x64xf32, #tpu.memory_space<hbm>>) target(%dma_start3A_235 : memref<128x64xf32, #tpu.memory_space<vmem>>) offsets(%dma_start3A_237 : memref<128xi32, #tpu.memory_space<vmem>>) semaphore(%arg11 : memref<!tpu.dma_semaphore, #tpu.memory_space<semaphore_mem>>)
    %dma_start3A_241 = arith.constant 384 : i32
    %dma_start3A_242 = arith.constant 0 : i32
    %dma_start3A_243 = tpu.memref_slice %arg7[%dma_start3A_241, %dma_start3A_242] : memref<520x64xf32, #tpu.memory_space<vmem>> -> memref<128x64xf32, #tpu.memory_space<vmem>>
    %dma_start3A_244 = arith.constant 1920 : i32
    %dma_start3A_245 = tpu.memref_slice %arg5[%dma_start3A_244] : memref<2048xi32, #tpu.memory_space<vmem>> -> memref<128xi32, #tpu.memory_space<vmem>>
    %dma_start3A_246 = arith.constant 0 : i32
    %dma_start3A_247 = arith.constant 0 : i32
    %dma_start3A_248 = tpu.memref_slice %arg3[%dma_start3A_246, %dma_start3A_247] : memref<100000x64xf32, #tpu.memory_space<hbm>> -> memref<100000x64xf32, #tpu.memory_space<hbm>>
    tpu.enqueue_indirect_dma source(%dma_start3A_248 : memref<100000x64xf32, #tpu.memory_space<hbm>>) target(%dma_start3A_243 : memref<128x64xf32, #tpu.memory_space<vmem>>) offsets(%dma_start3A_245 : memref<128xi32, #tpu.memory_space<vmem>>) semaphore(%arg11 : memref<!tpu.dma_semaphore, #tpu.memory_space<semaphore_mem>>)
    %dma_wait3A_249 = arith.constant 0 : i32
    %dma_wait3A_250 = arith.constant 0 : i32
    %dma_wait3A_251 = tpu.memref_slice %arg6[%dma_wait3A_249, %dma_wait3A_250] : memref<520x64xf32, #tpu.memory_space<vmem>> -> memref<128x64xf32, #tpu.memory_space<vmem>>
    %dma_wait3A_252 = arith.constant 1024 : i32
    %dma_wait3A_253 = tpu.memref_slice %arg5[%dma_wait3A_252] : memref<2048xi32, #tpu.memory_space<vmem>> -> memref<128xi32, #tpu.memory_space<vmem>>
    %dma_wait3A_254 = arith.constant 0 : i32
    %dma_wait3A_255 = arith.constant 0 : i32
    %dma_wait3A_256 = tpu.memref_slice %arg3[%dma_wait3A_254, %dma_wait3A_255] : memref<100000x64xf32, #tpu.memory_space<hbm>> -> memref<100000x64xf32, #tpu.memory_space<hbm>>
    tpu.wait_indirect_dma semaphore(%arg10 : memref<!tpu.dma_semaphore, #tpu.memory_space<semaphore_mem>>) src(%dma_wait3A_256 : memref<100000x64xf32, #tpu.memory_space<hbm>>) dst(%dma_wait3A_251 : memref<128x64xf32, #tpu.memory_space<vmem>>)
    %dma_wait3A_257 = arith.constant 128 : i32
    %dma_wait3A_258 = arith.constant 0 : i32
    %dma_wait3A_259 = tpu.memref_slice %arg6[%dma_wait3A_257, %dma_wait3A_258] : memref<520x64xf32, #tpu.memory_space<vmem>> -> memref<128x64xf32, #tpu.memory_space<vmem>>
    %dma_wait3A_260 = arith.constant 1152 : i32
    %dma_wait3A_261 = tpu.memref_slice %arg5[%dma_wait3A_260] : memref<2048xi32, #tpu.memory_space<vmem>> -> memref<128xi32, #tpu.memory_space<vmem>>
    %dma_wait3A_262 = arith.constant 0 : i32
    %dma_wait3A_263 = arith.constant 0 : i32
    %dma_wait3A_264 = tpu.memref_slice %arg3[%dma_wait3A_262, %dma_wait3A_263] : memref<100000x64xf32, #tpu.memory_space<hbm>> -> memref<100000x64xf32, #tpu.memory_space<hbm>>
    tpu.wait_indirect_dma semaphore(%arg10 : memref<!tpu.dma_semaphore, #tpu.memory_space<semaphore_mem>>) src(%dma_wait3A_264 : memref<100000x64xf32, #tpu.memory_space<hbm>>) dst(%dma_wait3A_259 : memref<128x64xf32, #tpu.memory_space<vmem>>)
    %dma_wait3A_265 = arith.constant 256 : i32
    %dma_wait3A_266 = arith.constant 0 : i32
    %dma_wait3A_267 = tpu.memref_slice %arg6[%dma_wait3A_265, %dma_wait3A_266] : memref<520x64xf32, #tpu.memory_space<vmem>> -> memref<128x64xf32, #tpu.memory_space<vmem>>
    %dma_wait3A_268 = arith.constant 1280 : i32
    %dma_wait3A_269 = tpu.memref_slice %arg5[%dma_wait3A_268] : memref<2048xi32, #tpu.memory_space<vmem>> -> memref<128xi32, #tpu.memory_space<vmem>>
    %dma_wait3A_270 = arith.constant 0 : i32
    %dma_wait3A_271 = arith.constant 0 : i32
    %dma_wait3A_272 = tpu.memref_slice %arg3[%dma_wait3A_270, %dma_wait3A_271] : memref<100000x64xf32, #tpu.memory_space<hbm>> -> memref<100000x64xf32, #tpu.memory_space<hbm>>
    tpu.wait_indirect_dma semaphore(%arg10 : memref<!tpu.dma_semaphore, #tpu.memory_space<semaphore_mem>>) src(%dma_wait3A_272 : memref<100000x64xf32, #tpu.memory_space<hbm>>) dst(%dma_wait3A_267 : memref<128x64xf32, #tpu.memory_space<vmem>>)
    %dma_wait3A_273 = arith.constant 384 : i32
    %dma_wait3A_274 = arith.constant 0 : i32
    %dma_wait3A_275 = tpu.memref_slice %arg6[%dma_wait3A_273, %dma_wait3A_274] : memref<520x64xf32, #tpu.memory_space<vmem>> -> memref<128x64xf32, #tpu.memory_space<vmem>>
    %dma_wait3A_276 = arith.constant 1408 : i32
    %dma_wait3A_277 = tpu.memref_slice %arg5[%dma_wait3A_276] : memref<2048xi32, #tpu.memory_space<vmem>> -> memref<128xi32, #tpu.memory_space<vmem>>
    %dma_wait3A_278 = arith.constant 0 : i32
    %dma_wait3A_279 = arith.constant 0 : i32
    %dma_wait3A_280 = tpu.memref_slice %arg3[%dma_wait3A_278, %dma_wait3A_279] : memref<100000x64xf32, #tpu.memory_space<hbm>> -> memref<100000x64xf32, #tpu.memory_space<hbm>>
    tpu.wait_indirect_dma semaphore(%arg10 : memref<!tpu.dma_semaphore, #tpu.memory_space<semaphore_mem>>) src(%dma_wait3A_280 : memref<100000x64xf32, #tpu.memory_space<hbm>>) dst(%dma_wait3A_275 : memref<128x64xf32, #tpu.memory_space<vmem>>)
    %iota3A_281 = tpu.iota {dimensions = array<i32: 0>} : vector<16xi32>
    %mul3A_282 = arith.constant 17 : i32
    %mul3A_283 = vector.broadcast %mul3A_282 : i32 to vector<16xi32>
    %mul3A_284 = arith.muli %iota3A_281, %mul3A_283 : vector<16xi32>
    %parallel_loop3A_285 = arith.constant 0 : i32
    %parallel_loop3A_286 = arith.constant 8 : i32
    %parallel_loop3A_287 = arith.constant 1 : i32
    scf.for %parallel_loop3A_335 = %parallel_loop3A_285 to %parallel_loop3A_286 step %parallel_loop3A_287  : i32 {
      %parallel_loop3A_336 = arith.constant 64 : i32
      %parallel_loop3A_337 = arith.muli %parallel_loop3A_335, %parallel_loop3A_336 : i32
      %parallel_loop3A_338 = arith.constant 1024 : i32
      %parallel_loop3A_339 = arith.addi %parallel_loop3A_338, %parallel_loop3A_337 : i32
      %parallel_loop3A_340 = arith.constant 0 : i32
      %parallel_loop3A_341 = arith.addi %parallel_loop3A_339, %parallel_loop3A_340 : i32
      %parallel_loop3A_342 = vector.broadcast %parallel_loop3A_341 : i32 to vector<16xi32>
      %parallel_loop3A_343 = arith.addi %mul3A_3, %parallel_loop3A_342 : vector<16xi32>
      %parallel_loop3A_344 = tpu.vector_load_idx %arg5[%parallel_loop3A_343] : memref<2048xi32, #tpu.memory_space<vmem>>[vector<16xi32>], vector<16xi32>,
      %parallel_loop3A_345 = arith.constant 1024 : i32
      %parallel_loop3A_346 = arith.addi %parallel_loop3A_345, %parallel_loop3A_337 : i32
      %parallel_loop3A_347 = arith.constant 1 : i32
      %parallel_loop3A_348 = arith.addi %parallel_loop3A_346, %parallel_loop3A_347 : i32
      %parallel_loop3A_349 = vector.broadcast %parallel_loop3A_348 : i32 to vector<16xi32>
      %parallel_loop3A_350 = arith.addi %mul3A_3, %parallel_loop3A_349 : vector<16xi32>
      %parallel_loop3A_351 = tpu.vector_load_idx %arg5[%parallel_loop3A_350] : memref<2048xi32, #tpu.memory_space<vmem>>[vector<16xi32>], vector<16xi32>,
      %parallel_loop3A_352 = arith.constant 1024 : i32
      %parallel_loop3A_353 = arith.addi %parallel_loop3A_352, %parallel_loop3A_337 : i32
      %parallel_loop3A_354 = arith.constant 2 : i32
      %parallel_loop3A_355 = arith.addi %parallel_loop3A_353, %parallel_loop3A_354 : i32
      %parallel_loop3A_356 = vector.broadcast %parallel_loop3A_355 : i32 to vector<16xi32>
      %parallel_loop3A_357 = arith.addi %mul3A_3, %parallel_loop3A_356 : vector<16xi32>
      %parallel_loop3A_358 = tpu.vector_load_idx %arg5[%parallel_loop3A_357] : memref<2048xi32, #tpu.memory_space<vmem>>[vector<16xi32>], vector<16xi32>,
      %parallel_loop3A_359 = arith.constant 1024 : i32
      %parallel_loop3A_360 = arith.addi %parallel_loop3A_359, %parallel_loop3A_337 : i32
      %parallel_loop3A_361 = arith.constant 3 : i32
      %parallel_loop3A_362 = arith.addi %parallel_loop3A_360, %parallel_loop3A_361 : i32
      %parallel_loop3A_363 = vector.broadcast %parallel_loop3A_362 : i32 to vector<16xi32>
      %parallel_loop3A_364 = arith.addi %mul3A_3, %parallel_loop3A_363 : vector<16xi32>
      %parallel_loop3A_365 = tpu.vector_load_idx %arg5[%parallel_loop3A_364] : memref<2048xi32, #tpu.memory_space<vmem>>[vector<16xi32>], vector<16xi32>,
      %parallel_loop3A_366 = arith.constant 0 : i32
      %parallel_loop3A_367 = arith.addi %parallel_loop3A_337, %parallel_loop3A_366 : i32
      %parallel_loop3A_368 = vector.broadcast %parallel_loop3A_367 : i32 to vector<16xi32>
      %parallel_loop3A_369 = arith.addi %mul3A_3, %parallel_loop3A_368 : vector<16xi32>
      %parallel_loop3A_370 = arith.constant 1 : i32
      %parallel_loop3A_371 = arith.addi %parallel_loop3A_337, %parallel_loop3A_370 : i32
      %parallel_loop3A_372 = vector.broadcast %parallel_loop3A_371 : i32 to vector<16xi32>
      %parallel_loop3A_373 = arith.addi %mul3A_3, %parallel_loop3A_372 : vector<16xi32>
      %parallel_loop3A_374 = arith.constant 2 : i32
      %parallel_loop3A_375 = arith.addi %parallel_loop3A_337, %parallel_loop3A_374 : i32
      %parallel_loop3A_376 = vector.broadcast %parallel_loop3A_375 : i32 to vector<16xi32>
      %parallel_loop3A_377 = arith.addi %mul3A_3, %parallel_loop3A_376 : vector<16xi32>
      %parallel_loop3A_378 = arith.constant 3 : i32
      %parallel_loop3A_379 = arith.addi %parallel_loop3A_337, %parallel_loop3A_378 : i32
      %parallel_loop3A_380 = vector.broadcast %parallel_loop3A_379 : i32 to vector<16xi32>
      %parallel_loop3A_381 = arith.addi %mul3A_3, %parallel_loop3A_380 : vector<16xi32>
      %parallel_loop3A_382 = arith.constant 0 : i32
      %parallel_loop3A_383 = vector.broadcast %parallel_loop3A_382 : i32 to vector<16xi32>
      %parallel_loop3A_384 = arith.cmpi eq, %parallel_loop3A_344, %parallel_loop3A_383 : vector<16xi32>
      %parallel_loop3A_385 = arith.constant 512 : i32
      %parallel_loop3A_386 = vector.broadcast %parallel_loop3A_385 : i32 to vector<16xi32>
      %parallel_loop3A_387 = arith.select %parallel_loop3A_384, %parallel_loop3A_386, %parallel_loop3A_369 : vector<16xi1>, vector<16xi32>
      %parallel_loop3A_388 = arith.constant 0 : i32
      %parallel_loop3A_389 = vector.broadcast %parallel_loop3A_388 : i32 to vector<16xi32>
      %parallel_loop3A_390 = arith.cmpi eq, %parallel_loop3A_351, %parallel_loop3A_389 : vector<16xi32>
      %parallel_loop3A_391 = arith.constant 512 : i32
      %parallel_loop3A_392 = vector.broadcast %parallel_loop3A_391 : i32 to vector<16xi32>
      %parallel_loop3A_393 = arith.select %parallel_loop3A_390, %parallel_loop3A_392, %parallel_loop3A_373 : vector<16xi1>, vector<16xi32>
      %parallel_loop3A_394 = arith.constant 0 : i32
      %parallel_loop3A_395 = vector.broadcast %parallel_loop3A_394 : i32 to vector<16xi32>
      %parallel_loop3A_396 = arith.cmpi eq, %parallel_loop3A_358, %parallel_loop3A_395 : vector<16xi32>
      %parallel_loop3A_397 = arith.constant 512 : i32
      %parallel_loop3A_398 = vector.broadcast %parallel_loop3A_397 : i32 to vector<16xi32>
      %parallel_loop3A_399 = arith.select %parallel_loop3A_396, %parallel_loop3A_398, %parallel_loop3A_377 : vector<16xi1>, vector<16xi32>
      %parallel_loop3A_400 = arith.constant 0 : i32
      %parallel_loop3A_401 = vector.broadcast %parallel_loop3A_400 : i32 to vector<16xi32>
      %parallel_loop3A_402 = arith.cmpi eq, %parallel_loop3A_365, %parallel_loop3A_401 : vector<16xi32>
      %parallel_loop3A_403 = arith.constant 512 : i32
      %parallel_loop3A_404 = vector.broadcast %parallel_loop3A_403 : i32 to vector<16xi32>
      %parallel_loop3A_405 = arith.select %parallel_loop3A_402, %parallel_loop3A_404, %parallel_loop3A_381 : vector<16xi1>, vector<16xi32>
      %parallel_loop3A_406 = arith.constant 0.000000e+00 : f32
      %parallel_loop3A_407 = vector.broadcast %parallel_loop3A_406 : f32 to vector<16xf32>
      %parallel_loop3A_408 = arith.constant 0 : i32
      %parallel_loop3A_409 = arith.constant 64 : i32
      %parallel_loop3A_410 = arith.constant 1 : i32
      %parallel_loop3A_411:8 = scf.for %parallel_loop3A_712 = %parallel_loop3A_408 to %parallel_loop3A_409 step %parallel_loop3A_410 iter_args(%parallel_loop3A_713 = %parallel_loop3A_407, %parallel_loop3A_714 = %parallel_loop3A_407, %parallel_loop3A_715 = %parallel_loop3A_407, %parallel_loop3A_716 = %parallel_loop3A_407, %parallel_loop3A_717 = %parallel_loop3A_407, %parallel_loop3A_718 = %parallel_loop3A_407, %parallel_loop3A_719 = %parallel_loop3A_407, %parallel_loop3A_720 = %parallel_loop3A_407) -> (vector<16xf32>, vector<16xf32>, vector<16xf32>, vector<16xf32>, vector<16xf32>, vector<16xf32>, vector<16xf32>, vector<16xf32>)  : i32 {
        %parallel_loop3A_721 = vector.broadcast %parallel_loop3A_712 : i32 to vector<16xi32>
        %parallel_loop3A_722 = arith.addi %parallel_loop3A_721, %mul3A_284 : vector<16xi32>
        %parallel_loop3A_723 = arith.constant 63 : i32
        %parallel_loop3A_724 = vector.broadcast %parallel_loop3A_723 : i32 to vector<16xi32>
        %parallel_loop3A_725 = arith.andi %parallel_loop3A_722, %parallel_loop3A_724 : vector<16xi32>
        %parallel_loop3A_726 = tpu.vector_load_idx %arg6[%parallel_loop3A_387, %parallel_loop3A_725] : memref<520x64xf32, #tpu.memory_space<vmem>>[vector<16xi32>, vector<16xi32>], vector<16xf32>,
        %parallel_loop3A_727 = tpu.vector_load_idx %arg6[%parallel_loop3A_393, %parallel_loop3A_725] : memref<520x64xf32, #tpu.memory_space<vmem>>[vector<16xi32>, vector<16xi32>], vector<16xf32>,
        %parallel_loop3A_728 = tpu.vector_load_idx %arg6[%parallel_loop3A_399, %parallel_loop3A_725] : memref<520x64xf32, #tpu.memory_space<vmem>>[vector<16xi32>, vector<16xi32>], vector<16xf32>,
        %parallel_loop3A_729 = tpu.vector_load_idx %arg6[%parallel_loop3A_405, %parallel_loop3A_725] : memref<520x64xf32, #tpu.memory_space<vmem>>[vector<16xi32>, vector<16xi32>], vector<16xf32>,
        %parallel_loop3A_730 = arith.addf %parallel_loop3A_726, %parallel_loop3A_727 : vector<16xf32>
        %parallel_loop3A_731 = arith.addf %parallel_loop3A_728, %parallel_loop3A_729 : vector<16xf32>
        %parallel_loop3A_732 = arith.addf %parallel_loop3A_730, %parallel_loop3A_731 : vector<16xf32>
        %parallel_loop3A_733 = arith.mulf %parallel_loop3A_726, %parallel_loop3A_732 : vector<16xf32>
        %parallel_loop3A_734 = arith.addf %parallel_loop3A_713, %parallel_loop3A_733 : vector<16xf32>
        %parallel_loop3A_735 = arith.mulf %parallel_loop3A_727, %parallel_loop3A_732 : vector<16xf32>
        %parallel_loop3A_736 = arith.addf %parallel_loop3A_714, %parallel_loop3A_735 : vector<16xf32>
        %parallel_loop3A_737 = arith.mulf %parallel_loop3A_728, %parallel_loop3A_732 : vector<16xf32>
        %parallel_loop3A_738 = arith.addf %parallel_loop3A_715, %parallel_loop3A_737 : vector<16xf32>
        %parallel_loop3A_739 = arith.mulf %parallel_loop3A_729, %parallel_loop3A_732 : vector<16xf32>
        %parallel_loop3A_740 = arith.addf %parallel_loop3A_716, %parallel_loop3A_739 : vector<16xf32>
        %parallel_loop3A_741 = arith.mulf %parallel_loop3A_726, %parallel_loop3A_726 : vector<16xf32>
        %parallel_loop3A_742 = arith.addf %parallel_loop3A_717, %parallel_loop3A_741 : vector<16xf32>
        %parallel_loop3A_743 = arith.mulf %parallel_loop3A_727, %parallel_loop3A_727 : vector<16xf32>
        %parallel_loop3A_744 = arith.addf %parallel_loop3A_718, %parallel_loop3A_743 : vector<16xf32>
        %parallel_loop3A_745 = arith.mulf %parallel_loop3A_728, %parallel_loop3A_728 : vector<16xf32>
        %parallel_loop3A_746 = arith.addf %parallel_loop3A_719, %parallel_loop3A_745 : vector<16xf32>
        %parallel_loop3A_747 = arith.mulf %parallel_loop3A_729, %parallel_loop3A_729 : vector<16xf32>
        %parallel_loop3A_748 = arith.addf %parallel_loop3A_720, %parallel_loop3A_747 : vector<16xf32>
        scf.yield %parallel_loop3A_734, %parallel_loop3A_736, %parallel_loop3A_738, %parallel_loop3A_740, %parallel_loop3A_742, %parallel_loop3A_744, %parallel_loop3A_746, %parallel_loop3A_748 : vector<16xf32>, vector<16xf32>, vector<16xf32>, vector<16xf32>, vector<16xf32>, vector<16xf32>, vector<16xf32>, vector<16xf32>
      } {sc.loop_unroll_factor = 8 : i64, sc.parallel_access}
      %parallel_loop3A_412 = arith.constant 0.000000e+00 : f32
      %parallel_loop3A_413 = vector.broadcast %parallel_loop3A_412 : f32 to vector<16xf32>
      %parallel_loop3A_414 = arith.cmpi eq, %parallel_loop3A_344, %parallel_loop3A_344 : vector<16xi32>
      %parallel_loop3A_415 = arith.constant 1.000000e+00 : f32
      %parallel_loop3A_416 = arith.constant 0.000000e+00 : f32
      %parallel_loop3A_417 = vector.broadcast %parallel_loop3A_415 : f32 to vector<16xf32>
      %parallel_loop3A_418 = vector.broadcast %parallel_loop3A_416 : f32 to vector<16xf32>
      %parallel_loop3A_419 = arith.select %parallel_loop3A_414, %parallel_loop3A_417, %parallel_loop3A_418 : vector<16xi1>, vector<16xf32>
      %parallel_loop3A_420 = arith.addf %parallel_loop3A_413, %parallel_loop3A_419 : vector<16xf32>
      %parallel_loop3A_421 = arith.cmpi eq, %parallel_loop3A_351, %parallel_loop3A_344 : vector<16xi32>
      %parallel_loop3A_422 = arith.constant 1.000000e+00 : f32
      %parallel_loop3A_423 = arith.constant 0.000000e+00 : f32
      %parallel_loop3A_424 = vector.broadcast %parallel_loop3A_422 : f32 to vector<16xf32>
      %parallel_loop3A_425 = vector.broadcast %parallel_loop3A_423 : f32 to vector<16xf32>
      %parallel_loop3A_426 = arith.select %parallel_loop3A_421, %parallel_loop3A_424, %parallel_loop3A_425 : vector<16xi1>, vector<16xf32>
      %parallel_loop3A_427 = arith.addf %parallel_loop3A_420, %parallel_loop3A_426 : vector<16xf32>
      %parallel_loop3A_428 = arith.cmpi eq, %parallel_loop3A_358, %parallel_loop3A_344 : vector<16xi32>
      %parallel_loop3A_429 = arith.constant 1.000000e+00 : f32
      %parallel_loop3A_430 = arith.constant 0.000000e+00 : f32
      %parallel_loop3A_431 = vector.broadcast %parallel_loop3A_429 : f32 to vector<16xf32>
      %parallel_loop3A_432 = vector.broadcast %parallel_loop3A_430 : f32 to vector<16xf32>
      %parallel_loop3A_433 = arith.select %parallel_loop3A_428, %parallel_loop3A_431, %parallel_loop3A_432 : vector<16xi1>, vector<16xf32>
      %parallel_loop3A_434 = arith.addf %parallel_loop3A_427, %parallel_loop3A_433 : vector<16xf32>
      %parallel_loop3A_435 = arith.cmpi eq, %parallel_loop3A_365, %parallel_loop3A_344 : vector<16xi32>
      %parallel_loop3A_436 = arith.constant 1.000000e+00 : f32
      %parallel_loop3A_437 = arith.constant 0.000000e+00 : f32
      %parallel_loop3A_438 = vector.broadcast %parallel_loop3A_436 : f32 to vector<16xf32>
      %parallel_loop3A_439 = vector.broadcast %parallel_loop3A_437 : f32 to vector<16xf32>
      %parallel_loop3A_440 = arith.select %parallel_loop3A_435, %parallel_loop3A_438, %parallel_loop3A_439 : vector<16xi1>, vector<16xf32>
      %parallel_loop3A_441 = arith.addf %parallel_loop3A_434, %parallel_loop3A_440 : vector<16xf32>
      %parallel_loop3A_442 = arith.mulf %parallel_loop3A_441, %parallel_loop3A_411#4 : vector<16xf32>
      %parallel_loop3A_443 = arith.subf %parallel_loop3A_411#0, %parallel_loop3A_442 : vector<16xf32>
      %parallel_loop3A_444 = arith.constant 0.333333343 : f32
      %parallel_loop3A_445 = vector.broadcast %parallel_loop3A_444 : f32 to vector<16xf32>
      %parallel_loop3A_446 = arith.mulf %parallel_loop3A_443, %parallel_loop3A_445 : vector<16xf32>
      %parallel_loop3A_447 = math.absf %parallel_loop3A_446 : vector<16xf32>
      %parallel_loop3A_448 = arith.constant 0.000000e+00 : f32
      %parallel_loop3A_449 = vector.broadcast %parallel_loop3A_448 : f32 to vector<16xf32>
      %parallel_loop3A_450 = arith.subf %parallel_loop3A_449, %parallel_loop3A_447 : vector<16xf32>
      %parallel_loop3A_451 = math.exp %parallel_loop3A_450 : vector<16xf32>
      %parallel_loop3A_452 = arith.constant -8.466410e-03 : f32
      %parallel_loop3A_453 = vector.broadcast %parallel_loop3A_452 : f32 to vector<16xf32>
      %parallel_loop3A_454 = arith.mulf %parallel_loop3A_453, %parallel_loop3A_451 : vector<16xf32>
      %parallel_loop3A_455 = arith.constant 0.0436592884 : f32
      %parallel_loop3A_456 = vector.broadcast %parallel_loop3A_455 : f32 to vector<16xf32>
      %parallel_loop3A_457 = arith.addf %parallel_loop3A_454, %parallel_loop3A_456 : vector<16xf32>
      %parallel_loop3A_458 = arith.mulf %parallel_loop3A_457, %parallel_loop3A_451 : vector<16xf32>
      %parallel_loop3A_459 = arith.constant -0.106799312 : f32
      %parallel_loop3A_460 = vector.broadcast %parallel_loop3A_459 : f32 to vector<16xf32>
      %parallel_loop3A_461 = arith.addf %parallel_loop3A_458, %parallel_loop3A_460 : vector<16xf32>
      %parallel_loop3A_462 = arith.mulf %parallel_loop3A_461, %parallel_loop3A_451 : vector<16xf32>
      %parallel_loop3A_463 = arith.constant 0.176598653 : f32
      %parallel_loop3A_464 = vector.broadcast %parallel_loop3A_463 : f32 to vector<16xf32>
      %parallel_loop3A_465 = arith.addf %parallel_loop3A_462, %parallel_loop3A_464 : vector<16xf32>
      %parallel_loop3A_466 = arith.mulf %parallel_loop3A_465, %parallel_loop3A_451 : vector<16xf32>
      %parallel_loop3A_467 = arith.constant -0.244533896 : f32
      %parallel_loop3A_468 = vector.broadcast %parallel_loop3A_467 : f32 to vector<16xf32>
      %parallel_loop3A_469 = arith.addf %parallel_loop3A_466, %parallel_loop3A_468 : vector<16xf32>
      %parallel_loop3A_470 = arith.mulf %parallel_loop3A_469, %parallel_loop3A_451 : vector<16xf32>
      %parallel_loop3A_471 = arith.constant 0.332652569 : f32
      %parallel_loop3A_472 = vector.broadcast %parallel_loop3A_471 : f32 to vector<16xf32>
      %parallel_loop3A_473 = arith.addf %parallel_loop3A_470, %parallel_loop3A_472 : vector<16xf32>
      %parallel_loop3A_474 = arith.mulf %parallel_loop3A_473, %parallel_loop3A_451 : vector<16xf32>
      %parallel_loop3A_475 = arith.constant -0.499963552 : f32
      %parallel_loop3A_476 = vector.broadcast %parallel_loop3A_475 : f32 to vector<16xf32>
      %parallel_loop3A_477 = arith.addf %parallel_loop3A_474, %parallel_loop3A_476 : vector<16xf32>
      %parallel_loop3A_478 = arith.mulf %parallel_loop3A_477, %parallel_loop3A_451 : vector<16xf32>
      %parallel_loop3A_479 = arith.constant 0.999999523 : f32
      %parallel_loop3A_480 = vector.broadcast %parallel_loop3A_479 : f32 to vector<16xf32>
      %parallel_loop3A_481 = arith.addf %parallel_loop3A_478, %parallel_loop3A_480 : vector<16xf32>
      %parallel_loop3A_482 = arith.constant 0.000000e+00 : f32
      %parallel_loop3A_483 = vector.broadcast %parallel_loop3A_482 : f32 to vector<16xf32>
      %parallel_loop3A_484 = arith.minimumf %parallel_loop3A_446, %parallel_loop3A_483 : vector<16xf32>
      %parallel_loop3A_485 = arith.mulf %parallel_loop3A_451, %parallel_loop3A_481 : vector<16xf32>
      %parallel_loop3A_486 = arith.subf %parallel_loop3A_484, %parallel_loop3A_485 : vector<16xf32>
      tpu.vector_store_idx %arg8[%parallel_loop3A_369], %parallel_loop3A_486 : memref<512xf32, #tpu.memory_space<vmem>>[vector<16xi32>], vector<16xf32>,
      %parallel_loop3A_487 = arith.constant 0.000000e+00 : f32
      %parallel_loop3A_488 = vector.broadcast %parallel_loop3A_487 : f32 to vector<16xf32>
      %parallel_loop3A_489 = arith.cmpi eq, %parallel_loop3A_344, %parallel_loop3A_351 : vector<16xi32>
      %parallel_loop3A_490 = arith.constant 1.000000e+00 : f32
      %parallel_loop3A_491 = arith.constant 0.000000e+00 : f32
      %parallel_loop3A_492 = vector.broadcast %parallel_loop3A_490 : f32 to vector<16xf32>
      %parallel_loop3A_493 = vector.broadcast %parallel_loop3A_491 : f32 to vector<16xf32>
      %parallel_loop3A_494 = arith.select %parallel_loop3A_489, %parallel_loop3A_492, %parallel_loop3A_493 : vector<16xi1>, vector<16xf32>
      %parallel_loop3A_495 = arith.addf %parallel_loop3A_488, %parallel_loop3A_494 : vector<16xf32>
      %parallel_loop3A_496 = arith.cmpi eq, %parallel_loop3A_351, %parallel_loop3A_351 : vector<16xi32>
      %parallel_loop3A_497 = arith.constant 1.000000e+00 : f32
      %parallel_loop3A_498 = arith.constant 0.000000e+00 : f32
      %parallel_loop3A_499 = vector.broadcast %parallel_loop3A_497 : f32 to vector<16xf32>
      %parallel_loop3A_500 = vector.broadcast %parallel_loop3A_498 : f32 to vector<16xf32>
      %parallel_loop3A_501 = arith.select %parallel_loop3A_496, %parallel_loop3A_499, %parallel_loop3A_500 : vector<16xi1>, vector<16xf32>
      %parallel_loop3A_502 = arith.addf %parallel_loop3A_495, %parallel_loop3A_501 : vector<16xf32>
      %parallel_loop3A_503 = arith.cmpi eq, %parallel_loop3A_358, %parallel_loop3A_351 : vector<16xi32>
      %parallel_loop3A_504 = arith.constant 1.000000e+00 : f32
      %parallel_loop3A_505 = arith.constant 0.000000e+00 : f32
      %parallel_loop3A_506 = vector.broadcast %parallel_loop3A_504 : f32 to vector<16xf32>
      %parallel_loop3A_507 = vector.broadcast %parallel_loop3A_505 : f32 to vector<16xf32>
      %parallel_loop3A_508 = arith.select %parallel_loop3A_503, %parallel_loop3A_506, %parallel_loop3A_507 : vector<16xi1>, vector<16xf32>
      %parallel_loop3A_509 = arith.addf %parallel_loop3A_502, %parallel_loop3A_508 : vector<16xf32>
      %parallel_loop3A_510 = arith.cmpi eq, %parallel_loop3A_365, %parallel_loop3A_351 : vector<16xi32>
      %parallel_loop3A_511 = arith.constant 1.000000e+00 : f32
      %parallel_loop3A_512 = arith.constant 0.000000e+00 : f32
      %parallel_loop3A_513 = vector.broadcast %parallel_loop3A_511 : f32 to vector<16xf32>
      %parallel_loop3A_514 = vector.broadcast %parallel_loop3A_512 : f32 to vector<16xf32>
      %parallel_loop3A_515 = arith.select %parallel_loop3A_510, %parallel_loop3A_513, %parallel_loop3A_514 : vector<16xi1>, vector<16xf32>
      %parallel_loop3A_516 = arith.addf %parallel_loop3A_509, %parallel_loop3A_515 : vector<16xf32>
      %parallel_loop3A_517 = arith.mulf %parallel_loop3A_516, %parallel_loop3A_411#5 : vector<16xf32>
      %parallel_loop3A_518 = arith.subf %parallel_loop3A_411#1, %parallel_loop3A_517 : vector<16xf32>
      %parallel_loop3A_519 = arith.constant 0.333333343 : f32
      %parallel_loop3A_520 = vector.broadcast %parallel_loop3A_519 : f32 to vector<16xf32>
      %parallel_loop3A_521 = arith.mulf %parallel_loop3A_518, %parallel_loop3A_520 : vector<16xf32>
      %parallel_loop3A_522 = math.absf %parallel_loop3A_521 : vector<16xf32>
      %parallel_loop3A_523 = arith.constant 0.000000e+00 : f32
      %parallel_loop3A_524 = vector.broadcast %parallel_loop3A_523 : f32 to vector<16xf32>
      %parallel_loop3A_525 = arith.subf %parallel_loop3A_524, %parallel_loop3A_522 : vector<16xf32>
      %parallel_loop3A_526 = math.exp %parallel_loop3A_525 : vector<16xf32>
      %parallel_loop3A_527 = arith.constant -8.466410e-03 : f32
      %parallel_loop3A_528 = vector.broadcast %parallel_loop3A_527 : f32 to vector<16xf32>
      %parallel_loop3A_529 = arith.mulf %parallel_loop3A_528, %parallel_loop3A_526 : vector<16xf32>
      %parallel_loop3A_530 = arith.constant 0.0436592884 : f32
      %parallel_loop3A_531 = vector.broadcast %parallel_loop3A_530 : f32 to vector<16xf32>
      %parallel_loop3A_532 = arith.addf %parallel_loop3A_529, %parallel_loop3A_531 : vector<16xf32>
      %parallel_loop3A_533 = arith.mulf %parallel_loop3A_532, %parallel_loop3A_526 : vector<16xf32>
      %parallel_loop3A_534 = arith.constant -0.106799312 : f32
      %parallel_loop3A_535 = vector.broadcast %parallel_loop3A_534 : f32 to vector<16xf32>
      %parallel_loop3A_536 = arith.addf %parallel_loop3A_533, %parallel_loop3A_535 : vector<16xf32>
      %parallel_loop3A_537 = arith.mulf %parallel_loop3A_536, %parallel_loop3A_526 : vector<16xf32>
      %parallel_loop3A_538 = arith.constant 0.176598653 : f32
      %parallel_loop3A_539 = vector.broadcast %parallel_loop3A_538 : f32 to vector<16xf32>
      %parallel_loop3A_540 = arith.addf %parallel_loop3A_537, %parallel_loop3A_539 : vector<16xf32>
      %parallel_loop3A_541 = arith.mulf %parallel_loop3A_540, %parallel_loop3A_526 : vector<16xf32>
      %parallel_loop3A_542 = arith.constant -0.244533896 : f32
      %parallel_loop3A_543 = vector.broadcast %parallel_loop3A_542 : f32 to vector<16xf32>
      %parallel_loop3A_544 = arith.addf %parallel_loop3A_541, %parallel_loop3A_543 : vector<16xf32>
      %parallel_loop3A_545 = arith.mulf %parallel_loop3A_544, %parallel_loop3A_526 : vector<16xf32>
      %parallel_loop3A_546 = arith.constant 0.332652569 : f32
      %parallel_loop3A_547 = vector.broadcast %parallel_loop3A_546 : f32 to vector<16xf32>
      %parallel_loop3A_548 = arith.addf %parallel_loop3A_545, %parallel_loop3A_547 : vector<16xf32>
      %parallel_loop3A_549 = arith.mulf %parallel_loop3A_548, %parallel_loop3A_526 : vector<16xf32>
      %parallel_loop3A_550 = arith.constant -0.499963552 : f32
      %parallel_loop3A_551 = vector.broadcast %parallel_loop3A_550 : f32 to vector<16xf32>
      %parallel_loop3A_552 = arith.addf %parallel_loop3A_549, %parallel_loop3A_551 : vector<16xf32>
      %parallel_loop3A_553 = arith.mulf %parallel_loop3A_552, %parallel_loop3A_526 : vector<16xf32>
      %parallel_loop3A_554 = arith.constant 0.999999523 : f32
      %parallel_loop3A_555 = vector.broadcast %parallel_loop3A_554 : f32 to vector<16xf32>
      %parallel_loop3A_556 = arith.addf %parallel_loop3A_553, %parallel_loop3A_555 : vector<16xf32>
      %parallel_loop3A_557 = arith.constant 0.000000e+00 : f32
      %parallel_loop3A_558 = vector.broadcast %parallel_loop3A_557 : f32 to vector<16xf32>
      %parallel_loop3A_559 = arith.minimumf %parallel_loop3A_521, %parallel_loop3A_558 : vector<16xf32>
      %parallel_loop3A_560 = arith.mulf %parallel_loop3A_526, %parallel_loop3A_556 : vector<16xf32>
      %parallel_loop3A_561 = arith.subf %parallel_loop3A_559, %parallel_loop3A_560 : vector<16xf32>
      tpu.vector_store_idx %arg8[%parallel_loop3A_373], %parallel_loop3A_561 : memref<512xf32, #tpu.memory_space<vmem>>[vector<16xi32>], vector<16xf32>,
      %parallel_loop3A_562 = arith.constant 0.000000e+00 : f32
      %parallel_loop3A_563 = vector.broadcast %parallel_loop3A_562 : f32 to vector<16xf32>
      %parallel_loop3A_564 = arith.cmpi eq, %parallel_loop3A_344, %parallel_loop3A_358 : vector<16xi32>
      %parallel_loop3A_565 = arith.constant 1.000000e+00 : f32
      %parallel_loop3A_566 = arith.constant 0.000000e+00 : f32
      %parallel_loop3A_567 = vector.broadcast %parallel_loop3A_565 : f32 to vector<16xf32>
      %parallel_loop3A_568 = vector.broadcast %parallel_loop3A_566 : f32 to vector<16xf32>
      %parallel_loop3A_569 = arith.select %parallel_loop3A_564, %parallel_loop3A_567, %parallel_loop3A_568 : vector<16xi1>, vector<16xf32>
      %parallel_loop3A_570 = arith.addf %parallel_loop3A_563, %parallel_loop3A_569 : vector<16xf32>
      %parallel_loop3A_571 = arith.cmpi eq, %parallel_loop3A_351, %parallel_loop3A_358 : vector<16xi32>
      %parallel_loop3A_572 = arith.constant 1.000000e+00 : f32
      %parallel_loop3A_573 = arith.constant 0.000000e+00 : f32
      %parallel_loop3A_574 = vector.broadcast %parallel_loop3A_572 : f32 to vector<16xf32>
      %parallel_loop3A_575 = vector.broadcast %parallel_loop3A_573 : f32 to vector<16xf32>
      %parallel_loop3A_576 = arith.select %parallel_loop3A_571, %parallel_loop3A_574, %parallel_loop3A_575 : vector<16xi1>, vector<16xf32>
      %parallel_loop3A_577 = arith.addf %parallel_loop3A_570, %parallel_loop3A_576 : vector<16xf32>
      %parallel_loop3A_578 = arith.cmpi eq, %parallel_loop3A_358, %parallel_loop3A_358 : vector<16xi32>
      %parallel_loop3A_579 = arith.constant 1.000000e+00 : f32
      %parallel_loop3A_580 = arith.constant 0.000000e+00 : f32
      %parallel_loop3A_581 = vector.broadcast %parallel_loop3A_579 : f32 to vector<16xf32>
      %parallel_loop3A_582 = vector.broadcast %parallel_loop3A_580 : f32 to vector<16xf32>
      %parallel_loop3A_583 = arith.select %parallel_loop3A_578, %parallel_loop3A_581, %parallel_loop3A_582 : vector<16xi1>, vector<16xf32>
      %parallel_loop3A_584 = arith.addf %parallel_loop3A_577, %parallel_loop3A_583 : vector<16xf32>
      %parallel_loop3A_585 = arith.cmpi eq, %parallel_loop3A_365, %parallel_loop3A_358 : vector<16xi32>
      %parallel_loop3A_586 = arith.constant 1.000000e+00 : f32
      %parallel_loop3A_587 = arith.constant 0.000000e+00 : f32
      %parallel_loop3A_588 = vector.broadcast %parallel_loop3A_586 : f32 to vector<16xf32>
      %parallel_loop3A_589 = vector.broadcast %parallel_loop3A_587 : f32 to vector<16xf32>
      %parallel_loop3A_590 = arith.select %parallel_loop3A_585, %parallel_loop3A_588, %parallel_loop3A_589 : vector<16xi1>, vector<16xf32>
      %parallel_loop3A_591 = arith.addf %parallel_loop3A_584, %parallel_loop3A_590 : vector<16xf32>
      %parallel_loop3A_592 = arith.mulf %parallel_loop3A_591, %parallel_loop3A_411#6 : vector<16xf32>
      %parallel_loop3A_593 = arith.subf %parallel_loop3A_411#2, %parallel_loop3A_592 : vector<16xf32>
      %parallel_loop3A_594 = arith.constant 0.333333343 : f32
      %parallel_loop3A_595 = vector.broadcast %parallel_loop3A_594 : f32 to vector<16xf32>
      %parallel_loop3A_596 = arith.mulf %parallel_loop3A_593, %parallel_loop3A_595 : vector<16xf32>
      %parallel_loop3A_597 = math.absf %parallel_loop3A_596 : vector<16xf32>
      %parallel_loop3A_598 = arith.constant 0.000000e+00 : f32
      %parallel_loop3A_599 = vector.broadcast %parallel_loop3A_598 : f32 to vector<16xf32>
      %parallel_loop3A_600 = arith.subf %parallel_loop3A_599, %parallel_loop3A_597 : vector<16xf32>
      %parallel_loop3A_601 = math.exp %parallel_loop3A_600 : vector<16xf32>
      %parallel_loop3A_602 = arith.constant -8.466410e-03 : f32
      %parallel_loop3A_603 = vector.broadcast %parallel_loop3A_602 : f32 to vector<16xf32>
      %parallel_loop3A_604 = arith.mulf %parallel_loop3A_603, %parallel_loop3A_601 : vector<16xf32>
      %parallel_loop3A_605 = arith.constant 0.0436592884 : f32
      %parallel_loop3A_606 = vector.broadcast %parallel_loop3A_605 : f32 to vector<16xf32>
      %parallel_loop3A_607 = arith.addf %parallel_loop3A_604, %parallel_loop3A_606 : vector<16xf32>
      %parallel_loop3A_608 = arith.mulf %parallel_loop3A_607, %parallel_loop3A_601 : vector<16xf32>
      %parallel_loop3A_609 = arith.constant -0.106799312 : f32
      %parallel_loop3A_610 = vector.broadcast %parallel_loop3A_609 : f32 to vector<16xf32>
      %parallel_loop3A_611 = arith.addf %parallel_loop3A_608, %parallel_loop3A_610 : vector<16xf32>
      %parallel_loop3A_612 = arith.mulf %parallel_loop3A_611, %parallel_loop3A_601 : vector<16xf32>
      %parallel_loop3A_613 = arith.constant 0.176598653 : f32
      %parallel_loop3A_614 = vector.broadcast %parallel_loop3A_613 : f32 to vector<16xf32>
      %parallel_loop3A_615 = arith.addf %parallel_loop3A_612, %parallel_loop3A_614 : vector<16xf32>
      %parallel_loop3A_616 = arith.mulf %parallel_loop3A_615, %parallel_loop3A_601 : vector<16xf32>
      %parallel_loop3A_617 = arith.constant -0.244533896 : f32
      %parallel_loop3A_618 = vector.broadcast %parallel_loop3A_617 : f32 to vector<16xf32>
      %parallel_loop3A_619 = arith.addf %parallel_loop3A_616, %parallel_loop3A_618 : vector<16xf32>
      %parallel_loop3A_620 = arith.mulf %parallel_loop3A_619, %parallel_loop3A_601 : vector<16xf32>
      %parallel_loop3A_621 = arith.constant 0.332652569 : f32
      %parallel_loop3A_622 = vector.broadcast %parallel_loop3A_621 : f32 to vector<16xf32>
      %parallel_loop3A_623 = arith.addf %parallel_loop3A_620, %parallel_loop3A_622 : vector<16xf32>
      %parallel_loop3A_624 = arith.mulf %parallel_loop3A_623, %parallel_loop3A_601 : vector<16xf32>
      %parallel_loop3A_625 = arith.constant -0.499963552 : f32
      %parallel_loop3A_626 = vector.broadcast %parallel_loop3A_625 : f32 to vector<16xf32>
      %parallel_loop3A_627 = arith.addf %parallel_loop3A_624, %parallel_loop3A_626 : vector<16xf32>
      %parallel_loop3A_628 = arith.mulf %parallel_loop3A_627, %parallel_loop3A_601 : vector<16xf32>
      %parallel_loop3A_629 = arith.constant 0.999999523 : f32
      %parallel_loop3A_630 = vector.broadcast %parallel_loop3A_629 : f32 to vector<16xf32>
      %parallel_loop3A_631 = arith.addf %parallel_loop3A_628, %parallel_loop3A_630 : vector<16xf32>
      %parallel_loop3A_632 = arith.constant 0.000000e+00 : f32
      %parallel_loop3A_633 = vector.broadcast %parallel_loop3A_632 : f32 to vector<16xf32>
      %parallel_loop3A_634 = arith.minimumf %parallel_loop3A_596, %parallel_loop3A_633 : vector<16xf32>
      %parallel_loop3A_635 = arith.mulf %parallel_loop3A_601, %parallel_loop3A_631 : vector<16xf32>
      %parallel_loop3A_636 = arith.subf %parallel_loop3A_634, %parallel_loop3A_635 : vector<16xf32>
      tpu.vector_store_idx %arg8[%parallel_loop3A_377], %parallel_loop3A_636 : memref<512xf32, #tpu.memory_space<vmem>>[vector<16xi32>], vector<16xf32>,
      %parallel_loop3A_637 = arith.constant 0.000000e+00 : f32
      %parallel_loop3A_638 = vector.broadcast %parallel_loop3A_637 : f32 to vector<16xf32>
      %parallel_loop3A_639 = arith.cmpi eq, %parallel_loop3A_344, %parallel_loop3A_365 : vector<16xi32>
      %parallel_loop3A_640 = arith.constant 1.000000e+00 : f32
      %parallel_loop3A_641 = arith.constant 0.000000e+00 : f32
      %parallel_loop3A_642 = vector.broadcast %parallel_loop3A_640 : f32 to vector<16xf32>
      %parallel_loop3A_643 = vector.broadcast %parallel_loop3A_641 : f32 to vector<16xf32>
      %parallel_loop3A_644 = arith.select %parallel_loop3A_639, %parallel_loop3A_642, %parallel_loop3A_643 : vector<16xi1>, vector<16xf32>
      %parallel_loop3A_645 = arith.addf %parallel_loop3A_638, %parallel_loop3A_644 : vector<16xf32>
      %parallel_loop3A_646 = arith.cmpi eq, %parallel_loop3A_351, %parallel_loop3A_365 : vector<16xi32>
      %parallel_loop3A_647 = arith.constant 1.000000e+00 : f32
      %parallel_loop3A_648 = arith.constant 0.000000e+00 : f32
      %parallel_loop3A_649 = vector.broadcast %parallel_loop3A_647 : f32 to vector<16xf32>
      %parallel_loop3A_650 = vector.broadcast %parallel_loop3A_648 : f32 to vector<16xf32>
      %parallel_loop3A_651 = arith.select %parallel_loop3A_646, %parallel_loop3A_649, %parallel_loop3A_650 : vector<16xi1>, vector<16xf32>
      %parallel_loop3A_652 = arith.addf %parallel_loop3A_645, %parallel_loop3A_651 : vector<16xf32>
      %parallel_loop3A_653 = arith.cmpi eq, %parallel_loop3A_358, %parallel_loop3A_365 : vector<16xi32>
      %parallel_loop3A_654 = arith.constant 1.000000e+00 : f32
      %parallel_loop3A_655 = arith.constant 0.000000e+00 : f32
      %parallel_loop3A_656 = vector.broadcast %parallel_loop3A_654 : f32 to vector<16xf32>
      %parallel_loop3A_657 = vector.broadcast %parallel_loop3A_655 : f32 to vector<16xf32>
      %parallel_loop3A_658 = arith.select %parallel_loop3A_653, %parallel_loop3A_656, %parallel_loop3A_657 : vector<16xi1>, vector<16xf32>
      %parallel_loop3A_659 = arith.addf %parallel_loop3A_652, %parallel_loop3A_658 : vector<16xf32>
      %parallel_loop3A_660 = arith.cmpi eq, %parallel_loop3A_365, %parallel_loop3A_365 : vector<16xi32>
      %parallel_loop3A_661 = arith.constant 1.000000e+00 : f32
      %parallel_loop3A_662 = arith.constant 0.000000e+00 : f32
      %parallel_loop3A_663 = vector.broadcast %parallel_loop3A_661 : f32 to vector<16xf32>
      %parallel_loop3A_664 = vector.broadcast %parallel_loop3A_662 : f32 to vector<16xf32>
      %parallel_loop3A_665 = arith.select %parallel_loop3A_660, %parallel_loop3A_663, %parallel_loop3A_664 : vector<16xi1>, vector<16xf32>
      %parallel_loop3A_666 = arith.addf %parallel_loop3A_659, %parallel_loop3A_665 : vector<16xf32>
      %parallel_loop3A_667 = arith.mulf %parallel_loop3A_666, %parallel_loop3A_411#7 : vector<16xf32>
      %parallel_loop3A_668 = arith.subf %parallel_loop3A_411#3, %parallel_loop3A_667 : vector<16xf32>
      %parallel_loop3A_669 = arith.constant 0.333333343 : f32
      %parallel_loop3A_670 = vector.broadcast %parallel_loop3A_669 : f32 to vector<16xf32>
      %parallel_loop3A_671 = arith.mulf %parallel_loop3A_668, %parallel_loop3A_670 : vector<16xf32>
      %parallel_loop3A_672 = math.absf %parallel_loop3A_671 : vector<16xf32>
      %parallel_loop3A_673 = arith.constant 0.000000e+00 : f32
      %parallel_loop3A_674 = vector.broadcast %parallel_loop3A_673 : f32 to vector<16xf32>
      %parallel_loop3A_675 = arith.subf %parallel_loop3A_674, %parallel_loop3A_672 : vector<16xf32>
      %parallel_loop3A_676 = math.exp %parallel_loop3A_675 : vector<16xf32>
      %parallel_loop3A_677 = arith.constant -8.466410e-03 : f32
      %parallel_loop3A_678 = vector.broadcast %parallel_loop3A_677 : f32 to vector<16xf32>
      %parallel_loop3A_679 = arith.mulf %parallel_loop3A_678, %parallel_loop3A_676 : vector<16xf32>
      %parallel_loop3A_680 = arith.constant 0.0436592884 : f32
      %parallel_loop3A_681 = vector.broadcast %parallel_loop3A_680 : f32 to vector<16xf32>
      %parallel_loop3A_682 = arith.addf %parallel_loop3A_679, %parallel_loop3A_681 : vector<16xf32>
      %parallel_loop3A_683 = arith.mulf %parallel_loop3A_682, %parallel_loop3A_676 : vector<16xf32>
      %parallel_loop3A_684 = arith.constant -0.106799312 : f32
      %parallel_loop3A_685 = vector.broadcast %parallel_loop3A_684 : f32 to vector<16xf32>
      %parallel_loop3A_686 = arith.addf %parallel_loop3A_683, %parallel_loop3A_685 : vector<16xf32>
      %parallel_loop3A_687 = arith.mulf %parallel_loop3A_686, %parallel_loop3A_676 : vector<16xf32>
      %parallel_loop3A_688 = arith.constant 0.176598653 : f32
      %parallel_loop3A_689 = vector.broadcast %parallel_loop3A_688 : f32 to vector<16xf32>
      %parallel_loop3A_690 = arith.addf %parallel_loop3A_687, %parallel_loop3A_689 : vector<16xf32>
      %parallel_loop3A_691 = arith.mulf %parallel_loop3A_690, %parallel_loop3A_676 : vector<16xf32>
      %parallel_loop3A_692 = arith.constant -0.244533896 : f32
      %parallel_loop3A_693 = vector.broadcast %parallel_loop3A_692 : f32 to vector<16xf32>
      %parallel_loop3A_694 = arith.addf %parallel_loop3A_691, %parallel_loop3A_693 : vector<16xf32>
      %parallel_loop3A_695 = arith.mulf %parallel_loop3A_694, %parallel_loop3A_676 : vector<16xf32>
      %parallel_loop3A_696 = arith.constant 0.332652569 : f32
      %parallel_loop3A_697 = vector.broadcast %parallel_loop3A_696 : f32 to vector<16xf32>
      %parallel_loop3A_698 = arith.addf %parallel_loop3A_695, %parallel_loop3A_697 : vector<16xf32>
      %parallel_loop3A_699 = arith.mulf %parallel_loop3A_698, %parallel_loop3A_676 : vector<16xf32>
      %parallel_loop3A_700 = arith.constant -0.499963552 : f32
      %parallel_loop3A_701 = vector.broadcast %parallel_loop3A_700 : f32 to vector<16xf32>
      %parallel_loop3A_702 = arith.addf %parallel_loop3A_699, %parallel_loop3A_701 : vector<16xf32>
      %parallel_loop3A_703 = arith.mulf %parallel_loop3A_702, %parallel_loop3A_676 : vector<16xf32>
      %parallel_loop3A_704 = arith.constant 0.999999523 : f32
      %parallel_loop3A_705 = vector.broadcast %parallel_loop3A_704 : f32 to vector<16xf32>
      %parallel_loop3A_706 = arith.addf %parallel_loop3A_703, %parallel_loop3A_705 : vector<16xf32>
      %parallel_loop3A_707 = arith.constant 0.000000e+00 : f32
      %parallel_loop3A_708 = vector.broadcast %parallel_loop3A_707 : f32 to vector<16xf32>
      %parallel_loop3A_709 = arith.minimumf %parallel_loop3A_671, %parallel_loop3A_708 : vector<16xf32>
      %parallel_loop3A_710 = arith.mulf %parallel_loop3A_676, %parallel_loop3A_706 : vector<16xf32>
      %parallel_loop3A_711 = arith.subf %parallel_loop3A_709, %parallel_loop3A_710 : vector<16xf32>
      tpu.vector_store_idx %arg8[%parallel_loop3A_381], %parallel_loop3A_711 : memref<512xf32, #tpu.memory_space<vmem>>[vector<16xi32>], vector<16xf32>,
    } {sc.loop_unroll_factor = 1 : i64, sc.parallel_access}
    %mul3A_288 = arith.constant 2048 : i32
    %mul3A_289 = arith.muli %add3A, %mul3A_288 : i32
    %add3A_290 = arith.constant 1024 : i32
    %add3A_291 = arith.addi %mul3A_289, %add3A_290 : i32
    "tpu.region"() ({
      %run_scoped3A = tpu.sem_alloc : memref<!tpu.dma_semaphore, #tpu.memory_space<semaphore_mem>>
      %dma_start3A_335 = tpu.memref_slice %arg4[%add3A_291] : memref<65536xf32, #tpu.memory_space<hbm>> -> memref<512xf32, #tpu.memory_space<hbm>>
      %dma_start3A_336 = tpu.memref_slice %arg4[%add3A_291] : memref<65536xf32, #tpu.memory_space<hbm>> -> memref<512xf32, #tpu.memory_space<hbm>>
      tpu.enqueue_dma source(%arg8 : memref<512xf32, #tpu.memory_space<vmem>>) target(%dma_start3A_336 : memref<512xf32, #tpu.memory_space<hbm>>) target_semaphore(%run_scoped3A : memref<!tpu.dma_semaphore, #tpu.memory_space<semaphore_mem>>)
      %dma_wait3A_337 = tpu.memref_slice %arg4[%add3A_291] : memref<65536xf32, #tpu.memory_space<hbm>> -> memref<512xf32, #tpu.memory_space<hbm>>
      %dma_wait3A_338 = tpu.memref_slice %arg4[%add3A_291] : memref<65536xf32, #tpu.memory_space<hbm>> -> memref<512xf32, #tpu.memory_space<hbm>>
      tpu.wait_dma2 semaphore(%run_scoped3A : memref<!tpu.dma_semaphore, #tpu.memory_space<semaphore_mem>>) src(%arg8 : memref<512xf32, #tpu.memory_space<vmem>>) dst(%dma_wait3A_338 : memref<512xf32, #tpu.memory_space<hbm>>)
      tpu.yield
    }) : () -> ()
    %dma_wait3A_292 = arith.constant 0 : i32
    %dma_wait3A_293 = arith.constant 0 : i32
    %dma_wait3A_294 = tpu.memref_slice %arg7[%dma_wait3A_292, %dma_wait3A_293] : memref<520x64xf32, #tpu.memory_space<vmem>> -> memref<128x64xf32, #tpu.memory_space<vmem>>
    %dma_wait3A_295 = arith.constant 1536 : i32
    %dma_wait3A_296 = tpu.memref_slice %arg5[%dma_wait3A_295] : memref<2048xi32, #tpu.memory_space<vmem>> -> memref<128xi32, #tpu.memory_space<vmem>>
    %dma_wait3A_297 = arith.constant 0 : i32
    %dma_wait3A_298 = arith.constant 0 : i32
    %dma_wait3A_299 = tpu.memref_slice %arg3[%dma_wait3A_297, %dma_wait3A_298] : memref<100000x64xf32, #tpu.memory_space<hbm>> -> memref<100000x64xf32, #tpu.memory_space<hbm>>
    tpu.wait_indirect_dma semaphore(%arg11 : memref<!tpu.dma_semaphore, #tpu.memory_space<semaphore_mem>>) src(%dma_wait3A_299 : memref<100000x64xf32, #tpu.memory_space<hbm>>) dst(%dma_wait3A_294 : memref<128x64xf32, #tpu.memory_space<vmem>>)
    %dma_wait3A_300 = arith.constant 128 : i32
    %dma_wait3A_301 = arith.constant 0 : i32
    %dma_wait3A_302 = tpu.memref_slice %arg7[%dma_wait3A_300, %dma_wait3A_301] : memref<520x64xf32, #tpu.memory_space<vmem>> -> memref<128x64xf32, #tpu.memory_space<vmem>>
    %dma_wait3A_303 = arith.constant 1664 : i32
    %dma_wait3A_304 = tpu.memref_slice %arg5[%dma_wait3A_303] : memref<2048xi32, #tpu.memory_space<vmem>> -> memref<128xi32, #tpu.memory_space<vmem>>
    %dma_wait3A_305 = arith.constant 0 : i32
    %dma_wait3A_306 = arith.constant 0 : i32
    %dma_wait3A_307 = tpu.memref_slice %arg3[%dma_wait3A_305, %dma_wait3A_306] : memref<100000x64xf32, #tpu.memory_space<hbm>> -> memref<100000x64xf32, #tpu.memory_space<hbm>>
    tpu.wait_indirect_dma semaphore(%arg11 : memref<!tpu.dma_semaphore, #tpu.memory_space<semaphore_mem>>) src(%dma_wait3A_307 : memref<100000x64xf32, #tpu.memory_space<hbm>>) dst(%dma_wait3A_302 : memref<128x64xf32, #tpu.memory_space<vmem>>)
    %dma_wait3A_308 = arith.constant 256 : i32
    %dma_wait3A_309 = arith.constant 0 : i32
    %dma_wait3A_310 = tpu.memref_slice %arg7[%dma_wait3A_308, %dma_wait3A_309] : memref<520x64xf32, #tpu.memory_space<vmem>> -> memref<128x64xf32, #tpu.memory_space<vmem>>
    %dma_wait3A_311 = arith.constant 1792 : i32
    %dma_wait3A_312 = tpu.memref_slice %arg5[%dma_wait3A_311] : memref<2048xi32, #tpu.memory_space<vmem>> -> memref<128xi32, #tpu.memory_space<vmem>>
    %dma_wait3A_313 = arith.constant 0 : i32
    %dma_wait3A_314 = arith.constant 0 : i32
    %dma_wait3A_315 = tpu.memref_slice %arg3[%dma_wait3A_313, %dma_wait3A_314] : memref<100000x64xf32, #tpu.memory_space<hbm>> -> memref<100000x64xf32, #tpu.memory_space<hbm>>
    tpu.wait_indirect_dma semaphore(%arg11 : memref<!tpu.dma_semaphore, #tpu.memory_space<semaphore_mem>>) src(%dma_wait3A_315 : memref<100000x64xf32, #tpu.memory_space<hbm>>) dst(%dma_wait3A_310 : memref<128x64xf32, #tpu.memory_space<vmem>>)
    %dma_wait3A_316 = arith.constant 384 : i32
    %dma_wait3A_317 = arith.constant 0 : i32
    %dma_wait3A_318 = tpu.memref_slice %arg7[%dma_wait3A_316, %dma_wait3A_317] : memref<520x64xf32, #tpu.memory_space<vmem>> -> memref<128x64xf32, #tpu.memory_space<vmem>>
    %dma_wait3A_319 = arith.constant 1920 : i32
    %dma_wait3A_320 = tpu.memref_slice %arg5[%dma_wait3A_319] : memref<2048xi32, #tpu.memory_space<vmem>> -> memref<128xi32, #tpu.memory_space<vmem>>
    %dma_wait3A_321 = arith.constant 0 : i32
    %dma_wait3A_322 = arith.constant 0 : i32
    %dma_wait3A_323 = tpu.memref_slice %arg3[%dma_wait3A_321, %dma_wait3A_322] : memref<100000x64xf32, #tpu.memory_space<hbm>> -> memref<100000x64xf32, #tpu.memory_space<hbm>>
    tpu.wait_indirect_dma semaphore(%arg11 : memref<!tpu.dma_semaphore, #tpu.memory_space<semaphore_mem>>) src(%dma_wait3A_323 : memref<100000x64xf32, #tpu.memory_space<hbm>>) dst(%dma_wait3A_318 : memref<128x64xf32, #tpu.memory_space<vmem>>)
    %iota3A_324 = tpu.iota {dimensions = array<i32: 0>} : vector<16xi32>
    %mul3A_325 = arith.constant 17 : i32
    %mul3A_326 = vector.broadcast %mul3A_325 : i32 to vector<16xi32>
    %mul3A_327 = arith.muli %iota3A_324, %mul3A_326 : vector<16xi32>
    %parallel_loop3A_328 = arith.constant 0 : i32
    %parallel_loop3A_329 = arith.constant 8 : i32
    %parallel_loop3A_330 = arith.constant 1 : i32
    scf.for %parallel_loop3A_335 = %parallel_loop3A_328 to %parallel_loop3A_329 step %parallel_loop3A_330  : i32 {
      %parallel_loop3A_336 = arith.constant 64 : i32
      %parallel_loop3A_337 = arith.muli %parallel_loop3A_335, %parallel_loop3A_336 : i32
      %parallel_loop3A_338 = arith.constant 1536 : i32
      %parallel_loop3A_339 = arith.addi %parallel_loop3A_338, %parallel_loop3A_337 : i32
      %parallel_loop3A_340 = arith.constant 0 : i32
      %parallel_loop3A_341 = arith.addi %parallel_loop3A_339, %parallel_loop3A_340 : i32
      %parallel_loop3A_342 = vector.broadcast %parallel_loop3A_341 : i32 to vector<16xi32>
      %parallel_loop3A_343 = arith.addi %mul3A_3, %parallel_loop3A_342 : vector<16xi32>
      %parallel_loop3A_344 = tpu.vector_load_idx %arg5[%parallel_loop3A_343] : memref<2048xi32, #tpu.memory_space<vmem>>[vector<16xi32>], vector<16xi32>,
      %parallel_loop3A_345 = arith.constant 1536 : i32
      %parallel_loop3A_346 = arith.addi %parallel_loop3A_345, %parallel_loop3A_337 : i32
      %parallel_loop3A_347 = arith.constant 1 : i32
      %parallel_loop3A_348 = arith.addi %parallel_loop3A_346, %parallel_loop3A_347 : i32
      %parallel_loop3A_349 = vector.broadcast %parallel_loop3A_348 : i32 to vector<16xi32>
      %parallel_loop3A_350 = arith.addi %mul3A_3, %parallel_loop3A_349 : vector<16xi32>
      %parallel_loop3A_351 = tpu.vector_load_idx %arg5[%parallel_loop3A_350] : memref<2048xi32, #tpu.memory_space<vmem>>[vector<16xi32>], vector<16xi32>,
      %parallel_loop3A_352 = arith.constant 1536 : i32
      %parallel_loop3A_353 = arith.addi %parallel_loop3A_352, %parallel_loop3A_337 : i32
      %parallel_loop3A_354 = arith.constant 2 : i32
      %parallel_loop3A_355 = arith.addi %parallel_loop3A_353, %parallel_loop3A_354 : i32
      %parallel_loop3A_356 = vector.broadcast %parallel_loop3A_355 : i32 to vector<16xi32>
      %parallel_loop3A_357 = arith.addi %mul3A_3, %parallel_loop3A_356 : vector<16xi32>
      %parallel_loop3A_358 = tpu.vector_load_idx %arg5[%parallel_loop3A_357] : memref<2048xi32, #tpu.memory_space<vmem>>[vector<16xi32>], vector<16xi32>,
      %parallel_loop3A_359 = arith.constant 1536 : i32
      %parallel_loop3A_360 = arith.addi %parallel_loop3A_359, %parallel_loop3A_337 : i32
      %parallel_loop3A_361 = arith.constant 3 : i32
      %parallel_loop3A_362 = arith.addi %parallel_loop3A_360, %parallel_loop3A_361 : i32
      %parallel_loop3A_363 = vector.broadcast %parallel_loop3A_362 : i32 to vector<16xi32>
      %parallel_loop3A_364 = arith.addi %mul3A_3, %parallel_loop3A_363 : vector<16xi32>
      %parallel_loop3A_365 = tpu.vector_load_idx %arg5[%parallel_loop3A_364] : memref<2048xi32, #tpu.memory_space<vmem>>[vector<16xi32>], vector<16xi32>,
      %parallel_loop3A_366 = arith.constant 0 : i32
      %parallel_loop3A_367 = arith.addi %parallel_loop3A_337, %parallel_loop3A_366 : i32
      %parallel_loop3A_368 = vector.broadcast %parallel_loop3A_367 : i32 to vector<16xi32>
      %parallel_loop3A_369 = arith.addi %mul3A_3, %parallel_loop3A_368 : vector<16xi32>
      %parallel_loop3A_370 = arith.constant 1 : i32
      %parallel_loop3A_371 = arith.addi %parallel_loop3A_337, %parallel_loop3A_370 : i32
      %parallel_loop3A_372 = vector.broadcast %parallel_loop3A_371 : i32 to vector<16xi32>
      %parallel_loop3A_373 = arith.addi %mul3A_3, %parallel_loop3A_372 : vector<16xi32>
      %parallel_loop3A_374 = arith.constant 2 : i32
      %parallel_loop3A_375 = arith.addi %parallel_loop3A_337, %parallel_loop3A_374 : i32
      %parallel_loop3A_376 = vector.broadcast %parallel_loop3A_375 : i32 to vector<16xi32>
      %parallel_loop3A_377 = arith.addi %mul3A_3, %parallel_loop3A_376 : vector<16xi32>
      %parallel_loop3A_378 = arith.constant 3 : i32
      %parallel_loop3A_379 = arith.addi %parallel_loop3A_337, %parallel_loop3A_378 : i32
      %parallel_loop3A_380 = vector.broadcast %parallel_loop3A_379 : i32 to vector<16xi32>
      %parallel_loop3A_381 = arith.addi %mul3A_3, %parallel_loop3A_380 : vector<16xi32>
      %parallel_loop3A_382 = arith.constant 0 : i32
      %parallel_loop3A_383 = vector.broadcast %parallel_loop3A_382 : i32 to vector<16xi32>
      %parallel_loop3A_384 = arith.cmpi eq, %parallel_loop3A_344, %parallel_loop3A_383 : vector<16xi32>
      %parallel_loop3A_385 = arith.constant 512 : i32
      %parallel_loop3A_386 = vector.broadcast %parallel_loop3A_385 : i32 to vector<16xi32>
      %parallel_loop3A_387 = arith.select %parallel_loop3A_384, %parallel_loop3A_386, %parallel_loop3A_369 : vector<16xi1>, vector<16xi32>
      %parallel_loop3A_388 = arith.constant 0 : i32
      %parallel_loop3A_389 = vector.broadcast %parallel_loop3A_388 : i32 to vector<16xi32>
      %parallel_loop3A_390 = arith.cmpi eq, %parallel_loop3A_351, %parallel_loop3A_389 : vector<16xi32>
      %parallel_loop3A_391 = arith.constant 512 : i32
      %parallel_loop3A_392 = vector.broadcast %parallel_loop3A_391 : i32 to vector<16xi32>
      %parallel_loop3A_393 = arith.select %parallel_loop3A_390, %parallel_loop3A_392, %parallel_loop3A_373 : vector<16xi1>, vector<16xi32>
      %parallel_loop3A_394 = arith.constant 0 : i32
      %parallel_loop3A_395 = vector.broadcast %parallel_loop3A_394 : i32 to vector<16xi32>
      %parallel_loop3A_396 = arith.cmpi eq, %parallel_loop3A_358, %parallel_loop3A_395 : vector<16xi32>
      %parallel_loop3A_397 = arith.constant 512 : i32
      %parallel_loop3A_398 = vector.broadcast %parallel_loop3A_397 : i32 to vector<16xi32>
      %parallel_loop3A_399 = arith.select %parallel_loop3A_396, %parallel_loop3A_398, %parallel_loop3A_377 : vector<16xi1>, vector<16xi32>
      %parallel_loop3A_400 = arith.constant 0 : i32
      %parallel_loop3A_401 = vector.broadcast %parallel_loop3A_400 : i32 to vector<16xi32>
      %parallel_loop3A_402 = arith.cmpi eq, %parallel_loop3A_365, %parallel_loop3A_401 : vector<16xi32>
      %parallel_loop3A_403 = arith.constant 512 : i32
      %parallel_loop3A_404 = vector.broadcast %parallel_loop3A_403 : i32 to vector<16xi32>
      %parallel_loop3A_405 = arith.select %parallel_loop3A_402, %parallel_loop3A_404, %parallel_loop3A_381 : vector<16xi1>, vector<16xi32>
      %parallel_loop3A_406 = arith.constant 0.000000e+00 : f32
      %parallel_loop3A_407 = vector.broadcast %parallel_loop3A_406 : f32 to vector<16xf32>
      %parallel_loop3A_408 = arith.constant 0 : i32
      %parallel_loop3A_409 = arith.constant 64 : i32
      %parallel_loop3A_410 = arith.constant 1 : i32
      %parallel_loop3A_411:8 = scf.for %parallel_loop3A_712 = %parallel_loop3A_408 to %parallel_loop3A_409 step %parallel_loop3A_410 iter_args(%parallel_loop3A_713 = %parallel_loop3A_407, %parallel_loop3A_714 = %parallel_loop3A_407, %parallel_loop3A_715 = %parallel_loop3A_407, %parallel_loop3A_716 = %parallel_loop3A_407, %parallel_loop3A_717 = %parallel_loop3A_407, %parallel_loop3A_718 = %parallel_loop3A_407, %parallel_loop3A_719 = %parallel_loop3A_407, %parallel_loop3A_720 = %parallel_loop3A_407) -> (vector<16xf32>, vector<16xf32>, vector<16xf32>, vector<16xf32>, vector<16xf32>, vector<16xf32>, vector<16xf32>, vector<16xf32>)  : i32 {
        %parallel_loop3A_721 = vector.broadcast %parallel_loop3A_712 : i32 to vector<16xi32>
        %parallel_loop3A_722 = arith.addi %parallel_loop3A_721, %mul3A_327 : vector<16xi32>
        %parallel_loop3A_723 = arith.constant 63 : i32
        %parallel_loop3A_724 = vector.broadcast %parallel_loop3A_723 : i32 to vector<16xi32>
        %parallel_loop3A_725 = arith.andi %parallel_loop3A_722, %parallel_loop3A_724 : vector<16xi32>
        %parallel_loop3A_726 = tpu.vector_load_idx %arg7[%parallel_loop3A_387, %parallel_loop3A_725] : memref<520x64xf32, #tpu.memory_space<vmem>>[vector<16xi32>, vector<16xi32>], vector<16xf32>,
        %parallel_loop3A_727 = tpu.vector_load_idx %arg7[%parallel_loop3A_393, %parallel_loop3A_725] : memref<520x64xf32, #tpu.memory_space<vmem>>[vector<16xi32>, vector<16xi32>], vector<16xf32>,
        %parallel_loop3A_728 = tpu.vector_load_idx %arg7[%parallel_loop3A_399, %parallel_loop3A_725] : memref<520x64xf32, #tpu.memory_space<vmem>>[vector<16xi32>, vector<16xi32>], vector<16xf32>,
        %parallel_loop3A_729 = tpu.vector_load_idx %arg7[%parallel_loop3A_405, %parallel_loop3A_725] : memref<520x64xf32, #tpu.memory_space<vmem>>[vector<16xi32>, vector<16xi32>], vector<16xf32>,
        %parallel_loop3A_730 = arith.addf %parallel_loop3A_726, %parallel_loop3A_727 : vector<16xf32>
        %parallel_loop3A_731 = arith.addf %parallel_loop3A_728, %parallel_loop3A_729 : vector<16xf32>
        %parallel_loop3A_732 = arith.addf %parallel_loop3A_730, %parallel_loop3A_731 : vector<16xf32>
        %parallel_loop3A_733 = arith.mulf %parallel_loop3A_726, %parallel_loop3A_732 : vector<16xf32>
        %parallel_loop3A_734 = arith.addf %parallel_loop3A_713, %parallel_loop3A_733 : vector<16xf32>
        %parallel_loop3A_735 = arith.mulf %parallel_loop3A_727, %parallel_loop3A_732 : vector<16xf32>
        %parallel_loop3A_736 = arith.addf %parallel_loop3A_714, %parallel_loop3A_735 : vector<16xf32>
        %parallel_loop3A_737 = arith.mulf %parallel_loop3A_728, %parallel_loop3A_732 : vector<16xf32>
        %parallel_loop3A_738 = arith.addf %parallel_loop3A_715, %parallel_loop3A_737 : vector<16xf32>
        %parallel_loop3A_739 = arith.mulf %parallel_loop3A_729, %parallel_loop3A_732 : vector<16xf32>
        %parallel_loop3A_740 = arith.addf %parallel_loop3A_716, %parallel_loop3A_739 : vector<16xf32>
        %parallel_loop3A_741 = arith.mulf %parallel_loop3A_726, %parallel_loop3A_726 : vector<16xf32>
        %parallel_loop3A_742 = arith.addf %parallel_loop3A_717, %parallel_loop3A_741 : vector<16xf32>
        %parallel_loop3A_743 = arith.mulf %parallel_loop3A_727, %parallel_loop3A_727 : vector<16xf32>
        %parallel_loop3A_744 = arith.addf %parallel_loop3A_718, %parallel_loop3A_743 : vector<16xf32>
        %parallel_loop3A_745 = arith.mulf %parallel_loop3A_728, %parallel_loop3A_728 : vector<16xf32>
        %parallel_loop3A_746 = arith.addf %parallel_loop3A_719, %parallel_loop3A_745 : vector<16xf32>
        %parallel_loop3A_747 = arith.mulf %parallel_loop3A_729, %parallel_loop3A_729 : vector<16xf32>
        %parallel_loop3A_748 = arith.addf %parallel_loop3A_720, %parallel_loop3A_747 : vector<16xf32>
        scf.yield %parallel_loop3A_734, %parallel_loop3A_736, %parallel_loop3A_738, %parallel_loop3A_740, %parallel_loop3A_742, %parallel_loop3A_744, %parallel_loop3A_746, %parallel_loop3A_748 : vector<16xf32>, vector<16xf32>, vector<16xf32>, vector<16xf32>, vector<16xf32>, vector<16xf32>, vector<16xf32>, vector<16xf32>
      } {sc.loop_unroll_factor = 8 : i64, sc.parallel_access}
      %parallel_loop3A_412 = arith.constant 0.000000e+00 : f32
      %parallel_loop3A_413 = vector.broadcast %parallel_loop3A_412 : f32 to vector<16xf32>
      %parallel_loop3A_414 = arith.cmpi eq, %parallel_loop3A_344, %parallel_loop3A_344 : vector<16xi32>
      %parallel_loop3A_415 = arith.constant 1.000000e+00 : f32
      %parallel_loop3A_416 = arith.constant 0.000000e+00 : f32
      %parallel_loop3A_417 = vector.broadcast %parallel_loop3A_415 : f32 to vector<16xf32>
      %parallel_loop3A_418 = vector.broadcast %parallel_loop3A_416 : f32 to vector<16xf32>
      %parallel_loop3A_419 = arith.select %parallel_loop3A_414, %parallel_loop3A_417, %parallel_loop3A_418 : vector<16xi1>, vector<16xf32>
      %parallel_loop3A_420 = arith.addf %parallel_loop3A_413, %parallel_loop3A_419 : vector<16xf32>
      %parallel_loop3A_421 = arith.cmpi eq, %parallel_loop3A_351, %parallel_loop3A_344 : vector<16xi32>
      %parallel_loop3A_422 = arith.constant 1.000000e+00 : f32
      %parallel_loop3A_423 = arith.constant 0.000000e+00 : f32
      %parallel_loop3A_424 = vector.broadcast %parallel_loop3A_422 : f32 to vector<16xf32>
      %parallel_loop3A_425 = vector.broadcast %parallel_loop3A_423 : f32 to vector<16xf32>
      %parallel_loop3A_426 = arith.select %parallel_loop3A_421, %parallel_loop3A_424, %parallel_loop3A_425 : vector<16xi1>, vector<16xf32>
      %parallel_loop3A_427 = arith.addf %parallel_loop3A_420, %parallel_loop3A_426 : vector<16xf32>
      %parallel_loop3A_428 = arith.cmpi eq, %parallel_loop3A_358, %parallel_loop3A_344 : vector<16xi32>
      %parallel_loop3A_429 = arith.constant 1.000000e+00 : f32
      %parallel_loop3A_430 = arith.constant 0.000000e+00 : f32
      %parallel_loop3A_431 = vector.broadcast %parallel_loop3A_429 : f32 to vector<16xf32>
      %parallel_loop3A_432 = vector.broadcast %parallel_loop3A_430 : f32 to vector<16xf32>
      %parallel_loop3A_433 = arith.select %parallel_loop3A_428, %parallel_loop3A_431, %parallel_loop3A_432 : vector<16xi1>, vector<16xf32>
      %parallel_loop3A_434 = arith.addf %parallel_loop3A_427, %parallel_loop3A_433 : vector<16xf32>
      %parallel_loop3A_435 = arith.cmpi eq, %parallel_loop3A_365, %parallel_loop3A_344 : vector<16xi32>
      %parallel_loop3A_436 = arith.constant 1.000000e+00 : f32
      %parallel_loop3A_437 = arith.constant 0.000000e+00 : f32
      %parallel_loop3A_438 = vector.broadcast %parallel_loop3A_436 : f32 to vector<16xf32>
      %parallel_loop3A_439 = vector.broadcast %parallel_loop3A_437 : f32 to vector<16xf32>
      %parallel_loop3A_440 = arith.select %parallel_loop3A_435, %parallel_loop3A_438, %parallel_loop3A_439 : vector<16xi1>, vector<16xf32>
      %parallel_loop3A_441 = arith.addf %parallel_loop3A_434, %parallel_loop3A_440 : vector<16xf32>
      %parallel_loop3A_442 = arith.mulf %parallel_loop3A_441, %parallel_loop3A_411#4 : vector<16xf32>
      %parallel_loop3A_443 = arith.subf %parallel_loop3A_411#0, %parallel_loop3A_442 : vector<16xf32>
      %parallel_loop3A_444 = arith.constant 0.333333343 : f32
      %parallel_loop3A_445 = vector.broadcast %parallel_loop3A_444 : f32 to vector<16xf32>
      %parallel_loop3A_446 = arith.mulf %parallel_loop3A_443, %parallel_loop3A_445 : vector<16xf32>
      %parallel_loop3A_447 = math.absf %parallel_loop3A_446 : vector<16xf32>
      %parallel_loop3A_448 = arith.constant 0.000000e+00 : f32
      %parallel_loop3A_449 = vector.broadcast %parallel_loop3A_448 : f32 to vector<16xf32>
      %parallel_loop3A_450 = arith.subf %parallel_loop3A_449, %parallel_loop3A_447 : vector<16xf32>
      %parallel_loop3A_451 = math.exp %parallel_loop3A_450 : vector<16xf32>
      %parallel_loop3A_452 = arith.constant -8.466410e-03 : f32
      %parallel_loop3A_453 = vector.broadcast %parallel_loop3A_452 : f32 to vector<16xf32>
      %parallel_loop3A_454 = arith.mulf %parallel_loop3A_453, %parallel_loop3A_451 : vector<16xf32>
      %parallel_loop3A_455 = arith.constant 0.0436592884 : f32
      %parallel_loop3A_456 = vector.broadcast %parallel_loop3A_455 : f32 to vector<16xf32>
      %parallel_loop3A_457 = arith.addf %parallel_loop3A_454, %parallel_loop3A_456 : vector<16xf32>
      %parallel_loop3A_458 = arith.mulf %parallel_loop3A_457, %parallel_loop3A_451 : vector<16xf32>
      %parallel_loop3A_459 = arith.constant -0.106799312 : f32
      %parallel_loop3A_460 = vector.broadcast %parallel_loop3A_459 : f32 to vector<16xf32>
      %parallel_loop3A_461 = arith.addf %parallel_loop3A_458, %parallel_loop3A_460 : vector<16xf32>
      %parallel_loop3A_462 = arith.mulf %parallel_loop3A_461, %parallel_loop3A_451 : vector<16xf32>
      %parallel_loop3A_463 = arith.constant 0.176598653 : f32
      %parallel_loop3A_464 = vector.broadcast %parallel_loop3A_463 : f32 to vector<16xf32>
      %parallel_loop3A_465 = arith.addf %parallel_loop3A_462, %parallel_loop3A_464 : vector<16xf32>
      %parallel_loop3A_466 = arith.mulf %parallel_loop3A_465, %parallel_loop3A_451 : vector<16xf32>
      %parallel_loop3A_467 = arith.constant -0.244533896 : f32
      %parallel_loop3A_468 = vector.broadcast %parallel_loop3A_467 : f32 to vector<16xf32>
      %parallel_loop3A_469 = arith.addf %parallel_loop3A_466, %parallel_loop3A_468 : vector<16xf32>
      %parallel_loop3A_470 = arith.mulf %parallel_loop3A_469, %parallel_loop3A_451 : vector<16xf32>
      %parallel_loop3A_471 = arith.constant 0.332652569 : f32
      %parallel_loop3A_472 = vector.broadcast %parallel_loop3A_471 : f32 to vector<16xf32>
      %parallel_loop3A_473 = arith.addf %parallel_loop3A_470, %parallel_loop3A_472 : vector<16xf32>
      %parallel_loop3A_474 = arith.mulf %parallel_loop3A_473, %parallel_loop3A_451 : vector<16xf32>
      %parallel_loop3A_475 = arith.constant -0.499963552 : f32
      %parallel_loop3A_476 = vector.broadcast %parallel_loop3A_475 : f32 to vector<16xf32>
      %parallel_loop3A_477 = arith.addf %parallel_loop3A_474, %parallel_loop3A_476 : vector<16xf32>
      %parallel_loop3A_478 = arith.mulf %parallel_loop3A_477, %parallel_loop3A_451 : vector<16xf32>
      %parallel_loop3A_479 = arith.constant 0.999999523 : f32
      %parallel_loop3A_480 = vector.broadcast %parallel_loop3A_479 : f32 to vector<16xf32>
      %parallel_loop3A_481 = arith.addf %parallel_loop3A_478, %parallel_loop3A_480 : vector<16xf32>
      %parallel_loop3A_482 = arith.constant 0.000000e+00 : f32
      %parallel_loop3A_483 = vector.broadcast %parallel_loop3A_482 : f32 to vector<16xf32>
      %parallel_loop3A_484 = arith.minimumf %parallel_loop3A_446, %parallel_loop3A_483 : vector<16xf32>
      %parallel_loop3A_485 = arith.mulf %parallel_loop3A_451, %parallel_loop3A_481 : vector<16xf32>
      %parallel_loop3A_486 = arith.subf %parallel_loop3A_484, %parallel_loop3A_485 : vector<16xf32>
      tpu.vector_store_idx %arg9[%parallel_loop3A_369], %parallel_loop3A_486 : memref<512xf32, #tpu.memory_space<vmem>>[vector<16xi32>], vector<16xf32>,
      %parallel_loop3A_487 = arith.constant 0.000000e+00 : f32
      %parallel_loop3A_488 = vector.broadcast %parallel_loop3A_487 : f32 to vector<16xf32>
      %parallel_loop3A_489 = arith.cmpi eq, %parallel_loop3A_344, %parallel_loop3A_351 : vector<16xi32>
      %parallel_loop3A_490 = arith.constant 1.000000e+00 : f32
      %parallel_loop3A_491 = arith.constant 0.000000e+00 : f32
      %parallel_loop3A_492 = vector.broadcast %parallel_loop3A_490 : f32 to vector<16xf32>
      %parallel_loop3A_493 = vector.broadcast %parallel_loop3A_491 : f32 to vector<16xf32>
      %parallel_loop3A_494 = arith.select %parallel_loop3A_489, %parallel_loop3A_492, %parallel_loop3A_493 : vector<16xi1>, vector<16xf32>
      %parallel_loop3A_495 = arith.addf %parallel_loop3A_488, %parallel_loop3A_494 : vector<16xf32>
      %parallel_loop3A_496 = arith.cmpi eq, %parallel_loop3A_351, %parallel_loop3A_351 : vector<16xi32>
      %parallel_loop3A_497 = arith.constant 1.000000e+00 : f32
      %parallel_loop3A_498 = arith.constant 0.000000e+00 : f32
      %parallel_loop3A_499 = vector.broadcast %parallel_loop3A_497 : f32 to vector<16xf32>
      %parallel_loop3A_500 = vector.broadcast %parallel_loop3A_498 : f32 to vector<16xf32>
      %parallel_loop3A_501 = arith.select %parallel_loop3A_496, %parallel_loop3A_499, %parallel_loop3A_500 : vector<16xi1>, vector<16xf32>
      %parallel_loop3A_502 = arith.addf %parallel_loop3A_495, %parallel_loop3A_501 : vector<16xf32>
      %parallel_loop3A_503 = arith.cmpi eq, %parallel_loop3A_358, %parallel_loop3A_351 : vector<16xi32>
      %parallel_loop3A_504 = arith.constant 1.000000e+00 : f32
      %parallel_loop3A_505 = arith.constant 0.000000e+00 : f32
      %parallel_loop3A_506 = vector.broadcast %parallel_loop3A_504 : f32 to vector<16xf32>
      %parallel_loop3A_507 = vector.broadcast %parallel_loop3A_505 : f32 to vector<16xf32>
      %parallel_loop3A_508 = arith.select %parallel_loop3A_503, %parallel_loop3A_506, %parallel_loop3A_507 : vector<16xi1>, vector<16xf32>
      %parallel_loop3A_509 = arith.addf %parallel_loop3A_502, %parallel_loop3A_508 : vector<16xf32>
      %parallel_loop3A_510 = arith.cmpi eq, %parallel_loop3A_365, %parallel_loop3A_351 : vector<16xi32>
      %parallel_loop3A_511 = arith.constant 1.000000e+00 : f32
      %parallel_loop3A_512 = arith.constant 0.000000e+00 : f32
      %parallel_loop3A_513 = vector.broadcast %parallel_loop3A_511 : f32 to vector<16xf32>
      %parallel_loop3A_514 = vector.broadcast %parallel_loop3A_512 : f32 to vector<16xf32>
      %parallel_loop3A_515 = arith.select %parallel_loop3A_510, %parallel_loop3A_513, %parallel_loop3A_514 : vector<16xi1>, vector<16xf32>
      %parallel_loop3A_516 = arith.addf %parallel_loop3A_509, %parallel_loop3A_515 : vector<16xf32>
      %parallel_loop3A_517 = arith.mulf %parallel_loop3A_516, %parallel_loop3A_411#5 : vector<16xf32>
      %parallel_loop3A_518 = arith.subf %parallel_loop3A_411#1, %parallel_loop3A_517 : vector<16xf32>
      %parallel_loop3A_519 = arith.constant 0.333333343 : f32
      %parallel_loop3A_520 = vector.broadcast %parallel_loop3A_519 : f32 to vector<16xf32>
      %parallel_loop3A_521 = arith.mulf %parallel_loop3A_518, %parallel_loop3A_520 : vector<16xf32>
      %parallel_loop3A_522 = math.absf %parallel_loop3A_521 : vector<16xf32>
      %parallel_loop3A_523 = arith.constant 0.000000e+00 : f32
      %parallel_loop3A_524 = vector.broadcast %parallel_loop3A_523 : f32 to vector<16xf32>
      %parallel_loop3A_525 = arith.subf %parallel_loop3A_524, %parallel_loop3A_522 : vector<16xf32>
      %parallel_loop3A_526 = math.exp %parallel_loop3A_525 : vector<16xf32>
      %parallel_loop3A_527 = arith.constant -8.466410e-03 : f32
      %parallel_loop3A_528 = vector.broadcast %parallel_loop3A_527 : f32 to vector<16xf32>
      %parallel_loop3A_529 = arith.mulf %parallel_loop3A_528, %parallel_loop3A_526 : vector<16xf32>
      %parallel_loop3A_530 = arith.constant 0.0436592884 : f32
      %parallel_loop3A_531 = vector.broadcast %parallel_loop3A_530 : f32 to vector<16xf32>
      %parallel_loop3A_532 = arith.addf %parallel_loop3A_529, %parallel_loop3A_531 : vector<16xf32>
      %parallel_loop3A_533 = arith.mulf %parallel_loop3A_532, %parallel_loop3A_526 : vector<16xf32>
      %parallel_loop3A_534 = arith.constant -0.106799312 : f32
      %parallel_loop3A_535 = vector.broadcast %parallel_loop3A_534 : f32 to vector<16xf32>
      %parallel_loop3A_536 = arith.addf %parallel_loop3A_533, %parallel_loop3A_535 : vector<16xf32>
      %parallel_loop3A_537 = arith.mulf %parallel_loop3A_536, %parallel_loop3A_526 : vector<16xf32>
      %parallel_loop3A_538 = arith.constant 0.176598653 : f32
      %parallel_loop3A_539 = vector.broadcast %parallel_loop3A_538 : f32 to vector<16xf32>
      %parallel_loop3A_540 = arith.addf %parallel_loop3A_537, %parallel_loop3A_539 : vector<16xf32>
      %parallel_loop3A_541 = arith.mulf %parallel_loop3A_540, %parallel_loop3A_526 : vector<16xf32>
      %parallel_loop3A_542 = arith.constant -0.244533896 : f32
      %parallel_loop3A_543 = vector.broadcast %parallel_loop3A_542 : f32 to vector<16xf32>
      %parallel_loop3A_544 = arith.addf %parallel_loop3A_541, %parallel_loop3A_543 : vector<16xf32>
      %parallel_loop3A_545 = arith.mulf %parallel_loop3A_544, %parallel_loop3A_526 : vector<16xf32>
      %parallel_loop3A_546 = arith.constant 0.332652569 : f32
      %parallel_loop3A_547 = vector.broadcast %parallel_loop3A_546 : f32 to vector<16xf32>
      %parallel_loop3A_548 = arith.addf %parallel_loop3A_545, %parallel_loop3A_547 : vector<16xf32>
      %parallel_loop3A_549 = arith.mulf %parallel_loop3A_548, %parallel_loop3A_526 : vector<16xf32>
      %parallel_loop3A_550 = arith.constant -0.499963552 : f32
      %parallel_loop3A_551 = vector.broadcast %parallel_loop3A_550 : f32 to vector<16xf32>
      %parallel_loop3A_552 = arith.addf %parallel_loop3A_549, %parallel_loop3A_551 : vector<16xf32>
      %parallel_loop3A_553 = arith.mulf %parallel_loop3A_552, %parallel_loop3A_526 : vector<16xf32>
      %parallel_loop3A_554 = arith.constant 0.999999523 : f32
      %parallel_loop3A_555 = vector.broadcast %parallel_loop3A_554 : f32 to vector<16xf32>
      %parallel_loop3A_556 = arith.addf %parallel_loop3A_553, %parallel_loop3A_555 : vector<16xf32>
      %parallel_loop3A_557 = arith.constant 0.000000e+00 : f32
      %parallel_loop3A_558 = vector.broadcast %parallel_loop3A_557 : f32 to vector<16xf32>
      %parallel_loop3A_559 = arith.minimumf %parallel_loop3A_521, %parallel_loop3A_558 : vector<16xf32>
      %parallel_loop3A_560 = arith.mulf %parallel_loop3A_526, %parallel_loop3A_556 : vector<16xf32>
      %parallel_loop3A_561 = arith.subf %parallel_loop3A_559, %parallel_loop3A_560 : vector<16xf32>
      tpu.vector_store_idx %arg9[%parallel_loop3A_373], %parallel_loop3A_561 : memref<512xf32, #tpu.memory_space<vmem>>[vector<16xi32>], vector<16xf32>,
      %parallel_loop3A_562 = arith.constant 0.000000e+00 : f32
      %parallel_loop3A_563 = vector.broadcast %parallel_loop3A_562 : f32 to vector<16xf32>
      %parallel_loop3A_564 = arith.cmpi eq, %parallel_loop3A_344, %parallel_loop3A_358 : vector<16xi32>
      %parallel_loop3A_565 = arith.constant 1.000000e+00 : f32
      %parallel_loop3A_566 = arith.constant 0.000000e+00 : f32
      %parallel_loop3A_567 = vector.broadcast %parallel_loop3A_565 : f32 to vector<16xf32>
      %parallel_loop3A_568 = vector.broadcast %parallel_loop3A_566 : f32 to vector<16xf32>
      %parallel_loop3A_569 = arith.select %parallel_loop3A_564, %parallel_loop3A_567, %parallel_loop3A_568 : vector<16xi1>, vector<16xf32>
      %parallel_loop3A_570 = arith.addf %parallel_loop3A_563, %parallel_loop3A_569 : vector<16xf32>
      %parallel_loop3A_571 = arith.cmpi eq, %parallel_loop3A_351, %parallel_loop3A_358 : vector<16xi32>
      %parallel_loop3A_572 = arith.constant 1.000000e+00 : f32
      %parallel_loop3A_573 = arith.constant 0.000000e+00 : f32
      %parallel_loop3A_574 = vector.broadcast %parallel_loop3A_572 : f32 to vector<16xf32>
      %parallel_loop3A_575 = vector.broadcast %parallel_loop3A_573 : f32 to vector<16xf32>
      %parallel_loop3A_576 = arith.select %parallel_loop3A_571, %parallel_loop3A_574, %parallel_loop3A_575 : vector<16xi1>, vector<16xf32>
      %parallel_loop3A_577 = arith.addf %parallel_loop3A_570, %parallel_loop3A_576 : vector<16xf32>
      %parallel_loop3A_578 = arith.cmpi eq, %parallel_loop3A_358, %parallel_loop3A_358 : vector<16xi32>
      %parallel_loop3A_579 = arith.constant 1.000000e+00 : f32
      %parallel_loop3A_580 = arith.constant 0.000000e+00 : f32
      %parallel_loop3A_581 = vector.broadcast %parallel_loop3A_579 : f32 to vector<16xf32>
      %parallel_loop3A_582 = vector.broadcast %parallel_loop3A_580 : f32 to vector<16xf32>
      %parallel_loop3A_583 = arith.select %parallel_loop3A_578, %parallel_loop3A_581, %parallel_loop3A_582 : vector<16xi1>, vector<16xf32>
      %parallel_loop3A_584 = arith.addf %parallel_loop3A_577, %parallel_loop3A_583 : vector<16xf32>
      %parallel_loop3A_585 = arith.cmpi eq, %parallel_loop3A_365, %parallel_loop3A_358 : vector<16xi32>
      %parallel_loop3A_586 = arith.constant 1.000000e+00 : f32
      %parallel_loop3A_587 = arith.constant 0.000000e+00 : f32
      %parallel_loop3A_588 = vector.broadcast %parallel_loop3A_586 : f32 to vector<16xf32>
      %parallel_loop3A_589 = vector.broadcast %parallel_loop3A_587 : f32 to vector<16xf32>
      %parallel_loop3A_590 = arith.select %parallel_loop3A_585, %parallel_loop3A_588, %parallel_loop3A_589 : vector<16xi1>, vector<16xf32>
      %parallel_loop3A_591 = arith.addf %parallel_loop3A_584, %parallel_loop3A_590 : vector<16xf32>
      %parallel_loop3A_592 = arith.mulf %parallel_loop3A_591, %parallel_loop3A_411#6 : vector<16xf32>
      %parallel_loop3A_593 = arith.subf %parallel_loop3A_411#2, %parallel_loop3A_592 : vector<16xf32>
      %parallel_loop3A_594 = arith.constant 0.333333343 : f32
      %parallel_loop3A_595 = vector.broadcast %parallel_loop3A_594 : f32 to vector<16xf32>
      %parallel_loop3A_596 = arith.mulf %parallel_loop3A_593, %parallel_loop3A_595 : vector<16xf32>
      %parallel_loop3A_597 = math.absf %parallel_loop3A_596 : vector<16xf32>
      %parallel_loop3A_598 = arith.constant 0.000000e+00 : f32
      %parallel_loop3A_599 = vector.broadcast %parallel_loop3A_598 : f32 to vector<16xf32>
      %parallel_loop3A_600 = arith.subf %parallel_loop3A_599, %parallel_loop3A_597 : vector<16xf32>
      %parallel_loop3A_601 = math.exp %parallel_loop3A_600 : vector<16xf32>
      %parallel_loop3A_602 = arith.constant -8.466410e-03 : f32
      %parallel_loop3A_603 = vector.broadcast %parallel_loop3A_602 : f32 to vector<16xf32>
      %parallel_loop3A_604 = arith.mulf %parallel_loop3A_603, %parallel_loop3A_601 : vector<16xf32>
      %parallel_loop3A_605 = arith.constant 0.0436592884 : f32
      %parallel_loop3A_606 = vector.broadcast %parallel_loop3A_605 : f32 to vector<16xf32>
      %parallel_loop3A_607 = arith.addf %parallel_loop3A_604, %parallel_loop3A_606 : vector<16xf32>
      %parallel_loop3A_608 = arith.mulf %parallel_loop3A_607, %parallel_loop3A_601 : vector<16xf32>
      %parallel_loop3A_609 = arith.constant -0.106799312 : f32
      %parallel_loop3A_610 = vector.broadcast %parallel_loop3A_609 : f32 to vector<16xf32>
      %parallel_loop3A_611 = arith.addf %parallel_loop3A_608, %parallel_loop3A_610 : vector<16xf32>
      %parallel_loop3A_612 = arith.mulf %parallel_loop3A_611, %parallel_loop3A_601 : vector<16xf32>
      %parallel_loop3A_613 = arith.constant 0.176598653 : f32
      %parallel_loop3A_614 = vector.broadcast %parallel_loop3A_613 : f32 to vector<16xf32>
      %parallel_loop3A_615 = arith.addf %parallel_loop3A_612, %parallel_loop3A_614 : vector<16xf32>
      %parallel_loop3A_616 = arith.mulf %parallel_loop3A_615, %parallel_loop3A_601 : vector<16xf32>
      %parallel_loop3A_617 = arith.constant -0.244533896 : f32
      %parallel_loop3A_618 = vector.broadcast %parallel_loop3A_617 : f32 to vector<16xf32>
      %parallel_loop3A_619 = arith.addf %parallel_loop3A_616, %parallel_loop3A_618 : vector<16xf32>
      %parallel_loop3A_620 = arith.mulf %parallel_loop3A_619, %parallel_loop3A_601 : vector<16xf32>
      %parallel_loop3A_621 = arith.constant 0.332652569 : f32
      %parallel_loop3A_622 = vector.broadcast %parallel_loop3A_621 : f32 to vector<16xf32>
      %parallel_loop3A_623 = arith.addf %parallel_loop3A_620, %parallel_loop3A_622 : vector<16xf32>
      %parallel_loop3A_624 = arith.mulf %parallel_loop3A_623, %parallel_loop3A_601 : vector<16xf32>
      %parallel_loop3A_625 = arith.constant -0.499963552 : f32
      %parallel_loop3A_626 = vector.broadcast %parallel_loop3A_625 : f32 to vector<16xf32>
      %parallel_loop3A_627 = arith.addf %parallel_loop3A_624, %parallel_loop3A_626 : vector<16xf32>
      %parallel_loop3A_628 = arith.mulf %parallel_loop3A_627, %parallel_loop3A_601 : vector<16xf32>
      %parallel_loop3A_629 = arith.constant 0.999999523 : f32
      %parallel_loop3A_630 = vector.broadcast %parallel_loop3A_629 : f32 to vector<16xf32>
      %parallel_loop3A_631 = arith.addf %parallel_loop3A_628, %parallel_loop3A_630 : vector<16xf32>
      %parallel_loop3A_632 = arith.constant 0.000000e+00 : f32
      %parallel_loop3A_633 = vector.broadcast %parallel_loop3A_632 : f32 to vector<16xf32>
      %parallel_loop3A_634 = arith.minimumf %parallel_loop3A_596, %parallel_loop3A_633 : vector<16xf32>
      %parallel_loop3A_635 = arith.mulf %parallel_loop3A_601, %parallel_loop3A_631 : vector<16xf32>
      %parallel_loop3A_636 = arith.subf %parallel_loop3A_634, %parallel_loop3A_635 : vector<16xf32>
      tpu.vector_store_idx %arg9[%parallel_loop3A_377], %parallel_loop3A_636 : memref<512xf32, #tpu.memory_space<vmem>>[vector<16xi32>], vector<16xf32>,
      %parallel_loop3A_637 = arith.constant 0.000000e+00 : f32
      %parallel_loop3A_638 = vector.broadcast %parallel_loop3A_637 : f32 to vector<16xf32>
      %parallel_loop3A_639 = arith.cmpi eq, %parallel_loop3A_344, %parallel_loop3A_365 : vector<16xi32>
      %parallel_loop3A_640 = arith.constant 1.000000e+00 : f32
      %parallel_loop3A_641 = arith.constant 0.000000e+00 : f32
      %parallel_loop3A_642 = vector.broadcast %parallel_loop3A_640 : f32 to vector<16xf32>
      %parallel_loop3A_643 = vector.broadcast %parallel_loop3A_641 : f32 to vector<16xf32>
      %parallel_loop3A_644 = arith.select %parallel_loop3A_639, %parallel_loop3A_642, %parallel_loop3A_643 : vector<16xi1>, vector<16xf32>
      %parallel_loop3A_645 = arith.addf %parallel_loop3A_638, %parallel_loop3A_644 : vector<16xf32>
      %parallel_loop3A_646 = arith.cmpi eq, %parallel_loop3A_351, %parallel_loop3A_365 : vector<16xi32>
      %parallel_loop3A_647 = arith.constant 1.000000e+00 : f32
      %parallel_loop3A_648 = arith.constant 0.000000e+00 : f32
      %parallel_loop3A_649 = vector.broadcast %parallel_loop3A_647 : f32 to vector<16xf32>
      %parallel_loop3A_650 = vector.broadcast %parallel_loop3A_648 : f32 to vector<16xf32>
      %parallel_loop3A_651 = arith.select %parallel_loop3A_646, %parallel_loop3A_649, %parallel_loop3A_650 : vector<16xi1>, vector<16xf32>
      %parallel_loop3A_652 = arith.addf %parallel_loop3A_645, %parallel_loop3A_651 : vector<16xf32>
      %parallel_loop3A_653 = arith.cmpi eq, %parallel_loop3A_358, %parallel_loop3A_365 : vector<16xi32>
      %parallel_loop3A_654 = arith.constant 1.000000e+00 : f32
      %parallel_loop3A_655 = arith.constant 0.000000e+00 : f32
      %parallel_loop3A_656 = vector.broadcast %parallel_loop3A_654 : f32 to vector<16xf32>
      %parallel_loop3A_657 = vector.broadcast %parallel_loop3A_655 : f32 to vector<16xf32>
      %parallel_loop3A_658 = arith.select %parallel_loop3A_653, %parallel_loop3A_656, %parallel_loop3A_657 : vector<16xi1>, vector<16xf32>
      %parallel_loop3A_659 = arith.addf %parallel_loop3A_652, %parallel_loop3A_658 : vector<16xf32>
      %parallel_loop3A_660 = arith.cmpi eq, %parallel_loop3A_365, %parallel_loop3A_365 : vector<16xi32>
      %parallel_loop3A_661 = arith.constant 1.000000e+00 : f32
      %parallel_loop3A_662 = arith.constant 0.000000e+00 : f32
      %parallel_loop3A_663 = vector.broadcast %parallel_loop3A_661 : f32 to vector<16xf32>
      %parallel_loop3A_664 = vector.broadcast %parallel_loop3A_662 : f32 to vector<16xf32>
      %parallel_loop3A_665 = arith.select %parallel_loop3A_660, %parallel_loop3A_663, %parallel_loop3A_664 : vector<16xi1>, vector<16xf32>
      %parallel_loop3A_666 = arith.addf %parallel_loop3A_659, %parallel_loop3A_665 : vector<16xf32>
      %parallel_loop3A_667 = arith.mulf %parallel_loop3A_666, %parallel_loop3A_411#7 : vector<16xf32>
      %parallel_loop3A_668 = arith.subf %parallel_loop3A_411#3, %parallel_loop3A_667 : vector<16xf32>
      %parallel_loop3A_669 = arith.constant 0.333333343 : f32
      %parallel_loop3A_670 = vector.broadcast %parallel_loop3A_669 : f32 to vector<16xf32>
      %parallel_loop3A_671 = arith.mulf %parallel_loop3A_668, %parallel_loop3A_670 : vector<16xf32>
      %parallel_loop3A_672 = math.absf %parallel_loop3A_671 : vector<16xf32>
      %parallel_loop3A_673 = arith.constant 0.000000e+00 : f32
      %parallel_loop3A_674 = vector.broadcast %parallel_loop3A_673 : f32 to vector<16xf32>
      %parallel_loop3A_675 = arith.subf %parallel_loop3A_674, %parallel_loop3A_672 : vector<16xf32>
      %parallel_loop3A_676 = math.exp %parallel_loop3A_675 : vector<16xf32>
      %parallel_loop3A_677 = arith.constant -8.466410e-03 : f32
      %parallel_loop3A_678 = vector.broadcast %parallel_loop3A_677 : f32 to vector<16xf32>
      %parallel_loop3A_679 = arith.mulf %parallel_loop3A_678, %parallel_loop3A_676 : vector<16xf32>
      %parallel_loop3A_680 = arith.constant 0.0436592884 : f32
      %parallel_loop3A_681 = vector.broadcast %parallel_loop3A_680 : f32 to vector<16xf32>
      %parallel_loop3A_682 = arith.addf %parallel_loop3A_679, %parallel_loop3A_681 : vector<16xf32>
      %parallel_loop3A_683 = arith.mulf %parallel_loop3A_682, %parallel_loop3A_676 : vector<16xf32>
      %parallel_loop3A_684 = arith.constant -0.106799312 : f32
      %parallel_loop3A_685 = vector.broadcast %parallel_loop3A_684 : f32 to vector<16xf32>
      %parallel_loop3A_686 = arith.addf %parallel_loop3A_683, %parallel_loop3A_685 : vector<16xf32>
      %parallel_loop3A_687 = arith.mulf %parallel_loop3A_686, %parallel_loop3A_676 : vector<16xf32>
      %parallel_loop3A_688 = arith.constant 0.176598653 : f32
      %parallel_loop3A_689 = vector.broadcast %parallel_loop3A_688 : f32 to vector<16xf32>
      %parallel_loop3A_690 = arith.addf %parallel_loop3A_687, %parallel_loop3A_689 : vector<16xf32>
      %parallel_loop3A_691 = arith.mulf %parallel_loop3A_690, %parallel_loop3A_676 : vector<16xf32>
      %parallel_loop3A_692 = arith.constant -0.244533896 : f32
      %parallel_loop3A_693 = vector.broadcast %parallel_loop3A_692 : f32 to vector<16xf32>
      %parallel_loop3A_694 = arith.addf %parallel_loop3A_691, %parallel_loop3A_693 : vector<16xf32>
      %parallel_loop3A_695 = arith.mulf %parallel_loop3A_694, %parallel_loop3A_676 : vector<16xf32>
      %parallel_loop3A_696 = arith.constant 0.332652569 : f32
      %parallel_loop3A_697 = vector.broadcast %parallel_loop3A_696 : f32 to vector<16xf32>
      %parallel_loop3A_698 = arith.addf %parallel_loop3A_695, %parallel_loop3A_697 : vector<16xf32>
      %parallel_loop3A_699 = arith.mulf %parallel_loop3A_698, %parallel_loop3A_676 : vector<16xf32>
      %parallel_loop3A_700 = arith.constant -0.499963552 : f32
      %parallel_loop3A_701 = vector.broadcast %parallel_loop3A_700 : f32 to vector<16xf32>
      %parallel_loop3A_702 = arith.addf %parallel_loop3A_699, %parallel_loop3A_701 : vector<16xf32>
      %parallel_loop3A_703 = arith.mulf %parallel_loop3A_702, %parallel_loop3A_676 : vector<16xf32>
      %parallel_loop3A_704 = arith.constant 0.999999523 : f32
      %parallel_loop3A_705 = vector.broadcast %parallel_loop3A_704 : f32 to vector<16xf32>
      %parallel_loop3A_706 = arith.addf %parallel_loop3A_703, %parallel_loop3A_705 : vector<16xf32>
      %parallel_loop3A_707 = arith.constant 0.000000e+00 : f32
      %parallel_loop3A_708 = vector.broadcast %parallel_loop3A_707 : f32 to vector<16xf32>
      %parallel_loop3A_709 = arith.minimumf %parallel_loop3A_671, %parallel_loop3A_708 : vector<16xf32>
      %parallel_loop3A_710 = arith.mulf %parallel_loop3A_676, %parallel_loop3A_706 : vector<16xf32>
      %parallel_loop3A_711 = arith.subf %parallel_loop3A_709, %parallel_loop3A_710 : vector<16xf32>
      tpu.vector_store_idx %arg9[%parallel_loop3A_381], %parallel_loop3A_711 : memref<512xf32, #tpu.memory_space<vmem>>[vector<16xi32>], vector<16xf32>,
    } {sc.loop_unroll_factor = 1 : i64, sc.parallel_access}
    %mul3A_331 = arith.constant 2048 : i32
    %mul3A_332 = arith.muli %add3A, %mul3A_331 : i32
    %add3A_333 = arith.constant 1536 : i32
    %add3A_334 = arith.addi %mul3A_332, %add3A_333 : i32
    "tpu.region"() ({
      %run_scoped3A = tpu.sem_alloc : memref<!tpu.dma_semaphore, #tpu.memory_space<semaphore_mem>>
      %dma_start3A_335 = tpu.memref_slice %arg4[%add3A_334] : memref<65536xf32, #tpu.memory_space<hbm>> -> memref<512xf32, #tpu.memory_space<hbm>>
      %dma_start3A_336 = tpu.memref_slice %arg4[%add3A_334] : memref<65536xf32, #tpu.memory_space<hbm>> -> memref<512xf32, #tpu.memory_space<hbm>>
      tpu.enqueue_dma source(%arg9 : memref<512xf32, #tpu.memory_space<vmem>>) target(%dma_start3A_336 : memref<512xf32, #tpu.memory_space<hbm>>) target_semaphore(%run_scoped3A : memref<!tpu.dma_semaphore, #tpu.memory_space<semaphore_mem>>)
      %dma_wait3A_337 = tpu.memref_slice %arg4[%add3A_334] : memref<65536xf32, #tpu.memory_space<hbm>> -> memref<512xf32, #tpu.memory_space<hbm>>
      %dma_wait3A_338 = tpu.memref_slice %arg4[%add3A_334] : memref<65536xf32, #tpu.memory_space<hbm>> -> memref<512xf32, #tpu.memory_space<hbm>>
      tpu.wait_dma2 semaphore(%run_scoped3A : memref<!tpu.dma_semaphore, #tpu.memory_space<semaphore_mem>>) src(%arg9 : memref<512xf32, #tpu.memory_space<vmem>>) dst(%dma_wait3A_338 : memref<512xf32, #tpu.memory_space<hbm>>)
      tpu.yield
    }) : () -> ()
    return
  }
}

</mosaic_0001>

<sc_bundles>
// kernel: kernel.3.cloned.1.call-start
scs
__scs_entry_jumppad:
0x0: {  	(pc) =	sbr.rel $0x88, $3  }
0x1: {  	(tag) =	ssettag $0x0;
	lr =	simm.s32 $0x1  }
0x2: {  	[smem:$0x3F9F] =	sst lr;
	_ =	strace $0xD0000000  }
0x3: {  	_ = 	snop  }
0x4: {  	_ = 	snop  }
0x5: {  	_ = 	snop  }
0x6: {  	_ = 	snop  }
0x7: {  	_ = 	snop  }
__scs_overlays_trampoline_lowered:
0x8: {  	[smem:$0x3FAE] =	sst s0  }
0x9: {  	[smem:$0x3FAF] =	sst s1  }
0xa: {  	[smem:$0x3FB0] =	sst s2  }
0xb: {  	[smem:$0x3FB1] =	sst s3  }
0xc: {  	[smem:$0x3FB2] =	sst s4  }
0xd: {  	[smem:$0x3FB3] =	sst s5  }
0xe: {  	[smem:$0x3FB4] =	sst s6  }
0xf: {  	[smem:$0x3FB5] =	sst s7  }
0x10: {  	[smem:$0x3FB6] =	sst s8  }
0x11: {  	[smem:$0x3FB7] =	sst s9;
	s0 =	simm.s32 @!p0 $0x0  }
0x12: {  	s1 =	sld [smem:$0x3F9D];
	s0 =	simm.s32 @p0 $0x1  }
0x13: {  	[smem:$0x3FB8] =	sst s0;
	s0 =	simm.s32 @!p1 $0x0  }
0x14: {  	s2 =	sld [smem:$0x3F9C];
	s0 =	simm.s32 @p1 $0x1  }
0x15: {  	[smem:$0x3FB9] =	sst s0;
	s0 =	simm.s32 @!p2 $0x0  }
0x16: {  	s3 =	sld [smem:$0x3FDB];
	s0 =	simm.s32 @p2 $0x1  }
0x17: {  	s4 =	simm.s32 $0x1BF5;
	[smem:$0x3FBB] =	sst s0  }
0x18: {  	s0 =	sld [smem:$0x3F9E];
	_ =	swait.ge [sflag:s4], $0x0  }
0x19: {  	s7 =	sld [smem:$0x3F9F]  }
0x1a: {  	s8 =	sadd.s32 $0xFFFFE003, lr  }
0x1b: {  	s9 =	sadd.s32 $0xFFFFFEF7, lr;
	s5 =	simm.s32 $0xFFFFFFFF;
	p2 =	slt.u32 s8, $0xFFFFF086  }
0x1c: {  	p1 =	slt.u32 s9, $0xF7A;
	s5 =	simm.s32 @!p2 $0x0  }
0x1d: {  	s5 =	simm.s32 @p1 $0x1;
	p0 =	seq.s32 s7, s2  }
0x1e: {  	s7 =	smul.u32 @!p0 $0xF7A, s2;
	p2 =	seq.s32 @!p0 s5, $0x0  }
0x1f: {  	s9 =	smul.u32 $0xF7A, s1;
	s8 =	simm.s32 @!p0 $0x1BF5;
	p2 =	por !p2, p0  }
0x20: {  	[sflag:s8] =	ssyncset.s32 @!p0 $0xFFFFF086;
	s6 =	sadd.s32 @!p0 s3, s7;
	s7 =	simm.s32 @!p0 $0x108  }
0x21: {  	s3 =	sadd.s32 s3, s9;
	s6 =	sadd.s32 @!p0 $0x88, s6;
	s7 =	simm.s32 @p2 $0x1082  }
0x22: {  	[simem:s7], [sflag:s8] =	dma.local @!p0 [hbm:s6], $0xF7A  }
0x23: {  	s9 =	sor.u32 $0xD0000000, s2;
	s6 =	simm.s32 $0x108;
	_ =	swait.ge @!p0 [sflag:s8], $0x0  }
0x24: {  	s3 =	sadd.s32 $0x88, s3;
	s6 =	simm.s32 @!p1 $0x1082;
	[sflag:s4] =	ssyncset.s32 $0xFFFFF086  }
0x25: {  	[simem:s6], [sflag:s4] =	dma.local [hbm:s3], $0xF7A  }
0x26: {  	[smem:$0x3F9F] =	sst s1;
	(tag) =	ssettag s2;
	_ =	strace s9  }
0x27: {  	s1 =	sld [smem:$0x3FAF]  }
0x28: {  	s2 =	sld [smem:$0x3FB0]  }
0x29: {  	s4 =	sld [smem:$0x3FB2]  }
0x2a: {  	p0 =	seq.s32 s5, $0x0;
	s5 =	sld [smem:$0x3FB3]  }
0x2b: {  	s6 =	sld [smem:$0x3FB4]  }
0x2c: {  	s7 =	sld [smem:$0x3FB5]  }
0x2d: {  	s3 =	simm.s32 $0x108;
	s8 =	sld [smem:$0x3FB6]  }
0x2e: {  	s3 =	simm.s32 @!p0 $0x1082;
	s9 =	sld [smem:$0x3FB7]  }
0x2f: {  	lr =	sadd.s32 s0, s3;
	s0 =	sld [smem:$0x3FAE]  }
0x30: {  	s3 =	sld [smem:$0x3FB1]  }
0x31: {  	[smem:$0x3FBA] =	sst s10  }
0x32: {  	s10 =	sld [smem:$0x3FB8];
	_ =	sdelay $0x3  }
0x33: {  	p0 =	seq.s32 s10, $0x1;
	s10 =	sld [smem:$0x3FBA];
	_ =	sdelay $0x3  }
0x34: {  	[smem:$0x3FBA] =	sst s10  }
0x35: {  	s10 =	sld [smem:$0x3FB9];
	_ =	sdelay $0x3  }
0x36: {  	p1 =	seq.s32 s10, $0x1;
	s10 =	sld [smem:$0x3FBA];
	_ =	sdelay $0x3  }
0x37: {  	[smem:$0x3FBA] =	sst s10  }
0x38: {  	s10 =	sld [smem:$0x3FBB]  }
0x39: {  	_ = 	snop;
	(pc) =	sbr.ind lr, $3  }
0x3a: {  	_ = 	snop  }
0x3b: {  	_ = 	snop  }
0x3c: {  	p2 =	seq.s32 s10, $0x1;
	s10 =	sld [smem:$0x3FBA]  }
0x3d: {  	_ =	shalt  }
0x3e: {  	_ =	shalt  }
0x3f: {  	_ =	shalt  }
0x40: {  	_ =	shalt  }
0x41: {  	_ =	shalt  }
0x42: {  	_ =	shalt  }
0x43: {  	_ =	shalt  }
0x44: {  	_ =	shalt  }
0x45: {  	_ =	shalt  }
0x46: {  	_ =	shalt  }
0x47: {  	_ =	shalt  }
0x48: {  	_ =	shalt  }
0x49: {  	_ =	shalt  }
0x4a: {  	_ =	shalt  }
0x4b: {  	_ =	shalt  }
0x4c: {  	_ =	shalt  }
0x4d: {  	_ =	shalt  }
0x4e: {  	_ =	shalt  }
0x4f: {  	_ =	shalt  }
0x50: {  	_ =	shalt  }
0x51: {  	_ =	shalt  }
0x52: {  	_ =	shalt  }
0x53: {  	_ =	shalt  }
0x54: {  	_ =	shalt  }
0x55: {  	_ =	shalt  }
0x56: {  	_ =	shalt  }
0x57: {  	_ =	shalt  }
0x58: {  	_ =	shalt  }
0x59: {  	_ =	shalt  }
0x5a: {  	_ =	shalt  }
0x5b: {  	_ =	shalt  }
0x5c: {  	_ =	shalt  }
0x5d: {  	_ =	shalt  }
0x5e: {  	_ =	shalt  }
0x5f: {  	_ =	shalt  }
0x60: {  	_ =	shalt  }
0x61: {  	_ =	shalt  }
0x62: {  	_ =	shalt  }
0x63: {  	_ =	shalt  }
0x64: {  	_ =	shalt  }
0x65: {  	_ =	shalt  }
0x66: {  	_ =	shalt  }
0x67: {  	_ =	shalt  }
0x68: {  	_ =	shalt  }
0x69: {  	_ =	shalt  }
0x6a: {  	_ =	shalt  }
0x6b: {  	_ =	shalt  }
0x6c: {  	_ =	shalt  }
0x6d: {  	_ =	shalt  }
0x6e: {  	_ =	shalt  }
0x6f: {  	_ =	shalt  }
0x70: {  	_ =	shalt  }
0x71: {  	_ =	shalt  }
0x72: {  	_ =	shalt  }
0x73: {  	_ =	shalt  }
0x74: {  	_ =	shalt  }
0x75: {  	_ =	shalt  }
0x76: {  	_ =	shalt  }
0x77: {  	_ =	shalt  }
0x78: {  	_ =	shalt  }
0x79: {  	_ =	shalt  }
0x7a: {  	_ =	shalt  }
0x7b: {  	_ =	shalt  }
0x7c: {  	_ =	shalt  }
0x7d: {  	_ =	shalt  }
0x7e: {  	_ =	shalt  }
0x7f: {  	_ =	shalt  }
0x80: {  	_ =	shalt  }
0x81: {  	_ =	shalt  }
0x82: {  	_ =	shalt  }
0x83: {  	_ =	shalt  }
0x84: {  	_ =	shalt  }
0x85: {  	_ =	shalt  }
0x86: {  	_ =	shalt  }
0x87: {  	_ =	shalt  }
.Lfunc_end0:
.L_simem_size_0:
called_computation_lowered:
.L_overlay_start_0:
0x88: {  	s2 =	sld [smem:$0x3FD9]  }
0x89: {  	s3 =	sld [smem:$0x3FFE];
	_ =	sdelay $0x1  }
0x8a: {  	s1 =	srdreg.scid  }
0x8b: {  	s0 =	sand.u32 $0x1, s1  }
0x8c: {  	s17 =	sshll.u32 s0, $0xA;
	s2 =	sadd.s32 s3, s2  }
0x8d: {  	s2 =	sadd.s32 s2, s17  }
0x8e: {  	[smem:$0x3FC6] =	sst s2  }
0x8f: {  	_ = 	snop  }
0x90: {  	s2 =	sld [smem:$0x3FD0];
	(tm) =	ssettm $0x1  }
0x91: {  	s18 =	sld [smem:$0x3FFB];
	_ =	sdelay $0x3  }
0x92: {  	_ =	strace s18  }
0x93: {  	s3 =	sld [smem:$0x3FFC];
	_ =	sdelay $0x3  }
0x94: {  	_ =	strace s3  }
0x95: {  	s3 =	sld [smem:$0x3FFD];
	_ =	sdelay $0x3  }
0x96: {  	_ =	strace s3  }
0x97: {  	_ =	strace $0x8FFFFFFF  }
0x98: {  	s19 =	sld [smem:$0x3FDB];
	_ =	sdelay $0x1  }
0x99: {  	s4 =	simm.s32 $_scs_section_size  }
0x9a: {  	s5 =	simm.s32 $_size__tile_overlayer_lowered;
	s6 =	simm.s32 $_tile_overlayer_lowered  }
0x9b: {  	s22 =	simm.s32 $0x1BFF;
	s21 =	sshll.u32 s6, $0x1;
	s3 =	sadd.s32 s4, s19  }
0x9c: {  	s7 =	simm.s32 $0x0;
	s20 =	sshll.u32 s5, $0x1;
	s5 =	sadd.s32 s21, s3  }
0x9d: {  	[timem:s7], [sflag:s22] =	dma.local [hbm:s5], s20  }
0x9e: {  	_ =	swait.ge [sflag:s22], s20  }
0x9f: {  	s4 =	ssub.s32 $0x0, s20;
	[sflag:s22] =	ssyncset.done $0x0  }
0xa0: {  	[sflag:s22] =	ssyncadd.s32 s4;
	_ =	sdelay $0x1  }
0xa1: {  	s23 =	simm.s32 $0x1B8B  }
0xa2: {  	_ =	swait.ge [sflag:s23], $0x1  }
0xa3: {  	[sflag:s23] =	ssyncset.done $0x0  }
0xa4: {  	s25 =	simm.s32 $0x1B8E;
	s24 =	sld [smem:$0x3FFE];
	[sflag:s23] =	ssyncadd.s32 $0xFFFFFFFF  }
0xa5: {  	s26 =	simm.s32 $execute0_lowered;
	[smem:$0x3FD2] =	sst s25  }
0xa6: {  	s5 =	sshll.u32 s26, $0x1;
	_ =	strace $0x80000046;
	[dreg:$0x1] =	wrdreg $0xFFFFFFFF  }
0xa7: {  	s28 =	simm.s32 $_size_execute0_lowered;
	s3 =	sadd.s32 s3, s5;
	[dreg:$0x0] =	wrdreg $0x0  }
0xa8: {  	s5 =	sshll.u32 s28, $0x1;
	[dreg:$0x2] =	wrdreg s3  }
0xa9: {  	[dreg:$0x3] =	wrdreg s5  }
0xaa: {  	[dreg:$0x4] =	wrdreg $0xC0  }
0xab: {  	_ =	task [dreg:s7], $0x5FFFF  }
0xac: {  	[dreg:$0x1] =	wrdreg $0xFFFFFFFF  }
0xad: {  	[dreg:$0x0] =	wrdreg $0x60  }
0xae: {  	[dreg:$0x2] =	wrdreg s24  }
0xaf: {  	[dreg:$0x3] =	wrdreg s2  }
0xb0: {  	[dreg:$0x4] =	wrdreg $0x9  }
0xb1: {  	_ =	task.clear_ibuf [dreg:s7], $0x5FFFF;
	_ =	strace $0x90000046  }
0xb2: {  	s29 =	simm.s32 $0x9;
	_ =	strace $0x80000048  }
0xb3: {  	_ =	swait.ge [sflag:s29], $0x1  }
0xb4: {  	[sflag:s29] =	ssyncadd.s32 $0xFFFFFFFF  }
0xb5: {  	_ =	strace $0x90000048  }
0xb6: {  	_ =	sfence  }
0xb7: {  	s30 =	sld [smem:$0x0];
	_ =	sdelay $0x2  }
0xb8: {  	s31 =	sshll.u32 s1, $0xD;
	s1 =	sshrl.u32 s1, $0x2  }
0xb9: {  	s3 =	sand.u32 $0x4000, s31;
	s1 =	sadd.s32 s1, s30  }
0xba: {  	s0 =	sor.u32 s3, s0;
	s1 =	sshll.u32 s1, $0x11  }
0xbb: {  	s0 =	sor.u32 s1, s0  }
0xbc: {  	s0 =	sadd.s32 $0x8F2B, s0  }
0xbd: {  	[sflag:s0] =	ssyncadd.remote.s32 $0x1  }
0xbe: {  	_ =	sfence.sel $0xFFFF  }
0xbf: {  	[dreg:$0x0] =	wrdreg $0xFFFFFFFF;
	(pc) =	sbr.abs _section_cstart, $3  }
0xc0: {  	[dreg:$0x1] =	wrdreg $0xFFFFFFFF  }
0xc1: {  	_ =	task.clear_ibuf [dreg:s7], $0x2FFFF;
	_ =	strace $0x9FFFFFFF  }
0xc2: {  	(tm) =	ssettm $0x7FFFFFFF  }
0xc3: {  	_ =	shalt  }
tec
execute0_lowered:
.L_overlay_start_1:
0x0: {  	(tag) =	ssettag $0x1  }
0x1: {  	s0 =	rddreg [dreg:$0x0]  }
0x2: {  	s1 =	rddreg [dreg:$0x1];
	s3 =	srdreg.scid;
	s2 =	simm.s32 $0x0  }
0x3: {  	s4 =	stileid.u32;
	s10 =	simm.s32 $0x3;
	s11 =	simm.s32 $0x80  }
0x4: {  	s12 =	simm.s32 $0x800;
	s13 =	simm.s32 $0x2800;
	s15 =	simm.s32 $0x4800  }
0x5: {  	s17 =	simm.s32 $0x6800;
	s19 =	simm.s32 $0x8A00;
	s21 =	simm.s32 $0xAA00  }
0x6: {  	s23 =	simm.s32 $0xCA00;
	s25 =	simm.s32 $0xEA00;
	s26 =	simm.s32 $0x1  }
0x7: {  	s28 =	simm.s32 $0x10C00;
	s14 =	simm.s32 $0x10E00;
	s18 =	simm.s32 $0x680  }
0x8: {  	s20 =	simm.s32 $0x700;
	s22 =	simm.s32 $0x780;
	s24 =	simm.s32 $0x0  }
0x9: {  	v0 =	vlaneseq.u32;
	s3 =	sand.u32 $0x1, s3;
	[smem:$0x7FF] =	sst s2;
	s4 =	sshll.u32 s4, $0x9  }
0xa: {  	v1 =	vand.u32 $0x1, v0;
	v2 =	vmul.u32 $0x4, v0;
	v63 =	vand.u32 $0x7, v0;
	s5 =	sshll.u32 s3, $0x8;
	_ =	strace $0x80000047;
	s30 =	ssub.s32 $0x2, s3  }
0xb: {  	v15 =	vmul.u32 $0x11, v0;
	s3 =	sadd.s32 $0x187000, s0;
	v1 =	vmul.u32 $0x4, v1;
	[tilespmem:$0x1FFE0] =	vst v63;
	s5 =	sor.u32 s5, s4;
	s31 =	sshrl.u32 s30, $0x1  }
0xc: {  	[tilespmem:$0x1FFC0] =	vst v2;
	s6 =	sadd.s32 s5, s0;
	s0 =	ssub.s32 s30, s31;
	s5 =	sadd.s32 s1, s5  }
0xd: {  	[tilespmem:$0x1FFF0] =	vst v15;
	s1 =	simm.s32 $0x2;
	v1 =	vor.u32 $0xFFFFFFF8, v1;
	s4 =	sadd.s32 $0x600, s6;
	s6 =	sadd.s32 $0x40, s5  }
0xe: {  	s7 =	sadd.s32 $0x80, s5;
	s8 =	sadd.s32 $0xC0, s5;
	s9 =	smax.u32 s0, $0x1;
	[tilespmem:$0x1FFD0] =	vst v1  }
.LBB2_1:
0xf: {  	[tilespmem:s2], [sflag:$0x3] =	stream.linear.gather [hbm4b:s4+s2], $0x800, $0x38;
	[tilespmem:$0x11000] =	vst v63  }
0x10: {  	_ =	swait.ge [sflag:s10], $0x800  }
0x11: {  	[sflag:s10] =	ssyncset.done $0x0  }
0x12: {  	v0 =	vimm.f32 $0.0e+00;
	[sflag:s10] =	ssyncadd.s32 $0xFFFFF800  }
0x13: {  	[tilespmem:$0x8800] =	vst v0  }
0x14: {  	[tilespmem:$0x8810] =	vst v0  }
0x15: {  	[tilespmem:$0x8820] =	vst v0  }
0x16: {  	[tilespmem:$0x8830] =	vst v0  }
0x17: {  	[tilespmem:$0x10A00] =	vst v0  }
0x18: {  	[tilespmem:$0x10A10] =	vst v0  }
0x19: {  	[tilespmem:$0x10A20] =	vst v0  }
0x1a: {  	[tilespmem:$0x10A30] =	vst v0  }
0x1b: {  	[tilespmem:s12], [sflag:$0x1] =	stream.indirect.gather [hbm4b:s3+s11], $0x40, s2, s11, $0xb8;
	[tilespmem:$0x11000] =	vst v63  }
0x1c: {  	_ = 	snop  }
0x1d: {  	[tilespmem:s13], [sflag:$0x1] =	stream.indirect.gather [hbm4b:s3+s11], $0x40, s11, s11, $0xb8;
	[tilespmem:$0x11000] =	vst v63  }
0x1e: {  	s0 =	simm.s32 $0x100  }
0x1f: {  	[tilespmem:s15], [sflag:$0x1] =	stream.indirect.gather [hbm4b:s3+s11], $0x40, s0, s11, $0xb8;
	[tilespmem:$0x11000] =	vst v63  }
0x20: {  	s30 =	simm.s32 $0x180  }
0x21: {  	[tilespmem:s17], [sflag:$0x1] =	stream.indirect.gather [hbm4b:s3+s11], $0x40, s30, s11, $0xb8;
	[tilespmem:$0x11000] =	vst v63  }
0x22: {  	s31 =	simm.s32 $0x200  }
0x23: {  	[tilespmem:s19], [sflag:$0x2] =	stream.indirect.gather [hbm4b:s3+s11], $0x40, s31, s11, $0xb8;
	[tilespmem:$0x11000] =	vst v63  }
0x24: {  	s16 =	simm.s32 $0x280  }
0x25: {  	[tilespmem:s21], [sflag:$0x2] =	stream.indirect.gather [hbm4b:s3+s11], $0x40, s16, s11, $0xb8;
	[tilespmem:$0x11000] =	vst v63  }
0x26: {  	s30 =	simm.s32 $0x300  }
0x27: {  	[tilespmem:s23], [sflag:$0x2] =	stream.indirect.gather [hbm4b:s3+s11], $0x40, s30, s11, $0xb8;
	[tilespmem:$0x11000] =	vst v63  }
0x28: {  	s31 =	simm.s32 $0x380  }
0x29: {  	[tilespmem:s25], [sflag:$0x2] =	stream.indirect.gather [hbm4b:s3+s11], $0x40, s31, s11, $0xb8;
	[tilespmem:$0x11000] =	vst v63  }
0x2a: {  	_ =	swait.ge [sflag:s26], $0x2000  }
0x2b: {  	[sflag:s26] =	ssyncset.done $0x0  }
0x2c: {  	[sflag:s26] =	ssyncadd.s32 $0xFFFFE000  }
0x2d: {  	_ =	swait.ge [sflag:s26], $0x2000  }
0x2e: {  	[sflag:s26] =	ssyncset.done $0x0  }
0x2f: {  	[sflag:s26] =	ssyncadd.s32 $0xFFFFE000  }
0x30: {  	_ =	swait.ge [sflag:s26], $0x2000  }
0x31: {  	[sflag:s26] =	ssyncset.done $0x0  }
0x32: {  	[sflag:s26] =	ssyncadd.s32 $0xFFFFE000  }
0x33: {  	_ =	swait.ge [sflag:s26], $0x2000  }
0x34: {  	[sflag:s26] =	ssyncset.done $0x0  }
0x35: {  	s29 =	simm.s32 $0x0;
	[sflag:s26] =	ssyncadd.s32 $0xFFFFE000  }
.LBB2_2:
0x36: {  	v1 =	vld [tilespmem:$0x1FFC0]  }
0x37: {  	v2 =	vld [tilespmem:$0x1FFD0];
	_ =	sdelay $0x2  }
0x38: {  	s30 =	sshll.u32 s29, $0x6  }
0x39: {  	v0 =	vor.u32 s30, v1  }
0x3a: {  	s31 =	sor.u32 $0x2, s30;
	v4 =	vand.u32 v2, v0  }
0x3b: {  	v2 =	vor.u32 s31, v1  }
0x3c: {  	s0 =	sor.u32 $0x1, s30  }
0x3d: {  	v3 =	vor.u32 s0, v1  }
0x3e: {  	s16 =	simm.s32 $0x0  }
0x3f: {  	s30 =	sor.u32 $0x3, s30;
	v7 =	vld.idx.msk [tilespmem:v4+s16+$0x0], $0xffff  }
0x40: {  	[tilespmem:$0x1FEC0] =	vst v4;
	v5 =	vld.idx.msk [tilespmem:v2+s16+$0x0], $0xffff;
	v4 =	vor.u32 s30, v1;
	_ =	sdelay $0x1  }
0x41: {  	v6 =	vld.idx.msk [tilespmem:v3+s16+$0x0], $0xffff;
	s30 =	simm.s32 $0x1  }
0x42: {  	v0 =	vshll.u32 v0, $0x6;
	v1 =	vadd.s32 s30, v15  }
0x43: {  	[tilespmem:$0x1FF10] =	vst v2;
	v2 =	vshll.u32 v2, $0x6;
	v1 =	vand.u32 $0x3F, v1;
	vm0 =	veq.s32 v7, $0x0  }
0x44: {  	s30 =	simm.s32 $0x2;
	[tilespmem:$0x1FED0] =	vst v7;
	vm2 =	veq.s32 v5, $0x0;
	v7 =	vld.idx.msk [tilespmem:v4+s16+$0x0], $0xffff;
	v28 =	vsel vm0, $0x8000, v0;
	v0 =	vshll.u32 v3, $0x6  }
0x45: {  	v14 =	vmovc v15;
	[tilespmem:$0x1FF00] =	vst v3;
	v3 =	vadd.s32 s30, v15;
	v15 =	vsel vm2, $0x8000, v2;
	v2 =	vor.u32 v28, v1  }
0x46: {  	[tilespmem:$0x1FF30] =	vst v4;
	vm1 =	veq.s32 v6, $0x0;
	v3 =	vand.u32 $0x3F, v3;
	v10 =	vor.u32 v15, v1  }
0x47: {  	[tilespmem:$0x1FEF0] =	vst v5;
	v16 =	vsel vm1, $0x8000, v0;
	v5 =	vor.u32 v15, v3  }
0x48: {  	[tilespmem:$0x1FEE0] =	vst v6;
	v6 =	vor.u32 v16, v3  }
0x49: {  	v0 =	vshll.u32 v4, $0x6;
	v8 =	vor.u32 v28, v3;
	[tilespmem:$0x1FF20] =	vst v7;
	vm15 =	veq.s32 v7, $0x0  }
0x4a: {  	s30 =	simm.s32 $0x3;
	v7 =	vor.u32 v16, v1;
	v17 =	vsel vm15, $0x8000, v0;
	v0 =	vld.idx.msk [tilespmem:v2+s12+$0x0], $0xffff  }
0x4b: {  	v9 =	vadd.s32 s30, v14;
	v2 =	vor.u32 v17, v3;
	v10 =	vld.idx.msk [tilespmem:v10+s12+$0x0], $0xffff  }
0x4c: {  	s30 =	simm.s32 $0x4;
	v3 =	vld.idx.msk [tilespmem:v5+s12+$0x0], $0xffff;
	v5 =	vand.u32 $0x3F, v9  }
0x4d: {  	v9 =	vadd.s32 s30, v14;
	v6 =	vld.idx.msk [tilespmem:v6+s12+$0x0], $0xffff;
	v11 =	vor.u32 v15, v5  }
0x4e: {  	v8 =	vld.idx.msk [tilespmem:v8+s12+$0x0], $0xffff;
	v9 =	vand.u32 $0x3F, v9;
	v19 =	vor.u32 v17, v5  }
0x4f: {  	s30 =	simm.s32 $0x5;
	v7 =	vld.idx.msk [tilespmem:v7+s12+$0x0], $0xffff;
	v12 =	vor.u32 v16, v9  }
0x50: {  	v13 =	vor.u32 v17, v9;
	v24 =	vld.idx.msk [tilespmem:v2+s12+$0x0], $0xffff;
	v2 =	vadd.s32 s30, v14  }
0x51: {  	v18 =	vor.u32 v15, v9;
	v23 =	vand.u32 $0x3F, v2;
	v2 =	vld [tilespmem:$0x1FFE0]  }
0x52: {  	v9 =	vor.u32 v28, v9;
	v63 =	vld.idx.msk [tilespmem:v11+s12+$0x0], $0xffff  }
0x53: {  	s30 =	simm.s32 $0x6;
	v20 =	vor.u32 v15, v23;
	v25 =	vld.idx.msk [tilespmem:v19+s12+$0x0], $0xffff  }
0x54: {  	v11 =	vadd.s32 s30, v14;
	v21 =	vor.u32 v16, v23;
	v12 =	vld.idx.msk [tilespmem:v12+s12+$0x0], $0xffff  }
0x55: {  	v30 =	vor.u32 v28, v23;
	v13 =	vld.idx.msk [tilespmem:v13+s12+$0x0], $0xffff;
	v11 =	vand.u32 $0x3F, v11  }
0x56: {  	v26 =	vld.idx.msk [tilespmem:v18+s12+$0x0], $0xffff;
	v22 =	vor.u32 v15, v11  }
0x57: {  	v9 =	vld.idx.msk [tilespmem:v9+s12+$0x0], $0xffff;
	v27 =	vor.u32 v16, v11  }
0x58: {  	v1 =	vor.u32 v17, v1;
	v31 =	vor.u32 v28, v5;
	v29 =	vor.u32 v17, v11;
	v41 =	vld.idx.msk [tilespmem:v20+s12+$0x0], $0xffff  }
0x59: {  	v5 =	vor.u32 v16, v5;
	v32 =	vadd.f32 v6, v8;
	v11 =	vor.u32 v28, v11;
	v45 =	vld.idx.msk [tilespmem:v21+s12+$0x0], $0xffff  }
0x5a: {  	v23 =	vor.u32 v17, v23;
	v37 =	vadd.f32 v7, v0;
	v33 =	vadd.f32 v24, v3;
	v47 =	vld.idx.msk [tilespmem:v30+s12+$0x0], $0xffff  }
0x5b: {  	v48 =	vmul.f32 v24, v24;
	v4 =	vor.u32 v2, v28;
	v18 =	vor.u32 v2, v16;
	v22 =	vld.idx.msk [tilespmem:v22+s12+$0x0], $0xffff  }
0x5c: {  	v19 =	vor.u32 v2, v15;
	v2 =	vor.u32 v2, v17;
	v46 =	vadd.f32 v33, v32;
	v43 =	vld.idx.msk [tilespmem:v27+s12+$0x0], $0xffff  }
0x5d: {  	v53 =	vadd.f32 v25, v63;
	v34 =	vadd.f32 v12, v9;
	v29 =	vld.idx.msk [tilespmem:v29+s12+$0x0], $0xffff;
	[tilespmem:$0x1FF40] =	vst v4  }
0x5e: {  	v33 =	vmul.f32 v26, v26;
	v27 =	vadd.s32 s16, v14;
	v20 =	vmul.f32 v46, v8;
	v32 =	vld.idx.msk [tilespmem:v11+s12+$0x0], $0xffff  }
0x5f: {  	s31 =	simm.s32 $0x7;
	v21 =	vmul.f32 v46, v24;
	v8 =	vmul.f32 v8, v8;
	v35 =	vand.u32 $0x38, v27;
	v49 =	vld.idx.msk [tilespmem:v23+s12+$0x0], $0xffff;
	[tilespmem:$0x1FF50] =	vst v2  }
0x60: {  	v27 =	vadd.s32 s31, v14;
	v11 =	vadd.f32 v13, v26;
	[tilespmem:$0x1FF60] =	vst v18;
	v30 =	vor.u32 v4, v35  }
0x61: {  	v61 =	vand.u32 $0x3F, v27;
	v36 =	vor.u32 v2, v35;
	v38 =	vor.u32 v18, v35;
	v40 =	vld.idx.msk [tilespmem:v31+s12+$0x0], $0xffff;
	[tilespmem:$0x1FF70] =	vst v15  }
0x62: {  	[tilespmem:$0x1FF80] =	vst v17;
	v4 =	vmul.f32 v13, v13;
	v27 =	vmul.f32 v10, v10;
	v11 =	vadd.f32 v11, v34  }
0x63: {  	v31 =	vor.u32 v15, v61;
	v44 =	vor.u32 v17, v61;
	v51 =	vld.idx.msk [tilespmem:v5+s12+$0x0], $0xffff;
	v5 =	vor.u32 v16, v61  }
0x64: {  	[tilespmem:$0x1FF90] =	vst v16;
	v50 =	vor.u32 v28, v61;
	v52 =	vadd.f32 v45, v47;
	v16 =	vmul.f32 v11, v26  }
0x65: {  	v39 =	vimm.f32 $0.0e+00;
	v23 =	vmul.f32 v11, v13;
	v18 =	vmul.f32 v11, v9;
	v42 =	vld.idx.msk [tilespmem:v30+s12+$0x0], $0xffff;
	[tilespmem:$0x1FFA0] =	vst v28  }
0x66: {  	v13 =	vadd.f32 v29, v22;
	v24 =	vmul.f32 v11, v12;
	v9 =	vmul.f32 v9, v9;
	v1 =	vld.idx.msk [tilespmem:v1+s12+$0x0], $0xffff  }
0x67: {  	v12 =	vmul.f32 v12, v12;
	v11 =	vadd.f32 v43, v32;
	v62 =	vadd.f32 v49, v41;
	v56 =	vld.idx.msk [tilespmem:v38+s12+$0x0], $0xffff  }
0x68: {  	v30 =	vmul.f32 v46, v6;
	v6 =	vmul.f32 v6, v6;
	v60 =	vld.idx.msk [tilespmem:v36+s12+$0x0], $0xffff;
	v58 =	vadd.f32 v51, v40  }
0x69: {  	v46 =	vmul.f32 v46, v3;
	v34 =	vadd.f32 v13, v11;
	v11 =	vadd.f32 v62, v52;
	v38 =	vld.idx.msk [tilespmem:v31+s12+$0x0], $0xffff  }
0x6a: {  	v52 =	vmul.f32 v0, v0;
	[tilespmem:$0x1FFB0] =	vst v19;
	v31 =	vor.u32 v19, v35;
	v62 =	vmul.f32 v7, v7  }
0x6b: {  	v2 =	vld.idx.msk [tilespmem:v44+s12+$0x0], $0xffff;
	v44 =	vmul.f32 v41, v41;
	v55 =	vadd.f32 v53, v58;
	v13 =	vmul.f32 v42, v42  }
0x6c: {  	v61 =	vld.idx.msk [tilespmem:v50+s12+$0x0], $0xffff;
	v50 =	vmul.f32 v11, v47;
	v26 =	vadd.f32 v1, v10;
	v57 =	vmul.f32 v56, v56  }
0x6d: {  	v53 =	vmul.f32 v11, v49;
	v59 =	vmul.f32 v60, v60;
	v13 =	vadd.f32 v13, v39  }
0x6e: {  	v54 =	vld.idx.msk [tilespmem:v5+s12+$0x0], $0xffff;
	v19 =	vmul.f32 v38, v38;
	v26 =	vadd.f32 v26, v37;
	v5 =	vadd.f32 v57, v39  }
0x6f: {  	v58 =	vadd.f32 v59, v39;
	v59 =	vmul.f32 v1, v1;
	v13 =	vadd.f32 v52, v13  }
0x70: {  	v52 =	vmul.f32 v29, v29;
	v5 =	vadd.f32 v62, v5;
	v57 =	vmul.f32 v26, v7  }
0x71: {  	v37 =	vadd.f32 v59, v58;
	v62 =	vmul.f32 v26, v1;
	v1 =	vmul.f32 v40, v40  }
0x72: {  	v0 =	vmul.f32 v26, v0;
	v59 =	vmul.f32 v3, v3;
	v5 =	vadd.f32 v6, v5;
	v6 =	vld.idx.msk [tilespmem:v31+s12+$0x0], $0xffff  }
0x73: {  	v3 =	vmul.f32 v43, v43;
	v43 =	vmul.f32 v34, v43;
	v8 =	vadd.f32 v8, v13  }
0x74: {  	v13 =	vmul.f32 v26, v10;
	v10 =	vadd.f32 v54, v61;
	v26 =	vadd.f32 v2, v38  }
0x75: {  	v7 =	vadd.f32 v48, v37;
	v37 =	vmul.f32 v34, v29;
	v29 =	vmul.f32 v25, v25  }
0x76: {  	v1 =	vadd.f32 v1, v8;
	v48 =	vadd.f32 v26, v10;
	v8 =	vmul.f32 v51, v51  }
0x77: {  	v10 =	vadd.f32 v56, v42;
	v51 =	vmul.f32 v55, v51;
	v26 =	vadd.f32 v60, v6  }
0x78: {  	v7 =	vadd.f32 v29, v7;
	v8 =	vadd.f32 v8, v5;
	v5 =	vmul.f32 v11, v41  }
0x79: {  	v41 =	vmul.f32 v48, v61;
	v58 =	vadd.f32 v26, v10;
	v10 =	vmul.f32 v45, v45  }
0x7a: {  	v9 =	vadd.f32 v9, v1;
	v45 =	vmul.f32 v11, v45;
	v26 =	vmul.f32 v47, v47  }
0x7b: {  	v8 =	vadd.f32 v12, v8;
	v11 =	vmul.f32 v49, v49;
	v49 =	vmul.f32 v48, v2  }
0x7c: {  	v12 =	vadd.f32 v4, v7;
	v47 =	vmul.f32 v48, v54;
	v7 =	vmul.f32 v58, v6  }
0x7d: {  	v29 =	vadd.f32 v10, v8;
	v10 =	vmul.f32 v6, v6;
	v6 =	vmul.f32 v58, v56  }
0x7e: {  	v8 =	vmul.f32 v61, v61;
	v56 =	vmul.f32 v63, v63;
	v7 =	vadd.f32 v7, v39  }
0x7f: {  	v61 =	vmul.f32 v55, v63;
	v63 =	vmul.f32 v58, v60;
	v60 =	vadd.f32 v6, v39  }
0x80: {  	v6 =	vmul.f32 v32, v32;
	v1 =	vadd.f32 v13, v7;
	v7 =	vmul.f32 v2, v2  }
0x81: {  	v2 =	vadd.f32 v26, v9;
	v13 =	vadd.f32 v3, v29;
	v9 =	vmul.f32 v54, v54  }
0x82: {  	s30 =	simm.s32 $0x8;
	v26 =	vmul.f32 v22, v22;
	v3 =	vimm.f32 $0.0e+00;
	v54 =	vimm.f32 $0.0e+00  }
.LBB2_3:
0x83: {  	_ = 	snop  }
0x84: {  	v4 =	vld [tilespmem:$0x1FFF0];
	v1 =	vadd.f32 v46, v1;
	_ =	sdelay $0x1  }
0x85: {  	v40 =	vmul.f32 v55, v40;
	v32 =	vmul.f32 v34, v32;
	v1 =	vadd.f32 v61, v1  }
0x86: {  	v25 =	vmul.f32 v55, v25;
	v22 =	vmul.f32 v34, v22  }
0x87: {  	s0 =	sadd.s32 $0x1, s30;
	v11 =	vadd.f32 v11, v12;
	v12 =	vmul.f32 v48, v38;
	v1 =	vadd.f32 v16, v1;
	v16 =	vld [tilespmem:$0x1FF90]  }
0x88: {  	s31 =	smov.u32 s30;
	v14 =	vld [tilespmem:$0x1FFA0];
	v3 =	vadd.f32 v10, v3;
	v28 =	vadd.f32 v63, v39;
	v48 =	vadd.s32 s0, v4  }
0x89: {  	v15 =	vld [tilespmem:$0x1FF70];
	s16 =	sadd.s32 $0x2, s31;
	v35 =	vadd.f32 v57, v60;
	v11 =	vadd.f32 v52, v11;
	v38 =	vand.u32 $0x3F, v48  }
0x8a: {  	v48 =	vadd.f32 v9, v13;
	v13 =	vadd.f32 v62, v28;
	v28 =	vadd.s32 s16, v4  }
0x8b: {  	v2 =	vadd.f32 v6, v2;
	v3 =	vadd.f32 v27, v3;
	v27 =	vand.u32 $0x3F, v28  }
0x8c: {  	v57 =	vadd.f32 v7, v11;
	v11 =	vadd.f32 v30, v35;
	v7 =	vor.u32 v16, v27  }
0x8d: {  	v17 =	vld [tilespmem:$0x1FF80];
	v8 =	vadd.f32 v8, v2;
	v3 =	vadd.f32 v59, v3;
	v9 =	vor.u32 v14, v38  }
0x8e: {  	s16 =	sadd.s32 $0x3, s31;
	v10 =	vor.u32 v15, v38;
	v28 =	vmul.f32 v58, v42;
	v11 =	vadd.f32 v51, v11  }
0x8f: {  	v2 =	vadd.s32 s16, v4;
	v13 =	vadd.f32 v21, v13;
	v46 =	vor.u32 v15, v27  }
0x90: {  	s16 =	sadd.s32 $0x4, s31;
	v1 =	vadd.f32 v5, v1;
	v6 =	vor.u32 v14, v27;
	v28 =	vadd.f32 v28, v54  }
0x91: {  	v13 =	vadd.f32 v25, v13;
	v25 =	vor.u32 v16, v38;
	v62 =	vld.idx.msk [tilespmem:v7+s12+$0x0], $0xffff;
	v7 =	vadd.s32 s16, v4  }
0x92: {  	v3 =	vadd.f32 v56, v3;
	v51 =	vld.idx.msk [tilespmem:v9+s12+$0x0], $0xffff;
	v9 =	vor.u32 v17, v27;
	v7 =	vand.u32 $0x3F, v7  }
0x93: {  	v2 =	vand.u32 $0x3F, v2;
	v0 =	vadd.f32 v0, v28;
	v61 =	vld.idx.msk [tilespmem:v10+s12+$0x0], $0xffff;
	v27 =	vor.u32 v16, v7  }
0x94: {  	v46 =	vld.idx.msk [tilespmem:v46+s12+$0x0], $0xffff;
	v30 =	vor.u32 v15, v7;
	v28 =	vor.u32 v14, v7;
	v7 =	vor.u32 v17, v7  }
0x95: {  	v11 =	vadd.f32 v24, v11;
	v1 =	vadd.f32 v22, v1;
	v22 =	vor.u32 v17, v2;
	v5 =	vld.idx.msk [tilespmem:v6+s12+$0x0], $0xffff  }
0x96: {  	v3 =	vadd.f32 v33, v3;
	v33 =	vor.u32 v14, v2;
	v13 =	vadd.f32 v23, v13;
	v58 =	vld.idx.msk [tilespmem:v25+s12+$0x0], $0xffff  }
0x97: {  	v6 =	vor.u32 v16, v2;
	v23 =	vadd.f32 v20, v0;
	v0 =	vadd.f32 v12, v1;
	s16 =	sadd.s32 $0x5, s31;
	v9 =	vld.idx.msk [tilespmem:v9+s12+$0x0], $0xffff  }
0x98: {  	v13 =	vadd.f32 v53, v13;
	v25 =	vor.u32 v15, v2;
	v2 =	vadd.s32 s16, v4;
	s16 =	sadd.s32 $0x6, s31;
	v34 =	vld.idx.msk [tilespmem:v27+s12+$0x0], $0xffff  }
0x99: {  	v12 =	vadd.f32 v40, v23;
	v10 =	vand.u32 $0x3F, v2;
	v2 =	vadd.s32 s16, v4;
	v7 =	vld.idx.msk [tilespmem:v7+s12+$0x0], $0xffff  }
0x9a: {  	v11 =	vadd.f32 v45, v11;
	v1 =	vor.u32 v16, v10;
	v36 =	vand.u32 $0x3F, v2;
	v42 =	vld.idx.msk [tilespmem:v30+s12+$0x0], $0xffff  }
0x9b: {  	v13 =	vadd.f32 v37, v13;
	v12 =	vadd.f32 v18, v12;
	v24 =	vor.u32 v16, v36;
	v37 =	vld.idx.msk [tilespmem:v28+s12+$0x0], $0xffff;
	_ =	sdelay $0x1  }
0x9c: {  	v11 =	vadd.f32 v43, v11;
	v12 =	vadd.f32 v50, v12  }
0x9d: {  	v13 =	vadd.f32 v49, v13;
	v63 =	vld.idx.msk [tilespmem:v25+s12+$0x0], $0xffff;
	v23 =	vadd.f32 v62, v5  }
0x9e: {  	v25 =	vadd.f32 v9, v46;
	v45 =	vld.idx.msk [tilespmem:v1+s12+$0x0], $0xffff;
	v1 =	vadd.f32 v32, v12  }
0x9f: {  	v55 =	vor.u32 v17, v38;
	s16 =	sadd.s32 $0x7, s31;
	v53 =	vld.idx.msk [tilespmem:v24+s12+$0x0], $0xffff;
	v60 =	vadd.f32 v7, v42;
	v24 =	vadd.f32 v34, v37  }
0xa0: {  	v2 =	vadd.f32 v25, v23;
	v23 =	vadd.s32 s16, v4;
	v54 =	vadd.f32 v41, v1  }
0xa1: {  	v1 =	vadd.f32 v47, v11;
	v11 =	vadd.f32 v60, v24;
	v24 =	vadd.s32 s31, v4;
	v4 =	vld [tilespmem:$0x1FF40]  }
0xa2: {  	v35 =	vor.u32 v15, v10  }
0xa3: {  	[tilespmem:$0x1FE30] =	vst v13;
	v13 =	vmul.f32 v2, v5  }
0xa4: {  	v3 =	vadd.f32 v44, v3;
	v59 =	vor.u32 v17, v36;
	v30 =	vor.u32 v15, v36  }
0xa5: {  	v21 =	vld.idx.msk [tilespmem:v55+s12+$0x0], $0xffff;
	v41 =	vmul.f32 v9, v9;
	[tilespmem:$0x1FE70] =	vst v13;
	v13 =	vmul.f32 v2, v9;
	v9 =	vand.u32 $0x38, v24  }
0xa6: {  	v3 =	vadd.f32 v26, v3;
	v26 =	vor.u32 v4, v9;
	v4 =	vld [tilespmem:$0x1FF60]  }
0xa7: {  	v49 =	vld.idx.msk [tilespmem:v35+s12+$0x0], $0xffff  }
0xa8: {  	[tilespmem:$0x1FE50] =	vst v0;
	v12 =	vor.u32 v14, v36;
	v25 =	vld.idx.msk [tilespmem:v22+s12+$0x0], $0xffff  }
0xa9: {  	v31 =	vld.idx.msk [tilespmem:v59+s12+$0x0], $0xffff;
	v40 =	vand.u32 $0x3F, v23;
	[tilespmem:$0x1FE40] =	vst v13;
	v13 =	vmul.f32 v2, v62  }
0xaa: {  	v3 =	vadd.f32 v19, v3;
	v0 =	vadd.f32 v58, v51;
	v22 =	vld.idx.msk [tilespmem:v30+s12+$0x0], $0xffff;
	v30 =	vor.u32 v15, v40  }
0xab: {  	v56 =	vmul.f32 v63, v63;
	[tilespmem:$0x1FE20] =	vst v13;
	v13 =	vor.u32 v14, v10;
	v19 =	vor.u32 v4, v9;
	v4 =	vld [tilespmem:$0x1FF50]  }
0xac: {  	v20 =	vld.idx.msk [tilespmem:v6+s12+$0x0], $0xffff;
	v50 =	vor.u32 v17, v40;
	v59 =	vor.u32 v16, v40;
	v5 =	vmul.f32 v5, v5  }
0xad: {  	v15 =	vmul.f32 v61, v61;
	[tilespmem:$0x1FE90] =	vst v1;
	v23 =	vmul.f32 v37, v37;
	v32 =	vld.idx.msk [tilespmem:v12+s12+$0x0], $0xffff  }
0xae: {  	v28 =	vmul.f32 v34, v34;
	v12 =	vor.u32 v14, v40;
	v40 =	vld.idx.msk [tilespmem:v33+s12+$0x0], $0xffff;
	v44 =	vmul.f32 v49, v49  }
0xaf: {  	v18 =	vmul.f32 v25, v25;
	v60 =	vmul.f32 v7, v7;
	v10 =	vor.u32 v17, v10;
	v38 =	vld.idx.msk [tilespmem:v30+s12+$0x0], $0xffff  }
0xb0: {  	v52 =	vmul.f32 v31, v31;
	v1 =	vmul.f32 v11, v7;
	v13 =	vld.idx.msk [tilespmem:v13+s12+$0x0], $0xffff;
	v7 =	vor.u32 v4, v9  }
0xb1: {  	[tilespmem:$0x1FE60] =	vst v15;
	v15 =	vmul.f32 v42, v42;
	v17 =	vmul.f32 v11, v42;
	v42 =	vld.idx.msk [tilespmem:v26+s12+$0x0], $0xffff  }
0xb2: {  	v29 =	vmul.f32 v53, v53;
	v6 =	vadd.f32 v31, v22;
	v35 =	vadd.f32 v53, v32;
	v19 =	vld.idx.msk [tilespmem:v19+s12+$0x0], $0xffff  }
0xb3: {  	v43 =	vadd.f32 v25, v63;
	v62 =	vmul.f32 v62, v62;
	v47 =	vmul.f32 v11, v34;
	[tilespmem:$0x1FE80] =	vst v1;
	v4 =	vld [tilespmem:$0x1FFB0]  }
0xb4: {  	v1 =	vmul.f32 v11, v37;
	v34 =	vadd.f32 v6, v35;
	v35 =	vadd.f32 v21, v61;
	v10 =	vld.idx.msk [tilespmem:v10+s12+$0x0], $0xffff  }
0xb5: {  	v30 =	vmul.f32 v20, v20;
	v33 =	vmul.f32 v40, v40;
	v27 =	vld.idx.msk [tilespmem:v7+s12+$0x0], $0xffff;
	v7 =	vadd.f32 v20, v40  }
0xb6: {  	[tilespmem:$0x1FEA0] =	vst v1;
	v1 =	vmul.f32 v22, v22;
	v35 =	vadd.f32 v35, v0;
	v37 =	vmul.f32 v42, v42  }
0xb7: {  	v55 =	vadd.f32 v43, v7;
	v43 =	vmul.f32 v34, v53;
	v53 =	vmul.f32 v19, v19  }
0xb8: {  	v12 =	vld.idx.msk [tilespmem:v12+s12+$0x0], $0xffff;
	v0 =	vmul.f32 v51, v51;
	v9 =	vor.u32 v4, v9;
	v7 =	vadd.f32 v37, v8  }
0xb9: {  	[tilespmem:$0x1FEB0] =	vst v1;
	v11 =	vadd.f32 v45, v13;
	v48 =	vadd.f32 v53, v48;
	v53 =	vmul.f32 v58, v58  }
0xba: {  	v1 =	vmul.f32 v34, v31;
	v31 =	vld.idx.msk [tilespmem:v50+s12+$0x0], $0xffff;
	v39 =	vadd.f32 v10, v49;
	v0 =	vadd.f32 v0, v7  }
0xbb: {  	v6 =	vmul.f32 v32, v32;
	v26 =	vld.idx.msk [tilespmem:v59+s12+$0x0], $0xffff;
	v50 =	vmul.f32 v27, v27;
	v48 =	vadd.f32 v53, v48  }
0xbc: {  	v16 =	vmul.f32 v38, v38;
	v11 =	vadd.f32 v39, v11;
	v0 =	vadd.f32 v5, v0  }
0xbd: {  	v39 =	vmul.f32 v21, v21;
	v36 =	vld.idx.msk [tilespmem:v9+s12+$0x0], $0xffff;
	v50 =	vadd.f32 v50, v57;
	v62 =	vadd.f32 v62, v48  }
0xbe: {  	v59 =	vmul.f32 v46, v46;
	v46 =	vmul.f32 v2, v46;
	v33 =	vadd.f32 v33, v0  }
0xbf: {  	v24 =	vmul.f32 v13, v13;
	v50 =	vadd.f32 v39, v50;
	v0 =	vadd.f32 v30, v62  }
0xc0: {  	v4 =	vmul.f32 v45, v45;
	v14 =	vadd.f32 v19, v42;
	v37 =	vadd.f32 v26, v12  }
0xc1: {  	v41 =	vadd.f32 v41, v50;
	v50 =	vmul.f32 v11, v13;
	v13 =	vadd.f32 v28, v0  }
0xc2: {  	v45 =	vmul.f32 v11, v45;
	v57 =	vadd.f32 v31, v38;
	v39 =	vadd.f32 v27, v36  }
0xc3: {  	v8 =	vmul.f32 v12, v12;
	v7 =	vmul.f32 v31, v31;
	v4 =	vadd.f32 v4, v13;
	v13 =	vld [tilespmem:$0x1FE50]  }
0xc4: {  	v48 =	vadd.f32 v57, v37;
	v57 =	vmul.f32 v35, v58;
	v58 =	vadd.f32 v39, v14  }
0xc5: {  	v9 =	vmul.f32 v26, v26;
	v5 =	vmul.f32 v11, v49  }
0xc6: {  	v53 =	vmul.f32 v11, v10;
	v30 =	vld [tilespmem:$0x1FE20];
	v14 =	vmul.f32 v58, v36  }
0xc7: {  	v62 =	vmul.f32 v35, v21;
	v21 =	vld [tilespmem:$0x1FE40];
	v11 =	vmul.f32 v10, v10  }
0xc8: {  	v0 =	vmul.f32 v35, v51;
	v13 =	vadd.f32 v14, v13;
	v14 =	vadd.f32 v23, v33;
	v33 =	vmovc v15;
	v15 =	vld [tilespmem:$0x1FE90]  }
0xc9: {  	p0 =	slt.u32 s30, $0x38;
	v37 =	vmovc v1;
	v39 =	vld [tilespmem:$0x1FE30];
	v51 =	vmul.f32 v55, v20;
	v1 =	vadd.f32 v18, v41;
	v41 =	vmul.f32 v48, v12  }
.Ltmp0:
0xca: {  	v20 =	vld [tilespmem:$0x1FE70];
	v18 =	vmul.f32 v35, v61;
	v61 =	vmul.f32 v55, v63;
	(pc) =	sbr.rel @p0 .LBB2_3-.Ltmp0, $4  }
0xcb: {  	v63 =	vmul.f32 v58, v27;
	v27 =	vld [tilespmem:$0x1FE60];
	v12 =	vadd.f32 v60, v1;
	v1 =	vmul.f32 v58, v19  }
0xcc: {  	v10 =	vmul.f32 v36, v36;
	v49 =	vmul.f32 v48, v31;
	v23 =	vld [tilespmem:$0x1FE80]  }
0xcd: {  	v2 =	vadd.f32 v24, v14;
	v24 =	vmovc v47;
	v47 =	vmul.f32 v48, v26;
	v26 =	vld [tilespmem:$0x1FEB0];
	v60 =	vadd.f32 v1, v15  }
0xce: {  	s30 =	sadd.s32 $0x8, s30;
	v19 =	vmovc v16;
	v16 =	vmov v17;
	v1 =	vadd.f32 v18, v13;
	v18 =	vld [tilespmem:$0x1FEA0];
	v13 =	vadd.f32 v29, v4  }
0xcf: {  	v4 =	vadd.f32 v11, v12  }
0xd0: {  	v3 =	vadd.f32 v10, v3;
	v2 =	vadd.f32 v6, v2  }
0xd1: {  	v1 =	vadd.f32 v46, v1;
	v46 =	vadd.f32 v63, v39  }
0xd2: {  	v9 =	vadd.f32 v9, v13;
	v13 =	vadd.f32 v57, v60  }
0xd3: {  	v3 =	vadd.f32 v27, v3;
	v4 =	vadd.f32 v52, v4  }
0xd4: {  	v2 =	vadd.f32 v8, v2;
	v1 =	vadd.f32 v61, v1  }
0xd5: {  	v12 =	vmul.f32 v55, v25;
	v61 =	vadd.f32 v62, v46;
	v63 =	vadd.f32 v30, v13  }
0xd6: {  	v31 =	vld [tilespmem:$0x1FED0];
	v62 =	vmul.f32 v58, v42;
	v4 =	vadd.f32 v7, v4;
	v3 =	vadd.f32 v59, v3  }
0xd7: {  	v29 =	vmul.f32 v34, v32;
	v15 =	vld [tilespmem:$0x1FEF0];
	v1 =	vadd.f32 v16, v1;
	v10 =	vadd.f32 v21, v61  }
0xd8: {  	v32 =	vimm.f32 $1.000000000e+00;
	v11 =	vadd.f32 v62, v54;
	v7 =	vadd.f32 v51, v63  }
0xd9: {  	v14 =	vimm.f32 $0.0e+00;
	v16 =	vld [tilespmem:$0x1FF20];
	v3 =	vadd.f32 v56, v3;
	v10 =	vadd.f32 v12, v10  }
0xda: {  	v27 =	vmul.f32 v34, v22;
	v0 =	vadd.f32 v0, v11;
	v25 =	vadd.f32 v24, v7  }
0xdb: {  	v21 =	vmul.f32 v55, v40;
	v1 =	vadd.f32 v5, v1;
	v12 =	vld [tilespmem:$0x1FEE0];
	v3 =	vadd.f32 v33, v3  }
0xdc: {  	vm11 =	veq.s32 v15, v31;
	v0 =	vadd.f32 v20, v0;
	v10 =	vadd.f32 v23, v10  }
0xdd: {  	v33 =	vsel vm11, $0x3F800000, v14;
	v1 =	vadd.f32 v27, v1;
	v6 =	vadd.f32 v45, v25  }
0xde: {  	v3 =	vadd.f32 v44, v3;
	vm12 =	veq.s32 v16, v31;
	v0 =	vadd.f32 v21, v0  }
0xdf: {  	v28 =	vadd.f32 v53, v10;
	v6 =	vadd.f32 v43, v6;
	v10 =	vsel vm12, $0x3F800000, v14  }
0xe0: {  	vm0 =	veq.s32 v12, v31;
	v3 =	vadd.f32 v26, v3;
	vm13 =	veq.s32 v15, v12  }
0xe1: {  	vm14 =	veq.s32 v16, v12;
	v0 =	vadd.f32 v18, v0;
	v7 =	vsel vm0, $0x40000000, v32  }
0xe2: {  	v30 =	vadd.f32 v37, v28;
	v34 =	vsel vm13, $0x3F800000, v14;
	v12 =	vadd.f32 v33, v7  }
0xe3: {  	v13 =	vsel vm14, $0x3F800000, v14;
	v8 =	vadd.f32 v34, v33;
	v7 =	vadd.f32 v34, v7  }
0xe4: {  	v35 =	vadd.f32 v13, v10;
	v0 =	vadd.f32 v50, v0  }
0xe5: {  	vm15 =	veq.s32 v16, v15;
	v3 =	vadd.f32 v19, v3;
	v10 =	vadd.f32 v10, v12  }
0xe6: {  	v8 =	vadd.f32 $1.000000000e+00, v8;
	v12 =	vsel vm15, $0x3F800000, v14;
	v0 =	vadd.f32 v29, v0  }
0xe7: {  	v14 =	vmul.f32 v48, v38;
	v7 =	vadd.f32 v13, v7;
	v11 =	vadd.f32 v35, v12  }
0xe8: {  	v2 =	vmul.f32 v2, v10;
	v8 =	vadd.f32 v8, v12;
	v0 =	vadd.f32 v41, v0  }
0xe9: {  	v6 =	vadd.f32 v47, v6;
	v7 =	vmul.f32 v9, v7;
	v36 =	vadd.f32 $1.000000000e+00, v11  }
0xea: {  	v1 =	vadd.f32 v14, v1;
	v37 =	vmul.f32 v3, v8;
	v0 =	vsub.f32 v0, v2  }
0xeb: {  	v38 =	vadd.f32 v49, v30;
	v39 =	vsub.f32 v6, v7;
	v4 =	vmul.f32 v4, v36  }
0xec: {  	v1 =	vsub.f32 v1, v37;
	v0 =	vmul.f32 $3.333333430e-01, v0  }
0xed: {  	v40 =	vmul.f32 $3.333333430e-01, v39;
	v3 =	vsub.f32 v38, v4  }
0xee: {  	v1 =	vmul.f32 $3.333333430e-01, v1;
	v41 =	vand.u32 $0x7FFFFFFF, v0  }
0xef: {  	v5 =	vand.u32 $0x7FFFFFFF, v40;
	v3 =	vmul.f32 $3.333333430e-01, v3;
	v4 =	vsub.f32 $0.0e+00, v41  }
0xf0: {  	v5 =	vsub.f32 $0.0e+00, v5;
	v42 =	vand.u32 $0x7FFFFFFF, v1  }
0xf1: {  	v6 =	vsub.f32 $0.0e+00, v42;
	v43 =	vand.u32 $0x7FFFFFFF, v3;
	v4 =	vmul.f32 $1.442695020e+00, v4  }
0xf2: {  	v5 =	vmul.f32 $1.442695020e+00, v5;
	v7 =	vsub.f32 $0.0e+00, v43  }
0xf3: {  	v44 =	vmul.f32 $1.442695020e+00, v6;
	(erf) = vpow2.f32 v4  }
0xf4: {  	v45 =	vmul.f32 $1.442695020e+00, v7;
	(erf) = vpow2.f32 v5  }
0xf5: {  	(erf) = vpow2.f32 v44  }
0xf6: {  	(erf) = vpow2.f32 v45;
	_ =	sdelay $0x5  }
0xf7: {  	v46 =	vpop (erf)  }
0xf8: {  	v47 =	vpop (erf);
	v48 =	vmul.f32 $8.466410450e-03, v46  }
0xf9: {  	v49 =	vpop (erf);
	v50 =	vmul.f32 $8.466410450e-03, v47  }
0xfa: {  	v6 =	vsub.f32 $4.365928840e-02, v48;
	v51 =	vmul.f32 $8.466410450e-03, v49;
	v52 =	vpop (erf)  }
0xfb: {  	v8 =	vsub.f32 $4.365928840e-02, v50;
	v53 =	vmul.f32 $8.466410450e-03, v52  }
0xfc: {  	v6 =	vmul.f32 v6, v46;
	v9 =	vsub.f32 $4.365928840e-02, v51  }
0xfd: {  	v8 =	vmul.f32 v8, v47;
	v11 =	vsub.f32 $4.365928840e-02, v53  }
0xfe: {  	v6 =	vadd.f32 $-1.067993120e-01, v6;
	v9 =	vmul.f32 v9, v49  }
0xff: {  	v8 =	vadd.f32 $-1.067993120e-01, v8;
	v11 =	vmul.f32 v11, v52  }
0x100: {  	v6 =	vmul.f32 v6, v46;
	v9 =	vadd.f32 $-1.067993120e-01, v9  }
0x101: {  	v8 =	vmul.f32 v8, v47;
	v11 =	vadd.f32 $-1.067993120e-01, v11  }
0x102: {  	v6 =	vadd.f32 $1.765986530e-01, v6;
	v9 =	vmul.f32 v9, v49  }
0x103: {  	v8 =	vadd.f32 $1.765986530e-01, v8;
	v11 =	vmul.f32 v11, v52  }
0x104: {  	v6 =	vmul.f32 v6, v46;
	v9 =	vadd.f32 $1.765986530e-01, v9  }
0x105: {  	v8 =	vmul.f32 v8, v47;
	v11 =	vadd.f32 $1.765986530e-01, v11  }
0x106: {  	v6 =	vadd.f32 $-2.445338960e-01, v6;
	v9 =	vmul.f32 v9, v49  }
0x107: {  	v8 =	vadd.f32 $-2.445338960e-01, v8;
	v11 =	vmul.f32 v11, v52  }
0x108: {  	v6 =	vmul.f32 v6, v46;
	v9 =	vadd.f32 $-2.445338960e-01, v9  }
0x109: {  	v8 =	vmul.f32 v8, v47;
	v11 =	vadd.f32 $-2.445338960e-01, v11  }
0x10a: {  	v6 =	vadd.f32 $3.326525690e-01, v6;
	v9 =	vmul.f32 v9, v49  }
0x10b: {  	v8 =	vadd.f32 $3.326525690e-01, v8;
	v11 =	vmul.f32 v11, v52  }
0x10c: {  	v6 =	vmul.f32 v6, v46;
	v9 =	vadd.f32 $3.326525690e-01, v9  }
0x10d: {  	v8 =	vmul.f32 v8, v47;
	v11 =	vadd.f32 $3.326525690e-01, v11  }
0x10e: {  	v6 =	vadd.f32 $-4.999635520e-01, v6;
	v9 =	vmul.f32 v9, v49  }
0x10f: {  	v8 =	vadd.f32 $-4.999635520e-01, v8;
	v11 =	vmul.f32 v11, v52  }
0x110: {  	v58 =	vld [tilespmem:$0x1FEC0];
	v6 =	vmul.f32 v6, v46;
	v9 =	vadd.f32 $-4.999635520e-01, v9  }
0x111: {  	v61 =	vld [tilespmem:$0x1FF00];
	v8 =	vmul.f32 v8, v47;
	v11 =	vadd.f32 $-4.999635520e-01, v11  }
0x112: {  	v62 =	vld [tilespmem:$0x1FF10];
	v6 =	vadd.f32 $9.999995230e-01, v6;
	v9 =	vmul.f32 v9, v49  }
0x113: {  	v63 =	vld [tilespmem:$0x1FF30];
	v8 =	vadd.f32 $9.999995230e-01, v8;
	v11 =	vmul.f32 v11, v52  }
0x114: {  	v4 =	vmul.f32 v6, v46;
	v54 =	vadd.f32 $9.999995230e-01, v9  }
0x115: {  	s29 =	sadd.s32 $0x1, s29;
	v0 =	vmin.f32 v0, $0.0e+00;
	v5 =	vmul.f32 v8, v47;
	v55 =	vadd.f32 $9.999995230e-01, v11  }
0x116: {  	p0 =	sne.s32 s29, $0x8;
	v2 =	vmin.f32 v40, $0.0e+00;
	v0 =	vsub.f32 v0, v4;
	v56 =	vmul.f32 v54, v49  }
.Ltmp1:
0x117: {  	v1 =	vmin.f32 v1, $0.0e+00;
	v2 =	vsub.f32 v2, v5;
	v57 =	vmul.f32 v55, v52;
	(pc) =	sbr.rel @p0 .LBB2_2-.Ltmp1, $4  }
0x118: {  	v60 =	vmin.f32 v3, $0.0e+00;
	[tilespmem:v58+s28+$0x0] =	vst.idx.msk $0xffff, v0;
	v59 =	vsub.f32 v1, v56  }
0x119: {  	[tilespmem:v61+s28+$0x0] =	vst.idx.msk $0xffff, v2;
	v1 =	vsub.f32 v60, v57  }
0x11a: {  	[tilespmem:v62+s28+$0x0] =	vst.idx.msk $0xffff, v59  }
0x11b: {  	v15 =	vld [tilespmem:$0x1FFF0];
	[tilespmem:v63+s28+$0x0] =	vst.idx.msk $0xffff, v1  }
0x11c: {  	s29 =	simm.s32 $0x0  }
0x11d: {  	[hbm4b:s5+s29] =	stream.linear.scatter [tilespmem:s28], [sflag:$0x3], $0x200, $0x38;
	[tilespmem:$0x11000] =	vst v63  }
0x11e: {  	_ =	swait.ge [sflag:s10], $0x200  }
0x11f: {  	[sflag:s10] =	ssyncset.done $0x0  }
0x120: {  	s0 =	simm.s32 $0x400;
	[sflag:s10] =	ssyncadd.s32 $0xFFFFFE00  }
0x121: {  	[tilespmem:s12], [sflag:$0x1] =	stream.indirect.gather [hbm4b:s3+s11], $0x40, s0, s11, $0xb8;
	[tilespmem:$0x11000] =	vst v63  }
0x122: {  	s31 =	simm.s32 $0x480  }
0x123: {  	[tilespmem:s13], [sflag:$0x1] =	stream.indirect.gather [hbm4b:s3+s11], $0x40, s31, s11, $0xb8;
	[tilespmem:$0x11000] =	vst v63  }
0x124: {  	s16 =	simm.s32 $0x500  }
0x125: {  	[tilespmem:s15], [sflag:$0x1] =	stream.indirect.gather [hbm4b:s3+s11], $0x40, s16, s11, $0xb8;
	[tilespmem:$0x11000] =	vst v63  }
0x126: {  	s31 =	simm.s32 $0x580  }
0x127: {  	[tilespmem:s17], [sflag:$0x1] =	stream.indirect.gather [hbm4b:s3+s11], $0x40, s31, s11, $0xb8;
	[tilespmem:$0x11000] =	vst v63  }
0x128: {  	_ =	swait.ge [sflag:s1], $0x2000  }
0x129: {  	[sflag:s1] =	ssyncset.done $0x0  }
0x12a: {  	[sflag:s1] =	ssyncadd.s32 $0xFFFFE000  }
0x12b: {  	_ =	swait.ge [sflag:s1], $0x2000  }
0x12c: {  	[sflag:s1] =	ssyncset.done $0x0  }
0x12d: {  	[sflag:s1] =	ssyncadd.s32 $0xFFFFE000  }
0x12e: {  	_ =	swait.ge [sflag:s1], $0x2000  }
0x12f: {  	[sflag:s1] =	ssyncset.done $0x0  }
0x130: {  	[sflag:s1] =	ssyncadd.s32 $0xFFFFE000  }
0x131: {  	_ =	swait.ge [sflag:s1], $0x2000  }
0x132: {  	[sflag:s1] =	ssyncset.done $0x0  }
0x133: {  	s30 =	simm.s32 $0x0;
	[sflag:s1] =	ssyncadd.s32 $0xFFFFE000  }
.LBB2_6:
0x134: {  	v5 =	vld [tilespmem:$0x1FFC0];
	_ =	sdelay $0x2  }
0x135: {  	s0 =	sshll.u32 s30, $0x6  }
0x136: {  	s31 =	sor.u32 $0x200, s0  }
0x137: {  	v0 =	vor.u32 s31, v5;
	s31 =	sor.u32 $0x201, s0  }
0x138: {  	v1 =	vor.u32 s31, v5  }
0x139: {  	s31 =	sor.u32 $0x202, s0  }
0x13a: {  	v2 =	vor.u32 s31, v5;
	_ =	sdelay $0x1  }
0x13b: {  	v7 =	vld.idx.msk [tilespmem:v0+s29+$0x0], $0xffff  }
0x13c: {  	s31 =	sor.u32 $0x203, s0;
	v6 =	vld.idx.msk [tilespmem:v1+s29+$0x0], $0xffff  }
0x13d: {  	v0 =	vor.u32 s31, v5  }
0x13e: {  	v4 =	vld.idx.msk [tilespmem:v2+s29+$0x0], $0xffff  }
0x13f: {  	s31 =	sor.u32 $0x1, s0;
	v1 =	vor.u32 s0, v5  }
0x140: {  	v2 =	vor.u32 s31, v5;
	s31 =	sor.u32 $0x2, s0;
	[tilespmem:$0x1FD50] =	vst v1;
	v1 =	vshll.u32 v1, $0x6  }
0x141: {  	v3 =	vor.u32 s31, v5;
	s31 =	simm.s32 $0x1;
	vm0 =	veq.s32 v7, $0x0;
	vm1 =	veq.s32 v6, $0x0  }
0x142: {  	[tilespmem:$0x1FD30] =	vst v6;
	v6 =	vld.idx.msk [tilespmem:v0+s29+$0x0], $0xffff;
	v14 =	vsel vm0, $0x8000, v1;
	v0 =	vshll.u32 v2, $0x6;
	v1 =	vadd.s32 s31, v15  }
0x143: {  	[tilespmem:$0x1FD60] =	vst v2;
	s31 =	simm.s32 $0x2;
	v2 =	vshll.u32 v3, $0x6;
	vm2 =	veq.s32 v4, $0x0;
	v1 =	vand.u32 $0x3F, v1  }
0x144: {  	[tilespmem:$0x1FD70] =	vst v3;
	v3 =	vadd.s32 s31, v15;
	v28 =	vsel vm2, $0x8000, v2;
	v2 =	vor.u32 v14, v1  }
0x145: {  	s0 =	sor.u32 $0x3, s0;
	[tilespmem:$0x1FD20] =	vst v7;
	v3 =	vand.u32 $0x3F, v3  }
0x146: {  	[tilespmem:$0x1FD40] =	vst v4;
	v16 =	vsel vm1, $0x8000, v0;
	v0 =	vor.u32 s0, v5;
	v4 =	vor.u32 v28, v3  }
0x147: {  	[tilespmem:$0x1FD90] =	vst v0;
	v5 =	vor.u32 v16, v3  }
0x148: {  	v0 =	vshll.u32 v0, $0x6;
	v7 =	vor.u32 v14, v3;
	[tilespmem:$0x1FD80] =	vst v6;
	vm15 =	veq.s32 v6, $0x0  }
0x149: {  	s16 =	simm.s32 $0x3;
	v9 =	vor.u32 v28, v1;
	v17 =	vsel vm15, $0x8000, v0;
	v0 =	vld.idx.msk [tilespmem:v2+s19+$0x0], $0xffff  }
0x14a: {  	v8 =	vadd.s32 s16, v15;
	v6 =	vor.u32 v16, v1;
	v2 =	vor.u32 v17, v3;
	v3 =	vld [tilespmem:$0x1FFE0]  }
0x14b: {  	s16 =	simm.s32 $0x4;
	v58 =	vld.idx.msk [tilespmem:v4+s19+$0x0], $0xffff;
	v4 =	vand.u32 $0x3F, v8  }
0x14c: {  	v8 =	vadd.s32 s16, v15;
	v5 =	vld.idx.msk [tilespmem:v5+s19+$0x0], $0xffff;
	v10 =	vor.u32 v28, v4  }
0x14d: {  	v7 =	vld.idx.msk [tilespmem:v7+s19+$0x0], $0xffff;
	v8 =	vand.u32 $0x3F, v8;
	v19 =	vor.u32 v17, v4  }
0x14e: {  	v9 =	vld.idx.msk [tilespmem:v9+s19+$0x0], $0xffff;
	v11 =	vor.u32 v16, v8  }
0x14f: {  	s16 =	simm.s32 $0x5;
	v6 =	vld.idx.msk [tilespmem:v6+s19+$0x0], $0xffff;
	v12 =	vor.u32 v17, v8  }
0x150: {  	v18 =	vor.u32 v28, v8;
	v13 =	vld.idx.msk [tilespmem:v2+s19+$0x0], $0xffff;
	v2 =	vadd.s32 s16, v15  }
0x151: {  	v8 =	vor.u32 v14, v8;
	v23 =	vand.u32 $0x3F, v2;
	v2 =	vld.idx.msk [tilespmem:v10+s19+$0x0], $0xffff  }
0x152: {  	s16 =	simm.s32 $0x6;
	v20 =	vor.u32 v28, v23;
	v47 =	vld.idx.msk [tilespmem:v19+s19+$0x0], $0xffff  }
0x153: {  	v10 =	vadd.s32 s16, v15;
	v25 =	vor.u32 v16, v23;
	v11 =	vld.idx.msk [tilespmem:v11+s19+$0x0], $0xffff  }
0x154: {  	v30 =	vor.u32 v14, v23;
	v12 =	vld.idx.msk [tilespmem:v12+s19+$0x0], $0xffff;
	v10 =	vand.u32 $0x3F, v10  }
0x155: {  	v26 =	vld.idx.msk [tilespmem:v18+s19+$0x0], $0xffff;
	v22 =	vor.u32 v28, v10  }
0x156: {  	v8 =	vld.idx.msk [tilespmem:v8+s19+$0x0], $0xffff;
	v24 =	vor.u32 v16, v10  }
0x157: {  	v27 =	vor.u32 v17, v10;
	v29 =	vld.idx.msk [tilespmem:v20+s19+$0x0], $0xffff  }
0x158: {  	v10 =	vor.u32 v14, v10;
	v41 =	vld.idx.msk [tilespmem:v25+s19+$0x0], $0xffff  }
0x159: {  	v1 =	vor.u32 v17, v1;
	v31 =	vor.u32 v14, v4;
	v23 =	vor.u32 v17, v23;
	v21 =	vld.idx.msk [tilespmem:v30+s19+$0x0], $0xffff  }
0x15a: {  	v4 =	vor.u32 v16, v4;
	v32 =	vadd.f32 v5, v7;
	v19 =	vor.u32 v3, v16;
	v22 =	vld.idx.msk [tilespmem:v22+s19+$0x0], $0xffff  }
0x15b: {  	v18 =	vor.u32 v3, v14;
	v44 =	vadd.f32 v6, v0;
	v33 =	vadd.f32 v13, v58;
	v25 =	vld.idx.msk [tilespmem:v24+s19+$0x0], $0xffff  }
0x15c: {  	v20 =	vor.u32 v3, v28;
	v3 =	vor.u32 v3, v17;
	v37 =	vld.idx.msk [tilespmem:v27+s19+$0x0], $0xffff;
	[tilespmem:$0x1FDA0] =	vst v18  }
0x15d: {  	v45 =	vadd.f32 v33, v32;
	v55 =	vadd.f32 v47, v2;
	v24 =	vadd.s32 s29, v15;
	v32 =	vld.idx.msk [tilespmem:v10+s19+$0x0], $0xffff  }
0x15e: {  	v56 =	vadd.f32 v11, v8;
	v51 =	vmul.f32 v12, v12;
	v35 =	vand.u32 $0x38, v24;
	v49 =	vld.idx.msk [tilespmem:v23+s19+$0x0], $0xffff;
	[tilespmem:$0x1FDB0] =	vst v3  }
0x15f: {  	s16 =	simm.s32 $0x7;
	v43 =	vmul.f32 v45, v7;
	v7 =	vmul.f32 v7, v7;
	[tilespmem:$0x1FDC0] =	vst v19;
	v30 =	vor.u32 v18, v35  }
0x160: {  	v27 =	vmul.f32 v9, v9;
	v24 =	vadd.s32 s16, v15;
	v10 =	vadd.f32 v12, v26;
	v40 =	vld.idx.msk [tilespmem:v31+s19+$0x0], $0xffff;
	[tilespmem:$0x1FDD0] =	vst v28  }
0x161: {  	v23 =	vmul.f32 v45, v13;
	v24 =	vand.u32 $0x3F, v24;
	v34 =	vor.u32 v3, v35;
	[tilespmem:$0x1FDE0] =	vst v17  }
0x162: {  	v36 =	vor.u32 v19, v35;
	v31 =	vor.u32 v28, v24;
	v10 =	vadd.f32 v10, v56;
	v4 =	vld.idx.msk [tilespmem:v4+s19+$0x0], $0xffff  }
0x163: {  	v46 =	vor.u32 v17, v24;
	[tilespmem:$0x1FDF0] =	vst v16;
	v48 =	vor.u32 v16, v24;
	v50 =	vor.u32 v14, v24  }
0x164: {  	v38 =	vadd.f32 v41, v21;
	v16 =	vmul.f32 v10, v26;
	v42 =	vld.idx.msk [tilespmem:v30+s19+$0x0], $0xffff;
	[tilespmem:$0x1FE00] =	vst v14  }
0x165: {  	v24 =	vmul.f32 v10, v12;
	v19 =	vmul.f32 v10, v8;
	v12 =	vadd.f32 v37, v22;
	v1 =	vld.idx.msk [tilespmem:v1+s19+$0x0], $0xffff  }
0x166: {  	v52 =	vadd.f32 v49, v29;
	v30 =	vmul.f32 v10, v11;
	v10 =	vadd.f32 v25, v32;
	v54 =	vld.idx.msk [tilespmem:v34+s19+$0x0], $0xffff  }
0x167: {  	v13 =	vmul.f32 v13, v13;
	v8 =	vmul.f32 v8, v8;
	v56 =	vld.idx.msk [tilespmem:v36+s19+$0x0], $0xffff;
	v53 =	vadd.f32 v4, v40  }
0x168: {  	v11 =	vmul.f32 v11, v11;
	v34 =	vadd.f32 v12, v10;
	v10 =	vadd.f32 v52, v38;
	v38 =	vld.idx.msk [tilespmem:v31+s19+$0x0], $0xffff  }
0x169: {  	v36 =	vmul.f32 v26, v26;
	v52 =	vmul.f32 v0, v0;
	v31 =	vor.u32 v20, v35  }
0x16a: {  	v55 =	vadd.f32 v55, v53;
	v53 =	vmul.f32 v47, v47;
	v35 =	vmul.f32 v34, v37  }
0x16b: {  	v12 =	vmul.f32 v42, v42;
	v26 =	vadd.f32 v1, v9;
	v57 =	vmul.f32 v54, v54  }
0x16c: {  	v39 =	vimm.f32 $0.0e+00;
	v59 =	vmul.f32 v56, v56;
	v33 =	vmul.f32 v1, v1  }
0x16d: {  	[tilespmem:$0x1FE10] =	vst v20;
	v12 =	vadd.f32 v12, v39;
	v20 =	vmul.f32 v38, v38;
	v26 =	vadd.f32 v26, v44  }
0x16e: {  	v60 =	vld.idx.msk [tilespmem:v50+s19+$0x0], $0xffff;
	v63 =	vadd.f32 v57, v39;
	v57 =	vadd.f32 v59, v39;
	v59 =	vmul.f32 v6, v6  }
0x16f: {  	v3 =	vld.idx.msk [tilespmem:v48+s19+$0x0], $0xffff;
	v44 =	vmul.f32 v34, v25;
	v12 =	vadd.f32 v52, v12;
	v52 =	vmul.f32 v37, v37  }
0x170: {  	v37 =	vmul.f32 v29, v29;
	v50 =	vadd.f32 v33, v63;
	v63 =	vld.idx.msk [tilespmem:v46+s19+$0x0], $0xffff;
	v33 =	vmul.f32 v45, v5  }
0x171: {  	v61 =	vld.idx.msk [tilespmem:v31+s19+$0x0], $0xffff;
	v48 =	vadd.f32 v59, v57;
	v5 =	vmul.f32 v5, v5;
	v57 =	vmul.f32 v26, v6  }
0x172: {  	v62 =	vmul.f32 v26, v1;
	v1 =	vmul.f32 v40, v40  }
0x173: {  	v0 =	vmul.f32 v26, v0;
	v9 =	vmul.f32 v26, v9  }
0x174: {  	v46 =	vmul.f32 v45, v58;
	v7 =	vadd.f32 v7, v12;
	v12 =	vadd.f32 v3, v60  }
0x175: {  	v59 =	vmul.f32 v58, v58;
	v6 =	vadd.f32 v13, v50;
	v13 =	vadd.f32 v63, v38  }
0x176: {  	v45 =	vmul.f32 v10, v41;
	v5 =	vadd.f32 v5, v48;
	v26 =	vadd.f32 v54, v61  }
0x177: {  	v50 =	vmul.f32 v10, v21;
	v48 =	vadd.f32 v13, v12;
	v12 =	vmul.f32 v4, v4  }
0x178: {  	v1 =	vadd.f32 v1, v7;
	v7 =	vmul.f32 v25, v25;
	v13 =	vadd.f32 v56, v42  }
0x179: {  	v6 =	vadd.f32 v53, v6;
	v53 =	vmul.f32 v10, v49;
	v12 =	vadd.f32 v12, v5  }
0x17a: {  	v58 =	vadd.f32 v26, v13;
	v5 =	vmul.f32 v10, v29;
	v13 =	vmul.f32 v41, v41  }
0x17b: {  	v26 =	vmul.f32 v21, v21;
	v41 =	vmul.f32 v48, v60  }
0x17c: {  	v10 =	vmul.f32 v61, v61;
	v21 =	vmul.f32 v48, v3  }
0x17d: {  	v29 =	vadd.f32 v11, v12;
	v11 =	vmul.f32 v49, v49;
	v14 =	vmul.f32 v58, v61  }
0x17e: {  	v12 =	vadd.f32 v51, v6;
	v6 =	vmul.f32 v60, v60;
	v61 =	vmul.f32 v55, v2  }
0x17f: {  	v51 =	vadd.f32 v8, v1;
	v8 =	vmul.f32 v63, v63;
	v49 =	vmul.f32 v48, v63  }
0x180: {  	v63 =	vmul.f32 v58, v54;
	v54 =	vimm.f32 $0.0e+00;
	v13 =	vadd.f32 v13, v29  }
0x181: {  	v29 =	vmul.f32 v58, v56;
	v14 =	vadd.f32 v14, v39;
	v56 =	vmul.f32 v2, v2  }
0x182: {  	v2 =	vadd.f32 v26, v51;
	v51 =	vmul.f32 v55, v4;
	v26 =	vmul.f32 v22, v22  }
0x183: {  	v1 =	vadd.f32 v9, v14;
	v13 =	vadd.f32 v7, v13;
	v9 =	vmul.f32 v3, v3  }
0x184: {  	s31 =	simm.s32 $0x8;
	v60 =	vadd.f32 v29, v39;
	v7 =	vmul.f32 v32, v32;
	v3 =	vimm.f32 $0.0e+00  }
.LBB2_7:
0x185: {  	_ = 	snop  }
0x186: {  	v14 =	vld [tilespmem:$0x1FE00];
	v1 =	vadd.f32 v46, v1  }
0x187: {  	v4 =	vadd.f32 v11, v12  }
0x188: {  	s16 =	sadd.s32 $0x1, s31;
	v3 =	vadd.f32 v10, v3;
	v18 =	vld [tilespmem:$0x1FDD0];
	v1 =	vadd.f32 v61, v1  }
0x189: {  	s0 =	smov.u32 s31;
	v9 =	vadd.f32 v9, v13;
	v12 =	vadd.s32 s16, v15;
	v28 =	vadd.f32 v63, v39  }
0x18a: {  	v46 =	vadd.f32 v57, v60;
	s16 =	sadd.s32 $0x2, s0;
	v12 =	vand.u32 $0x3F, v12;
	v1 =	vadd.f32 v16, v1;
	v16 =	vld [tilespmem:$0x1FDF0]  }
0x18b: {  	v17 =	vld [tilespmem:$0x1FDE0];
	[tilespmem:$0x1FC60] =	vst v9;
	v9 =	vor.u32 v14, v12;
	v13 =	vadd.f32 v62, v28;
	v28 =	vadd.s32 s16, v15  }
0x18c: {  	v4 =	vadd.f32 v52, v4;
	v3 =	vadd.f32 v27, v3;
	v27 =	vand.u32 $0x3F, v28  }
0x18d: {  	v25 =	vmul.f32 v55, v47;
	v2 =	vadd.f32 v7, v2;
	v47 =	vor.u32 v18, v27  }
0x18e: {  	v57 =	vadd.f32 v8, v4;
	v8 =	vadd.f32 v33, v46;
	v7 =	vor.u32 v14, v27  }
0x18f: {  	v11 =	vmul.f32 v48, v38;
	v4 =	vor.u32 v16, v27  }
0x190: {  	v38 =	vmul.f32 v55, v40;
	v8 =	vadd.f32 v51, v8;
	v51 =	vld.idx.msk [tilespmem:v9+s19+$0x0], $0xffff;
	v9 =	vor.u32 v17, v27  }
0x191: {  	v22 =	vmul.f32 v34, v22;
	v28 =	vmul.f32 v58, v42;
	v13 =	vadd.f32 v23, v13  }
0x192: {  	v48 =	vadd.f32 v6, v2;
	v10 =	vor.u32 v18, v12;
	s16 =	sadd.s32 $0x3, s0;
	v1 =	vadd.f32 v5, v1;
	v46 =	vld.idx.msk [tilespmem:v47+s19+$0x0], $0xffff  }
0x193: {  	v2 =	vadd.s32 s16, v15;
	v13 =	vadd.f32 v25, v13;
	v25 =	vadd.f32 v28, v54;
	v5 =	vld.idx.msk [tilespmem:v7+s19+$0x0], $0xffff  }
0x194: {  	v55 =	vor.u32 v17, v12;
	v2 =	vand.u32 $0x3F, v2;
	v12 =	vor.u32 v16, v12;
	v62 =	vld.idx.msk [tilespmem:v4+s19+$0x0], $0xffff  }
0x195: {  	v27 =	vor.u32 v18, v2;
	v13 =	vadd.f32 v24, v13;
	v0 =	vadd.f32 v0, v25;
	v9 =	vld.idx.msk [tilespmem:v9+s19+$0x0], $0xffff  }
0x196: {  	v3 =	vadd.f32 v59, v3;
	v1 =	vadd.f32 v22, v1  }
0x197: {  	s16 =	sadd.s32 $0x4, s0;
	v22 =	vor.u32 v17, v2;
	v23 =	vadd.f32 v43, v0;
	v13 =	vadd.f32 v53, v13  }
0x198: {  	v7 =	vor.u32 v16, v2;
	v0 =	vadd.f32 v11, v1;
	v4 =	vadd.s32 s16, v15  }
0x199: {  	v58 =	vld.idx.msk [tilespmem:v12+s19+$0x0], $0xffff;
	v12 =	vor.u32 v14, v2;
	s16 =	sadd.s32 $0x5, s0;
	v11 =	vadd.f32 v38, v23;
	v13 =	vadd.f32 v35, v13  }
0x19a: {  	v2 =	vadd.s32 s16, v15;
	s16 =	sadd.s32 $0x6, s0;
	v63 =	vld.idx.msk [tilespmem:v27+s19+$0x0], $0xffff;
	v23 =	vadd.f32 v62, v5;
	v27 =	vadd.f32 v9, v46  }
0x19b: {  	v3 =	vadd.f32 v56, v3;
	v61 =	vld.idx.msk [tilespmem:v10+s19+$0x0], $0xffff;
	v10 =	vand.u32 $0x3F, v2;
	v2 =	vadd.s32 s16, v15  }
0x19c: {  	[tilespmem:$0x1FCC0] =	vst v0;
	v56 =	vand.u32 $0x3F, v2;
	v0 =	vadd.f32 v49, v13;
	v2 =	vadd.f32 v27, v23;
	_ =	sdelay $0x1  }
0x19d: {  	v4 =	vand.u32 $0x3F, v4;
	[tilespmem:$0x1FC70] =	vst v0;
	v0 =	vmul.f32 v2, v5  }
0x19e: {  	v8 =	vadd.f32 v30, v8;
	v28 =	vor.u32 v16, v4;
	v30 =	vor.u32 v18, v4  }
0x19f: {  	v25 =	vor.u32 v14, v4;
	v4 =	vor.u32 v17, v4;
	[tilespmem:$0x1FCD0] =	vst v0;
	v0 =	vmul.f32 v2, v9;
	_ =	sdelay $0x1  }
0x1a0: {  	v8 =	vadd.f32 v45, v8;
	[tilespmem:$0x1FCA0] =	vst v0;
	v0 =	vmul.f32 v2, v62  }
0x1a1: {  	v47 =	vld.idx.msk [tilespmem:v22+s19+$0x0], $0xffff  }
0x1a2: {  	v8 =	vadd.f32 v44, v8;
	[tilespmem:$0x1FC80] =	vst v0;
	v0 =	vmul.f32 v61, v61  }
0x1a3: {  	v3 =	vadd.f32 v36, v3;
	v4 =	vld.idx.msk [tilespmem:v4+s19+$0x0], $0xffff  }
0x1a4: {  	v32 =	vmul.f32 v34, v32;
	v34 =	vld.idx.msk [tilespmem:v28+s19+$0x0], $0xffff;
	[tilespmem:$0x1FD10] =	vst v0;
	v0 =	vadd.f32 v21, v8  }
0x1a5: {  	v3 =	vadd.f32 v37, v3;
	v42 =	vld.idx.msk [tilespmem:v30+s19+$0x0], $0xffff  }
0x1a6: {  	v24 =	vor.u32 v16, v56;
	v37 =	vld.idx.msk [tilespmem:v25+s19+$0x0], $0xffff;
	[tilespmem:$0x1FCE0] =	vst v0;
	v0 =	vmul.f32 v47, v47  }
0x1a7: {  	v1 =	vor.u32 v16, v10  }
0x1a8: {  	v11 =	vadd.f32 v19, v11;
	[tilespmem:$0x1FC90] =	vst v0;
	v0 =	vmul.f32 v4, v4  }
0x1a9: {  	v54 =	vor.u32 v18, v10  }
0x1aa: {  	v11 =	vadd.f32 v50, v11;
	[tilespmem:$0x1FCB0] =	vst v0;
	v0 =	vld [tilespmem:$0x1FDA0]  }
0x1ab: {  	v53 =	vld.idx.msk [tilespmem:v24+s19+$0x0], $0xffff;
	v60 =	vadd.f32 v4, v42;
	v24 =	vadd.f32 v34, v37  }
0x1ac: {  	v45 =	vld.idx.msk [tilespmem:v1+s19+$0x0], $0xffff;
	v1 =	vadd.f32 v32, v11  }
0x1ad: {  	v59 =	vor.u32 v17, v56;
	v8 =	vadd.f32 v60, v24;
	v24 =	vadd.s32 s0, v15  }
0x1ae: {  	v49 =	vld.idx.msk [tilespmem:v54+s19+$0x0], $0xffff;
	v54 =	vadd.f32 v41, v1;
	v41 =	vmul.f32 v9, v9;
	v9 =	vand.u32 $0x38, v24  }
0x1af: {  	v3 =	vadd.f32 v26, v3;
	v30 =	vor.u32 v18, v56;
	v26 =	vor.u32 v0, v9;
	v0 =	vld [tilespmem:$0x1FDC0]  }
0x1b0: {  	v11 =	vor.u32 v14, v56;
	_ =	sdelay $0x1  }
0x1b1: {  	v3 =	vadd.f32 v20, v3;
	v13 =	vor.u32 v14, v10;
	v10 =	vor.u32 v17, v10;
	v20 =	vld.idx.msk [tilespmem:v7+s19+$0x0], $0xffff  }
0x1b2: {  	v31 =	vld.idx.msk [tilespmem:v59+s19+$0x0], $0xffff  }
0x1b3: {  	s16 =	sadd.s32 $0x7, s0;
	v22 =	vld.idx.msk [tilespmem:v30+s19+$0x0], $0xffff;
	v19 =	vor.u32 v0, v9;
	v0 =	vmul.f32 v8, v4  }
0x1b4: {  	v23 =	vadd.s32 s16, v15;
	v32 =	vld.idx.msk [tilespmem:v11+s19+$0x0], $0xffff  }
0x1b5: {  	v40 =	vand.u32 $0x3F, v23;
	[tilespmem:$0x1FCF0] =	vst v0;
	v0 =	vld [tilespmem:$0x1FDB0]  }
0x1b6: {  	v11 =	vor.u32 v14, v40;
	v4 =	vld.idx.msk [tilespmem:v10+s19+$0x0], $0xffff  }
0x1b7: {  	v13 =	vld.idx.msk [tilespmem:v13+s19+$0x0], $0xffff;
	v56 =	vmul.f32 v63, v63;
	v33 =	vmul.f32 v20, v20;
	v30 =	vor.u32 v18, v40  }
0x1b8: {  	v50 =	vor.u32 v17, v40;
	v59 =	vor.u32 v16, v40;
	v5 =	vmul.f32 v5, v5;
	v40 =	vld.idx.msk [tilespmem:v12+s19+$0x0], $0xffff  }
0x1b9: {  	v18 =	vmul.f32 v37, v37;
	v25 =	vmul.f32 v42, v42;
	v12 =	vld.idx.msk [tilespmem:v55+s19+$0x0], $0xffff;
	v7 =	vadd.f32 v31, v22  }
0x1ba: {  	v35 =	vadd.f32 v53, v32;
	v60 =	vmul.f32 v8, v42;
	v42 =	vld.idx.msk [tilespmem:v26+s19+$0x0], $0xffff;
	v10 =	vor.u32 v0, v9  }
0x1bb: {  	v29 =	vmul.f32 v34, v34;
	v23 =	vld.idx.msk [tilespmem:v11+s19+$0x0], $0xffff;
	v11 =	vadd.f32 v4, v49;
	v0 =	vmul.f32 v8, v34  }
0x1bc: {  	v38 =	vld.idx.msk [tilespmem:v30+s19+$0x0], $0xffff;
	v16 =	vmul.f32 v8, v37;
	v8 =	vadd.f32 v45, v13;
	v34 =	vadd.f32 v7, v35  }
0x1bd: {  	v1 =	vmul.f32 v49, v49;
	v52 =	vmul.f32 v31, v31;
	[tilespmem:$0x1FD00] =	vst v0;
	v0 =	vld [tilespmem:$0x1FE10]  }
0x1be: {  	v62 =	vmul.f32 v62, v62;
	v11 =	vadd.f32 v11, v8;
	v21 =	vmul.f32 v34, v31;
	v31 =	vld.idx.msk [tilespmem:v50+s19+$0x0], $0xffff  }
0x1bf: {  	v8 =	vadd.f32 v47, v63;
	v50 =	vmul.f32 v42, v42;
	v28 =	vld.idx.msk [tilespmem:v10+s19+$0x0], $0xffff;
	v10 =	vadd.f32 v20, v40  }
0x1c0: {  	v6 =	vadd.f32 v58, v51;
	v27 =	vld.idx.msk [tilespmem:v59+s19+$0x0], $0xffff;
	v59 =	vmul.f32 v46, v46;
	v46 =	vmul.f32 v2, v46  }
0x1c1: {  	v19 =	vld.idx.msk [tilespmem:v19+s19+$0x0], $0xffff;
	v55 =	vadd.f32 v8, v10;
	v8 =	vmul.f32 v51, v51;
	v10 =	vadd.f32 v50, v48  }
0x1c2: {  	v43 =	vmul.f32 v22, v22;
	v30 =	vmul.f32 v53, v53;
	v9 =	vor.u32 v0, v9  }
0x1c3: {  	v36 =	vadd.f32 v12, v61;
	v39 =	vmul.f32 v12, v12;
	v10 =	vadd.f32 v8, v10;
	v8 =	vld [tilespmem:$0x1FC60]  }
0x1c4: {  	v24 =	vmul.f32 v13, v13;
	v17 =	vmul.f32 v38, v38  }
0x1c5: {  	v36 =	vadd.f32 v36, v6;
	v44 =	vmul.f32 v34, v53;
	v53 =	vmul.f32 v28, v28  }
0x1c6: {  	v37 =	vadd.f32 v27, v23;
	v6 =	vmul.f32 v23, v23;
	v50 =	vmul.f32 v19, v19  }
0x1c7: {  	v26 =	vmul.f32 v45, v45;
	v35 =	vmul.f32 v40, v40;
	v0 =	vld.idx.msk [tilespmem:v9+s19+$0x0], $0xffff;
	v48 =	vadd.f32 v53, v57  }
0x1c8: {  	v14 =	vadd.f32 v19, v42;
	v57 =	vmul.f32 v58, v58;
	v50 =	vadd.f32 v50, v8  }
0x1c9: {  	v7 =	vmul.f32 v32, v32;
	v48 =	vadd.f32 v39, v48;
	v39 =	vadd.f32 v31, v38  }
0x1ca: {  	v45 =	vmul.f32 v11, v45;
	v10 =	vadd.f32 v5, v10;
	v50 =	vadd.f32 v57, v50  }
0x1cb: {  	v5 =	vmul.f32 v11, v49;
	v41 =	vadd.f32 v41, v48;
	v48 =	vadd.f32 v39, v37  }
0x1cc: {  	v9 =	vmul.f32 v27, v27;
	v39 =	vld [tilespmem:$0x1FC70];
	v15 =	vadd.f32 v28, v0;
	v62 =	vadd.f32 v62, v50  }
0x1cd: {  	v53 =	vmul.f32 v11, v4;
	v37 =	vmov v1;
	v57 =	vmul.f32 v36, v58;
	v1 =	vld [tilespmem:$0x1FC90]  }
0x1ce: {  	v50 =	vmul.f32 v11, v13;
	v58 =	vadd.f32 v15, v14;
	v15 =	vld [tilespmem:$0x1FCC0];
	v13 =	vadd.f32 v33, v62  }
0x1cf: {  	v35 =	vadd.f32 v35, v10;
	v10 =	vmul.f32 v0, v0;
	v62 =	vmul.f32 v36, v12;
	v12 =	vld [tilespmem:$0x1FCB0]  }
0x1d0: {  	v11 =	vmul.f32 v4, v4;
	v33 =	vld [tilespmem:$0x1FC80];
	v4 =	vadd.f32 v29, v13;
	v13 =	vmul.f32 v58, v0  }
0x1d1: {  	v0 =	vmul.f32 v36, v51;
	v51 =	vmul.f32 v55, v20;
	v20 =	vmov v17;
	v17 =	vld [tilespmem:$0x1FCE0]  }
0x1d2: {  	p0 =	slt.u32 s31, $0x38;
	v1 =	vadd.f32 v1, v41;
	v41 =	vmul.f32 v48, v23;
	v23 =	vld [tilespmem:$0x1FCA0];
	v4 =	vadd.f32 v26, v4  }
.Ltmp2:
0x1d3: {  	v8 =	vmul.f32 v31, v31;
	v26 =	vmovc v43;
	v13 =	vadd.f32 v13, v15;
	v15 =	vadd.f32 v18, v35;
	v43 =	vld [tilespmem:$0x1FCD0];
	(pc) =	sbr.rel @p0 .LBB2_7-.Ltmp2, $4  }
0x1d4: {  	v35 =	vmovc v21;
	v21 =	vmul.f32 v48, v27;
	v27 =	vld [tilespmem:$0x1FD10];
	v12 =	vadd.f32 v12, v1;
	v1 =	vmul.f32 v58, v19  }
0x1d5: {  	v49 =	vmul.f32 v48, v31;
	v14 =	vmul.f32 v36, v61;
	v2 =	vadd.f32 v24, v15;
	v24 =	vld [tilespmem:$0x1FCF0]  }
0x1d6: {  	v61 =	vmul.f32 v55, v63;
	v19 =	vmovc v16;
	v16 =	vmov v60;
	v15 =	vld [tilespmem:$0x1FFF0];
	v60 =	vadd.f32 v1, v17  }
0x1d7: {  	s31 =	sadd.s32 $0x8, s31;
	v63 =	vmul.f32 v58, v28;
	v36 =	vmovc v25;
	v1 =	vadd.f32 v14, v13;
	v13 =	vadd.f32 v30, v4;
	v30 =	vld [tilespmem:$0x1FD00]  }
0x1d8: {  	v4 =	vadd.f32 v11, v12;
	v3 =	vadd.f32 v10, v3  }
0x1d9: {  	v2 =	vadd.f32 v7, v2;
	v1 =	vadd.f32 v46, v1  }
0x1da: {  	v18 =	vmul.f32 v58, v42;
	v46 =	vadd.f32 v63, v39;
	v9 =	vadd.f32 v9, v13  }
0x1db: {  	v13 =	vadd.f32 v57, v60;
	v3 =	vadd.f32 v27, v3  }
0x1dc: {  	v4 =	vadd.f32 v52, v4;
	v11 =	vadd.f32 v18, v54  }
0x1dd: {  	v2 =	vadd.f32 v6, v2;
	v1 =	vadd.f32 v61, v1  }
0x1de: {  	v63 =	vadd.f32 v62, v46;
	v4 =	vadd.f32 v8, v4  }
0x1df: {  	v0 =	vadd.f32 v0, v11;
	v3 =	vadd.f32 v59, v3  }
0x1e0: {  	v12 =	vmul.f32 v55, v47;
	v1 =	vadd.f32 v16, v1;
	v10 =	vadd.f32 v23, v63  }
0x1e1: {  	v23 =	vadd.f32 v33, v13;
	v0 =	vadd.f32 v43, v0  }
0x1e2: {  	v25 =	vmul.f32 v55, v40;
	v17 =	vld [tilespmem:$0x1FD80];
	v3 =	vadd.f32 v56, v3;
	v10 =	vadd.f32 v12, v10  }
0x1e3: {  	v16 =	vld [tilespmem:$0x1FD40];
	v8 =	vadd.f32 v51, v23;
	v1 =	vadd.f32 v5, v1  }
0x1e4: {  	v28 =	vmul.f32 v34, v22;
	v12 =	vld [tilespmem:$0x1FD30];
	v0 =	vadd.f32 v25, v0;
	v3 =	vadd.f32 v36, v3  }
0x1e5: {  	v10 =	vadd.f32 v24, v10;
	v27 =	vadd.f32 v30, v8  }
0x1e6: {  	v30 =	vmul.f32 v34, v32;
	v1 =	vadd.f32 v28, v1;
	v32 =	vld [tilespmem:$0x1FD20];
	v0 =	vadd.f32 v19, v0  }
0x1e7: {  	v14 =	vimm.f32 $0.0e+00;
	v3 =	vadd.f32 v37, v3;
	v29 =	vadd.f32 v53, v10  }
0x1e8: {  	v33 =	vimm.f32 $1.000000000e+00;
	v6 =	vadd.f32 v45, v27;
	v0 =	vadd.f32 v50, v0  }
0x1e9: {  	v3 =	vadd.f32 v26, v3;
	vm13 =	veq.s32 v16, v12;
	vm14 =	veq.s32 v17, v12  }
0x1ea: {  	v31 =	vadd.f32 v35, v29;
	v6 =	vadd.f32 v44, v6;
	v35 =	vsel vm13, $0x3F800000, v14  }
0x1eb: {  	v13 =	vsel vm14, $0x3F800000, v14;
	vm0 =	veq.s32 v12, v32;
	v0 =	vadd.f32 v30, v0  }
0x1ec: {  	vm11 =	veq.s32 v16, v32;
	vm12 =	veq.s32 v17, v32;
	v3 =	vadd.f32 v20, v3  }
0x1ed: {  	v7 =	vsel vm0, $0x40000000, v33;
	v34 =	vsel vm11, $0x3F800000, v14;
	v0 =	vadd.f32 v41, v0  }
0x1ee: {  	v10 =	vsel vm12, $0x3F800000, v14;
	v12 =	vadd.f32 v34, v7;
	v8 =	vadd.f32 v35, v34  }
0x1ef: {  	vm15 =	veq.s32 v17, v16;
	v7 =	vadd.f32 v35, v7;
	v36 =	vadd.f32 v13, v10  }
0x1f0: {  	v10 =	vadd.f32 v10, v12;
	v8 =	vadd.f32 $1.000000000e+00, v8;
	v12 =	vsel vm15, $0x3F800000, v14  }
0x1f1: {  	v7 =	vadd.f32 v13, v7;
	v11 =	vadd.f32 v36, v12  }
0x1f2: {  	v14 =	vmul.f32 v48, v38;
	v2 =	vmul.f32 v2, v10;
	v8 =	vadd.f32 v8, v12  }
0x1f3: {  	v6 =	vadd.f32 v21, v6;
	v7 =	vmul.f32 v9, v7;
	v37 =	vadd.f32 $1.000000000e+00, v11  }
0x1f4: {  	v1 =	vadd.f32 v14, v1;
	v0 =	vsub.f32 v0, v2;
	v38 =	vmul.f32 v3, v8  }
0x1f5: {  	v39 =	vadd.f32 v49, v31;
	v40 =	vsub.f32 v6, v7;
	v4 =	vmul.f32 v4, v37  }
0x1f6: {  	v0 =	vmul.f32 $3.333333430e-01, v0;
	v1 =	vsub.f32 v1, v38  }
0x1f7: {  	v41 =	vmul.f32 $3.333333430e-01, v40;
	v3 =	vsub.f32 v39, v4  }
0x1f8: {  	v42 =	vand.u32 $0x7FFFFFFF, v0;
	v1 =	vmul.f32 $3.333333430e-01, v1  }
0x1f9: {  	v5 =	vand.u32 $0x7FFFFFFF, v41;
	v4 =	vsub.f32 $0.0e+00, v42;
	v3 =	vmul.f32 $3.333333430e-01, v3  }
0x1fa: {  	v5 =	vsub.f32 $0.0e+00, v5;
	v43 =	vand.u32 $0x7FFFFFFF, v1  }
0x1fb: {  	v4 =	vmul.f32 $1.442695020e+00, v4;
	v6 =	vsub.f32 $0.0e+00, v43;
	v44 =	vand.u32 $0x7FFFFFFF, v3  }
0x1fc: {  	v5 =	vmul.f32 $1.442695020e+00, v5;
	v7 =	vsub.f32 $0.0e+00, v44  }
0x1fd: {  	(erf) = vpow2.f32 v4;
	v45 =	vmul.f32 $1.442695020e+00, v6  }
0x1fe: {  	(erf) = vpow2.f32 v5;
	v46 =	vmul.f32 $1.442695020e+00, v7  }
0x1ff: {  	(erf) = vpow2.f32 v45  }
0x200: {  	(erf) = vpow2.f32 v46;
	_ =	sdelay $0x5  }
0x201: {  	v47 =	vpop (erf)  }
0x202: {  	v48 =	vpop (erf);
	v49 =	vmul.f32 $8.466410450e-03, v47  }
0x203: {  	v50 =	vpop (erf);
	v51 =	vmul.f32 $8.466410450e-03, v48  }
0x204: {  	v6 =	vsub.f32 $4.365928840e-02, v49;
	v52 =	vmul.f32 $8.466410450e-03, v50;
	v53 =	vpop (erf)  }
0x205: {  	v8 =	vsub.f32 $4.365928840e-02, v51;
	v54 =	vmul.f32 $8.466410450e-03, v53  }
0x206: {  	v6 =	vmul.f32 v6, v47;
	v9 =	vsub.f32 $4.365928840e-02, v52  }
0x207: {  	v8 =	vmul.f32 v8, v48;
	v11 =	vsub.f32 $4.365928840e-02, v54  }
0x208: {  	v6 =	vadd.f32 $-1.067993120e-01, v6;
	v9 =	vmul.f32 v9, v50  }
0x209: {  	v8 =	vadd.f32 $-1.067993120e-01, v8;
	v11 =	vmul.f32 v11, v53  }
0x20a: {  	v6 =	vmul.f32 v6, v47;
	v9 =	vadd.f32 $-1.067993120e-01, v9  }
0x20b: {  	v8 =	vmul.f32 v8, v48;
	v11 =	vadd.f32 $-1.067993120e-01, v11  }
0x20c: {  	v6 =	vadd.f32 $1.765986530e-01, v6;
	v9 =	vmul.f32 v9, v50  }
0x20d: {  	v8 =	vadd.f32 $1.765986530e-01, v8;
	v11 =	vmul.f32 v11, v53  }
0x20e: {  	v6 =	vmul.f32 v6, v47;
	v9 =	vadd.f32 $1.765986530e-01, v9  }
0x20f: {  	v8 =	vmul.f32 v8, v48;
	v11 =	vadd.f32 $1.765986530e-01, v11  }
0x210: {  	v6 =	vadd.f32 $-2.445338960e-01, v6;
	v9 =	vmul.f32 v9, v50  }
0x211: {  	v8 =	vadd.f32 $-2.445338960e-01, v8;
	v11 =	vmul.f32 v11, v53  }
0x212: {  	v6 =	vmul.f32 v6, v47;
	v9 =	vadd.f32 $-2.445338960e-01, v9  }
0x213: {  	v8 =	vmul.f32 v8, v48;
	v11 =	vadd.f32 $-2.445338960e-01, v11  }
0x214: {  	v6 =	vadd.f32 $3.326525690e-01, v6;
	v9 =	vmul.f32 v9, v50  }
0x215: {  	v8 =	vadd.f32 $3.326525690e-01, v8;
	v11 =	vmul.f32 v11, v53  }
0x216: {  	v6 =	vmul.f32 v6, v47;
	v9 =	vadd.f32 $3.326525690e-01, v9  }
0x217: {  	v13 =	vld [tilespmem:$0x1FD50];
	v8 =	vmul.f32 v8, v48;
	v11 =	vadd.f32 $3.326525690e-01, v11  }
0x218: {  	v12 =	vld [tilespmem:$0x1FFD0];
	v6 =	vadd.f32 $-4.999635520e-01, v6;
	v9 =	vmul.f32 v9, v50  }
0x219: {  	v8 =	vadd.f32 $-4.999635520e-01, v8;
	v11 =	vmul.f32 v11, v53  }
0x21a: {  	v6 =	vmul.f32 v6, v47;
	v9 =	vadd.f32 $-4.999635520e-01, v9  }
0x21b: {  	v61 =	vld [tilespmem:$0x1FD60];
	v8 =	vmul.f32 v8, v48;
	v11 =	vadd.f32 $-4.999635520e-01, v11  }
0x21c: {  	v62 =	vld [tilespmem:$0x1FD70];
	v6 =	vadd.f32 $9.999995230e-01, v6;
	v9 =	vmul.f32 v9, v50  }
0x21d: {  	v63 =	vld [tilespmem:$0x1FD90];
	v12 =	vand.u32 v12, v13;
	v8 =	vadd.f32 $9.999995230e-01, v8;
	v11 =	vmul.f32 v11, v53  }
0x21e: {  	v4 =	vmul.f32 v6, v47;
	v55 =	vadd.f32 $9.999995230e-01, v9  }
0x21f: {  	s30 =	sadd.s32 $0x1, s30;
	v0 =	vmin.f32 v0, $0.0e+00;
	v5 =	vmul.f32 v8, v48;
	v56 =	vadd.f32 $9.999995230e-01, v11  }
0x220: {  	p0 =	sne.s32 s30, $0x8;
	v2 =	vmin.f32 v41, $0.0e+00;
	v0 =	vsub.f32 v0, v4;
	v57 =	vmul.f32 v55, v50  }
.Ltmp3:
0x221: {  	v1 =	vmin.f32 v1, $0.0e+00;
	v2 =	vsub.f32 v2, v5;
	v58 =	vmul.f32 v56, v53;
	(pc) =	sbr.rel @p0 .LBB2_6-.Ltmp3, $4  }
0x222: {  	v60 =	vmin.f32 v3, $0.0e+00;
	[tilespmem:v12+s14+$0x0] =	vst.idx.msk $0xffff, v0;
	v59 =	vsub.f32 v1, v57  }
0x223: {  	[tilespmem:v61+s14+$0x0] =	vst.idx.msk $0xffff, v2;
	v1 =	vsub.f32 v60, v58  }
0x224: {  	[tilespmem:v62+s14+$0x0] =	vst.idx.msk $0xffff, v59  }
0x225: {  	[tilespmem:v63+s14+$0x0] =	vst.idx.msk $0xffff, v1  }
0x226: {  	s29 =	simm.s32 $0x0  }
0x227: {  	[hbm4b:s6+s29] =	stream.linear.scatter [tilespmem:s14], [sflag:$0x3], $0x200, $0x38;
	[tilespmem:$0x11000] =	vst v63  }
0x228: {  	_ =	swait.ge [sflag:s10], $0x200  }
0x229: {  	[sflag:s10] =	ssyncset.done $0x0  }
0x22a: {  	s0 =	simm.s32 $0x600;
	[sflag:s10] =	ssyncadd.s32 $0xFFFFFE00  }
0x22b: {  	[tilespmem:s19], [sflag:$0x2] =	stream.indirect.gather [hbm4b:s3+s11], $0x40, s0, s11, $0xb8;
	[tilespmem:$0x11000] =	vst v63  }
0x22c: {  	_ = 	snop  }
0x22d: {  	[tilespmem:s21], [sflag:$0x2] =	stream.indirect.gather [hbm4b:s3+s11], $0x40, s18, s11, $0xb8;
	[tilespmem:$0x11000] =	vst v63  }
0x22e: {  	_ = 	snop  }
0x22f: {  	[tilespmem:s23], [sflag:$0x2] =	stream.indirect.gather [hbm4b:s3+s11], $0x40, s20, s11, $0xb8;
	[tilespmem:$0x11000] =	vst v63  }
0x230: {  	_ = 	snop  }
0x231: {  	[tilespmem:s25], [sflag:$0x2] =	stream.indirect.gather [hbm4b:s3+s11], $0x40, s22, s11, $0xb8;
	[tilespmem:$0x11000] =	vst v63  }
0x232: {  	_ =	swait.ge [sflag:s26], $0x2000  }
0x233: {  	[sflag:s26] =	ssyncset.done $0x0  }
0x234: {  	[sflag:s26] =	ssyncadd.s32 $0xFFFFE000  }
0x235: {  	_ =	swait.ge [sflag:s26], $0x2000  }
0x236: {  	[sflag:s26] =	ssyncset.done $0x0  }
0x237: {  	[sflag:s26] =	ssyncadd.s32 $0xFFFFE000  }
0x238: {  	_ =	swait.ge [sflag:s26], $0x2000  }
0x239: {  	[sflag:s26] =	ssyncset.done $0x0  }
0x23a: {  	[sflag:s26] =	ssyncadd.s32 $0xFFFFE000  }
0x23b: {  	_ =	swait.ge [sflag:s26], $0x2000  }
0x23c: {  	[sflag:s26] =	ssyncset.done $0x0  }
0x23d: {  	s30 =	simm.s32 $0x0;
	[sflag:s26] =	ssyncadd.s32 $0xFFFFE000  }
.LBB2_10:
0x23e: {  	v5 =	vld [tilespmem:$0x1FFC0];
	_ =	sdelay $0x2  }
0x23f: {  	s0 =	sshll.u32 s30, $0x6  }
0x240: {  	s16 =	sor.u32 $0x400, s0  }
0x241: {  	v0 =	vor.u32 s16, v5;
	s16 =	sor.u32 $0x401, s0  }
0x242: {  	v1 =	vor.u32 s16, v5  }
0x243: {  	s16 =	sor.u32 $0x402, s0  }
0x244: {  	v2 =	vor.u32 s16, v5;
	_ =	sdelay $0x1  }
0x245: {  	v7 =	vld.idx.msk [tilespmem:v0+s29+$0x0], $0xffff  }
0x246: {  	s16 =	sor.u32 $0x403, s0;
	v6 =	vld.idx.msk [tilespmem:v1+s29+$0x0], $0xffff  }
0x247: {  	v0 =	vor.u32 s16, v5  }
0x248: {  	v4 =	vld.idx.msk [tilespmem:v2+s29+$0x0], $0xffff  }
0x249: {  	s16 =	sor.u32 $0x1, s0;
	v1 =	vor.u32 s0, v5  }
0x24a: {  	v2 =	vor.u32 s16, v5;
	s16 =	sor.u32 $0x2, s0;
	[tilespmem:$0x1FB90] =	vst v1;
	v1 =	vshll.u32 v1, $0x6  }
0x24b: {  	v3 =	vor.u32 s16, v5;
	s16 =	simm.s32 $0x1;
	vm0 =	veq.s32 v7, $0x0;
	vm1 =	veq.s32 v6, $0x0  }
0x24c: {  	[tilespmem:$0x1FB70] =	vst v6;
	v6 =	vld.idx.msk [tilespmem:v0+s29+$0x0], $0xffff;
	v14 =	vsel vm0, $0x8000, v1;
	v0 =	vshll.u32 v2, $0x6;
	v1 =	vadd.s32 s16, v15  }
0x24d: {  	[tilespmem:$0x1FBA0] =	vst v2;
	s16 =	simm.s32 $0x2;
	v2 =	vshll.u32 v3, $0x6;
	vm2 =	veq.s32 v4, $0x0;
	v1 =	vand.u32 $0x3F, v1  }
0x24e: {  	[tilespmem:$0x1FBB0] =	vst v3;
	v3 =	vadd.s32 s16, v15;
	v28 =	vsel vm2, $0x8000, v2;
	v2 =	vor.u32 v14, v1  }
0x24f: {  	s0 =	sor.u32 $0x3, s0;
	[tilespmem:$0x1FB60] =	vst v7;
	v3 =	vand.u32 $0x3F, v3  }
0x250: {  	[tilespmem:$0x1FB80] =	vst v4;
	v16 =	vsel vm1, $0x8000, v0;
	v0 =	vor.u32 s0, v5;
	v4 =	vor.u32 v28, v3  }
0x251: {  	[tilespmem:$0x1FBD0] =	vst v0;
	v5 =	vor.u32 v16, v3  }
0x252: {  	v0 =	vshll.u32 v0, $0x6;
	v7 =	vor.u32 v14, v3;
	[tilespmem:$0x1FBC0] =	vst v6;
	vm15 =	veq.s32 v6, $0x0  }
0x253: {  	s16 =	simm.s32 $0x3;
	v9 =	vor.u32 v28, v1;
	v17 =	vsel vm15, $0x8000, v0;
	v0 =	vld.idx.msk [tilespmem:v2+s12+$0x0], $0xffff  }
0x254: {  	v8 =	vadd.s32 s16, v15;
	v6 =	vor.u32 v16, v1;
	v2 =	vor.u32 v17, v3;
	v3 =	vld [tilespmem:$0x1FFE0]  }
0x255: {  	s16 =	simm.s32 $0x4;
	v58 =	vld.idx.msk [tilespmem:v4+s12+$0x0], $0xffff;
	v4 =	vand.u32 $0x3F, v8  }
0x256: {  	v8 =	vadd.s32 s16, v15;
	v5 =	vld.idx.msk [tilespmem:v5+s12+$0x0], $0xffff;
	v10 =	vor.u32 v28, v4  }
0x257: {  	v7 =	vld.idx.msk [tilespmem:v7+s12+$0x0], $0xffff;
	v8 =	vand.u32 $0x3F, v8;
	v19 =	vor.u32 v17, v4  }
0x258: {  	v9 =	vld.idx.msk [tilespmem:v9+s12+$0x0], $0xffff;
	v11 =	vor.u32 v16, v8  }
0x259: {  	s16 =	simm.s32 $0x5;
	v6 =	vld.idx.msk [tilespmem:v6+s12+$0x0], $0xffff;
	v12 =	vor.u32 v17, v8  }
0x25a: {  	v18 =	vor.u32 v28, v8;
	v13 =	vld.idx.msk [tilespmem:v2+s12+$0x0], $0xffff;
	v2 =	vadd.s32 s16, v15  }
0x25b: {  	v8 =	vor.u32 v14, v8;
	v23 =	vand.u32 $0x3F, v2;
	v2 =	vld.idx.msk [tilespmem:v10+s12+$0x0], $0xffff  }
0x25c: {  	s16 =	simm.s32 $0x6;
	v20 =	vor.u32 v28, v23;
	v47 =	vld.idx.msk [tilespmem:v19+s12+$0x0], $0xffff  }
0x25d: {  	v10 =	vadd.s32 s16, v15;
	v25 =	vor.u32 v16, v23;
	v11 =	vld.idx.msk [tilespmem:v11+s12+$0x0], $0xffff  }
0x25e: {  	v30 =	vor.u32 v14, v23;
	v12 =	vld.idx.msk [tilespmem:v12+s12+$0x0], $0xffff;
	v10 =	vand.u32 $0x3F, v10  }
0x25f: {  	v26 =	vld.idx.msk [tilespmem:v18+s12+$0x0], $0xffff;
	v22 =	vor.u32 v28, v10  }
0x260: {  	v8 =	vld.idx.msk [tilespmem:v8+s12+$0x0], $0xffff;
	v24 =	vor.u32 v16, v10  }
0x261: {  	v27 =	vor.u32 v17, v10;
	v29 =	vld.idx.msk [tilespmem:v20+s12+$0x0], $0xffff  }
0x262: {  	v10 =	vor.u32 v14, v10;
	v41 =	vld.idx.msk [tilespmem:v25+s12+$0x0], $0xffff  }
0x263: {  	v1 =	vor.u32 v17, v1;
	v31 =	vor.u32 v14, v4;
	v23 =	vor.u32 v17, v23;
	v21 =	vld.idx.msk [tilespmem:v30+s12+$0x0], $0xffff  }
0x264: {  	v4 =	vor.u32 v16, v4;
	v32 =	vadd.f32 v5, v7;
	v19 =	vor.u32 v3, v16;
	v22 =	vld.idx.msk [tilespmem:v22+s12+$0x0], $0xffff  }
0x265: {  	v18 =	vor.u32 v3, v14;
	v44 =	vadd.f32 v6, v0;
	v33 =	vadd.f32 v13, v58;
	v25 =	vld.idx.msk [tilespmem:v24+s12+$0x0], $0xffff  }
0x266: {  	v20 =	vor.u32 v3, v28;
	v3 =	vor.u32 v3, v17;
	v37 =	vld.idx.msk [tilespmem:v27+s12+$0x0], $0xffff;
	[tilespmem:$0x1FBE0] =	vst v18  }
0x267: {  	v45 =	vadd.f32 v33, v32;
	v55 =	vadd.f32 v47, v2;
	v24 =	vadd.s32 s29, v15;
	v32 =	vld.idx.msk [tilespmem:v10+s12+$0x0], $0xffff  }
0x268: {  	v56 =	vadd.f32 v11, v8;
	v51 =	vmul.f32 v12, v12;
	v35 =	vand.u32 $0x38, v24;
	v49 =	vld.idx.msk [tilespmem:v23+s12+$0x0], $0xffff;
	[tilespmem:$0x1FBF0] =	vst v3  }
0x269: {  	s16 =	simm.s32 $0x7;
	v43 =	vmul.f32 v45, v7;
	v7 =	vmul.f32 v7, v7;
	[tilespmem:$0x1FC00] =	vst v19;
	v30 =	vor.u32 v18, v35  }
0x26a: {  	v27 =	vmul.f32 v9, v9;
	v24 =	vadd.s32 s16, v15;
	v10 =	vadd.f32 v12, v26;
	v40 =	vld.idx.msk [tilespmem:v31+s12+$0x0], $0xffff;
	[tilespmem:$0x1FC10] =	vst v28  }
0x26b: {  	v23 =	vmul.f32 v45, v13;
	v24 =	vand.u32 $0x3F, v24;
	v34 =	vor.u32 v3, v35;
	[tilespmem:$0x1FC20] =	vst v17  }
0x26c: {  	v36 =	vor.u32 v19, v35;
	v31 =	vor.u32 v28, v24;
	v10 =	vadd.f32 v10, v56;
	v4 =	vld.idx.msk [tilespmem:v4+s12+$0x0], $0xffff  }
0x26d: {  	v46 =	vor.u32 v17, v24;
	[tilespmem:$0x1FC30] =	vst v16;
	v48 =	vor.u32 v16, v24;
	v50 =	vor.u32 v14, v24  }
0x26e: {  	v38 =	vadd.f32 v41, v21;
	v16 =	vmul.f32 v10, v26;
	v42 =	vld.idx.msk [tilespmem:v30+s12+$0x0], $0xffff;
	[tilespmem:$0x1FC40] =	vst v14  }
0x26f: {  	v24 =	vmul.f32 v10, v12;
	v19 =	vmul.f32 v10, v8;
	v12 =	vadd.f32 v37, v22;
	v1 =	vld.idx.msk [tilespmem:v1+s12+$0x0], $0xffff  }
0x270: {  	v52 =	vadd.f32 v49, v29;
	v30 =	vmul.f32 v10, v11;
	v10 =	vadd.f32 v25, v32;
	v54 =	vld.idx.msk [tilespmem:v34+s12+$0x0], $0xffff  }
0x271: {  	v13 =	vmul.f32 v13, v13;
	v8 =	vmul.f32 v8, v8;
	v56 =	vld.idx.msk [tilespmem:v36+s12+$0x0], $0xffff;
	v53 =	vadd.f32 v4, v40  }
0x272: {  	v11 =	vmul.f32 v11, v11;
	v34 =	vadd.f32 v12, v10;
	v10 =	vadd.f32 v52, v38;
	v38 =	vld.idx.msk [tilespmem:v31+s12+$0x0], $0xffff  }
0x273: {  	v36 =	vmul.f32 v26, v26;
	v52 =	vmul.f32 v0, v0;
	v31 =	vor.u32 v20, v35  }
0x274: {  	v55 =	vadd.f32 v55, v53;
	v53 =	vmul.f32 v47, v47;
	v35 =	vmul.f32 v34, v37  }
0x275: {  	v12 =	vmul.f32 v42, v42;
	v26 =	vadd.f32 v1, v9;
	v57 =	vmul.f32 v54, v54  }
0x276: {  	v39 =	vimm.f32 $0.0e+00;
	v59 =	vmul.f32 v56, v56;
	v33 =	vmul.f32 v1, v1  }
0x277: {  	[tilespmem:$0x1FC50] =	vst v20;
	v12 =	vadd.f32 v12, v39;
	v20 =	vmul.f32 v38, v38;
	v26 =	vadd.f32 v26, v44  }
0x278: {  	v60 =	vld.idx.msk [tilespmem:v50+s12+$0x0], $0xffff;
	v63 =	vadd.f32 v57, v39;
	v57 =	vadd.f32 v59, v39;
	v59 =	vmul.f32 v6, v6  }
0x279: {  	v3 =	vld.idx.msk [tilespmem:v48+s12+$0x0], $0xffff;
	v44 =	vmul.f32 v34, v25;
	v12 =	vadd.f32 v52, v12;
	v52 =	vmul.f32 v37, v37  }
0x27a: {  	v37 =	vmul.f32 v29, v29;
	v50 =	vadd.f32 v33, v63;
	v63 =	vld.idx.msk [tilespmem:v46+s12+$0x0], $0xffff;
	v33 =	vmul.f32 v45, v5  }
0x27b: {  	v61 =	vld.idx.msk [tilespmem:v31+s12+$0x0], $0xffff;
	v48 =	vadd.f32 v59, v57;
	v5 =	vmul.f32 v5, v5;
	v57 =	vmul.f32 v26, v6  }
0x27c: {  	v62 =	vmul.f32 v26, v1;
	v1 =	vmul.f32 v40, v40  }
0x27d: {  	v0 =	vmul.f32 v26, v0;
	v9 =	vmul.f32 v26, v9  }
0x27e: {  	v46 =	vmul.f32 v45, v58;
	v7 =	vadd.f32 v7, v12;
	v12 =	vadd.f32 v3, v60  }
0x27f: {  	v59 =	vmul.f32 v58, v58;
	v6 =	vadd.f32 v13, v50;
	v13 =	vadd.f32 v63, v38  }
0x280: {  	v45 =	vmul.f32 v10, v41;
	v5 =	vadd.f32 v5, v48;
	v26 =	vadd.f32 v54, v61  }
0x281: {  	v50 =	vmul.f32 v10, v21;
	v48 =	vadd.f32 v13, v12;
	v12 =	vmul.f32 v4, v4  }
0x282: {  	v1 =	vadd.f32 v1, v7;
	v7 =	vmul.f32 v25, v25;
	v13 =	vadd.f32 v56, v42  }
0x283: {  	v6 =	vadd.f32 v53, v6;
	v53 =	vmul.f32 v10, v49;
	v12 =	vadd.f32 v12, v5  }
0x284: {  	v58 =	vadd.f32 v26, v13;
	v5 =	vmul.f32 v10, v29;
	v13 =	vmul.f32 v41, v41  }
0x285: {  	v26 =	vmul.f32 v21, v21;
	v41 =	vmul.f32 v48, v60  }
0x286: {  	v10 =	vmul.f32 v61, v61;
	v21 =	vmul.f32 v48, v3  }
0x287: {  	v29 =	vadd.f32 v11, v12;
	v11 =	vmul.f32 v49, v49;
	v14 =	vmul.f32 v58, v61  }
0x288: {  	v12 =	vadd.f32 v51, v6;
	v6 =	vmul.f32 v60, v60;
	v61 =	vmul.f32 v55, v2  }
0x289: {  	v51 =	vadd.f32 v8, v1;
	v8 =	vmul.f32 v63, v63;
	v49 =	vmul.f32 v48, v63  }
0x28a: {  	v63 =	vmul.f32 v58, v54;
	v54 =	vimm.f32 $0.0e+00;
	v13 =	vadd.f32 v13, v29  }
0x28b: {  	v29 =	vmul.f32 v58, v56;
	v14 =	vadd.f32 v14, v39;
	v56 =	vmul.f32 v2, v2  }
0x28c: {  	v2 =	vadd.f32 v26, v51;
	v51 =	vmul.f32 v55, v4;
	v26 =	vmul.f32 v22, v22  }
0x28d: {  	v1 =	vadd.f32 v9, v14;
	v13 =	vadd.f32 v7, v13;
	v9 =	vmul.f32 v3, v3  }
0x28e: {  	s31 =	simm.s32 $0x8;
	v60 =	vadd.f32 v29, v39;
	v7 =	vmul.f32 v32, v32;
	v3 =	vimm.f32 $0.0e+00  }
.LBB2_11:
0x28f: {  	_ = 	snop  }
0x290: {  	v14 =	vld [tilespmem:$0x1FC40];
	v1 =	vadd.f32 v46, v1  }
0x291: {  	v4 =	vadd.f32 v11, v12  }
0x292: {  	s16 =	sadd.s32 $0x1, s31;
	v3 =	vadd.f32 v10, v3;
	v18 =	vld [tilespmem:$0x1FC10];
	v1 =	vadd.f32 v61, v1  }
0x293: {  	s0 =	smov.u32 s31;
	v9 =	vadd.f32 v9, v13;
	v12 =	vadd.s32 s16, v15;
	v28 =	vadd.f32 v63, v39  }
0x294: {  	v46 =	vadd.f32 v57, v60;
	s16 =	sadd.s32 $0x2, s0;
	v12 =	vand.u32 $0x3F, v12;
	v1 =	vadd.f32 v16, v1;
	v16 =	vld [tilespmem:$0x1FC30]  }
0x295: {  	v17 =	vld [tilespmem:$0x1FC20];
	[tilespmem:$0x1FAA0] =	vst v9;
	v9 =	vor.u32 v14, v12;
	v13 =	vadd.f32 v62, v28;
	v28 =	vadd.s32 s16, v15  }
0x296: {  	v4 =	vadd.f32 v52, v4;
	v3 =	vadd.f32 v27, v3;
	v27 =	vand.u32 $0x3F, v28  }
0x297: {  	v25 =	vmul.f32 v55, v47;
	v2 =	vadd.f32 v7, v2;
	v47 =	vor.u32 v18, v27  }
0x298: {  	v57 =	vadd.f32 v8, v4;
	v8 =	vadd.f32 v33, v46;
	v7 =	vor.u32 v14, v27  }
0x299: {  	v11 =	vmul.f32 v48, v38;
	v4 =	vor.u32 v16, v27  }
0x29a: {  	v38 =	vmul.f32 v55, v40;
	v8 =	vadd.f32 v51, v8;
	v51 =	vld.idx.msk [tilespmem:v9+s12+$0x0], $0xffff;
	v9 =	vor.u32 v17, v27  }
0x29b: {  	v22 =	vmul.f32 v34, v22;
	v28 =	vmul.f32 v58, v42;
	v13 =	vadd.f32 v23, v13  }
0x29c: {  	v48 =	vadd.f32 v6, v2;
	v10 =	vor.u32 v18, v12;
	s16 =	sadd.s32 $0x3, s0;
	v1 =	vadd.f32 v5, v1;
	v46 =	vld.idx.msk [tilespmem:v47+s12+$0x0], $0xffff  }
0x29d: {  	v2 =	vadd.s32 s16, v15;
	v13 =	vadd.f32 v25, v13;
	v25 =	vadd.f32 v28, v54;
	v5 =	vld.idx.msk [tilespmem:v7+s12+$0x0], $0xffff  }
0x29e: {  	v55 =	vor.u32 v17, v12;
	v2 =	vand.u32 $0x3F, v2;
	v12 =	vor.u32 v16, v12;
	v62 =	vld.idx.msk [tilespmem:v4+s12+$0x0], $0xffff  }
0x29f: {  	v27 =	vor.u32 v18, v2;
	v13 =	vadd.f32 v24, v13;
	v0 =	vadd.f32 v0, v25;
	v9 =	vld.idx.msk [tilespmem:v9+s12+$0x0], $0xffff  }
0x2a0: {  	v3 =	vadd.f32 v59, v3;
	v1 =	vadd.f32 v22, v1  }
0x2a1: {  	s16 =	sadd.s32 $0x4, s0;
	v22 =	vor.u32 v17, v2;
	v23 =	vadd.f32 v43, v0;
	v13 =	vadd.f32 v53, v13  }
0x2a2: {  	v7 =	vor.u32 v16, v2;
	v0 =	vadd.f32 v11, v1;
	v4 =	vadd.s32 s16, v15  }
0x2a3: {  	v58 =	vld.idx.msk [tilespmem:v12+s12+$0x0], $0xffff;
	v12 =	vor.u32 v14, v2;
	s16 =	sadd.s32 $0x5, s0;
	v11 =	vadd.f32 v38, v23;
	v13 =	vadd.f32 v35, v13  }
0x2a4: {  	v2 =	vadd.s32 s16, v15;
	s16 =	sadd.s32 $0x6, s0;
	v63 =	vld.idx.msk [tilespmem:v27+s12+$0x0], $0xffff;
	v23 =	vadd.f32 v62, v5;
	v27 =	vadd.f32 v9, v46  }
0x2a5: {  	v3 =	vadd.f32 v56, v3;
	v61 =	vld.idx.msk [tilespmem:v10+s12+$0x0], $0xffff;
	v10 =	vand.u32 $0x3F, v2;
	v2 =	vadd.s32 s16, v15  }
0x2a6: {  	[tilespmem:$0x1FB00] =	vst v0;
	v56 =	vand.u32 $0x3F, v2;
	v0 =	vadd.f32 v49, v13;
	v2 =	vadd.f32 v27, v23;
	_ =	sdelay $0x1  }
0x2a7: {  	v4 =	vand.u32 $0x3F, v4;
	[tilespmem:$0x1FAB0] =	vst v0;
	v0 =	vmul.f32 v2, v5  }
0x2a8: {  	v8 =	vadd.f32 v30, v8;
	v28 =	vor.u32 v16, v4;
	v30 =	vor.u32 v18, v4  }
0x2a9: {  	v25 =	vor.u32 v14, v4;
	v4 =	vor.u32 v17, v4;
	[tilespmem:$0x1FB10] =	vst v0;
	v0 =	vmul.f32 v2, v9;
	_ =	sdelay $0x1  }
0x2aa: {  	v8 =	vadd.f32 v45, v8;
	[tilespmem:$0x1FAE0] =	vst v0;
	v0 =	vmul.f32 v2, v62  }
0x2ab: {  	v47 =	vld.idx.msk [tilespmem:v22+s12+$0x0], $0xffff  }
0x2ac: {  	v8 =	vadd.f32 v44, v8;
	[tilespmem:$0x1FAC0] =	vst v0;
	v0 =	vmul.f32 v61, v61  }
0x2ad: {  	v3 =	vadd.f32 v36, v3;
	v4 =	vld.idx.msk [tilespmem:v4+s12+$0x0], $0xffff  }
0x2ae: {  	v32 =	vmul.f32 v34, v32;
	v34 =	vld.idx.msk [tilespmem:v28+s12+$0x0], $0xffff;
	[tilespmem:$0x1FB50] =	vst v0;
	v0 =	vadd.f32 v21, v8  }
0x2af: {  	v3 =	vadd.f32 v37, v3;
	v42 =	vld.idx.msk [tilespmem:v30+s12+$0x0], $0xffff  }
0x2b0: {  	v24 =	vor.u32 v16, v56;
	v37 =	vld.idx.msk [tilespmem:v25+s12+$0x0], $0xffff;
	[tilespmem:$0x1FB20] =	vst v0;
	v0 =	vmul.f32 v47, v47  }
0x2b1: {  	v1 =	vor.u32 v16, v10  }
0x2b2: {  	v11 =	vadd.f32 v19, v11;
	[tilespmem:$0x1FAD0] =	vst v0;
	v0 =	vmul.f32 v4, v4  }
0x2b3: {  	v54 =	vor.u32 v18, v10  }
0x2b4: {  	v11 =	vadd.f32 v50, v11;
	[tilespmem:$0x1FAF0] =	vst v0;
	v0 =	vld [tilespmem:$0x1FBE0]  }
0x2b5: {  	v53 =	vld.idx.msk [tilespmem:v24+s12+$0x0], $0xffff;
	v60 =	vadd.f32 v4, v42;
	v24 =	vadd.f32 v34, v37  }
0x2b6: {  	v45 =	vld.idx.msk [tilespmem:v1+s12+$0x0], $0xffff;
	v1 =	vadd.f32 v32, v11  }
0x2b7: {  	v59 =	vor.u32 v17, v56;
	v8 =	vadd.f32 v60, v24;
	v24 =	vadd.s32 s0, v15  }
0x2b8: {  	v49 =	vld.idx.msk [tilespmem:v54+s12+$0x0], $0xffff;
	v54 =	vadd.f32 v41, v1;
	v41 =	vmul.f32 v9, v9;
	v9 =	vand.u32 $0x38, v24  }
0x2b9: {  	v3 =	vadd.f32 v26, v3;
	v30 =	vor.u32 v18, v56;
	v26 =	vor.u32 v0, v9;
	v0 =	vld [tilespmem:$0x1FC00]  }
0x2ba: {  	v11 =	vor.u32 v14, v56;
	_ =	sdelay $0x1  }
0x2bb: {  	v3 =	vadd.f32 v20, v3;
	v13 =	vor.u32 v14, v10;
	v10 =	vor.u32 v17, v10;
	v20 =	vld.idx.msk [tilespmem:v7+s12+$0x0], $0xffff  }
0x2bc: {  	v31 =	vld.idx.msk [tilespmem:v59+s12+$0x0], $0xffff  }
0x2bd: {  	s16 =	sadd.s32 $0x7, s0;
	v22 =	vld.idx.msk [tilespmem:v30+s12+$0x0], $0xffff;
	v19 =	vor.u32 v0, v9;
	v0 =	vmul.f32 v8, v4  }
0x2be: {  	v23 =	vadd.s32 s16, v15;
	v32 =	vld.idx.msk [tilespmem:v11+s12+$0x0], $0xffff  }
0x2bf: {  	v40 =	vand.u32 $0x3F, v23;
	[tilespmem:$0x1FB30] =	vst v0;
	v0 =	vld [tilespmem:$0x1FBF0]  }
0x2c0: {  	v11 =	vor.u32 v14, v40;
	v4 =	vld.idx.msk [tilespmem:v10+s12+$0x0], $0xffff  }
0x2c1: {  	v13 =	vld.idx.msk [tilespmem:v13+s12+$0x0], $0xffff;
	v56 =	vmul.f32 v63, v63;
	v33 =	vmul.f32 v20, v20;
	v30 =	vor.u32 v18, v40  }
0x2c2: {  	v50 =	vor.u32 v17, v40;
	v59 =	vor.u32 v16, v40;
	v5 =	vmul.f32 v5, v5;
	v40 =	vld.idx.msk [tilespmem:v12+s12+$0x0], $0xffff  }
0x2c3: {  	v18 =	vmul.f32 v37, v37;
	v25 =	vmul.f32 v42, v42;
	v12 =	vld.idx.msk [tilespmem:v55+s12+$0x0], $0xffff;
	v7 =	vadd.f32 v31, v22  }
0x2c4: {  	v35 =	vadd.f32 v53, v32;
	v60 =	vmul.f32 v8, v42;
	v42 =	vld.idx.msk [tilespmem:v26+s12+$0x0], $0xffff;
	v10 =	vor.u32 v0, v9  }
0x2c5: {  	v29 =	vmul.f32 v34, v34;
	v23 =	vld.idx.msk [tilespmem:v11+s12+$0x0], $0xffff;
	v11 =	vadd.f32 v4, v49;
	v0 =	vmul.f32 v8, v34  }
0x2c6: {  	v38 =	vld.idx.msk [tilespmem:v30+s12+$0x0], $0xffff;
	v16 =	vmul.f32 v8, v37;
	v8 =	vadd.f32 v45, v13;
	v34 =	vadd.f32 v7, v35  }
0x2c7: {  	v1 =	vmul.f32 v49, v49;
	v52 =	vmul.f32 v31, v31;
	[tilespmem:$0x1FB40] =	vst v0;
	v0 =	vld [tilespmem:$0x1FC50]  }
0x2c8: {  	v62 =	vmul.f32 v62, v62;
	v11 =	vadd.f32 v11, v8;
	v21 =	vmul.f32 v34, v31;
	v31 =	vld.idx.msk [tilespmem:v50+s12+$0x0], $0xffff  }
0x2c9: {  	v8 =	vadd.f32 v47, v63;
	v50 =	vmul.f32 v42, v42;
	v28 =	vld.idx.msk [tilespmem:v10+s12+$0x0], $0xffff;
	v10 =	vadd.f32 v20, v40  }
0x2ca: {  	v6 =	vadd.f32 v58, v51;
	v27 =	vld.idx.msk [tilespmem:v59+s12+$0x0], $0xffff;
	v59 =	vmul.f32 v46, v46;
	v46 =	vmul.f32 v2, v46  }
0x2cb: {  	v19 =	vld.idx.msk [tilespmem:v19+s12+$0x0], $0xffff;
	v55 =	vadd.f32 v8, v10;
	v8 =	vmul.f32 v51, v51;
	v10 =	vadd.f32 v50, v48  }
0x2cc: {  	v43 =	vmul.f32 v22, v22;
	v30 =	vmul.f32 v53, v53;
	v9 =	vor.u32 v0, v9  }
0x2cd: {  	v36 =	vadd.f32 v12, v61;
	v39 =	vmul.f32 v12, v12;
	v10 =	vadd.f32 v8, v10;
	v8 =	vld [tilespmem:$0x1FAA0]  }
0x2ce: {  	v24 =	vmul.f32 v13, v13;
	v17 =	vmul.f32 v38, v38  }
0x2cf: {  	v36 =	vadd.f32 v36, v6;
	v44 =	vmul.f32 v34, v53;
	v53 =	vmul.f32 v28, v28  }
0x2d0: {  	v37 =	vadd.f32 v27, v23;
	v6 =	vmul.f32 v23, v23;
	v50 =	vmul.f32 v19, v19  }
0x2d1: {  	v26 =	vmul.f32 v45, v45;
	v35 =	vmul.f32 v40, v40;
	v0 =	vld.idx.msk [tilespmem:v9+s12+$0x0], $0xffff;
	v48 =	vadd.f32 v53, v57  }
0x2d2: {  	v14 =	vadd.f32 v19, v42;
	v57 =	vmul.f32 v58, v58;
	v50 =	vadd.f32 v50, v8  }
0x2d3: {  	v7 =	vmul.f32 v32, v32;
	v48 =	vadd.f32 v39, v48;
	v39 =	vadd.f32 v31, v38  }
0x2d4: {  	v45 =	vmul.f32 v11, v45;
	v10 =	vadd.f32 v5, v10;
	v50 =	vadd.f32 v57, v50  }
0x2d5: {  	v5 =	vmul.f32 v11, v49;
	v41 =	vadd.f32 v41, v48;
	v48 =	vadd.f32 v39, v37  }
0x2d6: {  	v9 =	vmul.f32 v27, v27;
	v39 =	vld [tilespmem:$0x1FAB0];
	v15 =	vadd.f32 v28, v0;
	v62 =	vadd.f32 v62, v50  }
0x2d7: {  	v53 =	vmul.f32 v11, v4;
	v37 =	vmov v1;
	v57 =	vmul.f32 v36, v58;
	v1 =	vld [tilespmem:$0x1FAD0]  }
0x2d8: {  	v50 =	vmul.f32 v11, v13;
	v58 =	vadd.f32 v15, v14;
	v15 =	vld [tilespmem:$0x1FB00];
	v13 =	vadd.f32 v33, v62  }
0x2d9: {  	v35 =	vadd.f32 v35, v10;
	v10 =	vmul.f32 v0, v0;
	v62 =	vmul.f32 v36, v12;
	v12 =	vld [tilespmem:$0x1FAF0]  }
0x2da: {  	v11 =	vmul.f32 v4, v4;
	v33 =	vld [tilespmem:$0x1FAC0];
	v4 =	vadd.f32 v29, v13;
	v13 =	vmul.f32 v58, v0  }
0x2db: {  	v0 =	vmul.f32 v36, v51;
	v51 =	vmul.f32 v55, v20;
	v20 =	vmov v17;
	v17 =	vld [tilespmem:$0x1FB20]  }
0x2dc: {  	p0 =	slt.u32 s31, $0x38;
	v1 =	vadd.f32 v1, v41;
	v41 =	vmul.f32 v48, v23;
	v23 =	vld [tilespmem:$0x1FAE0];
	v4 =	vadd.f32 v26, v4  }
.Ltmp4:
0x2dd: {  	v8 =	vmul.f32 v31, v31;
	v26 =	vmovc v43;
	v13 =	vadd.f32 v13, v15;
	v15 =	vadd.f32 v18, v35;
	v43 =	vld [tilespmem:$0x1FB10];
	(pc) =	sbr.rel @p0 .LBB2_11-.Ltmp4, $4  }
0x2de: {  	v35 =	vmovc v21;
	v21 =	vmul.f32 v48, v27;
	v27 =	vld [tilespmem:$0x1FB50];
	v12 =	vadd.f32 v12, v1;
	v1 =	vmul.f32 v58, v19  }
0x2df: {  	v49 =	vmul.f32 v48, v31;
	v14 =	vmul.f32 v36, v61;
	v2 =	vadd.f32 v24, v15;
	v24 =	vld [tilespmem:$0x1FB30]  }
0x2e0: {  	v61 =	vmul.f32 v55, v63;
	v19 =	vmovc v16;
	v16 =	vmov v60;
	v15 =	vld [tilespmem:$0x1FFF0];
	v60 =	vadd.f32 v1, v17  }
0x2e1: {  	s31 =	sadd.s32 $0x8, s31;
	v63 =	vmul.f32 v58, v28;
	v36 =	vmovc v25;
	v1 =	vadd.f32 v14, v13;
	v13 =	vadd.f32 v30, v4;
	v30 =	vld [tilespmem:$0x1FB40]  }
0x2e2: {  	v4 =	vadd.f32 v11, v12;
	v3 =	vadd.f32 v10, v3  }
0x2e3: {  	v2 =	vadd.f32 v7, v2;
	v1 =	vadd.f32 v46, v1  }
0x2e4: {  	v18 =	vmul.f32 v58, v42;
	v46 =	vadd.f32 v63, v39;
	v9 =	vadd.f32 v9, v13  }
0x2e5: {  	v13 =	vadd.f32 v57, v60;
	v3 =	vadd.f32 v27, v3  }
0x2e6: {  	v4 =	vadd.f32 v52, v4;
	v11 =	vadd.f32 v18, v54  }
0x2e7: {  	v2 =	vadd.f32 v6, v2;
	v1 =	vadd.f32 v61, v1  }
0x2e8: {  	v63 =	vadd.f32 v62, v46;
	v4 =	vadd.f32 v8, v4  }
0x2e9: {  	v0 =	vadd.f32 v0, v11;
	v3 =	vadd.f32 v59, v3  }
0x2ea: {  	v12 =	vmul.f32 v55, v47;
	v1 =	vadd.f32 v16, v1;
	v10 =	vadd.f32 v23, v63  }
0x2eb: {  	v23 =	vadd.f32 v33, v13;
	v0 =	vadd.f32 v43, v0  }
0x2ec: {  	v25 =	vmul.f32 v55, v40;
	v17 =	vld [tilespmem:$0x1FBC0];
	v3 =	vadd.f32 v56, v3;
	v10 =	vadd.f32 v12, v10  }
0x2ed: {  	v16 =	vld [tilespmem:$0x1FB80];
	v8 =	vadd.f32 v51, v23;
	v1 =	vadd.f32 v5, v1  }
0x2ee: {  	v28 =	vmul.f32 v34, v22;
	v12 =	vld [tilespmem:$0x1FB70];
	v0 =	vadd.f32 v25, v0;
	v3 =	vadd.f32 v36, v3  }
0x2ef: {  	v10 =	vadd.f32 v24, v10;
	v27 =	vadd.f32 v30, v8  }
0x2f0: {  	v30 =	vmul.f32 v34, v32;
	v1 =	vadd.f32 v28, v1;
	v32 =	vld [tilespmem:$0x1FB60];
	v0 =	vadd.f32 v19, v0  }
0x2f1: {  	v14 =	vimm.f32 $0.0e+00;
	v3 =	vadd.f32 v37, v3;
	v29 =	vadd.f32 v53, v10  }
0x2f2: {  	v33 =	vimm.f32 $1.000000000e+00;
	v6 =	vadd.f32 v45, v27;
	v0 =	vadd.f32 v50, v0  }
0x2f3: {  	v3 =	vadd.f32 v26, v3;
	vm13 =	veq.s32 v16, v12;
	vm14 =	veq.s32 v17, v12  }
0x2f4: {  	v31 =	vadd.f32 v35, v29;
	v6 =	vadd.f32 v44, v6;
	v35 =	vsel vm13, $0x3F800000, v14  }
0x2f5: {  	v13 =	vsel vm14, $0x3F800000, v14;
	vm0 =	veq.s32 v12, v32;
	v0 =	vadd.f32 v30, v0  }
0x2f6: {  	vm11 =	veq.s32 v16, v32;
	vm12 =	veq.s32 v17, v32;
	v3 =	vadd.f32 v20, v3  }
0x2f7: {  	v7 =	vsel vm0, $0x40000000, v33;
	v34 =	vsel vm11, $0x3F800000, v14;
	v0 =	vadd.f32 v41, v0  }
0x2f8: {  	v10 =	vsel vm12, $0x3F800000, v14;
	v12 =	vadd.f32 v34, v7;
	v8 =	vadd.f32 v35, v34  }
0x2f9: {  	vm15 =	veq.s32 v17, v16;
	v7 =	vadd.f32 v35, v7;
	v36 =	vadd.f32 v13, v10  }
0x2fa: {  	v10 =	vadd.f32 v10, v12;
	v8 =	vadd.f32 $1.000000000e+00, v8;
	v12 =	vsel vm15, $0x3F800000, v14  }
0x2fb: {  	v7 =	vadd.f32 v13, v7;
	v11 =	vadd.f32 v36, v12  }
0x2fc: {  	v14 =	vmul.f32 v48, v38;
	v2 =	vmul.f32 v2, v10;
	v8 =	vadd.f32 v8, v12  }
0x2fd: {  	v6 =	vadd.f32 v21, v6;
	v7 =	vmul.f32 v9, v7;
	v37 =	vadd.f32 $1.000000000e+00, v11  }
0x2fe: {  	v1 =	vadd.f32 v14, v1;
	v0 =	vsub.f32 v0, v2;
	v38 =	vmul.f32 v3, v8  }
0x2ff: {  	v39 =	vadd.f32 v49, v31;
	v40 =	vsub.f32 v6, v7;
	v4 =	vmul.f32 v4, v37  }
0x300: {  	v0 =	vmul.f32 $3.333333430e-01, v0;
	v1 =	vsub.f32 v1, v38  }
0x301: {  	v41 =	vmul.f32 $3.333333430e-01, v40;
	v3 =	vsub.f32 v39, v4  }
0x302: {  	v42 =	vand.u32 $0x7FFFFFFF, v0;
	v1 =	vmul.f32 $3.333333430e-01, v1  }
0x303: {  	v5 =	vand.u32 $0x7FFFFFFF, v41;
	v4 =	vsub.f32 $0.0e+00, v42;
	v3 =	vmul.f32 $3.333333430e-01, v3  }
0x304: {  	v5 =	vsub.f32 $0.0e+00, v5;
	v43 =	vand.u32 $0x7FFFFFFF, v1  }
0x305: {  	v4 =	vmul.f32 $1.442695020e+00, v4;
	v6 =	vsub.f32 $0.0e+00, v43;
	v44 =	vand.u32 $0x7FFFFFFF, v3  }
0x306: {  	v5 =	vmul.f32 $1.442695020e+00, v5;
	v7 =	vsub.f32 $0.0e+00, v44  }
0x307: {  	(erf) = vpow2.f32 v4;
	v45 =	vmul.f32 $1.442695020e+00, v6  }
0x308: {  	(erf) = vpow2.f32 v5;
	v46 =	vmul.f32 $1.442695020e+00, v7  }
0x309: {  	(erf) = vpow2.f32 v45  }
0x30a: {  	(erf) = vpow2.f32 v46;
	_ =	sdelay $0x5  }
0x30b: {  	v47 =	vpop (erf)  }
0x30c: {  	v48 =	vpop (erf);
	v49 =	vmul.f32 $8.466410450e-03, v47  }
0x30d: {  	v50 =	vpop (erf);
	v51 =	vmul.f32 $8.466410450e-03, v48  }
0x30e: {  	v6 =	vsub.f32 $4.365928840e-02, v49;
	v52 =	vmul.f32 $8.466410450e-03, v50;
	v53 =	vpop (erf)  }
0x30f: {  	v8 =	vsub.f32 $4.365928840e-02, v51;
	v54 =	vmul.f32 $8.466410450e-03, v53  }
0x310: {  	v6 =	vmul.f32 v6, v47;
	v9 =	vsub.f32 $4.365928840e-02, v52  }
0x311: {  	v8 =	vmul.f32 v8, v48;
	v11 =	vsub.f32 $4.365928840e-02, v54  }
0x312: {  	v6 =	vadd.f32 $-1.067993120e-01, v6;
	v9 =	vmul.f32 v9, v50  }
0x313: {  	v8 =	vadd.f32 $-1.067993120e-01, v8;
	v11 =	vmul.f32 v11, v53  }
0x314: {  	v6 =	vmul.f32 v6, v47;
	v9 =	vadd.f32 $-1.067993120e-01, v9  }
0x315: {  	v8 =	vmul.f32 v8, v48;
	v11 =	vadd.f32 $-1.067993120e-01, v11  }
0x316: {  	v6 =	vadd.f32 $1.765986530e-01, v6;
	v9 =	vmul.f32 v9, v50  }
0x317: {  	v8 =	vadd.f32 $1.765986530e-01, v8;
	v11 =	vmul.f32 v11, v53  }
0x318: {  	v6 =	vmul.f32 v6, v47;
	v9 =	vadd.f32 $1.765986530e-01, v9  }
0x319: {  	v8 =	vmul.f32 v8, v48;
	v11 =	vadd.f32 $1.765986530e-01, v11  }
0x31a: {  	v6 =	vadd.f32 $-2.445338960e-01, v6;
	v9 =	vmul.f32 v9, v50  }
0x31b: {  	v8 =	vadd.f32 $-2.445338960e-01, v8;
	v11 =	vmul.f32 v11, v53  }
0x31c: {  	v6 =	vmul.f32 v6, v47;
	v9 =	vadd.f32 $-2.445338960e-01, v9  }
0x31d: {  	v8 =	vmul.f32 v8, v48;
	v11 =	vadd.f32 $-2.445338960e-01, v11  }
0x31e: {  	v6 =	vadd.f32 $3.326525690e-01, v6;
	v9 =	vmul.f32 v9, v50  }
0x31f: {  	v8 =	vadd.f32 $3.326525690e-01, v8;
	v11 =	vmul.f32 v11, v53  }
0x320: {  	v6 =	vmul.f32 v6, v47;
	v9 =	vadd.f32 $3.326525690e-01, v9  }
0x321: {  	v13 =	vld [tilespmem:$0x1FB90];
	v8 =	vmul.f32 v8, v48;
	v11 =	vadd.f32 $3.326525690e-01, v11  }
0x322: {  	v12 =	vld [tilespmem:$0x1FFD0];
	v6 =	vadd.f32 $-4.999635520e-01, v6;
	v9 =	vmul.f32 v9, v50  }
0x323: {  	v8 =	vadd.f32 $-4.999635520e-01, v8;
	v11 =	vmul.f32 v11, v53  }
0x324: {  	v6 =	vmul.f32 v6, v47;
	v9 =	vadd.f32 $-4.999635520e-01, v9  }
0x325: {  	v61 =	vld [tilespmem:$0x1FBA0];
	v8 =	vmul.f32 v8, v48;
	v11 =	vadd.f32 $-4.999635520e-01, v11  }
0x326: {  	v62 =	vld [tilespmem:$0x1FBB0];
	v6 =	vadd.f32 $9.999995230e-01, v6;
	v9 =	vmul.f32 v9, v50  }
0x327: {  	v63 =	vld [tilespmem:$0x1FBD0];
	v12 =	vand.u32 v12, v13;
	v8 =	vadd.f32 $9.999995230e-01, v8;
	v11 =	vmul.f32 v11, v53  }
0x328: {  	v4 =	vmul.f32 v6, v47;
	v55 =	vadd.f32 $9.999995230e-01, v9  }
0x329: {  	s30 =	sadd.s32 $0x1, s30;
	v0 =	vmin.f32 v0, $0.0e+00;
	v5 =	vmul.f32 v8, v48;
	v56 =	vadd.f32 $9.999995230e-01, v11  }
0x32a: {  	p0 =	sne.s32 s30, $0x8;
	v2 =	vmin.f32 v41, $0.0e+00;
	v0 =	vsub.f32 v0, v4;
	v57 =	vmul.f32 v55, v50  }
.Ltmp5:
0x32b: {  	v1 =	vmin.f32 v1, $0.0e+00;
	v2 =	vsub.f32 v2, v5;
	v58 =	vmul.f32 v56, v53;
	(pc) =	sbr.rel @p0 .LBB2_10-.Ltmp5, $4  }
0x32c: {  	v60 =	vmin.f32 v3, $0.0e+00;
	[tilespmem:v12+s28+$0x0] =	vst.idx.msk $0xffff, v0;
	v59 =	vsub.f32 v1, v57  }
0x32d: {  	[tilespmem:v61+s28+$0x0] =	vst.idx.msk $0xffff, v2;
	v1 =	vsub.f32 v60, v58  }
0x32e: {  	[tilespmem:v62+s28+$0x0] =	vst.idx.msk $0xffff, v59  }
0x32f: {  	[tilespmem:v63+s28+$0x0] =	vst.idx.msk $0xffff, v1  }
0x330: {  	s29 =	simm.s32 $0x0  }
0x331: {  	[hbm4b:s7+s29] =	stream.linear.scatter [tilespmem:s28], [sflag:$0x3], $0x200, $0x38;
	[tilespmem:$0x11000] =	vst v63  }
0x332: {  	_ =	swait.ge [sflag:s10], $0x200  }
0x333: {  	[sflag:s10] =	ssyncset.done $0x0  }
0x334: {  	[sflag:s10] =	ssyncadd.s32 $0xFFFFFE00  }
0x335: {  	_ =	swait.ge [sflag:s1], $0x2000  }
0x336: {  	[sflag:s1] =	ssyncset.done $0x0  }
0x337: {  	[sflag:s1] =	ssyncadd.s32 $0xFFFFE000  }
0x338: {  	_ =	swait.ge [sflag:s1], $0x2000  }
0x339: {  	[sflag:s1] =	ssyncset.done $0x0  }
0x33a: {  	[sflag:s1] =	ssyncadd.s32 $0xFFFFE000  }
0x33b: {  	_ =	swait.ge [sflag:s1], $0x2000  }
0x33c: {  	[sflag:s1] =	ssyncset.done $0x0  }
0x33d: {  	[sflag:s1] =	ssyncadd.s32 $0xFFFFE000  }
0x33e: {  	_ =	swait.ge [sflag:s1], $0x2000  }
0x33f: {  	[sflag:s1] =	ssyncset.done $0x0  }
0x340: {  	s30 =	simm.s32 $0x0;
	[sflag:s1] =	ssyncadd.s32 $0xFFFFE000  }
.LBB2_14:
0x341: {  	v5 =	vld [tilespmem:$0x1FFC0];
	_ =	sdelay $0x2  }
0x342: {  	s0 =	sshll.u32 s30, $0x6  }
0x343: {  	s16 =	sor.u32 $0x600, s0  }
0x344: {  	v0 =	vor.u32 s16, v5;
	s16 =	sor.u32 $0x601, s0  }
0x345: {  	v1 =	vor.u32 s16, v5  }
0x346: {  	s16 =	sor.u32 $0x602, s0  }
0x347: {  	v2 =	vor.u32 s16, v5;
	_ =	sdelay $0x1  }
0x348: {  	v7 =	vld.idx.msk [tilespmem:v0+s29+$0x0], $0xffff  }
0x349: {  	s16 =	sor.u32 $0x603, s0;
	v6 =	vld.idx.msk [tilespmem:v1+s29+$0x0], $0xffff  }
0x34a: {  	v0 =	vor.u32 s16, v5  }
0x34b: {  	v4 =	vld.idx.msk [tilespmem:v2+s29+$0x0], $0xffff  }
0x34c: {  	s16 =	sor.u32 $0x1, s0;
	v1 =	vor.u32 s0, v5  }
0x34d: {  	v2 =	vor.u32 s16, v5;
	s16 =	sor.u32 $0x2, s0;
	[tilespmem:$0x1F9D0] =	vst v1;
	v1 =	vshll.u32 v1, $0x6  }
0x34e: {  	v3 =	vor.u32 s16, v5;
	s16 =	simm.s32 $0x1;
	vm0 =	veq.s32 v7, $0x0;
	vm1 =	veq.s32 v6, $0x0  }
0x34f: {  	[tilespmem:$0x1F9B0] =	vst v6;
	v6 =	vld.idx.msk [tilespmem:v0+s29+$0x0], $0xffff;
	v14 =	vsel vm0, $0x8000, v1;
	v0 =	vshll.u32 v2, $0x6;
	v1 =	vadd.s32 s16, v15  }
0x350: {  	[tilespmem:$0x1F9E0] =	vst v2;
	s16 =	simm.s32 $0x2;
	v2 =	vshll.u32 v3, $0x6;
	vm2 =	veq.s32 v4, $0x0;
	v1 =	vand.u32 $0x3F, v1  }
0x351: {  	[tilespmem:$0x1F9F0] =	vst v3;
	v3 =	vadd.s32 s16, v15;
	v28 =	vsel vm2, $0x8000, v2;
	v2 =	vor.u32 v14, v1  }
0x352: {  	s0 =	sor.u32 $0x3, s0;
	[tilespmem:$0x1F9A0] =	vst v7;
	v3 =	vand.u32 $0x3F, v3  }
0x353: {  	[tilespmem:$0x1F9C0] =	vst v4;
	v16 =	vsel vm1, $0x8000, v0;
	v0 =	vor.u32 s0, v5;
	v4 =	vor.u32 v28, v3  }
0x354: {  	[tilespmem:$0x1FA10] =	vst v0;
	v5 =	vor.u32 v16, v3  }
0x355: {  	v0 =	vshll.u32 v0, $0x6;
	v7 =	vor.u32 v14, v3;
	[tilespmem:$0x1FA00] =	vst v6;
	vm15 =	veq.s32 v6, $0x0  }
0x356: {  	s16 =	simm.s32 $0x3;
	v9 =	vor.u32 v28, v1;
	v17 =	vsel vm15, $0x8000, v0;
	v0 =	vld.idx.msk [tilespmem:v2+s19+$0x0], $0xffff  }
0x357: {  	v8 =	vadd.s32 s16, v15;
	v6 =	vor.u32 v16, v1;
	v2 =	vor.u32 v17, v3;
	v3 =	vld [tilespmem:$0x1FFE0]  }
0x358: {  	s16 =	simm.s32 $0x4;
	v58 =	vld.idx.msk [tilespmem:v4+s19+$0x0], $0xffff;
	v4 =	vand.u32 $0x3F, v8  }
0x359: {  	v8 =	vadd.s32 s16, v15;
	v5 =	vld.idx.msk [tilespmem:v5+s19+$0x0], $0xffff;
	v10 =	vor.u32 v28, v4  }
0x35a: {  	v7 =	vld.idx.msk [tilespmem:v7+s19+$0x0], $0xffff;
	v8 =	vand.u32 $0x3F, v8;
	v19 =	vor.u32 v17, v4  }
0x35b: {  	v9 =	vld.idx.msk [tilespmem:v9+s19+$0x0], $0xffff;
	v11 =	vor.u32 v16, v8  }
0x35c: {  	s16 =	simm.s32 $0x5;
	v6 =	vld.idx.msk [tilespmem:v6+s19+$0x0], $0xffff;
	v12 =	vor.u32 v17, v8  }
0x35d: {  	v18 =	vor.u32 v28, v8;
	v13 =	vld.idx.msk [tilespmem:v2+s19+$0x0], $0xffff;
	v2 =	vadd.s32 s16, v15  }
0x35e: {  	v8 =	vor.u32 v14, v8;
	v23 =	vand.u32 $0x3F, v2;
	v2 =	vld.idx.msk [tilespmem:v10+s19+$0x0], $0xffff  }
0x35f: {  	s16 =	simm.s32 $0x6;
	v20 =	vor.u32 v28, v23;
	v47 =	vld.idx.msk [tilespmem:v19+s19+$0x0], $0xffff  }
0x360: {  	v10 =	vadd.s32 s16, v15;
	v25 =	vor.u32 v16, v23;
	v11 =	vld.idx.msk [tilespmem:v11+s19+$0x0], $0xffff  }
0x361: {  	v30 =	vor.u32 v14, v23;
	v12 =	vld.idx.msk [tilespmem:v12+s19+$0x0], $0xffff;
	v10 =	vand.u32 $0x3F, v10  }
0x362: {  	v26 =	vld.idx.msk [tilespmem:v18+s19+$0x0], $0xffff;
	v22 =	vor.u32 v28, v10  }
0x363: {  	v8 =	vld.idx.msk [tilespmem:v8+s19+$0x0], $0xffff;
	v24 =	vor.u32 v16, v10  }
0x364: {  	v27 =	vor.u32 v17, v10;
	v29 =	vld.idx.msk [tilespmem:v20+s19+$0x0], $0xffff  }
0x365: {  	v10 =	vor.u32 v14, v10;
	v41 =	vld.idx.msk [tilespmem:v25+s19+$0x0], $0xffff  }
0x366: {  	v1 =	vor.u32 v17, v1;
	v31 =	vor.u32 v14, v4;
	v23 =	vor.u32 v17, v23;
	v21 =	vld.idx.msk [tilespmem:v30+s19+$0x0], $0xffff  }
0x367: {  	v4 =	vor.u32 v16, v4;
	v32 =	vadd.f32 v5, v7;
	v19 =	vor.u32 v3, v16;
	v22 =	vld.idx.msk [tilespmem:v22+s19+$0x0], $0xffff  }
0x368: {  	v18 =	vor.u32 v3, v14;
	v44 =	vadd.f32 v6, v0;
	v33 =	vadd.f32 v13, v58;
	v25 =	vld.idx.msk [tilespmem:v24+s19+$0x0], $0xffff  }
0x369: {  	v20 =	vor.u32 v3, v28;
	v3 =	vor.u32 v3, v17;
	v37 =	vld.idx.msk [tilespmem:v27+s19+$0x0], $0xffff;
	[tilespmem:$0x1FA20] =	vst v18  }
0x36a: {  	v45 =	vadd.f32 v33, v32;
	v55 =	vadd.f32 v47, v2;
	v24 =	vadd.s32 s29, v15;
	v32 =	vld.idx.msk [tilespmem:v10+s19+$0x0], $0xffff  }
0x36b: {  	v56 =	vadd.f32 v11, v8;
	v51 =	vmul.f32 v12, v12;
	v35 =	vand.u32 $0x38, v24;
	v49 =	vld.idx.msk [tilespmem:v23+s19+$0x0], $0xffff;
	[tilespmem:$0x1FA30] =	vst v3  }
0x36c: {  	s16 =	simm.s32 $0x7;
	v43 =	vmul.f32 v45, v7;
	v7 =	vmul.f32 v7, v7;
	[tilespmem:$0x1FA40] =	vst v19;
	v30 =	vor.u32 v18, v35  }
0x36d: {  	v27 =	vmul.f32 v9, v9;
	v24 =	vadd.s32 s16, v15;
	v10 =	vadd.f32 v12, v26;
	v40 =	vld.idx.msk [tilespmem:v31+s19+$0x0], $0xffff;
	[tilespmem:$0x1FA50] =	vst v28  }
0x36e: {  	v23 =	vmul.f32 v45, v13;
	v24 =	vand.u32 $0x3F, v24;
	v34 =	vor.u32 v3, v35;
	[tilespmem:$0x1FA60] =	vst v17  }
0x36f: {  	v36 =	vor.u32 v19, v35;
	v31 =	vor.u32 v28, v24;
	v10 =	vadd.f32 v10, v56;
	v4 =	vld.idx.msk [tilespmem:v4+s19+$0x0], $0xffff  }
0x370: {  	v46 =	vor.u32 v17, v24;
	[tilespmem:$0x1FA70] =	vst v16;
	v48 =	vor.u32 v16, v24;
	v50 =	vor.u32 v14, v24  }
0x371: {  	v38 =	vadd.f32 v41, v21;
	v16 =	vmul.f32 v10, v26;
	v42 =	vld.idx.msk [tilespmem:v30+s19+$0x0], $0xffff;
	[tilespmem:$0x1FA80] =	vst v14  }
0x372: {  	v24 =	vmul.f32 v10, v12;
	v19 =	vmul.f32 v10, v8;
	v12 =	vadd.f32 v37, v22;
	v1 =	vld.idx.msk [tilespmem:v1+s19+$0x0], $0xffff  }
0x373: {  	v52 =	vadd.f32 v49, v29;
	v30 =	vmul.f32 v10, v11;
	v10 =	vadd.f32 v25, v32;
	v54 =	vld.idx.msk [tilespmem:v34+s19+$0x0], $0xffff  }
0x374: {  	v13 =	vmul.f32 v13, v13;
	v8 =	vmul.f32 v8, v8;
	v56 =	vld.idx.msk [tilespmem:v36+s19+$0x0], $0xffff;
	v53 =	vadd.f32 v4, v40  }
0x375: {  	v11 =	vmul.f32 v11, v11;
	v34 =	vadd.f32 v12, v10;
	v10 =	vadd.f32 v52, v38;
	v38 =	vld.idx.msk [tilespmem:v31+s19+$0x0], $0xffff  }
0x376: {  	v36 =	vmul.f32 v26, v26;
	v52 =	vmul.f32 v0, v0;
	v31 =	vor.u32 v20, v35  }
0x377: {  	v55 =	vadd.f32 v55, v53;
	v53 =	vmul.f32 v47, v47;
	v35 =	vmul.f32 v34, v37  }
0x378: {  	v12 =	vmul.f32 v42, v42;
	v26 =	vadd.f32 v1, v9;
	v57 =	vmul.f32 v54, v54  }
0x379: {  	v39 =	vimm.f32 $0.0e+00;
	v59 =	vmul.f32 v56, v56;
	v33 =	vmul.f32 v1, v1  }
0x37a: {  	[tilespmem:$0x1FA90] =	vst v20;
	v12 =	vadd.f32 v12, v39;
	v20 =	vmul.f32 v38, v38;
	v26 =	vadd.f32 v26, v44  }
0x37b: {  	v60 =	vld.idx.msk [tilespmem:v50+s19+$0x0], $0xffff;
	v63 =	vadd.f32 v57, v39;
	v57 =	vadd.f32 v59, v39;
	v59 =	vmul.f32 v6, v6  }
0x37c: {  	v3 =	vld.idx.msk [tilespmem:v48+s19+$0x0], $0xffff;
	v44 =	vmul.f32 v34, v25;
	v12 =	vadd.f32 v52, v12;
	v52 =	vmul.f32 v37, v37  }
0x37d: {  	v37 =	vmul.f32 v29, v29;
	v50 =	vadd.f32 v33, v63;
	v63 =	vld.idx.msk [tilespmem:v46+s19+$0x0], $0xffff;
	v33 =	vmul.f32 v45, v5  }
0x37e: {  	v61 =	vld.idx.msk [tilespmem:v31+s19+$0x0], $0xffff;
	v48 =	vadd.f32 v59, v57;
	v5 =	vmul.f32 v5, v5;
	v57 =	vmul.f32 v26, v6  }
0x37f: {  	v62 =	vmul.f32 v26, v1;
	v1 =	vmul.f32 v40, v40  }
0x380: {  	v0 =	vmul.f32 v26, v0;
	v9 =	vmul.f32 v26, v9  }
0x381: {  	v46 =	vmul.f32 v45, v58;
	v7 =	vadd.f32 v7, v12;
	v12 =	vadd.f32 v3, v60  }
0x382: {  	v59 =	vmul.f32 v58, v58;
	v6 =	vadd.f32 v13, v50;
	v13 =	vadd.f32 v63, v38  }
0x383: {  	v45 =	vmul.f32 v10, v41;
	v5 =	vadd.f32 v5, v48;
	v26 =	vadd.f32 v54, v61  }
0x384: {  	v50 =	vmul.f32 v10, v21;
	v48 =	vadd.f32 v13, v12;
	v12 =	vmul.f32 v4, v4  }
0x385: {  	v1 =	vadd.f32 v1, v7;
	v7 =	vmul.f32 v25, v25;
	v13 =	vadd.f32 v56, v42  }
0x386: {  	v6 =	vadd.f32 v53, v6;
	v53 =	vmul.f32 v10, v49;
	v12 =	vadd.f32 v12, v5  }
0x387: {  	v58 =	vadd.f32 v26, v13;
	v5 =	vmul.f32 v10, v29;
	v13 =	vmul.f32 v41, v41  }
0x388: {  	v26 =	vmul.f32 v21, v21;
	v41 =	vmul.f32 v48, v60  }
0x389: {  	v10 =	vmul.f32 v61, v61;
	v21 =	vmul.f32 v48, v3  }
0x38a: {  	v29 =	vadd.f32 v11, v12;
	v11 =	vmul.f32 v49, v49;
	v14 =	vmul.f32 v58, v61  }
0x38b: {  	v12 =	vadd.f32 v51, v6;
	v6 =	vmul.f32 v60, v60;
	v61 =	vmul.f32 v55, v2  }
0x38c: {  	v51 =	vadd.f32 v8, v1;
	v8 =	vmul.f32 v63, v63;
	v49 =	vmul.f32 v48, v63  }
0x38d: {  	v63 =	vmul.f32 v58, v54;
	v54 =	vimm.f32 $0.0e+00;
	v13 =	vadd.f32 v13, v29  }
0x38e: {  	v29 =	vmul.f32 v58, v56;
	v14 =	vadd.f32 v14, v39;
	v56 =	vmul.f32 v2, v2  }
0x38f: {  	v2 =	vadd.f32 v26, v51;
	v51 =	vmul.f32 v55, v4;
	v26 =	vmul.f32 v22, v22  }
0x390: {  	v1 =	vadd.f32 v9, v14;
	v13 =	vadd.f32 v7, v13;
	v9 =	vmul.f32 v3, v3  }
0x391: {  	s31 =	simm.s32 $0x8;
	v60 =	vadd.f32 v29, v39;
	v7 =	vmul.f32 v32, v32;
	v3 =	vimm.f32 $0.0e+00  }
.LBB2_15:
0x392: {  	_ = 	snop  }
0x393: {  	v14 =	vld [tilespmem:$0x1FA80];
	v1 =	vadd.f32 v46, v1  }
0x394: {  	v4 =	vadd.f32 v11, v12  }
0x395: {  	s16 =	sadd.s32 $0x1, s31;
	v3 =	vadd.f32 v10, v3;
	v18 =	vld [tilespmem:$0x1FA50];
	v1 =	vadd.f32 v61, v1  }
0x396: {  	s0 =	smov.u32 s31;
	v9 =	vadd.f32 v9, v13;
	v12 =	vadd.s32 s16, v15;
	v28 =	vadd.f32 v63, v39  }
0x397: {  	v46 =	vadd.f32 v57, v60;
	s16 =	sadd.s32 $0x2, s0;
	v12 =	vand.u32 $0x3F, v12;
	v1 =	vadd.f32 v16, v1;
	v16 =	vld [tilespmem:$0x1FA70]  }
0x398: {  	v17 =	vld [tilespmem:$0x1FA60];
	[tilespmem:$0x1F8E0] =	vst v9;
	v9 =	vor.u32 v14, v12;
	v13 =	vadd.f32 v62, v28;
	v28 =	vadd.s32 s16, v15  }
0x399: {  	v4 =	vadd.f32 v52, v4;
	v3 =	vadd.f32 v27, v3;
	v27 =	vand.u32 $0x3F, v28  }
0x39a: {  	v25 =	vmul.f32 v55, v47;
	v2 =	vadd.f32 v7, v2;
	v47 =	vor.u32 v18, v27  }
0x39b: {  	v57 =	vadd.f32 v8, v4;
	v8 =	vadd.f32 v33, v46;
	v7 =	vor.u32 v14, v27  }
0x39c: {  	v11 =	vmul.f32 v48, v38;
	v4 =	vor.u32 v16, v27  }
0x39d: {  	v38 =	vmul.f32 v55, v40;
	v8 =	vadd.f32 v51, v8;
	v51 =	vld.idx.msk [tilespmem:v9+s19+$0x0], $0xffff;
	v9 =	vor.u32 v17, v27  }
0x39e: {  	v22 =	vmul.f32 v34, v22;
	v28 =	vmul.f32 v58, v42;
	v13 =	vadd.f32 v23, v13  }
0x39f: {  	v48 =	vadd.f32 v6, v2;
	v10 =	vor.u32 v18, v12;
	s16 =	sadd.s32 $0x3, s0;
	v1 =	vadd.f32 v5, v1;
	v46 =	vld.idx.msk [tilespmem:v47+s19+$0x0], $0xffff  }
0x3a0: {  	v2 =	vadd.s32 s16, v15;
	v13 =	vadd.f32 v25, v13;
	v25 =	vadd.f32 v28, v54;
	v5 =	vld.idx.msk [tilespmem:v7+s19+$0x0], $0xffff  }
0x3a1: {  	v55 =	vor.u32 v17, v12;
	v2 =	vand.u32 $0x3F, v2;
	v12 =	vor.u32 v16, v12;
	v62 =	vld.idx.msk [tilespmem:v4+s19+$0x0], $0xffff  }
0x3a2: {  	v27 =	vor.u32 v18, v2;
	v13 =	vadd.f32 v24, v13;
	v0 =	vadd.f32 v0, v25;
	v9 =	vld.idx.msk [tilespmem:v9+s19+$0x0], $0xffff  }
0x3a3: {  	v3 =	vadd.f32 v59, v3;
	v1 =	vadd.f32 v22, v1  }
0x3a4: {  	s16 =	sadd.s32 $0x4, s0;
	v22 =	vor.u32 v17, v2;
	v23 =	vadd.f32 v43, v0;
	v13 =	vadd.f32 v53, v13  }
0x3a5: {  	v7 =	vor.u32 v16, v2;
	v0 =	vadd.f32 v11, v1;
	v4 =	vadd.s32 s16, v15  }
0x3a6: {  	v58 =	vld.idx.msk [tilespmem:v12+s19+$0x0], $0xffff;
	v12 =	vor.u32 v14, v2;
	s16 =	sadd.s32 $0x5, s0;
	v11 =	vadd.f32 v38, v23;
	v13 =	vadd.f32 v35, v13  }
0x3a7: {  	v2 =	vadd.s32 s16, v15;
	s16 =	sadd.s32 $0x6, s0;
	v63 =	vld.idx.msk [tilespmem:v27+s19+$0x0], $0xffff;
	v23 =	vadd.f32 v62, v5;
	v27 =	vadd.f32 v9, v46  }
0x3a8: {  	v3 =	vadd.f32 v56, v3;
	v61 =	vld.idx.msk [tilespmem:v10+s19+$0x0], $0xffff;
	v10 =	vand.u32 $0x3F, v2;
	v2 =	vadd.s32 s16, v15  }
0x3a9: {  	[tilespmem:$0x1F940] =	vst v0;
	v56 =	vand.u32 $0x3F, v2;
	v0 =	vadd.f32 v49, v13;
	v2 =	vadd.f32 v27, v23;
	_ =	sdelay $0x1  }
0x3aa: {  	v4 =	vand.u32 $0x3F, v4;
	[tilespmem:$0x1F8F0] =	vst v0;
	v0 =	vmul.f32 v2, v5  }
0x3ab: {  	v8 =	vadd.f32 v30, v8;
	v28 =	vor.u32 v16, v4;
	v30 =	vor.u32 v18, v4  }
0x3ac: {  	v25 =	vor.u32 v14, v4;
	v4 =	vor.u32 v17, v4;
	[tilespmem:$0x1F950] =	vst v0;
	v0 =	vmul.f32 v2, v9;
	_ =	sdelay $0x1  }
0x3ad: {  	v8 =	vadd.f32 v45, v8;
	[tilespmem:$0x1F920] =	vst v0;
	v0 =	vmul.f32 v2, v62  }
0x3ae: {  	v47 =	vld.idx.msk [tilespmem:v22+s19+$0x0], $0xffff  }
0x3af: {  	v8 =	vadd.f32 v44, v8;
	[tilespmem:$0x1F900] =	vst v0;
	v0 =	vmul.f32 v61, v61  }
0x3b0: {  	v3 =	vadd.f32 v36, v3;
	v4 =	vld.idx.msk [tilespmem:v4+s19+$0x0], $0xffff  }
0x3b1: {  	v32 =	vmul.f32 v34, v32;
	v34 =	vld.idx.msk [tilespmem:v28+s19+$0x0], $0xffff;
	[tilespmem:$0x1F990] =	vst v0;
	v0 =	vadd.f32 v21, v8  }
0x3b2: {  	v3 =	vadd.f32 v37, v3;
	v42 =	vld.idx.msk [tilespmem:v30+s19+$0x0], $0xffff  }
0x3b3: {  	v24 =	vor.u32 v16, v56;
	v37 =	vld.idx.msk [tilespmem:v25+s19+$0x0], $0xffff;
	[tilespmem:$0x1F960] =	vst v0;
	v0 =	vmul.f32 v47, v47  }
0x3b4: {  	v1 =	vor.u32 v16, v10  }
0x3b5: {  	v11 =	vadd.f32 v19, v11;
	[tilespmem:$0x1F910] =	vst v0;
	v0 =	vmul.f32 v4, v4  }
0x3b6: {  	v54 =	vor.u32 v18, v10  }
0x3b7: {  	v11 =	vadd.f32 v50, v11;
	[tilespmem:$0x1F930] =	vst v0;
	v0 =	vld [tilespmem:$0x1FA20]  }
0x3b8: {  	v53 =	vld.idx.msk [tilespmem:v24+s19+$0x0], $0xffff;
	v60 =	vadd.f32 v4, v42;
	v24 =	vadd.f32 v34, v37  }
0x3b9: {  	v45 =	vld.idx.msk [tilespmem:v1+s19+$0x0], $0xffff;
	v1 =	vadd.f32 v32, v11  }
0x3ba: {  	v59 =	vor.u32 v17, v56;
	v8 =	vadd.f32 v60, v24;
	v24 =	vadd.s32 s0, v15  }
0x3bb: {  	v49 =	vld.idx.msk [tilespmem:v54+s19+$0x0], $0xffff;
	v54 =	vadd.f32 v41, v1;
	v41 =	vmul.f32 v9, v9;
	v9 =	vand.u32 $0x38, v24  }
0x3bc: {  	v3 =	vadd.f32 v26, v3;
	v30 =	vor.u32 v18, v56;
	v26 =	vor.u32 v0, v9;
	v0 =	vld [tilespmem:$0x1FA40]  }
0x3bd: {  	v11 =	vor.u32 v14, v56;
	_ =	sdelay $0x1  }
0x3be: {  	v3 =	vadd.f32 v20, v3;
	v13 =	vor.u32 v14, v10;
	v10 =	vor.u32 v17, v10;
	v20 =	vld.idx.msk [tilespmem:v7+s19+$0x0], $0xffff  }
0x3bf: {  	v31 =	vld.idx.msk [tilespmem:v59+s19+$0x0], $0xffff  }
0x3c0: {  	s16 =	sadd.s32 $0x7, s0;
	v22 =	vld.idx.msk [tilespmem:v30+s19+$0x0], $0xffff;
	v19 =	vor.u32 v0, v9;
	v0 =	vmul.f32 v8, v4  }
0x3c1: {  	v23 =	vadd.s32 s16, v15;
	v32 =	vld.idx.msk [tilespmem:v11+s19+$0x0], $0xffff  }
0x3c2: {  	v40 =	vand.u32 $0x3F, v23;
	[tilespmem:$0x1F970] =	vst v0;
	v0 =	vld [tilespmem:$0x1FA30]  }
0x3c3: {  	v11 =	vor.u32 v14, v40;
	v4 =	vld.idx.msk [tilespmem:v10+s19+$0x0], $0xffff  }
0x3c4: {  	v13 =	vld.idx.msk [tilespmem:v13+s19+$0x0], $0xffff;
	v56 =	vmul.f32 v63, v63;
	v33 =	vmul.f32 v20, v20;
	v30 =	vor.u32 v18, v40  }
0x3c5: {  	v50 =	vor.u32 v17, v40;
	v59 =	vor.u32 v16, v40;
	v5 =	vmul.f32 v5, v5;
	v40 =	vld.idx.msk [tilespmem:v12+s19+$0x0], $0xffff  }
0x3c6: {  	v18 =	vmul.f32 v37, v37;
	v25 =	vmul.f32 v42, v42;
	v12 =	vld.idx.msk [tilespmem:v55+s19+$0x0], $0xffff;
	v7 =	vadd.f32 v31, v22  }
0x3c7: {  	v35 =	vadd.f32 v53, v32;
	v60 =	vmul.f32 v8, v42;
	v42 =	vld.idx.msk [tilespmem:v26+s19+$0x0], $0xffff;
	v10 =	vor.u32 v0, v9  }
0x3c8: {  	v29 =	vmul.f32 v34, v34;
	v23 =	vld.idx.msk [tilespmem:v11+s19+$0x0], $0xffff;
	v11 =	vadd.f32 v4, v49;
	v0 =	vmul.f32 v8, v34  }
0x3c9: {  	v38 =	vld.idx.msk [tilespmem:v30+s19+$0x0], $0xffff;
	v16 =	vmul.f32 v8, v37;
	v8 =	vadd.f32 v45, v13;
	v34 =	vadd.f32 v7, v35  }
0x3ca: {  	v1 =	vmul.f32 v49, v49;
	v52 =	vmul.f32 v31, v31;
	[tilespmem:$0x1F980] =	vst v0;
	v0 =	vld [tilespmem:$0x1FA90]  }
0x3cb: {  	v62 =	vmul.f32 v62, v62;
	v11 =	vadd.f32 v11, v8;
	v21 =	vmul.f32 v34, v31;
	v31 =	vld.idx.msk [tilespmem:v50+s19+$0x0], $0xffff  }
0x3cc: {  	v8 =	vadd.f32 v47, v63;
	v50 =	vmul.f32 v42, v42;
	v28 =	vld.idx.msk [tilespmem:v10+s19+$0x0], $0xffff;
	v10 =	vadd.f32 v20, v40  }
0x3cd: {  	v6 =	vadd.f32 v58, v51;
	v27 =	vld.idx.msk [tilespmem:v59+s19+$0x0], $0xffff;
	v59 =	vmul.f32 v46, v46;
	v46 =	vmul.f32 v2, v46  }
0x3ce: {  	v19 =	vld.idx.msk [tilespmem:v19+s19+$0x0], $0xffff;
	v55 =	vadd.f32 v8, v10;
	v8 =	vmul.f32 v51, v51;
	v10 =	vadd.f32 v50, v48  }
0x3cf: {  	v43 =	vmul.f32 v22, v22;
	v30 =	vmul.f32 v53, v53;
	v9 =	vor.u32 v0, v9  }
0x3d0: {  	v36 =	vadd.f32 v12, v61;
	v39 =	vmul.f32 v12, v12;
	v10 =	vadd.f32 v8, v10;
	v8 =	vld [tilespmem:$0x1F8E0]  }
0x3d1: {  	v24 =	vmul.f32 v13, v13;
	v17 =	vmul.f32 v38, v38  }
0x3d2: {  	v36 =	vadd.f32 v36, v6;
	v44 =	vmul.f32 v34, v53;
	v53 =	vmul.f32 v28, v28  }
0x3d3: {  	v37 =	vadd.f32 v27, v23;
	v6 =	vmul.f32 v23, v23;
	v50 =	vmul.f32 v19, v19  }
0x3d4: {  	v26 =	vmul.f32 v45, v45;
	v35 =	vmul.f32 v40, v40;
	v0 =	vld.idx.msk [tilespmem:v9+s19+$0x0], $0xffff;
	v48 =	vadd.f32 v53, v57  }
0x3d5: {  	v14 =	vadd.f32 v19, v42;
	v57 =	vmul.f32 v58, v58;
	v50 =	vadd.f32 v50, v8  }
0x3d6: {  	v7 =	vmul.f32 v32, v32;
	v48 =	vadd.f32 v39, v48;
	v39 =	vadd.f32 v31, v38  }
0x3d7: {  	v45 =	vmul.f32 v11, v45;
	v10 =	vadd.f32 v5, v10;
	v50 =	vadd.f32 v57, v50  }
0x3d8: {  	v5 =	vmul.f32 v11, v49;
	v41 =	vadd.f32 v41, v48;
	v48 =	vadd.f32 v39, v37  }
0x3d9: {  	v9 =	vmul.f32 v27, v27;
	v39 =	vld [tilespmem:$0x1F8F0];
	v15 =	vadd.f32 v28, v0;
	v62 =	vadd.f32 v62, v50  }
0x3da: {  	v53 =	vmul.f32 v11, v4;
	v37 =	vmov v1;
	v57 =	vmul.f32 v36, v58;
	v1 =	vld [tilespmem:$0x1F910]  }
0x3db: {  	v50 =	vmul.f32 v11, v13;
	v58 =	vadd.f32 v15, v14;
	v15 =	vld [tilespmem:$0x1F940];
	v13 =	vadd.f32 v33, v62  }
0x3dc: {  	v35 =	vadd.f32 v35, v10;
	v10 =	vmul.f32 v0, v0;
	v62 =	vmul.f32 v36, v12;
	v12 =	vld [tilespmem:$0x1F930]  }
0x3dd: {  	v11 =	vmul.f32 v4, v4;
	v33 =	vld [tilespmem:$0x1F900];
	v4 =	vadd.f32 v29, v13;
	v13 =	vmul.f32 v58, v0  }
0x3de: {  	v0 =	vmul.f32 v36, v51;
	v51 =	vmul.f32 v55, v20;
	v20 =	vmov v17;
	v17 =	vld [tilespmem:$0x1F960]  }
0x3df: {  	p0 =	slt.u32 s31, $0x38;
	v1 =	vadd.f32 v1, v41;
	v41 =	vmul.f32 v48, v23;
	v23 =	vld [tilespmem:$0x1F920];
	v4 =	vadd.f32 v26, v4  }
.Ltmp6:
0x3e0: {  	v8 =	vmul.f32 v31, v31;
	v26 =	vmovc v43;
	v13 =	vadd.f32 v13, v15;
	v15 =	vadd.f32 v18, v35;
	v43 =	vld [tilespmem:$0x1F950];
	(pc) =	sbr.rel @p0 .LBB2_15-.Ltmp6, $4  }
0x3e1: {  	v35 =	vmovc v21;
	v21 =	vmul.f32 v48, v27;
	v27 =	vld [tilespmem:$0x1F990];
	v12 =	vadd.f32 v12, v1;
	v1 =	vmul.f32 v58, v19  }
0x3e2: {  	v49 =	vmul.f32 v48, v31;
	v14 =	vmul.f32 v36, v61;
	v2 =	vadd.f32 v24, v15;
	v24 =	vld [tilespmem:$0x1F970]  }
0x3e3: {  	v61 =	vmul.f32 v55, v63;
	v19 =	vmovc v16;
	v16 =	vmov v60;
	v15 =	vld [tilespmem:$0x1FFF0];
	v60 =	vadd.f32 v1, v17  }
0x3e4: {  	s31 =	sadd.s32 $0x8, s31;
	v63 =	vmul.f32 v58, v28;
	v36 =	vmovc v25;
	v1 =	vadd.f32 v14, v13;
	v13 =	vadd.f32 v30, v4;
	v30 =	vld [tilespmem:$0x1F980]  }
0x3e5: {  	v4 =	vadd.f32 v11, v12;
	v3 =	vadd.f32 v10, v3  }
0x3e6: {  	v2 =	vadd.f32 v7, v2;
	v1 =	vadd.f32 v46, v1  }
0x3e7: {  	v18 =	vmul.f32 v58, v42;
	v46 =	vadd.f32 v63, v39;
	v9 =	vadd.f32 v9, v13  }
0x3e8: {  	v13 =	vadd.f32 v57, v60;
	v3 =	vadd.f32 v27, v3  }
0x3e9: {  	v4 =	vadd.f32 v52, v4;
	v11 =	vadd.f32 v18, v54  }
0x3ea: {  	v2 =	vadd.f32 v6, v2;
	v1 =	vadd.f32 v61, v1  }
0x3eb: {  	v63 =	vadd.f32 v62, v46;
	v4 =	vadd.f32 v8, v4  }
0x3ec: {  	v0 =	vadd.f32 v0, v11;
	v3 =	vadd.f32 v59, v3  }
0x3ed: {  	v12 =	vmul.f32 v55, v47;
	v1 =	vadd.f32 v16, v1;
	v10 =	vadd.f32 v23, v63  }
0x3ee: {  	v23 =	vadd.f32 v33, v13;
	v0 =	vadd.f32 v43, v0  }
0x3ef: {  	v25 =	vmul.f32 v55, v40;
	v17 =	vld [tilespmem:$0x1FA00];
	v3 =	vadd.f32 v56, v3;
	v10 =	vadd.f32 v12, v10  }
0x3f0: {  	v16 =	vld [tilespmem:$0x1F9C0];
	v8 =	vadd.f32 v51, v23;
	v1 =	vadd.f32 v5, v1  }
0x3f1: {  	v28 =	vmul.f32 v34, v22;
	v12 =	vld [tilespmem:$0x1F9B0];
	v0 =	vadd.f32 v25, v0;
	v3 =	vadd.f32 v36, v3  }
0x3f2: {  	v10 =	vadd.f32 v24, v10;
	v27 =	vadd.f32 v30, v8  }
0x3f3: {  	v30 =	vmul.f32 v34, v32;
	v1 =	vadd.f32 v28, v1;
	v32 =	vld [tilespmem:$0x1F9A0];
	v0 =	vadd.f32 v19, v0  }
0x3f4: {  	v14 =	vimm.f32 $0.0e+00;
	v3 =	vadd.f32 v37, v3;
	v29 =	vadd.f32 v53, v10  }
0x3f5: {  	v33 =	vimm.f32 $1.000000000e+00;
	v6 =	vadd.f32 v45, v27;
	v0 =	vadd.f32 v50, v0  }
0x3f6: {  	v3 =	vadd.f32 v26, v3;
	vm13 =	veq.s32 v16, v12;
	vm14 =	veq.s32 v17, v12  }
0x3f7: {  	v31 =	vadd.f32 v35, v29;
	v6 =	vadd.f32 v44, v6;
	v35 =	vsel vm13, $0x3F800000, v14  }
0x3f8: {  	v13 =	vsel vm14, $0x3F800000, v14;
	vm0 =	veq.s32 v12, v32;
	v0 =	vadd.f32 v30, v0  }
0x3f9: {  	vm11 =	veq.s32 v16, v32;
	vm12 =	veq.s32 v17, v32;
	v3 =	vadd.f32 v20, v3  }
0x3fa: {  	v7 =	vsel vm0, $0x40000000, v33;
	v34 =	vsel vm11, $0x3F800000, v14;
	v0 =	vadd.f32 v41, v0  }
0x3fb: {  	v10 =	vsel vm12, $0x3F800000, v14;
	v12 =	vadd.f32 v34, v7;
	v8 =	vadd.f32 v35, v34  }
0x3fc: {  	vm15 =	veq.s32 v17, v16;
	v7 =	vadd.f32 v35, v7;
	v36 =	vadd.f32 v13, v10  }
0x3fd: {  	v10 =	vadd.f32 v10, v12;
	v8 =	vadd.f32 $1.000000000e+00, v8;
	v12 =	vsel vm15, $0x3F800000, v14  }
0x3fe: {  	v7 =	vadd.f32 v13, v7;
	v11 =	vadd.f32 v36, v12  }
0x3ff: {  	v14 =	vmul.f32 v48, v38;
	v2 =	vmul.f32 v2, v10;
	v8 =	vadd.f32 v8, v12  }
0x400: {  	v6 =	vadd.f32 v21, v6;
	v7 =	vmul.f32 v9, v7;
	v37 =	vadd.f32 $1.000000000e+00, v11  }
0x401: {  	v1 =	vadd.f32 v14, v1;
	v0 =	vsub.f32 v0, v2;
	v38 =	vmul.f32 v3, v8  }
0x402: {  	v39 =	vadd.f32 v49, v31;
	v40 =	vsub.f32 v6, v7;
	v4 =	vmul.f32 v4, v37  }
0x403: {  	v0 =	vmul.f32 $3.333333430e-01, v0;
	v1 =	vsub.f32 v1, v38  }
0x404: {  	v41 =	vmul.f32 $3.333333430e-01, v40;
	v3 =	vsub.f32 v39, v4  }
0x405: {  	v42 =	vand.u32 $0x7FFFFFFF, v0;
	v1 =	vmul.f32 $3.333333430e-01, v1  }
0x406: {  	v5 =	vand.u32 $0x7FFFFFFF, v41;
	v4 =	vsub.f32 $0.0e+00, v42;
	v3 =	vmul.f32 $3.333333430e-01, v3  }
0x407: {  	v5 =	vsub.f32 $0.0e+00, v5;
	v43 =	vand.u32 $0x7FFFFFFF, v1  }
0x408: {  	v4 =	vmul.f32 $1.442695020e+00, v4;
	v6 =	vsub.f32 $0.0e+00, v43;
	v44 =	vand.u32 $0x7FFFFFFF, v3  }
0x409: {  	v5 =	vmul.f32 $1.442695020e+00, v5;
	v7 =	vsub.f32 $0.0e+00, v44  }
0x40a: {  	(erf) = vpow2.f32 v4;
	v45 =	vmul.f32 $1.442695020e+00, v6  }
0x40b: {  	(erf) = vpow2.f32 v5;
	v46 =	vmul.f32 $1.442695020e+00, v7  }
0x40c: {  	(erf) = vpow2.f32 v45  }
0x40d: {  	(erf) = vpow2.f32 v46;
	_ =	sdelay $0x5  }
0x40e: {  	v47 =	vpop (erf)  }
0x40f: {  	v48 =	vpop (erf);
	v49 =	vmul.f32 $8.466410450e-03, v47  }
0x410: {  	v50 =	vpop (erf);
	v51 =	vmul.f32 $8.466410450e-03, v48  }
0x411: {  	v6 =	vsub.f32 $4.365928840e-02, v49;
	v52 =	vmul.f32 $8.466410450e-03, v50;
	v53 =	vpop (erf)  }
0x412: {  	v8 =	vsub.f32 $4.365928840e-02, v51;
	v54 =	vmul.f32 $8.466410450e-03, v53  }
0x413: {  	v6 =	vmul.f32 v6, v47;
	v9 =	vsub.f32 $4.365928840e-02, v52  }
0x414: {  	v8 =	vmul.f32 v8, v48;
	v11 =	vsub.f32 $4.365928840e-02, v54  }
0x415: {  	v6 =	vadd.f32 $-1.067993120e-01, v6;
	v9 =	vmul.f32 v9, v50  }
0x416: {  	v8 =	vadd.f32 $-1.067993120e-01, v8;
	v11 =	vmul.f32 v11, v53  }
0x417: {  	v6 =	vmul.f32 v6, v47;
	v9 =	vadd.f32 $-1.067993120e-01, v9  }
0x418: {  	v8 =	vmul.f32 v8, v48;
	v11 =	vadd.f32 $-1.067993120e-01, v11  }
0x419: {  	v6 =	vadd.f32 $1.765986530e-01, v6;
	v9 =	vmul.f32 v9, v50  }
0x41a: {  	v8 =	vadd.f32 $1.765986530e-01, v8;
	v11 =	vmul.f32 v11, v53  }
0x41b: {  	v6 =	vmul.f32 v6, v47;
	v9 =	vadd.f32 $1.765986530e-01, v9  }
0x41c: {  	v8 =	vmul.f32 v8, v48;
	v11 =	vadd.f32 $1.765986530e-01, v11  }
0x41d: {  	v6 =	vadd.f32 $-2.445338960e-01, v6;
	v9 =	vmul.f32 v9, v50  }
0x41e: {  	v8 =	vadd.f32 $-2.445338960e-01, v8;
	v11 =	vmul.f32 v11, v53  }
0x41f: {  	v6 =	vmul.f32 v6, v47;
	v9 =	vadd.f32 $-2.445338960e-01, v9  }
0x420: {  	v8 =	vmul.f32 v8, v48;
	v11 =	vadd.f32 $-2.445338960e-01, v11  }
0x421: {  	v6 =	vadd.f32 $3.326525690e-01, v6;
	v9 =	vmul.f32 v9, v50  }
0x422: {  	v8 =	vadd.f32 $3.326525690e-01, v8;
	v11 =	vmul.f32 v11, v53  }
0x423: {  	v6 =	vmul.f32 v6, v47;
	v9 =	vadd.f32 $3.326525690e-01, v9  }
0x424: {  	v13 =	vld [tilespmem:$0x1F9D0];
	v8 =	vmul.f32 v8, v48;
	v11 =	vadd.f32 $3.326525690e-01, v11  }
0x425: {  	v12 =	vld [tilespmem:$0x1FFD0];
	v6 =	vadd.f32 $-4.999635520e-01, v6;
	v9 =	vmul.f32 v9, v50  }
0x426: {  	v8 =	vadd.f32 $-4.999635520e-01, v8;
	v11 =	vmul.f32 v11, v53  }
0x427: {  	v6 =	vmul.f32 v6, v47;
	v9 =	vadd.f32 $-4.999635520e-01, v9  }
0x428: {  	v61 =	vld [tilespmem:$0x1F9E0];
	v8 =	vmul.f32 v8, v48;
	v11 =	vadd.f32 $-4.999635520e-01, v11  }
0x429: {  	v62 =	vld [tilespmem:$0x1F9F0];
	v6 =	vadd.f32 $9.999995230e-01, v6;
	v9 =	vmul.f32 v9, v50  }
0x42a: {  	v63 =	vld [tilespmem:$0x1FA10];
	v12 =	vand.u32 v12, v13;
	v8 =	vadd.f32 $9.999995230e-01, v8;
	v11 =	vmul.f32 v11, v53  }
0x42b: {  	v4 =	vmul.f32 v6, v47;
	v55 =	vadd.f32 $9.999995230e-01, v9  }
0x42c: {  	s30 =	sadd.s32 $0x1, s30;
	v0 =	vmin.f32 v0, $0.0e+00;
	v5 =	vmul.f32 v8, v48;
	v56 =	vadd.f32 $9.999995230e-01, v11  }
0x42d: {  	p0 =	sne.s32 s30, $0x8;
	v2 =	vmin.f32 v41, $0.0e+00;
	v0 =	vsub.f32 v0, v4;
	v57 =	vmul.f32 v55, v50  }
.Ltmp7:
0x42e: {  	v1 =	vmin.f32 v1, $0.0e+00;
	v2 =	vsub.f32 v2, v5;
	v58 =	vmul.f32 v56, v53;
	(pc) =	sbr.rel @p0 .LBB2_14-.Ltmp7, $4  }
0x42f: {  	v60 =	vmin.f32 v3, $0.0e+00;
	[tilespmem:v12+s14+$0x0] =	vst.idx.msk $0xffff, v0;
	v59 =	vsub.f32 v1, v57  }
0x430: {  	[tilespmem:v61+s14+$0x0] =	vst.idx.msk $0xffff, v2;
	v1 =	vsub.f32 v60, v58  }
0x431: {  	[tilespmem:v62+s14+$0x0] =	vst.idx.msk $0xffff, v59  }
0x432: {  	[tilespmem:v63+s14+$0x0] =	vst.idx.msk $0xffff, v1  }
0x433: {  	s24 =	sadd.s32 $0x1, s24  }
0x434: {  	p0 =	sne.s32 s24, s9  }
.Ltmp8:
0x435: {  	_ = 	snop;
	(pc) =	sbr.rel @p0 .LBB2_1-.Ltmp8, $4  }
0x436: {  	[hbm4b:s8+s2] =	stream.linear.scatter [tilespmem:s14], [sflag:$0x3], $0x200, $0x38;
	[tilespmem:$0x11000] =	vst v63  }
0x437: {  	_ =	swait.ge [sflag:s10], $0x200  }
0x438: {  	[sflag:s10] =	ssyncset.done $0x0  }
0x439: {  	[sflag:s10] =	ssyncadd.s32 $0xFFFFFE00  }
0x43a: {  	_ =	sfence.sel $0x180000  }
0x43b: {  	[bflag:$0x0] =	sbarrier.arrive $0xFFFF  }
0x43c: {  	_ =	strace $0x90000047  }
0x43d: {  	s0 =	stileid.u32;
	[bflag:$0x2] =	sbarrier.arrive $0xFFFF  }
0x43e: {  	p0 =	sne.s32 s0, $0x0;
	s0 =	rddreg [dreg:$0x2]  }
0x43f: {  	s0 =	sadd.s32 @!p0 $0x100000, s0  }
0x440: {  	[sflag:s0] =	ssyncadd.tile.s32 @!p0 $0x1;
	_ =	shalt  }
.Lfunc_end2:
_tile_overlayer_lowered:
.L_overlay_start_2:
0x441: {  	(tag) =	ssettag $0x2  }
0x442: {  	s0 =	rddreg [dreg:$0x0];
	s2 =	stileid.u32  }
0x443: {  	s1 =	rddreg [dreg:$0x1];
	p0 =	sne.s32 s2, $0x0  }
0x444: {  	s3 =	rddreg [dreg:$0x2];
	[bflag:$0x3] =	sbarrier.arrive $0xFFFF;
	s2 =	simm.s32 @!p0 $0x1C03  }
0x445: {  	[timem:s3], [sflag:s2] =	dma.local @!p0 [hbm:s0], s1  }
0x446: {  	s0 =	simm.s32 @!p0 $0x3  }
0x447: {  	_ =	swait.ge @!p0 [sflag:s0], s1  }
0x448: {  	s1 =	ssub.s32 @!p0 $0x0, s1;
	[sflag:s0] =	ssyncset.done @!p0 $0x0  }
0x449: {  	[sflag:s0] =	ssyncadd.s32 @!p0 s1  }
0x44a: {  	[bflag:$0x3] =	sbarrier.arrive $0xFFFF  }
0x44b: {  	_ =	shalt  }

</sc_bundles>
